<compile_context>
chip_gen: v7x
topology: tpu7x:2x2x1
jax: 0.10.2.dev20260603
libtpu: 0.0.44.dev20260713+nightly
codegen_flags: <defaults>
</compile_context>

<pallas_src>
import functools

import jax
import jax.numpy as jnp
from jax import lax
from jax.experimental import pallas as pl
from jax.experimental.pallas import tpu as pltpu
from jax.experimental.pallas import tpu_sc as plsc

B = 512
KB = 8
T_MAX = 192
NW = 32
SC_CHUNK = 128
SC_RING = 4


def _plan(dst_sorted_src, start, deg, n, e, b, t_max, g_max):
    ord2 = jnp.argsort(-deg)
    deg_s = deg[ord2]
    start_s = start[ord2]
    max_deg = jnp.max(deg)
    hist = jnp.zeros((t_max + 1,), jnp.int32).at[jnp.clip(deg, 0, t_max)].add(1)
    cnt = (n - jnp.cumsum(hist)[:t_max]).astype(jnp.int32)
    nblk = (cnt + b - 1) // b
    cumb = jnp.cumsum(nblk)
    total = cumb[-1]
    g = jnp.arange(g_max)
    bstart = jnp.clip(cumb - nblk, 0, g_max - 1)
    mark = jnp.zeros((g_max,), jnp.int32).at[bstart].add(
        (nblk > 0).astype(jnp.int32))
    t_of = jnp.clip(jnp.cumsum(mark) - 1, 0, t_max - 1)
    prev = (cumb - nblk)[t_of]
    nb_of = (g - prev).astype(jnp.int32)
    vcnt = jnp.clip(cnt[t_of] - nb_of * b, 0, b)
    real = g < total
    nb_of = jnp.where(real, nb_of, 0)
    vcnt = jnp.where(real, vcnt, 0).astype(jnp.int32)
    meta = jnp.stack([nb_of, vcnt]).astype(jnp.int32)
    j = jnp.arange(b)
    rank = nb_of[:, None] * b + j[None, :]
    rank_c = jnp.minimum(rank, n - 1)
    pos = jnp.clip(start_s[rank_c] + t_of[:, None].astype(jnp.int32), 0, e - 1)
    valid = (j[None, :] < vcnt[:, None]) & real[:, None]
    flat_idx = jnp.where(valid, dst_sorted_src[pos], 0).astype(jnp.int32).reshape(-1)
    return meta, flat_idx, ord2, deg_s, start_s, max_deg


def _sc_gather(table, idx, stage=False):
    k_tot = idx.shape[0]
    rows, d = table.shape
    per_w = k_tot // NW
    n_it = per_w // SC_CHUNK
    n_steps = n_it // SC_RING
    n_sub = 16
    rpt = rows // n_sub
    idx3 = idx.reshape(NW, n_it, SC_CHUNK)
    mesh = plsc.VectorSubcoreMesh(core_axis_name="c", subcore_axis_name="s")

    @functools.partial(
        pl.kernel,
        mesh=mesh,
        out_type=jax.ShapeDtypeStruct((k_tot, d), jnp.float32),
        scratch_types=[
            pltpu.VMEM((n_it, SC_CHUNK), jnp.int32),
            pltpu.VMEM((SC_RING, SC_CHUNK, d), jnp.float32),
        ] + ([pltpu.VMEM_SHARED((rows, d), jnp.float32)] if stage else []) + [
            pltpu.SemaphoreType.DMA((SC_RING,)),
            pltpu.SemaphoreType.DMA((SC_RING,)),
        ],
    )
    def gk(table_hbm, idx_hbm, out_hbm, idx_v, bufs, *rest):
        if stage:
            stab, gsem, wsem = rest
        else:
            gsem, wsem = rest
        sid = lax.axis_index("s")
        wid = sid * 2 + lax.axis_index("c")
        base = wid * n_it
        pltpu.sync_copy(idx_hbm.at[wid], idx_v)
        if stage:
            pltpu.sync_copy(table_hbm.at[pl.ds(sid * rpt, rpt)],
                            stab.at[pl.ds(sid * rpt, rpt)])
            plsc.subcore_barrier()
            src_tab = stab
        else:
            src_tab = table_hbm
        for r in range(SC_RING):
            pltpu.async_copy(src_tab.at[idx_v.at[r]], bufs.at[r], gsem.at[r])

        def emit(step, reissue):
            for r in range(SC_RING):
                i = step * SC_RING + r
                pltpu.make_async_copy(
                    src_tab.at[idx_v.at[r]], bufs.at[r], gsem.at[r]).wait()
                pltpu.async_copy(
                    bufs.at[r],
                    out_hbm.at[pl.ds((base + i) * SC_CHUNK, SC_CHUNK)],
                    wsem.at[r])
                if reissue:
                    pltpu.make_async_copy(
                        bufs.at[r],
                        out_hbm.at[pl.ds((base + i) * SC_CHUNK, SC_CHUNK)],
                        wsem.at[r]).wait()
                    pltpu.async_copy(
                        src_tab.at[idx_v.at[i + SC_RING]], bufs.at[r],
                        gsem.at[r])

        if n_steps > 1:
            def body(step, carry):
                emit(step, True)
                return carry
            lax.fori_loop(0, n_steps - 1, body, 0)
        emit(n_steps - 1, False)
        for r in range(SC_RING):
            i = (n_steps - 1) * SC_RING + r
            pltpu.make_async_copy(
                bufs.at[r],
                out_hbm.at[pl.ds((base + i) * SC_CHUNK, SC_CHUNK)],
                wsem.at[r]).wait()

    return gk(table, idx3)


def _stats_body(n_rows, feat_ref, gb_ref, o_ref, acc_ref):
    i = pl.program_id(0)
    nb = pl.num_programs(0)

    @pl.when(i == 0)
    def _():
        acc_ref[...] = jnp.zeros_like(acc_ref)

    x = feat_ref[...]
    acc_ref[0:1, :] += jnp.sum(x, axis=0, keepdims=True)
    acc_ref[1:2, :] += jnp.sum(x * x, axis=0, keepdims=True)

    @pl.when(i == nb - 1)
    def _():
        s = acc_ref[0:1, :]
        ss = acc_ref[1:2, :]
        mean = s / n_rows
        var = ss / n_rows - mean * mean
        scale = gb_ref[0:1, :] * lax.rsqrt(var + 1e-5)
        shift = gb_ref[1:2, :] - mean * scale
        ii = lax.broadcasted_iota(jnp.int32, o_ref.shape, 0)
        o_ref[...] = jnp.where(ii == 0, scale, jnp.where(ii == 1, shift, 0.0))


def _rstself_body(feat_ref, ws_ref, bs_ref, rs_ref):
    rs_ref[...] = jnp.dot(
        feat_ref[...], ws_ref[...],
        preferred_element_type=jnp.float32) + bs_ref[0:1, :]


def _gru_math(x, hb, wi_ref, wh_ref, b_ref, h_dim):
    xi = jnp.dot(x, wi_ref[...], preferred_element_type=jnp.float32) + b_ref[0:1, :]
    hh = jnp.dot(hb, wh_ref[...], preferred_element_type=jnp.float32) + b_ref[1:2, :]
    r = jax.nn.sigmoid(xi[:, :h_dim] + hh[:, :h_dim])
    z = jax.nn.sigmoid(xi[:, h_dim:2 * h_dim] + hh[:, h_dim:2 * h_dim])
    nc = jnp.tanh(xi[:, 2 * h_dim:] + r * hh[:, 2 * h_dim:])
    return nc + z * (hb - nc)


def _recur_body(h_dim, meta_ref, m_ref, wi_ref, wh_ref, b_ref, h_ref):
    gg = pl.program_id(0)

    @pl.when(gg == 0)
    def _():
        h_ref[...] = jnp.zeros_like(h_ref)

    for sub in range(KB):
        nb = meta_ref[0, gg * KB + sub]
        vc = meta_ref[1, gg * KB + sub]

        @pl.when(vc > 0)
        def _(sub=sub, nb=nb, vc=vc):
            row0 = pl.multiple_of(nb * B, B)
            x = m_ref[0, sub]
            hb = h_ref[pl.ds(row0, B), :]
            hnew = _gru_math(x, hb, wi_ref, wh_ref, b_ref, h_dim)
            rows = lax.broadcasted_iota(jnp.int32, (B, 1), 0)
            h_ref[pl.ds(row0, B), :] = jnp.where(rows < vc, hnew, hb)


def _tail_body(h_dim, t_ref, x_ref, h_ref, deg_ref, wi_ref, wh_ref, b_ref, o_ref):
    t = t_ref[0]
    x = x_ref[...]
    hb = h_ref[...]
    hnew = _gru_math(x, hb, wi_ref, wh_ref, b_ref, h_dim)
    keep = deg_ref[...] > t
    o_ref[...] = jnp.where(keep, hnew, hb)


def _out_body(rs_ref, hn_ref, wn_ref, o_ref):
    o_ref[...] = rs_ref[...] + jnp.dot(
        hn_ref[...], wn_ref[...], preferred_element_type=jnp.float32)


def kernel(feat, edge_index, bn_gamma, bn_beta, W_ih, W_hh, b_ih, b_hh, W_self, W_neigh):
    n, d = feat.shape
    h_dim = W_hh.shape[1]
    e = edge_index.shape[1]
    n_pad = ((n + B - 1) // B) * B
    nb_rows = n_pad // B
    quant = NW * SC_CHUNK * SC_RING
    k_node = ((n_pad + quant - 1) // quant) * quant
    g_quant = max(NW, quant // B, KB)
    g_max = (((e + B - 1) // B + T_MAX + g_quant - 1) // g_quant) * g_quant

    src = edge_index[0]
    dst = edge_index[1]
    order = jnp.argsort(dst)
    ssrc = src[order].astype(jnp.int32)
    deg = jnp.zeros((n,), jnp.int32).at[dst].add(1)
    start = (jnp.cumsum(deg) - deg).astype(jnp.int32)
    meta, flat_idx, ord2, deg_s, start_s, max_deg = _plan(
        ssrc, start, deg, n, e, B, T_MAX, g_max)

    feat_pad = jnp.pad(feat, ((0, n_pad - n), (0, 0)))
    gb = jnp.zeros((8, d), jnp.float32).at[0].set(bn_gamma).at[1].set(bn_beta)

    msgs = _sc_gather(feat_pad, flat_idx).reshape(g_max // KB, KB, B, d)

    ss = pl.pallas_call(
        functools.partial(_stats_body, float(n)),
        grid=(nb_rows,),
        in_specs=[
            pl.BlockSpec((B, d), lambda i: (i, 0)),
            pl.BlockSpec((8, d), lambda i: (0, 0)),
        ],
        out_specs=pl.BlockSpec((8, d), lambda i: (0, 0)),
        out_shape=jax.ShapeDtypeStruct((8, d), jnp.float32),
        scratch_shapes=[pltpu.VMEM((8, d), jnp.float32)],
    )(feat_pad, gb)

    scale = ss[0]
    shift = ss[1]
    wi_s = W_ih.T * scale[:, None]
    bi_f = b_ih + shift @ W_ih.T
    ws_s = W_self.T * scale[:, None]
    bs_f = (shift @ W_self.T).reshape(1, d)
    biases = jnp.zeros((2, 3 * h_dim), jnp.float32).at[0].set(bi_f).at[1].set(b_hh)

    rst_self = pl.pallas_call(
        _rstself_body,
        grid=(nb_rows,),
        in_specs=[
            pl.BlockSpec((B, d), lambda i: (i, 0)),
            pl.BlockSpec((d, d), lambda i: (0, 0)),
            pl.BlockSpec((1, d), lambda i: (0, 0)),
        ],
        out_specs=pl.BlockSpec((B, d), lambda i: (i, 0)),
        out_shape=jax.ShapeDtypeStruct((n_pad, d), jnp.float32),
    )(feat_pad, ws_s, bs_f)

    grid_spec = pltpu.PrefetchScalarGridSpec(
        num_scalar_prefetch=1,
        grid=(g_max // KB,),
        in_specs=[
            pl.BlockSpec((1, KB, B, d), lambda g, m: (g, 0, 0, 0)),
            pl.BlockSpec((d, 3 * h_dim), lambda g, m: (0, 0)),
            pl.BlockSpec((h_dim, 3 * h_dim), lambda g, m: (0, 0)),
            pl.BlockSpec((2, 3 * h_dim), lambda g, m: (0, 0)),
        ],
        out_specs=pl.BlockSpec((n_pad, h_dim), lambda g, m: (0, 0)),
    )
    h_s = pl.pallas_call(
        functools.partial(_recur_body, h_dim),
        grid_spec=grid_spec,
        out_shape=jax.ShapeDtypeStruct((n_pad, h_dim), jnp.float32),
    )(meta, msgs, wi_s, W_hh.T, biases)

    deg_pad = jnp.pad(deg_s, (0, n_pad - n)).astype(jnp.int32).reshape(n_pad, 1)

    def tail_step(x_all, h_cur, t):
        tgrid = pltpu.PrefetchScalarGridSpec(
            num_scalar_prefetch=1,
            grid=(nb_rows,),
            in_specs=[
                pl.BlockSpec((B, d), lambda i, s: (i, 0)),
                pl.BlockSpec((B, h_dim), lambda i, s: (i, 0)),
                pl.BlockSpec((B, 1), lambda i, s: (i, 0)),
                pl.BlockSpec((d, 3 * h_dim), lambda i, s: (0, 0)),
                pl.BlockSpec((h_dim, 3 * h_dim), lambda i, s: (0, 0)),
                pl.BlockSpec((2, 3 * h_dim), lambda i, s: (0, 0)),
            ],
            out_specs=pl.BlockSpec((B, h_dim), lambda i, s: (i, 0)),
        )
        return pl.pallas_call(
            functools.partial(_tail_body, h_dim),
            grid_spec=tgrid,
            out_shape=jax.ShapeDtypeStruct((n_pad, h_dim), jnp.float32),
        )(t.reshape(1).astype(jnp.int32), x_all, h_cur, deg_pad, wi_s, W_hh.T, biases)

    def tail_cond(c):
        return c[0] < max_deg

    def tail_loop(c):
        t, h_cur = c
        pos = jnp.clip(start_s + t, 0, e - 1)
        idx_t = jnp.where(t < deg_s, ssrc[pos], 0).astype(jnp.int32)
        idx_t = jnp.pad(idx_t, (0, k_node - n))
        x_all = _sc_gather(feat_pad, idx_t)[:n_pad]
        return (t + 1, tail_step(x_all, h_cur, t))

    _, h_s = lax.while_loop(tail_cond, tail_loop, (jnp.int32(T_MAX), h_s))

    inv = jnp.zeros((n,), jnp.int32).at[ord2].set(jnp.arange(n, dtype=jnp.int32))
    inv_pad = jnp.pad(inv, (0, k_node - n))
    hn = _sc_gather(h_s, inv_pad)[:n_pad]

    rst = pl.pallas_call(
        _out_body,
        grid=(nb_rows,),
        in_specs=[
            pl.BlockSpec((B, d), lambda i: (i, 0)),
            pl.BlockSpec((B, h_dim), lambda i: (i, 0)),
            pl.BlockSpec((h_dim, d), lambda i: (0, 0)),
        ],
        out_specs=pl.BlockSpec((B, d), lambda i: (i, 0)),
        out_shape=jax.ShapeDtypeStruct((n_pad, d), jnp.float32),
    )(rst_self, hn, W_neigh.T)

    return rst[:n]

# --- scband reference (transcript-rebuilt; emitter-appended) ---
"""Pipeline reference for scband-eopa-8306466751030 (READ-ONLY COPY).

The authoritative reference and input builder live on the scoring server;
editing this copy changes nothing except your own understanding.
"""

import jax, jax.numpy as jnp
import numpy as np

N, E, D, H, O = 10000, 320000, 128, 128, 128

def setup_inputs(seed: int = 0) -> dict:
    key = jax.random.key(seed)
    ks = jax.random.split(key, 12)
    feat = jax.random.normal(ks[0], (N, D), dtype=jnp.float32)
    src = jax.random.randint(ks[1], (E,), 0, N)
    dst = jax.random.randint(ks[2], (E,), 0, N)
    edge_index = jnp.stack([src, dst], axis=0)
    s = 0.08
    bn_gamma = jnp.ones((D,), dtype=jnp.float32)
    bn_beta = jnp.zeros((D,), dtype=jnp.float32)
    W_ih = jax.random.normal(ks[3], (3 * H, D), dtype=jnp.float32) * s
    W_hh = jax.random.normal(ks[4], (3 * H, H), dtype=jnp.float32) * s
    b_ih = jax.random.normal(ks[5], (3 * H,), dtype=jnp.float32) * s
    b_hh = jax.random.normal(ks[6], (3 * H,), dtype=jnp.float32) * s
    W_self = jax.random.normal(ks[7], (O, D), dtype=jnp.float32) * s
    W_neigh = jax.random.normal(ks[8], (O, H), dtype=jnp.float32) * s
    return {"feat": feat, "edge_index": edge_index, "bn_gamma": bn_gamma, "bn_beta": bn_beta,
            "W_ih": W_ih, "W_hh": W_hh, "b_ih": b_ih, "b_hh": b_hh,
            "W_self": W_self, "W_neigh": W_neigh}

def reference(feat, edge_index, bn_gamma, bn_beta, W_ih, W_hh, b_ih, b_hh, W_self, W_neigh):
    n, d = feat.shape
    h_dim = W_hh.shape[1]
    src = edge_index[0]
    dst = edge_index[1]
    e = src.shape[0]
    # order edges by destination (stable -> preserves edge-id order within each dst,
    # matching DGL mailbox message ordering)
    order = jnp.argsort(dst)
    sdst = dst[order]
    ssrc = src[order]
    deg = jnp.bincount(dst, length=n)
    max_deg = jnp.max(deg)
    # BatchNorm1d (training-mode batch statistics, biased variance)
    mean = jnp.mean(feat, axis=0)
    var = jnp.var(feat, axis=0)
    fb = (feat - mean) / jnp.sqrt(var + 1e-5) * bn_gamma + bn_beta
    # first sorted-edge index for each destination node; the t-th copy_u message
    # for node i (edge-id order) is fb[ssrc[start[i] + t]] for t < deg[i]
    start = jnp.searchsorted(sdst, jnp.arange(n), side='left')
    W_ir, W_iz, W_in = jnp.split(W_ih, 3, axis=0)
    W_hr, W_hz, W_hn = jnp.split(W_hh, 3, axis=0)
    b_ir, b_iz, b_in = jnp.split(b_ih, 3)
    b_hr, b_hz, b_hn = jnp.split(b_hh, 3)
    def cond(carry):
        t, h = carry
        return t < max_deg
    def body(carry):
        t, h = carry
        idx = jnp.clip(start + t, 0, e - 1)
        x = fb[ssrc[idx]]
        m = t < deg
        r = jax.nn.sigmoid(x @ W_ir.T + b_ir + h @ W_hr.T + b_hr)
        z = jax.nn.sigmoid(x @ W_iz.T + b_iz + h @ W_hz.T + b_hz)
        ncand = jnp.tanh(x @ W_in.T + b_in + r * (h @ W_hn.T + b_hn))
        hnew = (1.0 - z) * ncand + z * h
        h = jnp.where(m[:, None], hnew, h)
        return (t + 1, h)
    h0 = jnp.zeros((n, h_dim), dtype=feat.dtype)
    _, hn = jax.lax.while_loop(cond, body, (jnp.int32(0), h0))
    # zero-in-degree nodes keep hn = 0 (DGL default ndata), matching fc_neigh(0) = 0
    rst = fb @ W_self.T + hn @ W_neigh.T
    return rst

if __name__ == "__main__":
    import jax
    _d = setup_inputs()
    print(jax.jit(kernel)(*tuple(_d.values())))

</pallas_src>

<mosaic_0001>
#map = affine_map<(d0, d1) -> (0, 0)>
#map1 = affine_map<(d0, d1) -> (0, 0, 0)>
module attributes {stable_mosaic.version = 14 : i64} {
  func.func @gk(%arg0: i32, %arg1: i32, %arg2: memref<10240x128xf32, #tpu.memory_space<hbm>>, %arg3: memref<32x104x128xi32, #tpu.memory_space<hbm>>, %arg4: memref<425984x128xf32, #tpu.memory_space<hbm>>, %arg5: memref<104x128xi32, #tpu.memory_space<vmem>>, %arg6: memref<4x128x128xf32, #tpu.memory_space<vmem>>, %arg7: memref<4x!tpu.dma_semaphore, #tpu.memory_space<semaphore_mem>>, %arg8: memref<4x!tpu.dma_semaphore, #tpu.memory_space<semaphore_mem>>) attributes {dimension_semantics = [#tpu.dimension_semantics<core_parallel>, #tpu.dimension_semantics<subcore_parallel>], iteration_bounds = array<i64: 2, 16>, scalar_prefetch = 0 : i64, scratch_operands = 4 : i64, tpu.core_type = #tpu.core_type<sc_vector_subcore>, window_params = [{transform_indices = #map}, {transform_indices = #map1}, {transform_indices = #map}]} {
    %mul3A = arith.constant 2 : i32
    %mul3A_0 = arith.muli %arg1, %mul3A : i32
    %add3A = arith.addi %mul3A_0, %arg0 : i32
    %mul3A_1 = arith.constant 104 : i32
    %mul3A_2 = arith.muli %add3A, %mul3A_1 : i32
    "tpu.region"() ({
      %run_scoped3A = tpu.sem_alloc : memref<!tpu.dma_semaphore, #tpu.memory_space<semaphore_mem>>
      %dma_start3A_286 = arith.constant 0 : i32
      %dma_start3A_287 = arith.constant 0 : i32
      %dma_start3A_288 = tpu.memref_slice %arg3[%add3A, %dma_start3A_286, %dma_start3A_287] : memref<32x104x128xi32, #tpu.memory_space<hbm>> -> memref<1x104x128xi32, #tpu.memory_space<hbm>>
      %dma_start3A_289 = tpu.memref_squeeze %dma_start3A_288 : memref<1x104x128xi32, #tpu.memory_space<hbm>> -> memref<104x128xi32, #tpu.memory_space<hbm>>
      %dma_start3A_290 = arith.constant 0 : i32
      %dma_start3A_291 = arith.constant 0 : i32
      %dma_start3A_292 = tpu.memref_slice %arg3[%add3A, %dma_start3A_290, %dma_start3A_291] : memref<32x104x128xi32, #tpu.memory_space<hbm>> -> memref<1x104x128xi32, #tpu.memory_space<hbm>>
      %dma_start3A_293 = tpu.memref_squeeze %dma_start3A_292 : memref<1x104x128xi32, #tpu.memory_space<hbm>> -> memref<104x128xi32, #tpu.memory_space<hbm>>
      tpu.enqueue_dma source(%dma_start3A_293 : memref<104x128xi32, #tpu.memory_space<hbm>>) target(%arg5 : memref<104x128xi32, #tpu.memory_space<vmem>>) target_semaphore(%run_scoped3A : memref<!tpu.dma_semaphore, #tpu.memory_space<semaphore_mem>>)
      %dma_wait3A_294 = arith.constant 0 : i32
      %dma_wait3A_295 = arith.constant 0 : i32
      %dma_wait3A_296 = tpu.memref_slice %arg3[%add3A, %dma_wait3A_294, %dma_wait3A_295] : memref<32x104x128xi32, #tpu.memory_space<hbm>> -> memref<1x104x128xi32, #tpu.memory_space<hbm>>
      %dma_wait3A_297 = tpu.memref_squeeze %dma_wait3A_296 : memref<1x104x128xi32, #tpu.memory_space<hbm>> -> memref<104x128xi32, #tpu.memory_space<hbm>>
      %dma_wait3A_298 = arith.constant 0 : i32
      %dma_wait3A_299 = arith.constant 0 : i32
      %dma_wait3A_300 = tpu.memref_slice %arg3[%add3A, %dma_wait3A_298, %dma_wait3A_299] : memref<32x104x128xi32, #tpu.memory_space<hbm>> -> memref<1x104x128xi32, #tpu.memory_space<hbm>>
      %dma_wait3A_301 = tpu.memref_squeeze %dma_wait3A_300 : memref<1x104x128xi32, #tpu.memory_space<hbm>> -> memref<104x128xi32, #tpu.memory_space<hbm>>
      tpu.wait_dma2 semaphore(%run_scoped3A : memref<!tpu.dma_semaphore, #tpu.memory_space<semaphore_mem>>) src(%dma_wait3A_301 : memref<104x128xi32, #tpu.memory_space<hbm>>) dst(%arg5 : memref<104x128xi32, #tpu.memory_space<vmem>>)
      tpu.yield
    }) : () -> ()
    %dma_start3A = arith.constant 0 : i32
    %dma_start3A_3 = arith.constant 0 : i32
    %dma_start3A_4 = arith.constant 0 : i32
    %dma_start3A_5 = arith.constant 0 : i32
    %dma_start3A_6 = arith.constant 0 : i32
    %dma_start3A_7 = tpu.memref_slice %arg6[%dma_start3A_3, %dma_start3A_5, %dma_start3A_6] : memref<4x128x128xf32, #tpu.memory_space<vmem>> -> memref<1x128x128xf32, #tpu.memory_space<vmem>>
    %dma_start3A_8 = tpu.memref_squeeze %dma_start3A_7 : memref<1x128x128xf32, #tpu.memory_space<vmem>> -> memref<128x128xf32, #tpu.memory_space<vmem>>
    %dma_start3A_9 = arith.constant 0 : i32
    %dma_start3A_10 = tpu.memref_slice %arg5[%dma_start3A, %dma_start3A_9] : memref<104x128xi32, #tpu.memory_space<vmem>> -> memref<1x128xi32, #tpu.memory_space<vmem>>
    %dma_start3A_11 = tpu.memref_squeeze %dma_start3A_10 : memref<1x128xi32, #tpu.memory_space<vmem>> -> memref<128xi32, #tpu.memory_space<vmem>>
    %dma_start3A_12 = arith.constant 0 : i32
    %dma_start3A_13 = arith.constant 0 : i32
    %dma_start3A_14 = tpu.memref_slice %arg2[%dma_start3A_12, %dma_start3A_13] : memref<10240x128xf32, #tpu.memory_space<hbm>> -> memref<10240x128xf32, #tpu.memory_space<hbm>>
    %dma_start3A_15 = tpu.memref_slice %arg7[%dma_start3A_4] : memref<4x!tpu.dma_semaphore, #tpu.memory_space<semaphore_mem>> -> memref<1x!tpu.dma_semaphore, #tpu.memory_space<semaphore_mem>>
    %dma_start3A_16 = tpu.memref_squeeze %dma_start3A_15 : memref<1x!tpu.dma_semaphore, #tpu.memory_space<semaphore_mem>> -> memref<!tpu.dma_semaphore, #tpu.memory_space<semaphore_mem>>
    tpu.enqueue_indirect_dma source(%dma_start3A_14 : memref<10240x128xf32, #tpu.memory_space<hbm>>) target(%dma_start3A_8 : memref<128x128xf32, #tpu.memory_space<vmem>>) offsets(%dma_start3A_11 : memref<128xi32, #tpu.memory_space<vmem>>) semaphore(%dma_start3A_16 : memref<!tpu.dma_semaphore, #tpu.memory_space<semaphore_mem>>)
    %dma_start3A_17 = arith.constant 1 : i32
    %dma_start3A_18 = arith.constant 1 : i32
    %dma_start3A_19 = arith.constant 1 : i32
    %dma_start3A_20 = arith.constant 0 : i32
    %dma_start3A_21 = arith.constant 0 : i32
    %dma_start3A_22 = tpu.memref_slice %arg6[%dma_start3A_18, %dma_start3A_20, %dma_start3A_21] : memref<4x128x128xf32, #tpu.memory_space<vmem>> -> memref<1x128x128xf32, #tpu.memory_space<vmem>>
    %dma_start3A_23 = tpu.memref_squeeze %dma_start3A_22 : memref<1x128x128xf32, #tpu.memory_space<vmem>> -> memref<128x128xf32, #tpu.memory_space<vmem>>
    %dma_start3A_24 = arith.constant 0 : i32
    %dma_start3A_25 = tpu.memref_slice %arg5[%dma_start3A_17, %dma_start3A_24] : memref<104x128xi32, #tpu.memory_space<vmem>> -> memref<1x128xi32, #tpu.memory_space<vmem>>
    %dma_start3A_26 = tpu.memref_squeeze %dma_start3A_25 : memref<1x128xi32, #tpu.memory_space<vmem>> -> memref<128xi32, #tpu.memory_space<vmem>>
    %dma_start3A_27 = arith.constant 0 : i32
    %dma_start3A_28 = arith.constant 0 : i32
    %dma_start3A_29 = tpu.memref_slice %arg2[%dma_start3A_27, %dma_start3A_28] : memref<10240x128xf32, #tpu.memory_space<hbm>> -> memref<10240x128xf32, #tpu.memory_space<hbm>>
    %dma_start3A_30 = tpu.memref_slice %arg7[%dma_start3A_19] : memref<4x!tpu.dma_semaphore, #tpu.memory_space<semaphore_mem>> -> memref<1x!tpu.dma_semaphore, #tpu.memory_space<semaphore_mem>>
    %dma_start3A_31 = tpu.memref_squeeze %dma_start3A_30 : memref<1x!tpu.dma_semaphore, #tpu.memory_space<semaphore_mem>> -> memref<!tpu.dma_semaphore, #tpu.memory_space<semaphore_mem>>
    tpu.enqueue_indirect_dma source(%dma_start3A_29 : memref<10240x128xf32, #tpu.memory_space<hbm>>) target(%dma_start3A_23 : memref<128x128xf32, #tpu.memory_space<vmem>>) offsets(%dma_start3A_26 : memref<128xi32, #tpu.memory_space<vmem>>) semaphore(%dma_start3A_31 : memref<!tpu.dma_semaphore, #tpu.memory_space<semaphore_mem>>)
    %dma_start3A_32 = arith.constant 2 : i32
    %dma_start3A_33 = arith.constant 2 : i32
    %dma_start3A_34 = arith.constant 2 : i32
    %dma_start3A_35 = arith.constant 0 : i32
    %dma_start3A_36 = arith.constant 0 : i32
    %dma_start3A_37 = tpu.memref_slice %arg6[%dma_start3A_33, %dma_start3A_35, %dma_start3A_36] : memref<4x128x128xf32, #tpu.memory_space<vmem>> -> memref<1x128x128xf32, #tpu.memory_space<vmem>>
    %dma_start3A_38 = tpu.memref_squeeze %dma_start3A_37 : memref<1x128x128xf32, #tpu.memory_space<vmem>> -> memref<128x128xf32, #tpu.memory_space<vmem>>
    %dma_start3A_39 = arith.constant 0 : i32
    %dma_start3A_40 = tpu.memref_slice %arg5[%dma_start3A_32, %dma_start3A_39] : memref<104x128xi32, #tpu.memory_space<vmem>> -> memref<1x128xi32, #tpu.memory_space<vmem>>
    %dma_start3A_41 = tpu.memref_squeeze %dma_start3A_40 : memref<1x128xi32, #tpu.memory_space<vmem>> -> memref<128xi32, #tpu.memory_space<vmem>>
    %dma_start3A_42 = arith.constant 0 : i32
    %dma_start3A_43 = arith.constant 0 : i32
    %dma_start3A_44 = tpu.memref_slice %arg2[%dma_start3A_42, %dma_start3A_43] : memref<10240x128xf32, #tpu.memory_space<hbm>> -> memref<10240x128xf32, #tpu.memory_space<hbm>>
    %dma_start3A_45 = tpu.memref_slice %arg7[%dma_start3A_34] : memref<4x!tpu.dma_semaphore, #tpu.memory_space<semaphore_mem>> -> memref<1x!tpu.dma_semaphore, #tpu.memory_space<semaphore_mem>>
    %dma_start3A_46 = tpu.memref_squeeze %dma_start3A_45 : memref<1x!tpu.dma_semaphore, #tpu.memory_space<semaphore_mem>> -> memref<!tpu.dma_semaphore, #tpu.memory_space<semaphore_mem>>
    tpu.enqueue_indirect_dma source(%dma_start3A_44 : memref<10240x128xf32, #tpu.memory_space<hbm>>) target(%dma_start3A_38 : memref<128x128xf32, #tpu.memory_space<vmem>>) offsets(%dma_start3A_41 : memref<128xi32, #tpu.memory_space<vmem>>) semaphore(%dma_start3A_46 : memref<!tpu.dma_semaphore, #tpu.memory_space<semaphore_mem>>)
    %dma_start3A_47 = arith.constant 3 : i32
    %dma_start3A_48 = arith.constant 3 : i32
    %dma_start3A_49 = arith.constant 3 : i32
    %dma_start3A_50 = arith.constant 0 : i32
    %dma_start3A_51 = arith.constant 0 : i32
    %dma_start3A_52 = tpu.memref_slice %arg6[%dma_start3A_48, %dma_start3A_50, %dma_start3A_51] : memref<4x128x128xf32, #tpu.memory_space<vmem>> -> memref<1x128x128xf32, #tpu.memory_space<vmem>>
    %dma_start3A_53 = tpu.memref_squeeze %dma_start3A_52 : memref<1x128x128xf32, #tpu.memory_space<vmem>> -> memref<128x128xf32, #tpu.memory_space<vmem>>
    %dma_start3A_54 = arith.constant 0 : i32
    %dma_start3A_55 = tpu.memref_slice %arg5[%dma_start3A_47, %dma_start3A_54] : memref<104x128xi32, #tpu.memory_space<vmem>> -> memref<1x128xi32, #tpu.memory_space<vmem>>
    %dma_start3A_56 = tpu.memref_squeeze %dma_start3A_55 : memref<1x128xi32, #tpu.memory_space<vmem>> -> memref<128xi32, #tpu.memory_space<vmem>>
    %dma_start3A_57 = arith.constant 0 : i32
    %dma_start3A_58 = arith.constant 0 : i32
    %dma_start3A_59 = tpu.memref_slice %arg2[%dma_start3A_57, %dma_start3A_58] : memref<10240x128xf32, #tpu.memory_space<hbm>> -> memref<10240x128xf32, #tpu.memory_space<hbm>>
    %dma_start3A_60 = tpu.memref_slice %arg7[%dma_start3A_49] : memref<4x!tpu.dma_semaphore, #tpu.memory_space<semaphore_mem>> -> memref<1x!tpu.dma_semaphore, #tpu.memory_space<semaphore_mem>>
    %dma_start3A_61 = tpu.memref_squeeze %dma_start3A_60 : memref<1x!tpu.dma_semaphore, #tpu.memory_space<semaphore_mem>> -> memref<!tpu.dma_semaphore, #tpu.memory_space<semaphore_mem>>
    tpu.enqueue_indirect_dma source(%dma_start3A_59 : memref<10240x128xf32, #tpu.memory_space<hbm>>) target(%dma_start3A_53 : memref<128x128xf32, #tpu.memory_space<vmem>>) offsets(%dma_start3A_56 : memref<128xi32, #tpu.memory_space<vmem>>) semaphore(%dma_start3A_61 : memref<!tpu.dma_semaphore, #tpu.memory_space<semaphore_mem>>)
    %scan3A = arith.constant 0 : i32
    %scan3A_62 = arith.constant 0 : i32
    %scan3A_63 = arith.constant 25 : i32
    %scan3A_64 = arith.addi %scan3A_62, %scan3A_63 : i32
    %scan3A_65 = arith.constant 1 : i32
    scf.for %scan3A_286 = %scan3A_62 to %scan3A_64 step %scan3A_65  : i32 {
      %mul3A_287 = arith.constant 4 : i32
      %mul3A_288 = arith.muli %scan3A_286, %mul3A_287 : i32
      %add3A_289 = arith.constant 0 : i32
      %add3A_290 = arith.addi %mul3A_288, %add3A_289 : i32
      %dma_wait3A_291 = arith.constant 0 : i32
      %dma_wait3A_292 = arith.constant 0 : i32
      %dma_wait3A_293 = arith.constant 0 : i32
      %dma_wait3A_294 = arith.constant 0 : i32
      %dma_wait3A_295 = arith.constant 0 : i32
      %dma_wait3A_296 = tpu.memref_slice %arg6[%dma_wait3A_292, %dma_wait3A_294, %dma_wait3A_295] : memref<4x128x128xf32, #tpu.memory_space<vmem>> -> memref<1x128x128xf32, #tpu.memory_space<vmem>>
      %dma_wait3A_297 = tpu.memref_squeeze %dma_wait3A_296 : memref<1x128x128xf32, #tpu.memory_space<vmem>> -> memref<128x128xf32, #tpu.memory_space<vmem>>
      %dma_wait3A_298 = arith.constant 0 : i32
      %dma_wait3A_299 = tpu.memref_slice %arg5[%dma_wait3A_291, %dma_wait3A_298] : memref<104x128xi32, #tpu.memory_space<vmem>> -> memref<1x128xi32, #tpu.memory_space<vmem>>
      %dma_wait3A_300 = tpu.memref_squeeze %dma_wait3A_299 : memref<1x128xi32, #tpu.memory_space<vmem>> -> memref<128xi32, #tpu.memory_space<vmem>>
      %dma_wait3A_301 = arith.constant 0 : i32
      %dma_wait3A_302 = arith.constant 0 : i32
      %dma_wait3A_303 = tpu.memref_slice %arg2[%dma_wait3A_301, %dma_wait3A_302] : memref<10240x128xf32, #tpu.memory_space<hbm>> -> memref<10240x128xf32, #tpu.memory_space<hbm>>
      %dma_wait3A_304 = tpu.memref_slice %arg7[%dma_wait3A_293] : memref<4x!tpu.dma_semaphore, #tpu.memory_space<semaphore_mem>> -> memref<1x!tpu.dma_semaphore, #tpu.memory_space<semaphore_mem>>
      %dma_wait3A_305 = tpu.memref_squeeze %dma_wait3A_304 : memref<1x!tpu.dma_semaphore, #tpu.memory_space<semaphore_mem>> -> memref<!tpu.dma_semaphore, #tpu.memory_space<semaphore_mem>>
      tpu.wait_indirect_dma semaphore(%dma_wait3A_305 : memref<!tpu.dma_semaphore, #tpu.memory_space<semaphore_mem>>) src(%dma_wait3A_303 : memref<10240x128xf32, #tpu.memory_space<hbm>>) dst(%dma_wait3A_297 : memref<128x128xf32, #tpu.memory_space<vmem>>)
      %add3A_306 = arith.addi %mul3A_2, %add3A_290 : i32
      %mul3A_307 = arith.constant 128 : i32
      %mul3A_308 = arith.muli %add3A_306, %mul3A_307 : i32
      %dma_start3A_309 = arith.constant 0 : i32
      %dma_start3A_310 = arith.constant 0 : i32
      %dma_start3A_311 = arith.constant 0 : i32
      %dma_start3A_312 = arith.constant 0 : i32
      %dma_start3A_313 = tpu.memref_slice %arg6[%dma_start3A_309, %dma_start3A_311, %dma_start3A_312] : memref<4x128x128xf32, #tpu.memory_space<vmem>> -> memref<1x128x128xf32, #tpu.memory_space<vmem>>
      %dma_start3A_314 = tpu.memref_squeeze %dma_start3A_313 : memref<1x128x128xf32, #tpu.memory_space<vmem>> -> memref<128x128xf32, #tpu.memory_space<vmem>>
      %dma_start3A_315 = arith.constant 0 : i32
      %dma_start3A_316 = tpu.memref_slice %arg4[%mul3A_308, %dma_start3A_315] : memref<425984x128xf32, #tpu.memory_space<hbm>> -> memref<128x128xf32, #tpu.memory_space<hbm>>
      %dma_start3A_317 = tpu.memref_slice %arg8[%dma_start3A_310] : memref<4x!tpu.dma_semaphore, #tpu.memory_space<semaphore_mem>> -> memref<1x!tpu.dma_semaphore, #tpu.memory_space<semaphore_mem>>
      %dma_start3A_318 = tpu.memref_squeeze %dma_start3A_317 : memref<1x!tpu.dma_semaphore, #tpu.memory_space<semaphore_mem>> -> memref<!tpu.dma_semaphore, #tpu.memory_space<semaphore_mem>>
      %dma_start3A_319 = arith.constant 0 : i32
      %dma_start3A_320 = tpu.memref_slice %arg4[%mul3A_308, %dma_start3A_319] : memref<425984x128xf32, #tpu.memory_space<hbm>> -> memref<128x128xf32, #tpu.memory_space<hbm>>
      %dma_start3A_321 = arith.constant 0 : i32
      %dma_start3A_322 = arith.constant 0 : i32
      %dma_start3A_323 = tpu.memref_slice %arg6[%dma_start3A_309, %dma_start3A_321, %dma_start3A_322] : memref<4x128x128xf32, #tpu.memory_space<vmem>> -> memref<1x128x128xf32, #tpu.memory_space<vmem>>
      %dma_start3A_324 = tpu.memref_squeeze %dma_start3A_323 : memref<1x128x128xf32, #tpu.memory_space<vmem>> -> memref<128x128xf32, #tpu.memory_space<vmem>>
      tpu.enqueue_dma source(%dma_start3A_324 : memref<128x128xf32, #tpu.memory_space<vmem>>) target(%dma_start3A_320 : memref<128x128xf32, #tpu.memory_space<hbm>>) target_semaphore(%dma_start3A_318 : memref<!tpu.dma_semaphore, #tpu.memory_space<semaphore_mem>>)
      %add3A_325 = arith.addi %mul3A_2, %add3A_290 : i32
      %mul3A_326 = arith.constant 128 : i32
      %mul3A_327 = arith.muli %add3A_325, %mul3A_326 : i32
      %dma_wait3A_328 = arith.constant 0 : i32
      %dma_wait3A_329 = arith.constant 0 : i32
      %dma_wait3A_330 = arith.constant 0 : i32
      %dma_wait3A_331 = arith.constant 0 : i32
      %dma_wait3A_332 = tpu.memref_slice %arg6[%dma_wait3A_328, %dma_wait3A_330, %dma_wait3A_331] : memref<4x128x128xf32, #tpu.memory_space<vmem>> -> memref<1x128x128xf32, #tpu.memory_space<vmem>>
      %dma_wait3A_333 = tpu.memref_squeeze %dma_wait3A_332 : memref<1x128x128xf32, #tpu.memory_space<vmem>> -> memref<128x128xf32, #tpu.memory_space<vmem>>
      %dma_wait3A_334 = arith.constant 0 : i32
      %dma_wait3A_335 = tpu.memref_slice %arg4[%mul3A_327, %dma_wait3A_334] : memref<425984x128xf32, #tpu.memory_space<hbm>> -> memref<128x128xf32, #tpu.memory_space<hbm>>
      %dma_wait3A_336 = tpu.memref_slice %arg8[%dma_wait3A_329] : memref<4x!tpu.dma_semaphore, #tpu.memory_space<semaphore_mem>> -> memref<1x!tpu.dma_semaphore, #tpu.memory_space<semaphore_mem>>
      %dma_wait3A_337 = tpu.memref_squeeze %dma_wait3A_336 : memref<1x!tpu.dma_semaphore, #tpu.memory_space<semaphore_mem>> -> memref<!tpu.dma_semaphore, #tpu.memory_space<semaphore_mem>>
      %dma_wait3A_338 = arith.constant 0 : i32
      %dma_wait3A_339 = tpu.memref_slice %arg4[%mul3A_327, %dma_wait3A_338] : memref<425984x128xf32, #tpu.memory_space<hbm>> -> memref<128x128xf32, #tpu.memory_space<hbm>>
      %dma_wait3A_340 = arith.constant 0 : i32
      %dma_wait3A_341 = arith.constant 0 : i32
      %dma_wait3A_342 = tpu.memref_slice %arg6[%dma_wait3A_328, %dma_wait3A_340, %dma_wait3A_341] : memref<4x128x128xf32, #tpu.memory_space<vmem>> -> memref<1x128x128xf32, #tpu.memory_space<vmem>>
      %dma_wait3A_343 = tpu.memref_squeeze %dma_wait3A_342 : memref<1x128x128xf32, #tpu.memory_space<vmem>> -> memref<128x128xf32, #tpu.memory_space<vmem>>
      tpu.wait_dma2 semaphore(%dma_wait3A_337 : memref<!tpu.dma_semaphore, #tpu.memory_space<semaphore_mem>>) src(%dma_wait3A_343 : memref<128x128xf32, #tpu.memory_space<vmem>>) dst(%dma_wait3A_339 : memref<128x128xf32, #tpu.memory_space<hbm>>)
      %add3A_344 = arith.constant 4 : i32
      %add3A_345 = arith.addi %add3A_290, %add3A_344 : i32
      %dma_start3A_346 = arith.constant 0 : i32
      %dma_start3A_347 = arith.constant 0 : i32
      %dma_start3A_348 = arith.constant 0 : i32
      %dma_start3A_349 = arith.constant 0 : i32
      %dma_start3A_350 = tpu.memref_slice %arg6[%dma_start3A_346, %dma_start3A_348, %dma_start3A_349] : memref<4x128x128xf32, #tpu.memory_space<vmem>> -> memref<1x128x128xf32, #tpu.memory_space<vmem>>
      %dma_start3A_351 = tpu.memref_squeeze %dma_start3A_350 : memref<1x128x128xf32, #tpu.memory_space<vmem>> -> memref<128x128xf32, #tpu.memory_space<vmem>>
      %dma_start3A_352 = arith.constant 0 : i32
      %dma_start3A_353 = tpu.memref_slice %arg5[%add3A_345, %dma_start3A_352] : memref<104x128xi32, #tpu.memory_space<vmem>> -> memref<1x128xi32, #tpu.memory_space<vmem>>
      %dma_start3A_354 = tpu.memref_squeeze %dma_start3A_353 : memref<1x128xi32, #tpu.memory_space<vmem>> -> memref<128xi32, #tpu.memory_space<vmem>>
      %dma_start3A_355 = arith.constant 0 : i32
      %dma_start3A_356 = arith.constant 0 : i32
      %dma_start3A_357 = tpu.memref_slice %arg2[%dma_start3A_355, %dma_start3A_356] : memref<10240x128xf32, #tpu.memory_space<hbm>> -> memref<10240x128xf32, #tpu.memory_space<hbm>>
      %dma_start3A_358 = tpu.memref_slice %arg7[%dma_start3A_347] : memref<4x!tpu.dma_semaphore, #tpu.memory_space<semaphore_mem>> -> memref<1x!tpu.dma_semaphore, #tpu.memory_space<semaphore_mem>>
      %dma_start3A_359 = tpu.memref_squeeze %dma_start3A_358 : memref<1x!tpu.dma_semaphore, #tpu.memory_space<semaphore_mem>> -> memref<!tpu.dma_semaphore, #tpu.memory_space<semaphore_mem>>
      tpu.enqueue_indirect_dma source(%dma_start3A_357 : memref<10240x128xf32, #tpu.memory_space<hbm>>) target(%dma_start3A_351 : memref<128x128xf32, #tpu.memory_space<vmem>>) offsets(%dma_start3A_354 : memref<128xi32, #tpu.memory_space<vmem>>) semaphore(%dma_start3A_359 : memref<!tpu.dma_semaphore, #tpu.memory_space<semaphore_mem>>)
      %mul3A_360 = arith.constant 4 : i32
      %mul3A_361 = arith.muli %scan3A_286, %mul3A_360 : i32
      %add3A_362 = arith.constant 1 : i32
      %add3A_363 = arith.addi %mul3A_361, %add3A_362 : i32
      %dma_wait3A_364 = arith.constant 1 : i32
      %dma_wait3A_365 = arith.constant 1 : i32
      %dma_wait3A_366 = arith.constant 1 : i32
      %dma_wait3A_367 = arith.constant 0 : i32
      %dma_wait3A_368 = arith.constant 0 : i32
      %dma_wait3A_369 = tpu.memref_slice %arg6[%dma_wait3A_365, %dma_wait3A_367, %dma_wait3A_368] : memref<4x128x128xf32, #tpu.memory_space<vmem>> -> memref<1x128x128xf32, #tpu.memory_space<vmem>>
      %dma_wait3A_370 = tpu.memref_squeeze %dma_wait3A_369 : memref<1x128x128xf32, #tpu.memory_space<vmem>> -> memref<128x128xf32, #tpu.memory_space<vmem>>
      %dma_wait3A_371 = arith.constant 0 : i32
      %dma_wait3A_372 = tpu.memref_slice %arg5[%dma_wait3A_364, %dma_wait3A_371] : memref<104x128xi32, #tpu.memory_space<vmem>> -> memref<1x128xi32, #tpu.memory_space<vmem>>
      %dma_wait3A_373 = tpu.memref_squeeze %dma_wait3A_372 : memref<1x128xi32, #tpu.memory_space<vmem>> -> memref<128xi32, #tpu.memory_space<vmem>>
      %dma_wait3A_374 = arith.constant 0 : i32
      %dma_wait3A_375 = arith.constant 0 : i32
      %dma_wait3A_376 = tpu.memref_slice %arg2[%dma_wait3A_374, %dma_wait3A_375] : memref<10240x128xf32, #tpu.memory_space<hbm>> -> memref<10240x128xf32, #tpu.memory_space<hbm>>
      %dma_wait3A_377 = tpu.memref_slice %arg7[%dma_wait3A_366] : memref<4x!tpu.dma_semaphore, #tpu.memory_space<semaphore_mem>> -> memref<1x!tpu.dma_semaphore, #tpu.memory_space<semaphore_mem>>
      %dma_wait3A_378 = tpu.memref_squeeze %dma_wait3A_377 : memref<1x!tpu.dma_semaphore, #tpu.memory_space<semaphore_mem>> -> memref<!tpu.dma_semaphore, #tpu.memory_space<semaphore_mem>>
      tpu.wait_indirect_dma semaphore(%dma_wait3A_378 : memref<!tpu.dma_semaphore, #tpu.memory_space<semaphore_mem>>) src(%dma_wait3A_376 : memref<10240x128xf32, #tpu.memory_space<hbm>>) dst(%dma_wait3A_370 : memref<128x128xf32, #tpu.memory_space<vmem>>)
      %add3A_379 = arith.addi %mul3A_2, %add3A_363 : i32
      %mul3A_380 = arith.constant 128 : i32
      %mul3A_381 = arith.muli %add3A_379, %mul3A_380 : i32
      %dma_start3A_382 = arith.constant 1 : i32
      %dma_start3A_383 = arith.constant 1 : i32
      %dma_start3A_384 = arith.constant 0 : i32
      %dma_start3A_385 = arith.constant 0 : i32
      %dma_start3A_386 = tpu.memref_slice %arg6[%dma_start3A_382, %dma_start3A_384, %dma_start3A_385] : memref<4x128x128xf32, #tpu.memory_space<vmem>> -> memref<1x128x128xf32, #tpu.memory_space<vmem>>
      %dma_start3A_387 = tpu.memref_squeeze %dma_start3A_386 : memref<1x128x128xf32, #tpu.memory_space<vmem>> -> memref<128x128xf32, #tpu.memory_space<vmem>>
      %dma_start3A_388 = arith.constant 0 : i32
      %dma_start3A_389 = tpu.memref_slice %arg4[%mul3A_381, %dma_start3A_388] : memref<425984x128xf32, #tpu.memory_space<hbm>> -> memref<128x128xf32, #tpu.memory_space<hbm>>
      %dma_start3A_390 = tpu.memref_slice %arg8[%dma_start3A_383] : memref<4x!tpu.dma_semaphore, #tpu.memory_space<semaphore_mem>> -> memref<1x!tpu.dma_semaphore, #tpu.memory_space<semaphore_mem>>
      %dma_start3A_391 = tpu.memref_squeeze %dma_start3A_390 : memref<1x!tpu.dma_semaphore, #tpu.memory_space<semaphore_mem>> -> memref<!tpu.dma_semaphore, #tpu.memory_space<semaphore_mem>>
      %dma_start3A_392 = arith.constant 0 : i32
      %dma_start3A_393 = tpu.memref_slice %arg4[%mul3A_381, %dma_start3A_392] : memref<425984x128xf32, #tpu.memory_space<hbm>> -> memref<128x128xf32, #tpu.memory_space<hbm>>
      %dma_start3A_394 = arith.constant 0 : i32
      %dma_start3A_395 = arith.constant 0 : i32
      %dma_start3A_396 = tpu.memref_slice %arg6[%dma_start3A_382, %dma_start3A_394, %dma_start3A_395] : memref<4x128x128xf32, #tpu.memory_space<vmem>> -> memref<1x128x128xf32, #tpu.memory_space<vmem>>
      %dma_start3A_397 = tpu.memref_squeeze %dma_start3A_396 : memref<1x128x128xf32, #tpu.memory_space<vmem>> -> memref<128x128xf32, #tpu.memory_space<vmem>>
      tpu.enqueue_dma source(%dma_start3A_397 : memref<128x128xf32, #tpu.memory_space<vmem>>) target(%dma_start3A_393 : memref<128x128xf32, #tpu.memory_space<hbm>>) target_semaphore(%dma_start3A_391 : memref<!tpu.dma_semaphore, #tpu.memory_space<semaphore_mem>>)
      %add3A_398 = arith.addi %mul3A_2, %add3A_363 : i32
      %mul3A_399 = arith.constant 128 : i32
      %mul3A_400 = arith.muli %add3A_398, %mul3A_399 : i32
      %dma_wait3A_401 = arith.constant 1 : i32
      %dma_wait3A_402 = arith.constant 1 : i32
      %dma_wait3A_403 = arith.constant 0 : i32
      %dma_wait3A_404 = arith.constant 0 : i32
      %dma_wait3A_405 = tpu.memref_slice %arg6[%dma_wait3A_401, %dma_wait3A_403, %dma_wait3A_404] : memref<4x128x128xf32, #tpu.memory_space<vmem>> -> memref<1x128x128xf32, #tpu.memory_space<vmem>>
      %dma_wait3A_406 = tpu.memref_squeeze %dma_wait3A_405 : memref<1x128x128xf32, #tpu.memory_space<vmem>> -> memref<128x128xf32, #tpu.memory_space<vmem>>
      %dma_wait3A_407 = arith.constant 0 : i32
      %dma_wait3A_408 = tpu.memref_slice %arg4[%mul3A_400, %dma_wait3A_407] : memref<425984x128xf32, #tpu.memory_space<hbm>> -> memref<128x128xf32, #tpu.memory_space<hbm>>
      %dma_wait3A_409 = tpu.memref_slice %arg8[%dma_wait3A_402] : memref<4x!tpu.dma_semaphore, #tpu.memory_space<semaphore_mem>> -> memref<1x!tpu.dma_semaphore, #tpu.memory_space<semaphore_mem>>
      %dma_wait3A_410 = tpu.memref_squeeze %dma_wait3A_409 : memref<1x!tpu.dma_semaphore, #tpu.memory_space<semaphore_mem>> -> memref<!tpu.dma_semaphore, #tpu.memory_space<semaphore_mem>>
      %dma_wait3A_411 = arith.constant 0 : i32
      %dma_wait3A_412 = tpu.memref_slice %arg4[%mul3A_400, %dma_wait3A_411] : memref<425984x128xf32, #tpu.memory_space<hbm>> -> memref<128x128xf32, #tpu.memory_space<hbm>>
      %dma_wait3A_413 = arith.constant 0 : i32
      %dma_wait3A_414 = arith.constant 0 : i32
      %dma_wait3A_415 = tpu.memref_slice %arg6[%dma_wait3A_401, %dma_wait3A_413, %dma_wait3A_414] : memref<4x128x128xf32, #tpu.memory_space<vmem>> -> memref<1x128x128xf32, #tpu.memory_space<vmem>>
      %dma_wait3A_416 = tpu.memref_squeeze %dma_wait3A_415 : memref<1x128x128xf32, #tpu.memory_space<vmem>> -> memref<128x128xf32, #tpu.memory_space<vmem>>
      tpu.wait_dma2 semaphore(%dma_wait3A_410 : memref<!tpu.dma_semaphore, #tpu.memory_space<semaphore_mem>>) src(%dma_wait3A_416 : memref<128x128xf32, #tpu.memory_space<vmem>>) dst(%dma_wait3A_412 : memref<128x128xf32, #tpu.memory_space<hbm>>)
      %add3A_417 = arith.constant 4 : i32
      %add3A_418 = arith.addi %add3A_363, %add3A_417 : i32
      %dma_start3A_419 = arith.constant 1 : i32
      %dma_start3A_420 = arith.constant 1 : i32
      %dma_start3A_421 = arith.constant 0 : i32
      %dma_start3A_422 = arith.constant 0 : i32
      %dma_start3A_423 = tpu.memref_slice %arg6[%dma_start3A_419, %dma_start3A_421, %dma_start3A_422] : memref<4x128x128xf32, #tpu.memory_space<vmem>> -> memref<1x128x128xf32, #tpu.memory_space<vmem>>
      %dma_start3A_424 = tpu.memref_squeeze %dma_start3A_423 : memref<1x128x128xf32, #tpu.memory_space<vmem>> -> memref<128x128xf32, #tpu.memory_space<vmem>>
      %dma_start3A_425 = arith.constant 0 : i32
      %dma_start3A_426 = tpu.memref_slice %arg5[%add3A_418, %dma_start3A_425] : memref<104x128xi32, #tpu.memory_space<vmem>> -> memref<1x128xi32, #tpu.memory_space<vmem>>
      %dma_start3A_427 = tpu.memref_squeeze %dma_start3A_426 : memref<1x128xi32, #tpu.memory_space<vmem>> -> memref<128xi32, #tpu.memory_space<vmem>>
      %dma_start3A_428 = arith.constant 0 : i32
      %dma_start3A_429 = arith.constant 0 : i32
      %dma_start3A_430 = tpu.memref_slice %arg2[%dma_start3A_428, %dma_start3A_429] : memref<10240x128xf32, #tpu.memory_space<hbm>> -> memref<10240x128xf32, #tpu.memory_space<hbm>>
      %dma_start3A_431 = tpu.memref_slice %arg7[%dma_start3A_420] : memref<4x!tpu.dma_semaphore, #tpu.memory_space<semaphore_mem>> -> memref<1x!tpu.dma_semaphore, #tpu.memory_space<semaphore_mem>>
      %dma_start3A_432 = tpu.memref_squeeze %dma_start3A_431 : memref<1x!tpu.dma_semaphore, #tpu.memory_space<semaphore_mem>> -> memref<!tpu.dma_semaphore, #tpu.memory_space<semaphore_mem>>
      tpu.enqueue_indirect_dma source(%dma_start3A_430 : memref<10240x128xf32, #tpu.memory_space<hbm>>) target(%dma_start3A_424 : memref<128x128xf32, #tpu.memory_space<vmem>>) offsets(%dma_start3A_427 : memref<128xi32, #tpu.memory_space<vmem>>) semaphore(%dma_start3A_432 : memref<!tpu.dma_semaphore, #tpu.memory_space<semaphore_mem>>)
      %mul3A_433 = arith.constant 4 : i32
      %mul3A_434 = arith.muli %scan3A_286, %mul3A_433 : i32
      %add3A_435 = arith.constant 2 : i32
      %add3A_436 = arith.addi %mul3A_434, %add3A_435 : i32
      %dma_wait3A_437 = arith.constant 2 : i32
      %dma_wait3A_438 = arith.constant 2 : i32
      %dma_wait3A_439 = arith.constant 2 : i32
      %dma_wait3A_440 = arith.constant 0 : i32
      %dma_wait3A_441 = arith.constant 0 : i32
      %dma_wait3A_442 = tpu.memref_slice %arg6[%dma_wait3A_438, %dma_wait3A_440, %dma_wait3A_441] : memref<4x128x128xf32, #tpu.memory_space<vmem>> -> memref<1x128x128xf32, #tpu.memory_space<vmem>>
      %dma_wait3A_443 = tpu.memref_squeeze %dma_wait3A_442 : memref<1x128x128xf32, #tpu.memory_space<vmem>> -> memref<128x128xf32, #tpu.memory_space<vmem>>
      %dma_wait3A_444 = arith.constant 0 : i32
      %dma_wait3A_445 = tpu.memref_slice %arg5[%dma_wait3A_437, %dma_wait3A_444] : memref<104x128xi32, #tpu.memory_space<vmem>> -> memref<1x128xi32, #tpu.memory_space<vmem>>
      %dma_wait3A_446 = tpu.memref_squeeze %dma_wait3A_445 : memref<1x128xi32, #tpu.memory_space<vmem>> -> memref<128xi32, #tpu.memory_space<vmem>>
      %dma_wait3A_447 = arith.constant 0 : i32
      %dma_wait3A_448 = arith.constant 0 : i32
      %dma_wait3A_449 = tpu.memref_slice %arg2[%dma_wait3A_447, %dma_wait3A_448] : memref<10240x128xf32, #tpu.memory_space<hbm>> -> memref<10240x128xf32, #tpu.memory_space<hbm>>
      %dma_wait3A_450 = tpu.memref_slice %arg7[%dma_wait3A_439] : memref<4x!tpu.dma_semaphore, #tpu.memory_space<semaphore_mem>> -> memref<1x!tpu.dma_semaphore, #tpu.memory_space<semaphore_mem>>
      %dma_wait3A_451 = tpu.memref_squeeze %dma_wait3A_450 : memref<1x!tpu.dma_semaphore, #tpu.memory_space<semaphore_mem>> -> memref<!tpu.dma_semaphore, #tpu.memory_space<semaphore_mem>>
      tpu.wait_indirect_dma semaphore(%dma_wait3A_451 : memref<!tpu.dma_semaphore, #tpu.memory_space<semaphore_mem>>) src(%dma_wait3A_449 : memref<10240x128xf32, #tpu.memory_space<hbm>>) dst(%dma_wait3A_443 : memref<128x128xf32, #tpu.memory_space<vmem>>)
      %add3A_452 = arith.addi %mul3A_2, %add3A_436 : i32
      %mul3A_453 = arith.constant 128 : i32
      %mul3A_454 = arith.muli %add3A_452, %mul3A_453 : i32
      %dma_start3A_455 = arith.constant 2 : i32
      %dma_start3A_456 = arith.constant 2 : i32
      %dma_start3A_457 = arith.constant 0 : i32
      %dma_start3A_458 = arith.constant 0 : i32
      %dma_start3A_459 = tpu.memref_slice %arg6[%dma_start3A_455, %dma_start3A_457, %dma_start3A_458] : memref<4x128x128xf32, #tpu.memory_space<vmem>> -> memref<1x128x128xf32, #tpu.memory_space<vmem>>
      %dma_start3A_460 = tpu.memref_squeeze %dma_start3A_459 : memref<1x128x128xf32, #tpu.memory_space<vmem>> -> memref<128x128xf32, #tpu.memory_space<vmem>>
      %dma_start3A_461 = arith.constant 0 : i32
      %dma_start3A_462 = tpu.memref_slice %arg4[%mul3A_454, %dma_start3A_461] : memref<425984x128xf32, #tpu.memory_space<hbm>> -> memref<128x128xf32, #tpu.memory_space<hbm>>
      %dma_start3A_463 = tpu.memref_slice %arg8[%dma_start3A_456] : memref<4x!tpu.dma_semaphore, #tpu.memory_space<semaphore_mem>> -> memref<1x!tpu.dma_semaphore, #tpu.memory_space<semaphore_mem>>
      %dma_start3A_464 = tpu.memref_squeeze %dma_start3A_463 : memref<1x!tpu.dma_semaphore, #tpu.memory_space<semaphore_mem>> -> memref<!tpu.dma_semaphore, #tpu.memory_space<semaphore_mem>>
      %dma_start3A_465 = arith.constant 0 : i32
      %dma_start3A_466 = tpu.memref_slice %arg4[%mul3A_454, %dma_start3A_465] : memref<425984x128xf32, #tpu.memory_space<hbm>> -> memref<128x128xf32, #tpu.memory_space<hbm>>
      %dma_start3A_467 = arith.constant 0 : i32
      %dma_start3A_468 = arith.constant 0 : i32
      %dma_start3A_469 = tpu.memref_slice %arg6[%dma_start3A_455, %dma_start3A_467, %dma_start3A_468] : memref<4x128x128xf32, #tpu.memory_space<vmem>> -> memref<1x128x128xf32, #tpu.memory_space<vmem>>
      %dma_start3A_470 = tpu.memref_squeeze %dma_start3A_469 : memref<1x128x128xf32, #tpu.memory_space<vmem>> -> memref<128x128xf32, #tpu.memory_space<vmem>>
      tpu.enqueue_dma source(%dma_start3A_470 : memref<128x128xf32, #tpu.memory_space<vmem>>) target(%dma_start3A_466 : memref<128x128xf32, #tpu.memory_space<hbm>>) target_semaphore(%dma_start3A_464 : memref<!tpu.dma_semaphore, #tpu.memory_space<semaphore_mem>>)
      %add3A_471 = arith.addi %mul3A_2, %add3A_436 : i32
      %mul3A_472 = arith.constant 128 : i32
      %mul3A_473 = arith.muli %add3A_471, %mul3A_472 : i32
      %dma_wait3A_474 = arith.constant 2 : i32
      %dma_wait3A_475 = arith.constant 2 : i32
      %dma_wait3A_476 = arith.constant 0 : i32
      %dma_wait3A_477 = arith.constant 0 : i32
      %dma_wait3A_478 = tpu.memref_slice %arg6[%dma_wait3A_474, %dma_wait3A_476, %dma_wait3A_477] : memref<4x128x128xf32, #tpu.memory_space<vmem>> -> memref<1x128x128xf32, #tpu.memory_space<vmem>>
      %dma_wait3A_479 = tpu.memref_squeeze %dma_wait3A_478 : memref<1x128x128xf32, #tpu.memory_space<vmem>> -> memref<128x128xf32, #tpu.memory_space<vmem>>
      %dma_wait3A_480 = arith.constant 0 : i32
      %dma_wait3A_481 = tpu.memref_slice %arg4[%mul3A_473, %dma_wait3A_480] : memref<425984x128xf32, #tpu.memory_space<hbm>> -> memref<128x128xf32, #tpu.memory_space<hbm>>
      %dma_wait3A_482 = tpu.memref_slice %arg8[%dma_wait3A_475] : memref<4x!tpu.dma_semaphore, #tpu.memory_space<semaphore_mem>> -> memref<1x!tpu.dma_semaphore, #tpu.memory_space<semaphore_mem>>
      %dma_wait3A_483 = tpu.memref_squeeze %dma_wait3A_482 : memref<1x!tpu.dma_semaphore, #tpu.memory_space<semaphore_mem>> -> memref<!tpu.dma_semaphore, #tpu.memory_space<semaphore_mem>>
      %dma_wait3A_484 = arith.constant 0 : i32
      %dma_wait3A_485 = tpu.memref_slice %arg4[%mul3A_473, %dma_wait3A_484] : memref<425984x128xf32, #tpu.memory_space<hbm>> -> memref<128x128xf32, #tpu.memory_space<hbm>>
      %dma_wait3A_486 = arith.constant 0 : i32
      %dma_wait3A_487 = arith.constant 0 : i32
      %dma_wait3A_488 = tpu.memref_slice %arg6[%dma_wait3A_474, %dma_wait3A_486, %dma_wait3A_487] : memref<4x128x128xf32, #tpu.memory_space<vmem>> -> memref<1x128x128xf32, #tpu.memory_space<vmem>>
      %dma_wait3A_489 = tpu.memref_squeeze %dma_wait3A_488 : memref<1x128x128xf32, #tpu.memory_space<vmem>> -> memref<128x128xf32, #tpu.memory_space<vmem>>
      tpu.wait_dma2 semaphore(%dma_wait3A_483 : memref<!tpu.dma_semaphore, #tpu.memory_space<semaphore_mem>>) src(%dma_wait3A_489 : memref<128x128xf32, #tpu.memory_space<vmem>>) dst(%dma_wait3A_485 : memref<128x128xf32, #tpu.memory_space<hbm>>)
      %add3A_490 = arith.constant 4 : i32
      %add3A_491 = arith.addi %add3A_436, %add3A_490 : i32
      %dma_start3A_492 = arith.constant 2 : i32
      %dma_start3A_493 = arith.constant 2 : i32
      %dma_start3A_494 = arith.constant 0 : i32
      %dma_start3A_495 = arith.constant 0 : i32
      %dma_start3A_496 = tpu.memref_slice %arg6[%dma_start3A_492, %dma_start3A_494, %dma_start3A_495] : memref<4x128x128xf32, #tpu.memory_space<vmem>> -> memref<1x128x128xf32, #tpu.memory_space<vmem>>
      %dma_start3A_497 = tpu.memref_squeeze %dma_start3A_496 : memref<1x128x128xf32, #tpu.memory_space<vmem>> -> memref<128x128xf32, #tpu.memory_space<vmem>>
      %dma_start3A_498 = arith.constant 0 : i32
      %dma_start3A_499 = tpu.memref_slice %arg5[%add3A_491, %dma_start3A_498] : memref<104x128xi32, #tpu.memory_space<vmem>> -> memref<1x128xi32, #tpu.memory_space<vmem>>
      %dma_start3A_500 = tpu.memref_squeeze %dma_start3A_499 : memref<1x128xi32, #tpu.memory_space<vmem>> -> memref<128xi32, #tpu.memory_space<vmem>>
      %dma_start3A_501 = arith.constant 0 : i32
      %dma_start3A_502 = arith.constant 0 : i32
      %dma_start3A_503 = tpu.memref_slice %arg2[%dma_start3A_501, %dma_start3A_502] : memref<10240x128xf32, #tpu.memory_space<hbm>> -> memref<10240x128xf32, #tpu.memory_space<hbm>>
      %dma_start3A_504 = tpu.memref_slice %arg7[%dma_start3A_493] : memref<4x!tpu.dma_semaphore, #tpu.memory_space<semaphore_mem>> -> memref<1x!tpu.dma_semaphore, #tpu.memory_space<semaphore_mem>>
      %dma_start3A_505 = tpu.memref_squeeze %dma_start3A_504 : memref<1x!tpu.dma_semaphore, #tpu.memory_space<semaphore_mem>> -> memref<!tpu.dma_semaphore, #tpu.memory_space<semaphore_mem>>
      tpu.enqueue_indirect_dma source(%dma_start3A_503 : memref<10240x128xf32, #tpu.memory_space<hbm>>) target(%dma_start3A_497 : memref<128x128xf32, #tpu.memory_space<vmem>>) offsets(%dma_start3A_500 : memref<128xi32, #tpu.memory_space<vmem>>) semaphore(%dma_start3A_505 : memref<!tpu.dma_semaphore, #tpu.memory_space<semaphore_mem>>)
      %mul3A_506 = arith.constant 4 : i32
      %mul3A_507 = arith.muli %scan3A_286, %mul3A_506 : i32
      %add3A_508 = arith.constant 3 : i32
      %add3A_509 = arith.addi %mul3A_507, %add3A_508 : i32
      %dma_wait3A_510 = arith.constant 3 : i32
      %dma_wait3A_511 = arith.constant 3 : i32
      %dma_wait3A_512 = arith.constant 3 : i32
      %dma_wait3A_513 = arith.constant 0 : i32
      %dma_wait3A_514 = arith.constant 0 : i32
      %dma_wait3A_515 = tpu.memref_slice %arg6[%dma_wait3A_511, %dma_wait3A_513, %dma_wait3A_514] : memref<4x128x128xf32, #tpu.memory_space<vmem>> -> memref<1x128x128xf32, #tpu.memory_space<vmem>>
      %dma_wait3A_516 = tpu.memref_squeeze %dma_wait3A_515 : memref<1x128x128xf32, #tpu.memory_space<vmem>> -> memref<128x128xf32, #tpu.memory_space<vmem>>
      %dma_wait3A_517 = arith.constant 0 : i32
      %dma_wait3A_518 = tpu.memref_slice %arg5[%dma_wait3A_510, %dma_wait3A_517] : memref<104x128xi32, #tpu.memory_space<vmem>> -> memref<1x128xi32, #tpu.memory_space<vmem>>
      %dma_wait3A_519 = tpu.memref_squeeze %dma_wait3A_518 : memref<1x128xi32, #tpu.memory_space<vmem>> -> memref<128xi32, #tpu.memory_space<vmem>>
      %dma_wait3A_520 = arith.constant 0 : i32
      %dma_wait3A_521 = arith.constant 0 : i32
      %dma_wait3A_522 = tpu.memref_slice %arg2[%dma_wait3A_520, %dma_wait3A_521] : memref<10240x128xf32, #tpu.memory_space<hbm>> -> memref<10240x128xf32, #tpu.memory_space<hbm>>
      %dma_wait3A_523 = tpu.memref_slice %arg7[%dma_wait3A_512] : memref<4x!tpu.dma_semaphore, #tpu.memory_space<semaphore_mem>> -> memref<1x!tpu.dma_semaphore, #tpu.memory_space<semaphore_mem>>
      %dma_wait3A_524 = tpu.memref_squeeze %dma_wait3A_523 : memref<1x!tpu.dma_semaphore, #tpu.memory_space<semaphore_mem>> -> memref<!tpu.dma_semaphore, #tpu.memory_space<semaphore_mem>>
      tpu.wait_indirect_dma semaphore(%dma_wait3A_524 : memref<!tpu.dma_semaphore, #tpu.memory_space<semaphore_mem>>) src(%dma_wait3A_522 : memref<10240x128xf32, #tpu.memory_space<hbm>>) dst(%dma_wait3A_516 : memref<128x128xf32, #tpu.memory_space<vmem>>)
      %add3A_525 = arith.addi %mul3A_2, %add3A_509 : i32
      %mul3A_526 = arith.constant 128 : i32
      %mul3A_527 = arith.muli %add3A_525, %mul3A_526 : i32
      %dma_start3A_528 = arith.constant 3 : i32
      %dma_start3A_529 = arith.constant 3 : i32
      %dma_start3A_530 = arith.constant 0 : i32
      %dma_start3A_531 = arith.constant 0 : i32
      %dma_start3A_532 = tpu.memref_slice %arg6[%dma_start3A_528, %dma_start3A_530, %dma_start3A_531] : memref<4x128x128xf32, #tpu.memory_space<vmem>> -> memref<1x128x128xf32, #tpu.memory_space<vmem>>
      %dma_start3A_533 = tpu.memref_squeeze %dma_start3A_532 : memref<1x128x128xf32, #tpu.memory_space<vmem>> -> memref<128x128xf32, #tpu.memory_space<vmem>>
      %dma_start3A_534 = arith.constant 0 : i32
      %dma_start3A_535 = tpu.memref_slice %arg4[%mul3A_527, %dma_start3A_534] : memref<425984x128xf32, #tpu.memory_space<hbm>> -> memref<128x128xf32, #tpu.memory_space<hbm>>
      %dma_start3A_536 = tpu.memref_slice %arg8[%dma_start3A_529] : memref<4x!tpu.dma_semaphore, #tpu.memory_space<semaphore_mem>> -> memref<1x!tpu.dma_semaphore, #tpu.memory_space<semaphore_mem>>
      %dma_start3A_537 = tpu.memref_squeeze %dma_start3A_536 : memref<1x!tpu.dma_semaphore, #tpu.memory_space<semaphore_mem>> -> memref<!tpu.dma_semaphore, #tpu.memory_space<semaphore_mem>>
      %dma_start3A_538 = arith.constant 0 : i32
      %dma_start3A_539 = tpu.memref_slice %arg4[%mul3A_527, %dma_start3A_538] : memref<425984x128xf32, #tpu.memory_space<hbm>> -> memref<128x128xf32, #tpu.memory_space<hbm>>
      %dma_start3A_540 = arith.constant 0 : i32
      %dma_start3A_541 = arith.constant 0 : i32
      %dma_start3A_542 = tpu.memref_slice %arg6[%dma_start3A_528, %dma_start3A_540, %dma_start3A_541] : memref<4x128x128xf32, #tpu.memory_space<vmem>> -> memref<1x128x128xf32, #tpu.memory_space<vmem>>
      %dma_start3A_543 = tpu.memref_squeeze %dma_start3A_542 : memref<1x128x128xf32, #tpu.memory_space<vmem>> -> memref<128x128xf32, #tpu.memory_space<vmem>>
      tpu.enqueue_dma source(%dma_start3A_543 : memref<128x128xf32, #tpu.memory_space<vmem>>) target(%dma_start3A_539 : memref<128x128xf32, #tpu.memory_space<hbm>>) target_semaphore(%dma_start3A_537 : memref<!tpu.dma_semaphore, #tpu.memory_space<semaphore_mem>>)
      %add3A_544 = arith.addi %mul3A_2, %add3A_509 : i32
      %mul3A_545 = arith.constant 128 : i32
      %mul3A_546 = arith.muli %add3A_544, %mul3A_545 : i32
      %dma_wait3A_547 = arith.constant 3 : i32
      %dma_wait3A_548 = arith.constant 3 : i32
      %dma_wait3A_549 = arith.constant 0 : i32
      %dma_wait3A_550 = arith.constant 0 : i32
      %dma_wait3A_551 = tpu.memref_slice %arg6[%dma_wait3A_547, %dma_wait3A_549, %dma_wait3A_550] : memref<4x128x128xf32, #tpu.memory_space<vmem>> -> memref<1x128x128xf32, #tpu.memory_space<vmem>>
      %dma_wait3A_552 = tpu.memref_squeeze %dma_wait3A_551 : memref<1x128x128xf32, #tpu.memory_space<vmem>> -> memref<128x128xf32, #tpu.memory_space<vmem>>
      %dma_wait3A_553 = arith.constant 0 : i32
      %dma_wait3A_554 = tpu.memref_slice %arg4[%mul3A_546, %dma_wait3A_553] : memref<425984x128xf32, #tpu.memory_space<hbm>> -> memref<128x128xf32, #tpu.memory_space<hbm>>
      %dma_wait3A_555 = tpu.memref_slice %arg8[%dma_wait3A_548] : memref<4x!tpu.dma_semaphore, #tpu.memory_space<semaphore_mem>> -> memref<1x!tpu.dma_semaphore, #tpu.memory_space<semaphore_mem>>
      %dma_wait3A_556 = tpu.memref_squeeze %dma_wait3A_555 : memref<1x!tpu.dma_semaphore, #tpu.memory_space<semaphore_mem>> -> memref<!tpu.dma_semaphore, #tpu.memory_space<semaphore_mem>>
      %dma_wait3A_557 = arith.constant 0 : i32
      %dma_wait3A_558 = tpu.memref_slice %arg4[%mul3A_546, %dma_wait3A_557] : memref<425984x128xf32, #tpu.memory_space<hbm>> -> memref<128x128xf32, #tpu.memory_space<hbm>>
      %dma_wait3A_559 = arith.constant 0 : i32
      %dma_wait3A_560 = arith.constant 0 : i32
      %dma_wait3A_561 = tpu.memref_slice %arg6[%dma_wait3A_547, %dma_wait3A_559, %dma_wait3A_560] : memref<4x128x128xf32, #tpu.memory_space<vmem>> -> memref<1x128x128xf32, #tpu.memory_space<vmem>>
      %dma_wait3A_562 = tpu.memref_squeeze %dma_wait3A_561 : memref<1x128x128xf32, #tpu.memory_space<vmem>> -> memref<128x128xf32, #tpu.memory_space<vmem>>
      tpu.wait_dma2 semaphore(%dma_wait3A_556 : memref<!tpu.dma_semaphore, #tpu.memory_space<semaphore_mem>>) src(%dma_wait3A_562 : memref<128x128xf32, #tpu.memory_space<vmem>>) dst(%dma_wait3A_558 : memref<128x128xf32, #tpu.memory_space<hbm>>)
      %add3A_563 = arith.constant 4 : i32
      %add3A_564 = arith.addi %add3A_509, %add3A_563 : i32
      %dma_start3A_565 = arith.constant 3 : i32
      %dma_start3A_566 = arith.constant 3 : i32
      %dma_start3A_567 = arith.constant 0 : i32
      %dma_start3A_568 = arith.constant 0 : i32
      %dma_start3A_569 = tpu.memref_slice %arg6[%dma_start3A_565, %dma_start3A_567, %dma_start3A_568] : memref<4x128x128xf32, #tpu.memory_space<vmem>> -> memref<1x128x128xf32, #tpu.memory_space<vmem>>
      %dma_start3A_570 = tpu.memref_squeeze %dma_start3A_569 : memref<1x128x128xf32, #tpu.memory_space<vmem>> -> memref<128x128xf32, #tpu.memory_space<vmem>>
      %dma_start3A_571 = arith.constant 0 : i32
      %dma_start3A_572 = tpu.memref_slice %arg5[%add3A_564, %dma_start3A_571] : memref<104x128xi32, #tpu.memory_space<vmem>> -> memref<1x128xi32, #tpu.memory_space<vmem>>
      %dma_start3A_573 = tpu.memref_squeeze %dma_start3A_572 : memref<1x128xi32, #tpu.memory_space<vmem>> -> memref<128xi32, #tpu.memory_space<vmem>>
      %dma_start3A_574 = arith.constant 0 : i32
      %dma_start3A_575 = arith.constant 0 : i32
      %dma_start3A_576 = tpu.memref_slice %arg2[%dma_start3A_574, %dma_start3A_575] : memref<10240x128xf32, #tpu.memory_space<hbm>> -> memref<10240x128xf32, #tpu.memory_space<hbm>>
      %dma_start3A_577 = tpu.memref_slice %arg7[%dma_start3A_566] : memref<4x!tpu.dma_semaphore, #tpu.memory_space<semaphore_mem>> -> memref<1x!tpu.dma_semaphore, #tpu.memory_space<semaphore_mem>>
      %dma_start3A_578 = tpu.memref_squeeze %dma_start3A_577 : memref<1x!tpu.dma_semaphore, #tpu.memory_space<semaphore_mem>> -> memref<!tpu.dma_semaphore, #tpu.memory_space<semaphore_mem>>
      tpu.enqueue_indirect_dma source(%dma_start3A_576 : memref<10240x128xf32, #tpu.memory_space<hbm>>) target(%dma_start3A_570 : memref<128x128xf32, #tpu.memory_space<vmem>>) offsets(%dma_start3A_573 : memref<128xi32, #tpu.memory_space<vmem>>) semaphore(%dma_start3A_578 : memref<!tpu.dma_semaphore, #tpu.memory_space<semaphore_mem>>)
    }
    %scan3A_66 = arith.constant 25 : i32
    %dma_wait3A = arith.constant 0 : i32
    %dma_wait3A_67 = arith.constant 0 : i32
    %dma_wait3A_68 = arith.constant 0 : i32
    %dma_wait3A_69 = arith.constant 0 : i32
    %dma_wait3A_70 = arith.constant 0 : i32
    %dma_wait3A_71 = tpu.memref_slice %arg6[%dma_wait3A_67, %dma_wait3A_69, %dma_wait3A_70] : memref<4x128x128xf32, #tpu.memory_space<vmem>> -> memref<1x128x128xf32, #tpu.memory_space<vmem>>
    %dma_wait3A_72 = tpu.memref_squeeze %dma_wait3A_71 : memref<1x128x128xf32, #tpu.memory_space<vmem>> -> memref<128x128xf32, #tpu.memory_space<vmem>>
    %dma_wait3A_73 = arith.constant 0 : i32
    %dma_wait3A_74 = tpu.memref_slice %arg5[%dma_wait3A, %dma_wait3A_73] : memref<104x128xi32, #tpu.memory_space<vmem>> -> memref<1x128xi32, #tpu.memory_space<vmem>>
    %dma_wait3A_75 = tpu.memref_squeeze %dma_wait3A_74 : memref<1x128xi32, #tpu.memory_space<vmem>> -> memref<128xi32, #tpu.memory_space<vmem>>
    %dma_wait3A_76 = arith.constant 0 : i32
    %dma_wait3A_77 = arith.constant 0 : i32
    %dma_wait3A_78 = tpu.memref_slice %arg2[%dma_wait3A_76, %dma_wait3A_77] : memref<10240x128xf32, #tpu.memory_space<hbm>> -> memref<10240x128xf32, #tpu.memory_space<hbm>>
    %dma_wait3A_79 = tpu.memref_slice %arg7[%dma_wait3A_68] : memref<4x!tpu.dma_semaphore, #tpu.memory_space<semaphore_mem>> -> memref<1x!tpu.dma_semaphore, #tpu.memory_space<semaphore_mem>>
    %dma_wait3A_80 = tpu.memref_squeeze %dma_wait3A_79 : memref<1x!tpu.dma_semaphore, #tpu.memory_space<semaphore_mem>> -> memref<!tpu.dma_semaphore, #tpu.memory_space<semaphore_mem>>
    tpu.wait_indirect_dma semaphore(%dma_wait3A_80 : memref<!tpu.dma_semaphore, #tpu.memory_space<semaphore_mem>>) src(%dma_wait3A_78 : memref<10240x128xf32, #tpu.memory_space<hbm>>) dst(%dma_wait3A_72 : memref<128x128xf32, #tpu.memory_space<vmem>>)
    %add3A_81 = arith.constant 100 : i32
    %add3A_82 = arith.addi %mul3A_2, %add3A_81 : i32
    %mul3A_83 = arith.constant 128 : i32
    %mul3A_84 = arith.muli %add3A_82, %mul3A_83 : i32
    %dma_start3A_85 = arith.constant 0 : i32
    %dma_start3A_86 = arith.constant 0 : i32
    %dma_start3A_87 = arith.constant 0 : i32
    %dma_start3A_88 = arith.constant 0 : i32
    %dma_start3A_89 = tpu.memref_slice %arg6[%dma_start3A_85, %dma_start3A_87, %dma_start3A_88] : memref<4x128x128xf32, #tpu.memory_space<vmem>> -> memref<1x128x128xf32, #tpu.memory_space<vmem>>
    %dma_start3A_90 = tpu.memref_squeeze %dma_start3A_89 : memref<1x128x128xf32, #tpu.memory_space<vmem>> -> memref<128x128xf32, #tpu.memory_space<vmem>>
    %dma_start3A_91 = arith.constant 0 : i32
    %dma_start3A_92 = tpu.memref_slice %arg4[%mul3A_84, %dma_start3A_91] : memref<425984x128xf32, #tpu.memory_space<hbm>> -> memref<128x128xf32, #tpu.memory_space<hbm>>
    %dma_start3A_93 = tpu.memref_slice %arg8[%dma_start3A_86] : memref<4x!tpu.dma_semaphore, #tpu.memory_space<semaphore_mem>> -> memref<1x!tpu.dma_semaphore, #tpu.memory_space<semaphore_mem>>
    %dma_start3A_94 = tpu.memref_squeeze %dma_start3A_93 : memref<1x!tpu.dma_semaphore, #tpu.memory_space<semaphore_mem>> -> memref<!tpu.dma_semaphore, #tpu.memory_space<semaphore_mem>>
    %dma_start3A_95 = arith.constant 0 : i32
    %dma_start3A_96 = tpu.memref_slice %arg4[%mul3A_84, %dma_start3A_95] : memref<425984x128xf32, #tpu.memory_space<hbm>> -> memref<128x128xf32, #tpu.memory_space<hbm>>
    %dma_start3A_97 = arith.constant 0 : i32
    %dma_start3A_98 = arith.constant 0 : i32
    %dma_start3A_99 = tpu.memref_slice %arg6[%dma_start3A_85, %dma_start3A_97, %dma_start3A_98] : memref<4x128x128xf32, #tpu.memory_space<vmem>> -> memref<1x128x128xf32, #tpu.memory_space<vmem>>
    %dma_start3A_100 = tpu.memref_squeeze %dma_start3A_99 : memref<1x128x128xf32, #tpu.memory_space<vmem>> -> memref<128x128xf32, #tpu.memory_space<vmem>>
    tpu.enqueue_dma source(%dma_start3A_100 : memref<128x128xf32, #tpu.memory_space<vmem>>) target(%dma_start3A_96 : memref<128x128xf32, #tpu.memory_space<hbm>>) target_semaphore(%dma_start3A_94 : memref<!tpu.dma_semaphore, #tpu.memory_space<semaphore_mem>>)
    %dma_wait3A_101 = arith.constant 1 : i32
    %dma_wait3A_102 = arith.constant 1 : i32
    %dma_wait3A_103 = arith.constant 1 : i32
    %dma_wait3A_104 = arith.constant 0 : i32
    %dma_wait3A_105 = arith.constant 0 : i32
    %dma_wait3A_106 = tpu.memref_slice %arg6[%dma_wait3A_102, %dma_wait3A_104, %dma_wait3A_105] : memref<4x128x128xf32, #tpu.memory_space<vmem>> -> memref<1x128x128xf32, #tpu.memory_space<vmem>>
    %dma_wait3A_107 = tpu.memref_squeeze %dma_wait3A_106 : memref<1x128x128xf32, #tpu.memory_space<vmem>> -> memref<128x128xf32, #tpu.memory_space<vmem>>
    %dma_wait3A_108 = arith.constant 0 : i32
    %dma_wait3A_109 = tpu.memref_slice %arg5[%dma_wait3A_101, %dma_wait3A_108] : memref<104x128xi32, #tpu.memory_space<vmem>> -> memref<1x128xi32, #tpu.memory_space<vmem>>
    %dma_wait3A_110 = tpu.memref_squeeze %dma_wait3A_109 : memref<1x128xi32, #tpu.memory_space<vmem>> -> memref<128xi32, #tpu.memory_space<vmem>>
    %dma_wait3A_111 = arith.constant 0 : i32
    %dma_wait3A_112 = arith.constant 0 : i32
    %dma_wait3A_113 = tpu.memref_slice %arg2[%dma_wait3A_111, %dma_wait3A_112] : memref<10240x128xf32, #tpu.memory_space<hbm>> -> memref<10240x128xf32, #tpu.memory_space<hbm>>
    %dma_wait3A_114 = tpu.memref_slice %arg7[%dma_wait3A_103] : memref<4x!tpu.dma_semaphore, #tpu.memory_space<semaphore_mem>> -> memref<1x!tpu.dma_semaphore, #tpu.memory_space<semaphore_mem>>
    %dma_wait3A_115 = tpu.memref_squeeze %dma_wait3A_114 : memref<1x!tpu.dma_semaphore, #tpu.memory_space<semaphore_mem>> -> memref<!tpu.dma_semaphore, #tpu.memory_space<semaphore_mem>>
    tpu.wait_indirect_dma semaphore(%dma_wait3A_115 : memref<!tpu.dma_semaphore, #tpu.memory_space<semaphore_mem>>) src(%dma_wait3A_113 : memref<10240x128xf32, #tpu.memory_space<hbm>>) dst(%dma_wait3A_107 : memref<128x128xf32, #tpu.memory_space<vmem>>)
    %add3A_116 = arith.constant 101 : i32
    %add3A_117 = arith.addi %mul3A_2, %add3A_116 : i32
    %mul3A_118 = arith.constant 128 : i32
    %mul3A_119 = arith.muli %add3A_117, %mul3A_118 : i32
    %dma_start3A_120 = arith.constant 1 : i32
    %dma_start3A_121 = arith.constant 1 : i32
    %dma_start3A_122 = arith.constant 0 : i32
    %dma_start3A_123 = arith.constant 0 : i32
    %dma_start3A_124 = tpu.memref_slice %arg6[%dma_start3A_120, %dma_start3A_122, %dma_start3A_123] : memref<4x128x128xf32, #tpu.memory_space<vmem>> -> memref<1x128x128xf32, #tpu.memory_space<vmem>>
    %dma_start3A_125 = tpu.memref_squeeze %dma_start3A_124 : memref<1x128x128xf32, #tpu.memory_space<vmem>> -> memref<128x128xf32, #tpu.memory_space<vmem>>
    %dma_start3A_126 = arith.constant 0 : i32
    %dma_start3A_127 = tpu.memref_slice %arg4[%mul3A_119, %dma_start3A_126] : memref<425984x128xf32, #tpu.memory_space<hbm>> -> memref<128x128xf32, #tpu.memory_space<hbm>>
    %dma_start3A_128 = tpu.memref_slice %arg8[%dma_start3A_121] : memref<4x!tpu.dma_semaphore, #tpu.memory_space<semaphore_mem>> -> memref<1x!tpu.dma_semaphore, #tpu.memory_space<semaphore_mem>>
    %dma_start3A_129 = tpu.memref_squeeze %dma_start3A_128 : memref<1x!tpu.dma_semaphore, #tpu.memory_space<semaphore_mem>> -> memref<!tpu.dma_semaphore, #tpu.memory_space<semaphore_mem>>
    %dma_start3A_130 = arith.constant 0 : i32
    %dma_start3A_131 = tpu.memref_slice %arg4[%mul3A_119, %dma_start3A_130] : memref<425984x128xf32, #tpu.memory_space<hbm>> -> memref<128x128xf32, #tpu.memory_space<hbm>>
    %dma_start3A_132 = arith.constant 0 : i32
    %dma_start3A_133 = arith.constant 0 : i32
    %dma_start3A_134 = tpu.memref_slice %arg6[%dma_start3A_120, %dma_start3A_132, %dma_start3A_133] : memref<4x128x128xf32, #tpu.memory_space<vmem>> -> memref<1x128x128xf32, #tpu.memory_space<vmem>>
    %dma_start3A_135 = tpu.memref_squeeze %dma_start3A_134 : memref<1x128x128xf32, #tpu.memory_space<vmem>> -> memref<128x128xf32, #tpu.memory_space<vmem>>
    tpu.enqueue_dma source(%dma_start3A_135 : memref<128x128xf32, #tpu.memory_space<vmem>>) target(%dma_start3A_131 : memref<128x128xf32, #tpu.memory_space<hbm>>) target_semaphore(%dma_start3A_129 : memref<!tpu.dma_semaphore, #tpu.memory_space<semaphore_mem>>)
    %dma_wait3A_136 = arith.constant 2 : i32
    %dma_wait3A_137 = arith.constant 2 : i32
    %dma_wait3A_138 = arith.constant 2 : i32
    %dma_wait3A_139 = arith.constant 0 : i32
    %dma_wait3A_140 = arith.constant 0 : i32
    %dma_wait3A_141 = tpu.memref_slice %arg6[%dma_wait3A_137, %dma_wait3A_139, %dma_wait3A_140] : memref<4x128x128xf32, #tpu.memory_space<vmem>> -> memref<1x128x128xf32, #tpu.memory_space<vmem>>
    %dma_wait3A_142 = tpu.memref_squeeze %dma_wait3A_141 : memref<1x128x128xf32, #tpu.memory_space<vmem>> -> memref<128x128xf32, #tpu.memory_space<vmem>>
    %dma_wait3A_143 = arith.constant 0 : i32
    %dma_wait3A_144 = tpu.memref_slice %arg5[%dma_wait3A_136, %dma_wait3A_143] : memref<104x128xi32, #tpu.memory_space<vmem>> -> memref<1x128xi32, #tpu.memory_space<vmem>>
    %dma_wait3A_145 = tpu.memref_squeeze %dma_wait3A_144 : memref<1x128xi32, #tpu.memory_space<vmem>> -> memref<128xi32, #tpu.memory_space<vmem>>
    %dma_wait3A_146 = arith.constant 0 : i32
    %dma_wait3A_147 = arith.constant 0 : i32
    %dma_wait3A_148 = tpu.memref_slice %arg2[%dma_wait3A_146, %dma_wait3A_147] : memref<10240x128xf32, #tpu.memory_space<hbm>> -> memref<10240x128xf32, #tpu.memory_space<hbm>>
    %dma_wait3A_149 = tpu.memref_slice %arg7[%dma_wait3A_138] : memref<4x!tpu.dma_semaphore, #tpu.memory_space<semaphore_mem>> -> memref<1x!tpu.dma_semaphore, #tpu.memory_space<semaphore_mem>>
    %dma_wait3A_150 = tpu.memref_squeeze %dma_wait3A_149 : memref<1x!tpu.dma_semaphore, #tpu.memory_space<semaphore_mem>> -> memref<!tpu.dma_semaphore, #tpu.memory_space<semaphore_mem>>
    tpu.wait_indirect_dma semaphore(%dma_wait3A_150 : memref<!tpu.dma_semaphore, #tpu.memory_space<semaphore_mem>>) src(%dma_wait3A_148 : memref<10240x128xf32, #tpu.memory_space<hbm>>) dst(%dma_wait3A_142 : memref<128x128xf32, #tpu.memory_space<vmem>>)
    %add3A_151 = arith.constant 102 : i32
    %add3A_152 = arith.addi %mul3A_2, %add3A_151 : i32
    %mul3A_153 = arith.constant 128 : i32
    %mul3A_154 = arith.muli %add3A_152, %mul3A_153 : i32
    %dma_start3A_155 = arith.constant 2 : i32
    %dma_start3A_156 = arith.constant 2 : i32
    %dma_start3A_157 = arith.constant 0 : i32
    %dma_start3A_158 = arith.constant 0 : i32
    %dma_start3A_159 = tpu.memref_slice %arg6[%dma_start3A_155, %dma_start3A_157, %dma_start3A_158] : memref<4x128x128xf32, #tpu.memory_space<vmem>> -> memref<1x128x128xf32, #tpu.memory_space<vmem>>
    %dma_start3A_160 = tpu.memref_squeeze %dma_start3A_159 : memref<1x128x128xf32, #tpu.memory_space<vmem>> -> memref<128x128xf32, #tpu.memory_space<vmem>>
    %dma_start3A_161 = arith.constant 0 : i32
    %dma_start3A_162 = tpu.memref_slice %arg4[%mul3A_154, %dma_start3A_161] : memref<425984x128xf32, #tpu.memory_space<hbm>> -> memref<128x128xf32, #tpu.memory_space<hbm>>
    %dma_start3A_163 = tpu.memref_slice %arg8[%dma_start3A_156] : memref<4x!tpu.dma_semaphore, #tpu.memory_space<semaphore_mem>> -> memref<1x!tpu.dma_semaphore, #tpu.memory_space<semaphore_mem>>
    %dma_start3A_164 = tpu.memref_squeeze %dma_start3A_163 : memref<1x!tpu.dma_semaphore, #tpu.memory_space<semaphore_mem>> -> memref<!tpu.dma_semaphore, #tpu.memory_space<semaphore_mem>>
    %dma_start3A_165 = arith.constant 0 : i32
    %dma_start3A_166 = tpu.memref_slice %arg4[%mul3A_154, %dma_start3A_165] : memref<425984x128xf32, #tpu.memory_space<hbm>> -> memref<128x128xf32, #tpu.memory_space<hbm>>
    %dma_start3A_167 = arith.constant 0 : i32
    %dma_start3A_168 = arith.constant 0 : i32
    %dma_start3A_169 = tpu.memref_slice %arg6[%dma_start3A_155, %dma_start3A_167, %dma_start3A_168] : memref<4x128x128xf32, #tpu.memory_space<vmem>> -> memref<1x128x128xf32, #tpu.memory_space<vmem>>
    %dma_start3A_170 = tpu.memref_squeeze %dma_start3A_169 : memref<1x128x128xf32, #tpu.memory_space<vmem>> -> memref<128x128xf32, #tpu.memory_space<vmem>>
    tpu.enqueue_dma source(%dma_start3A_170 : memref<128x128xf32, #tpu.memory_space<vmem>>) target(%dma_start3A_166 : memref<128x128xf32, #tpu.memory_space<hbm>>) target_semaphore(%dma_start3A_164 : memref<!tpu.dma_semaphore, #tpu.memory_space<semaphore_mem>>)
    %dma_wait3A_171 = arith.constant 3 : i32
    %dma_wait3A_172 = arith.constant 3 : i32
    %dma_wait3A_173 = arith.constant 3 : i32
    %dma_wait3A_174 = arith.constant 0 : i32
    %dma_wait3A_175 = arith.constant 0 : i32
    %dma_wait3A_176 = tpu.memref_slice %arg6[%dma_wait3A_172, %dma_wait3A_174, %dma_wait3A_175] : memref<4x128x128xf32, #tpu.memory_space<vmem>> -> memref<1x128x128xf32, #tpu.memory_space<vmem>>
    %dma_wait3A_177 = tpu.memref_squeeze %dma_wait3A_176 : memref<1x128x128xf32, #tpu.memory_space<vmem>> -> memref<128x128xf32, #tpu.memory_space<vmem>>
    %dma_wait3A_178 = arith.constant 0 : i32
    %dma_wait3A_179 = tpu.memref_slice %arg5[%dma_wait3A_171, %dma_wait3A_178] : memref<104x128xi32, #tpu.memory_space<vmem>> -> memref<1x128xi32, #tpu.memory_space<vmem>>
    %dma_wait3A_180 = tpu.memref_squeeze %dma_wait3A_179 : memref<1x128xi32, #tpu.memory_space<vmem>> -> memref<128xi32, #tpu.memory_space<vmem>>
    %dma_wait3A_181 = arith.constant 0 : i32
    %dma_wait3A_182 = arith.constant 0 : i32
    %dma_wait3A_183 = tpu.memref_slice %arg2[%dma_wait3A_181, %dma_wait3A_182] : memref<10240x128xf32, #tpu.memory_space<hbm>> -> memref<10240x128xf32, #tpu.memory_space<hbm>>
    %dma_wait3A_184 = tpu.memref_slice %arg7[%dma_wait3A_173] : memref<4x!tpu.dma_semaphore, #tpu.memory_space<semaphore_mem>> -> memref<1x!tpu.dma_semaphore, #tpu.memory_space<semaphore_mem>>
    %dma_wait3A_185 = tpu.memref_squeeze %dma_wait3A_184 : memref<1x!tpu.dma_semaphore, #tpu.memory_space<semaphore_mem>> -> memref<!tpu.dma_semaphore, #tpu.memory_space<semaphore_mem>>
    tpu.wait_indirect_dma semaphore(%dma_wait3A_185 : memref<!tpu.dma_semaphore, #tpu.memory_space<semaphore_mem>>) src(%dma_wait3A_183 : memref<10240x128xf32, #tpu.memory_space<hbm>>) dst(%dma_wait3A_177 : memref<128x128xf32, #tpu.memory_space<vmem>>)
    %add3A_186 = arith.constant 103 : i32
    %add3A_187 = arith.addi %mul3A_2, %add3A_186 : i32
    %mul3A_188 = arith.constant 128 : i32
    %mul3A_189 = arith.muli %add3A_187, %mul3A_188 : i32
    %dma_start3A_190 = arith.constant 3 : i32
    %dma_start3A_191 = arith.constant 3 : i32
    %dma_start3A_192 = arith.constant 0 : i32
    %dma_start3A_193 = arith.constant 0 : i32
    %dma_start3A_194 = tpu.memref_slice %arg6[%dma_start3A_190, %dma_start3A_192, %dma_start3A_193] : memref<4x128x128xf32, #tpu.memory_space<vmem>> -> memref<1x128x128xf32, #tpu.memory_space<vmem>>
    %dma_start3A_195 = tpu.memref_squeeze %dma_start3A_194 : memref<1x128x128xf32, #tpu.memory_space<vmem>> -> memref<128x128xf32, #tpu.memory_space<vmem>>
    %dma_start3A_196 = arith.constant 0 : i32
    %dma_start3A_197 = tpu.memref_slice %arg4[%mul3A_189, %dma_start3A_196] : memref<425984x128xf32, #tpu.memory_space<hbm>> -> memref<128x128xf32, #tpu.memory_space<hbm>>
    %dma_start3A_198 = tpu.memref_slice %arg8[%dma_start3A_191] : memref<4x!tpu.dma_semaphore, #tpu.memory_space<semaphore_mem>> -> memref<1x!tpu.dma_semaphore, #tpu.memory_space<semaphore_mem>>
    %dma_start3A_199 = tpu.memref_squeeze %dma_start3A_198 : memref<1x!tpu.dma_semaphore, #tpu.memory_space<semaphore_mem>> -> memref<!tpu.dma_semaphore, #tpu.memory_space<semaphore_mem>>
    %dma_start3A_200 = arith.constant 0 : i32
    %dma_start3A_201 = tpu.memref_slice %arg4[%mul3A_189, %dma_start3A_200] : memref<425984x128xf32, #tpu.memory_space<hbm>> -> memref<128x128xf32, #tpu.memory_space<hbm>>
    %dma_start3A_202 = arith.constant 0 : i32
    %dma_start3A_203 = arith.constant 0 : i32
    %dma_start3A_204 = tpu.memref_slice %arg6[%dma_start3A_190, %dma_start3A_202, %dma_start3A_203] : memref<4x128x128xf32, #tpu.memory_space<vmem>> -> memref<1x128x128xf32, #tpu.memory_space<vmem>>
    %dma_start3A_205 = tpu.memref_squeeze %dma_start3A_204 : memref<1x128x128xf32, #tpu.memory_space<vmem>> -> memref<128x128xf32, #tpu.memory_space<vmem>>
    tpu.enqueue_dma source(%dma_start3A_205 : memref<128x128xf32, #tpu.memory_space<vmem>>) target(%dma_start3A_201 : memref<128x128xf32, #tpu.memory_space<hbm>>) target_semaphore(%dma_start3A_199 : memref<!tpu.dma_semaphore, #tpu.memory_space<semaphore_mem>>)
    %add3A_206 = arith.constant 100 : i32
    %add3A_207 = arith.addi %mul3A_2, %add3A_206 : i32
    %mul3A_208 = arith.constant 128 : i32
    %mul3A_209 = arith.muli %add3A_207, %mul3A_208 : i32
    %dma_wait3A_210 = arith.constant 0 : i32
    %dma_wait3A_211 = arith.constant 0 : i32
    %dma_wait3A_212 = arith.constant 0 : i32
    %dma_wait3A_213 = arith.constant 0 : i32
    %dma_wait3A_214 = tpu.memref_slice %arg6[%dma_wait3A_210, %dma_wait3A_212, %dma_wait3A_213] : memref<4x128x128xf32, #tpu.memory_space<vmem>> -> memref<1x128x128xf32, #tpu.memory_space<vmem>>
    %dma_wait3A_215 = tpu.memref_squeeze %dma_wait3A_214 : memref<1x128x128xf32, #tpu.memory_space<vmem>> -> memref<128x128xf32, #tpu.memory_space<vmem>>
    %dma_wait3A_216 = arith.constant 0 : i32
    %dma_wait3A_217 = tpu.memref_slice %arg4[%mul3A_209, %dma_wait3A_216] : memref<425984x128xf32, #tpu.memory_space<hbm>> -> memref<128x128xf32, #tpu.memory_space<hbm>>
    %dma_wait3A_218 = tpu.memref_slice %arg8[%dma_wait3A_211] : memref<4x!tpu.dma_semaphore, #tpu.memory_space<semaphore_mem>> -> memref<1x!tpu.dma_semaphore, #tpu.memory_space<semaphore_mem>>
    %dma_wait3A_219 = tpu.memref_squeeze %dma_wait3A_218 : memref<1x!tpu.dma_semaphore, #tpu.memory_space<semaphore_mem>> -> memref<!tpu.dma_semaphore, #tpu.memory_space<semaphore_mem>>
    %dma_wait3A_220 = arith.constant 0 : i32
    %dma_wait3A_221 = tpu.memref_slice %arg4[%mul3A_209, %dma_wait3A_220] : memref<425984x128xf32, #tpu.memory_space<hbm>> -> memref<128x128xf32, #tpu.memory_space<hbm>>
    %dma_wait3A_222 = arith.constant 0 : i32
    %dma_wait3A_223 = arith.constant 0 : i32
    %dma_wait3A_224 = tpu.memref_slice %arg6[%dma_wait3A_210, %dma_wait3A_222, %dma_wait3A_223] : memref<4x128x128xf32, #tpu.memory_space<vmem>> -> memref<1x128x128xf32, #tpu.memory_space<vmem>>
    %dma_wait3A_225 = tpu.memref_squeeze %dma_wait3A_224 : memref<1x128x128xf32, #tpu.memory_space<vmem>> -> memref<128x128xf32, #tpu.memory_space<vmem>>
    tpu.wait_dma2 semaphore(%dma_wait3A_219 : memref<!tpu.dma_semaphore, #tpu.memory_space<semaphore_mem>>) src(%dma_wait3A_225 : memref<128x128xf32, #tpu.memory_space<vmem>>) dst(%dma_wait3A_221 : memref<128x128xf32, #tpu.memory_space<hbm>>)
    %add3A_226 = arith.constant 101 : i32
    %add3A_227 = arith.addi %mul3A_2, %add3A_226 : i32
    %mul3A_228 = arith.constant 128 : i32
    %mul3A_229 = arith.muli %add3A_227, %mul3A_228 : i32
    %dma_wait3A_230 = arith.constant 1 : i32
    %dma_wait3A_231 = arith.constant 1 : i32
    %dma_wait3A_232 = arith.constant 0 : i32
    %dma_wait3A_233 = arith.constant 0 : i32
    %dma_wait3A_234 = tpu.memref_slice %arg6[%dma_wait3A_230, %dma_wait3A_232, %dma_wait3A_233] : memref<4x128x128xf32, #tpu.memory_space<vmem>> -> memref<1x128x128xf32, #tpu.memory_space<vmem>>
    %dma_wait3A_235 = tpu.memref_squeeze %dma_wait3A_234 : memref<1x128x128xf32, #tpu.memory_space<vmem>> -> memref<128x128xf32, #tpu.memory_space<vmem>>
    %dma_wait3A_236 = arith.constant 0 : i32
    %dma_wait3A_237 = tpu.memref_slice %arg4[%mul3A_229, %dma_wait3A_236] : memref<425984x128xf32, #tpu.memory_space<hbm>> -> memref<128x128xf32, #tpu.memory_space<hbm>>
    %dma_wait3A_238 = tpu.memref_slice %arg8[%dma_wait3A_231] : memref<4x!tpu.dma_semaphore, #tpu.memory_space<semaphore_mem>> -> memref<1x!tpu.dma_semaphore, #tpu.memory_space<semaphore_mem>>
    %dma_wait3A_239 = tpu.memref_squeeze %dma_wait3A_238 : memref<1x!tpu.dma_semaphore, #tpu.memory_space<semaphore_mem>> -> memref<!tpu.dma_semaphore, #tpu.memory_space<semaphore_mem>>
    %dma_wait3A_240 = arith.constant 0 : i32
    %dma_wait3A_241 = tpu.memref_slice %arg4[%mul3A_229, %dma_wait3A_240] : memref<425984x128xf32, #tpu.memory_space<hbm>> -> memref<128x128xf32, #tpu.memory_space<hbm>>
    %dma_wait3A_242 = arith.constant 0 : i32
    %dma_wait3A_243 = arith.constant 0 : i32
    %dma_wait3A_244 = tpu.memref_slice %arg6[%dma_wait3A_230, %dma_wait3A_242, %dma_wait3A_243] : memref<4x128x128xf32, #tpu.memory_space<vmem>> -> memref<1x128x128xf32, #tpu.memory_space<vmem>>
    %dma_wait3A_245 = tpu.memref_squeeze %dma_wait3A_244 : memref<1x128x128xf32, #tpu.memory_space<vmem>> -> memref<128x128xf32, #tpu.memory_space<vmem>>
    tpu.wait_dma2 semaphore(%dma_wait3A_239 : memref<!tpu.dma_semaphore, #tpu.memory_space<semaphore_mem>>) src(%dma_wait3A_245 : memref<128x128xf32, #tpu.memory_space<vmem>>) dst(%dma_wait3A_241 : memref<128x128xf32, #tpu.memory_space<hbm>>)
    %add3A_246 = arith.constant 102 : i32
    %add3A_247 = arith.addi %mul3A_2, %add3A_246 : i32
    %mul3A_248 = arith.constant 128 : i32
    %mul3A_249 = arith.muli %add3A_247, %mul3A_248 : i32
    %dma_wait3A_250 = arith.constant 2 : i32
    %dma_wait3A_251 = arith.constant 2 : i32
    %dma_wait3A_252 = arith.constant 0 : i32
    %dma_wait3A_253 = arith.constant 0 : i32
    %dma_wait3A_254 = tpu.memref_slice %arg6[%dma_wait3A_250, %dma_wait3A_252, %dma_wait3A_253] : memref<4x128x128xf32, #tpu.memory_space<vmem>> -> memref<1x128x128xf32, #tpu.memory_space<vmem>>
    %dma_wait3A_255 = tpu.memref_squeeze %dma_wait3A_254 : memref<1x128x128xf32, #tpu.memory_space<vmem>> -> memref<128x128xf32, #tpu.memory_space<vmem>>
    %dma_wait3A_256 = arith.constant 0 : i32
    %dma_wait3A_257 = tpu.memref_slice %arg4[%mul3A_249, %dma_wait3A_256] : memref<425984x128xf32, #tpu.memory_space<hbm>> -> memref<128x128xf32, #tpu.memory_space<hbm>>
    %dma_wait3A_258 = tpu.memref_slice %arg8[%dma_wait3A_251] : memref<4x!tpu.dma_semaphore, #tpu.memory_space<semaphore_mem>> -> memref<1x!tpu.dma_semaphore, #tpu.memory_space<semaphore_mem>>
    %dma_wait3A_259 = tpu.memref_squeeze %dma_wait3A_258 : memref<1x!tpu.dma_semaphore, #tpu.memory_space<semaphore_mem>> -> memref<!tpu.dma_semaphore, #tpu.memory_space<semaphore_mem>>
    %dma_wait3A_260 = arith.constant 0 : i32
    %dma_wait3A_261 = tpu.memref_slice %arg4[%mul3A_249, %dma_wait3A_260] : memref<425984x128xf32, #tpu.memory_space<hbm>> -> memref<128x128xf32, #tpu.memory_space<hbm>>
    %dma_wait3A_262 = arith.constant 0 : i32
    %dma_wait3A_263 = arith.constant 0 : i32
    %dma_wait3A_264 = tpu.memref_slice %arg6[%dma_wait3A_250, %dma_wait3A_262, %dma_wait3A_263] : memref<4x128x128xf32, #tpu.memory_space<vmem>> -> memref<1x128x128xf32, #tpu.memory_space<vmem>>
    %dma_wait3A_265 = tpu.memref_squeeze %dma_wait3A_264 : memref<1x128x128xf32, #tpu.memory_space<vmem>> -> memref<128x128xf32, #tpu.memory_space<vmem>>
    tpu.wait_dma2 semaphore(%dma_wait3A_259 : memref<!tpu.dma_semaphore, #tpu.memory_space<semaphore_mem>>) src(%dma_wait3A_265 : memref<128x128xf32, #tpu.memory_space<vmem>>) dst(%dma_wait3A_261 : memref<128x128xf32, #tpu.memory_space<hbm>>)
    %add3A_266 = arith.constant 103 : i32
    %add3A_267 = arith.addi %mul3A_2, %add3A_266 : i32
    %mul3A_268 = arith.constant 128 : i32
    %mul3A_269 = arith.muli %add3A_267, %mul3A_268 : i32
    %dma_wait3A_270 = arith.constant 3 : i32
    %dma_wait3A_271 = arith.constant 3 : i32
    %dma_wait3A_272 = arith.constant 0 : i32
    %dma_wait3A_273 = arith.constant 0 : i32
    %dma_wait3A_274 = tpu.memref_slice %arg6[%dma_wait3A_270, %dma_wait3A_272, %dma_wait3A_273] : memref<4x128x128xf32, #tpu.memory_space<vmem>> -> memref<1x128x128xf32, #tpu.memory_space<vmem>>
    %dma_wait3A_275 = tpu.memref_squeeze %dma_wait3A_274 : memref<1x128x128xf32, #tpu.memory_space<vmem>> -> memref<128x128xf32, #tpu.memory_space<vmem>>
    %dma_wait3A_276 = arith.constant 0 : i32
    %dma_wait3A_277 = tpu.memref_slice %arg4[%mul3A_269, %dma_wait3A_276] : memref<425984x128xf32, #tpu.memory_space<hbm>> -> memref<128x128xf32, #tpu.memory_space<hbm>>
    %dma_wait3A_278 = tpu.memref_slice %arg8[%dma_wait3A_271] : memref<4x!tpu.dma_semaphore, #tpu.memory_space<semaphore_mem>> -> memref<1x!tpu.dma_semaphore, #tpu.memory_space<semaphore_mem>>
    %dma_wait3A_279 = tpu.memref_squeeze %dma_wait3A_278 : memref<1x!tpu.dma_semaphore, #tpu.memory_space<semaphore_mem>> -> memref<!tpu.dma_semaphore, #tpu.memory_space<semaphore_mem>>
    %dma_wait3A_280 = arith.constant 0 : i32
    %dma_wait3A_281 = tpu.memref_slice %arg4[%mul3A_269, %dma_wait3A_280] : memref<425984x128xf32, #tpu.memory_space<hbm>> -> memref<128x128xf32, #tpu.memory_space<hbm>>
    %dma_wait3A_282 = arith.constant 0 : i32
    %dma_wait3A_283 = arith.constant 0 : i32
    %dma_wait3A_284 = tpu.memref_slice %arg6[%dma_wait3A_270, %dma_wait3A_282, %dma_wait3A_283] : memref<4x128x128xf32, #tpu.memory_space<vmem>> -> memref<1x128x128xf32, #tpu.memory_space<vmem>>
    %dma_wait3A_285 = tpu.memref_squeeze %dma_wait3A_284 : memref<1x128x128xf32, #tpu.memory_space<vmem>> -> memref<128x128xf32, #tpu.memory_space<vmem>>
    tpu.wait_dma2 semaphore(%dma_wait3A_279 : memref<!tpu.dma_semaphore, #tpu.memory_space<semaphore_mem>>) src(%dma_wait3A_285 : memref<128x128xf32, #tpu.memory_space<vmem>>) dst(%dma_wait3A_281 : memref<128x128xf32, #tpu.memory_space<hbm>>)
    return
  }
}

#map = affine_map<(d0, d1) -> (0, 0)>
#map1 = affine_map<(d0, d1) -> (0, 0, 0)>
module attributes {stable_mosaic.version = 14 : i64} {
  func.func @gk(%arg0: i32, %arg1: i32, %arg2: memref<10240x128xf32, #tpu.memory_space<hbm>>, %arg3: memref<32x4x128xi32, #tpu.memory_space<hbm>>, %arg4: memref<16384x128xf32, #tpu.memory_space<hbm>>, %arg5: memref<4x128xi32, #tpu.memory_space<vmem>>, %arg6: memref<4x128x128xf32, #tpu.memory_space<vmem>>, %arg7: memref<4x!tpu.dma_semaphore, #tpu.memory_space<semaphore_mem>>, %arg8: memref<4x!tpu.dma_semaphore, #tpu.memory_space<semaphore_mem>>) attributes {dimension_semantics = [#tpu.dimension_semantics<core_parallel>, #tpu.dimension_semantics<subcore_parallel>], iteration_bounds = array<i64: 2, 16>, scalar_prefetch = 0 : i64, scratch_operands = 4 : i64, tpu.core_type = #tpu.core_type<sc_vector_subcore>, window_params = [{transform_indices = #map}, {transform_indices = #map1}, {transform_indices = #map}]} {
    %mul3A = arith.constant 2 : i32
    %mul3A_0 = arith.muli %arg1, %mul3A : i32
    %add3A = arith.addi %mul3A_0, %arg0 : i32
    %mul3A_1 = arith.constant 4 : i32
    %mul3A_2 = arith.muli %add3A, %mul3A_1 : i32
    "tpu.region"() ({
      %run_scoped3A = tpu.sem_alloc : memref<!tpu.dma_semaphore, #tpu.memory_space<semaphore_mem>>
      %dma_start3A_281 = arith.constant 0 : i32
      %dma_start3A_282 = arith.constant 0 : i32
      %dma_start3A_283 = tpu.memref_slice %arg3[%add3A, %dma_start3A_281, %dma_start3A_282] : memref<32x4x128xi32, #tpu.memory_space<hbm>> -> memref<1x4x128xi32, #tpu.memory_space<hbm>>
      %dma_start3A_284 = tpu.memref_squeeze %dma_start3A_283 : memref<1x4x128xi32, #tpu.memory_space<hbm>> -> memref<4x128xi32, #tpu.memory_space<hbm>>
      %dma_start3A_285 = arith.constant 0 : i32
      %dma_start3A_286 = arith.constant 0 : i32
      %dma_start3A_287 = tpu.memref_slice %arg3[%add3A, %dma_start3A_285, %dma_start3A_286] : memref<32x4x128xi32, #tpu.memory_space<hbm>> -> memref<1x4x128xi32, #tpu.memory_space<hbm>>
      %dma_start3A_288 = tpu.memref_squeeze %dma_start3A_287 : memref<1x4x128xi32, #tpu.memory_space<hbm>> -> memref<4x128xi32, #tpu.memory_space<hbm>>
      tpu.enqueue_dma source(%dma_start3A_288 : memref<4x128xi32, #tpu.memory_space<hbm>>) target(%arg5 : memref<4x128xi32, #tpu.memory_space<vmem>>) target_semaphore(%run_scoped3A : memref<!tpu.dma_semaphore, #tpu.memory_space<semaphore_mem>>)
      %dma_wait3A_289 = arith.constant 0 : i32
      %dma_wait3A_290 = arith.constant 0 : i32
      %dma_wait3A_291 = tpu.memref_slice %arg3[%add3A, %dma_wait3A_289, %dma_wait3A_290] : memref<32x4x128xi32, #tpu.memory_space<hbm>> -> memref<1x4x128xi32, #tpu.memory_space<hbm>>
      %dma_wait3A_292 = tpu.memref_squeeze %dma_wait3A_291 : memref<1x4x128xi32, #tpu.memory_space<hbm>> -> memref<4x128xi32, #tpu.memory_space<hbm>>
      %dma_wait3A_293 = arith.constant 0 : i32
      %dma_wait3A_294 = arith.constant 0 : i32
      %dma_wait3A_295 = tpu.memref_slice %arg3[%add3A, %dma_wait3A_293, %dma_wait3A_294] : memref<32x4x128xi32, #tpu.memory_space<hbm>> -> memref<1x4x128xi32, #tpu.memory_space<hbm>>
      %dma_wait3A_296 = tpu.memref_squeeze %dma_wait3A_295 : memref<1x4x128xi32, #tpu.memory_space<hbm>> -> memref<4x128xi32, #tpu.memory_space<hbm>>
      tpu.wait_dma2 semaphore(%run_scoped3A : memref<!tpu.dma_semaphore, #tpu.memory_space<semaphore_mem>>) src(%dma_wait3A_296 : memref<4x128xi32, #tpu.memory_space<hbm>>) dst(%arg5 : memref<4x128xi32, #tpu.memory_space<vmem>>)
      tpu.yield
    }) : () -> ()
    %dma_start3A = arith.constant 0 : i32
    %dma_start3A_3 = arith.constant 0 : i32
    %dma_start3A_4 = arith.constant 0 : i32
    %dma_start3A_5 = arith.constant 0 : i32
    %dma_start3A_6 = arith.constant 0 : i32
    %dma_start3A_7 = tpu.memref_slice %arg6[%dma_start3A_3, %dma_start3A_5, %dma_start3A_6] : memref<4x128x128xf32, #tpu.memory_space<vmem>> -> memref<1x128x128xf32, #tpu.memory_space<vmem>>
    %dma_start3A_8 = tpu.memref_squeeze %dma_start3A_7 : memref<1x128x128xf32, #tpu.memory_space<vmem>> -> memref<128x128xf32, #tpu.memory_space<vmem>>
    %dma_start3A_9 = arith.constant 0 : i32
    %dma_start3A_10 = tpu.memref_slice %arg5[%dma_start3A, %dma_start3A_9] : memref<4x128xi32, #tpu.memory_space<vmem>> -> memref<1x128xi32, #tpu.memory_space<vmem>>
    %dma_start3A_11 = tpu.memref_squeeze %dma_start3A_10 : memref<1x128xi32, #tpu.memory_space<vmem>> -> memref<128xi32, #tpu.memory_space<vmem>>
    %dma_start3A_12 = arith.constant 0 : i32
    %dma_start3A_13 = arith.constant 0 : i32
    %dma_start3A_14 = tpu.memref_slice %arg2[%dma_start3A_12, %dma_start3A_13] : memref<10240x128xf32, #tpu.memory_space<hbm>> -> memref<10240x128xf32, #tpu.memory_space<hbm>>
    %dma_start3A_15 = tpu.memref_slice %arg7[%dma_start3A_4] : memref<4x!tpu.dma_semaphore, #tpu.memory_space<semaphore_mem>> -> memref<1x!tpu.dma_semaphore, #tpu.memory_space<semaphore_mem>>
    %dma_start3A_16 = tpu.memref_squeeze %dma_start3A_15 : memref<1x!tpu.dma_semaphore, #tpu.memory_space<semaphore_mem>> -> memref<!tpu.dma_semaphore, #tpu.memory_space<semaphore_mem>>
    tpu.enqueue_indirect_dma source(%dma_start3A_14 : memref<10240x128xf32, #tpu.memory_space<hbm>>) target(%dma_start3A_8 : memref<128x128xf32, #tpu.memory_space<vmem>>) offsets(%dma_start3A_11 : memref<128xi32, #tpu.memory_space<vmem>>) semaphore(%dma_start3A_16 : memref<!tpu.dma_semaphore, #tpu.memory_space<semaphore_mem>>)
    %dma_start3A_17 = arith.constant 1 : i32
    %dma_start3A_18 = arith.constant 1 : i32
    %dma_start3A_19 = arith.constant 1 : i32
    %dma_start3A_20 = arith.constant 0 : i32
    %dma_start3A_21 = arith.constant 0 : i32
    %dma_start3A_22 = tpu.memref_slice %arg6[%dma_start3A_18, %dma_start3A_20, %dma_start3A_21] : memref<4x128x128xf32, #tpu.memory_space<vmem>> -> memref<1x128x128xf32, #tpu.memory_space<vmem>>
    %dma_start3A_23 = tpu.memref_squeeze %dma_start3A_22 : memref<1x128x128xf32, #tpu.memory_space<vmem>> -> memref<128x128xf32, #tpu.memory_space<vmem>>
    %dma_start3A_24 = arith.constant 0 : i32
    %dma_start3A_25 = tpu.memref_slice %arg5[%dma_start3A_17, %dma_start3A_24] : memref<4x128xi32, #tpu.memory_space<vmem>> -> memref<1x128xi32, #tpu.memory_space<vmem>>
    %dma_start3A_26 = tpu.memref_squeeze %dma_start3A_25 : memref<1x128xi32, #tpu.memory_space<vmem>> -> memref<128xi32, #tpu.memory_space<vmem>>
    %dma_start3A_27 = arith.constant 0 : i32
    %dma_start3A_28 = arith.constant 0 : i32
    %dma_start3A_29 = tpu.memref_slice %arg2[%dma_start3A_27, %dma_start3A_28] : memref<10240x128xf32, #tpu.memory_space<hbm>> -> memref<10240x128xf32, #tpu.memory_space<hbm>>
    %dma_start3A_30 = tpu.memref_slice %arg7[%dma_start3A_19] : memref<4x!tpu.dma_semaphore, #tpu.memory_space<semaphore_mem>> -> memref<1x!tpu.dma_semaphore, #tpu.memory_space<semaphore_mem>>
    %dma_start3A_31 = tpu.memref_squeeze %dma_start3A_30 : memref<1x!tpu.dma_semaphore, #tpu.memory_space<semaphore_mem>> -> memref<!tpu.dma_semaphore, #tpu.memory_space<semaphore_mem>>
    tpu.enqueue_indirect_dma source(%dma_start3A_29 : memref<10240x128xf32, #tpu.memory_space<hbm>>) target(%dma_start3A_23 : memref<128x128xf32, #tpu.memory_space<vmem>>) offsets(%dma_start3A_26 : memref<128xi32, #tpu.memory_space<vmem>>) semaphore(%dma_start3A_31 : memref<!tpu.dma_semaphore, #tpu.memory_space<semaphore_mem>>)
    %dma_start3A_32 = arith.constant 2 : i32
    %dma_start3A_33 = arith.constant 2 : i32
    %dma_start3A_34 = arith.constant 2 : i32
    %dma_start3A_35 = arith.constant 0 : i32
    %dma_start3A_36 = arith.constant 0 : i32
    %dma_start3A_37 = tpu.memref_slice %arg6[%dma_start3A_33, %dma_start3A_35, %dma_start3A_36] : memref<4x128x128xf32, #tpu.memory_space<vmem>> -> memref<1x128x128xf32, #tpu.memory_space<vmem>>
    %dma_start3A_38 = tpu.memref_squeeze %dma_start3A_37 : memref<1x128x128xf32, #tpu.memory_space<vmem>> -> memref<128x128xf32, #tpu.memory_space<vmem>>
    %dma_start3A_39 = arith.constant 0 : i32
    %dma_start3A_40 = tpu.memref_slice %arg5[%dma_start3A_32, %dma_start3A_39] : memref<4x128xi32, #tpu.memory_space<vmem>> -> memref<1x128xi32, #tpu.memory_space<vmem>>
    %dma_start3A_41 = tpu.memref_squeeze %dma_start3A_40 : memref<1x128xi32, #tpu.memory_space<vmem>> -> memref<128xi32, #tpu.memory_space<vmem>>
    %dma_start3A_42 = arith.constant 0 : i32
    %dma_start3A_43 = arith.constant 0 : i32
    %dma_start3A_44 = tpu.memref_slice %arg2[%dma_start3A_42, %dma_start3A_43] : memref<10240x128xf32, #tpu.memory_space<hbm>> -> memref<10240x128xf32, #tpu.memory_space<hbm>>
    %dma_start3A_45 = tpu.memref_slice %arg7[%dma_start3A_34] : memref<4x!tpu.dma_semaphore, #tpu.memory_space<semaphore_mem>> -> memref<1x!tpu.dma_semaphore, #tpu.memory_space<semaphore_mem>>
    %dma_start3A_46 = tpu.memref_squeeze %dma_start3A_45 : memref<1x!tpu.dma_semaphore, #tpu.memory_space<semaphore_mem>> -> memref<!tpu.dma_semaphore, #tpu.memory_space<semaphore_mem>>
    tpu.enqueue_indirect_dma source(%dma_start3A_44 : memref<10240x128xf32, #tpu.memory_space<hbm>>) target(%dma_start3A_38 : memref<128x128xf32, #tpu.memory_space<vmem>>) offsets(%dma_start3A_41 : memref<128xi32, #tpu.memory_space<vmem>>) semaphore(%dma_start3A_46 : memref<!tpu.dma_semaphore, #tpu.memory_space<semaphore_mem>>)
    %dma_start3A_47 = arith.constant 3 : i32
    %dma_start3A_48 = arith.constant 3 : i32
    %dma_start3A_49 = arith.constant 3 : i32
    %dma_start3A_50 = arith.constant 0 : i32
    %dma_start3A_51 = arith.constant 0 : i32
    %dma_start3A_52 = tpu.memref_slice %arg6[%dma_start3A_48, %dma_start3A_50, %dma_start3A_51] : memref<4x128x128xf32, #tpu.memory_space<vmem>> -> memref<1x128x128xf32, #tpu.memory_space<vmem>>
    %dma_start3A_53 = tpu.memref_squeeze %dma_start3A_52 : memref<1x128x128xf32, #tpu.memory_space<vmem>> -> memref<128x128xf32, #tpu.memory_space<vmem>>
    %dma_start3A_54 = arith.constant 0 : i32
    %dma_start3A_55 = tpu.memref_slice %arg5[%dma_start3A_47, %dma_start3A_54] : memref<4x128xi32, #tpu.memory_space<vmem>> -> memref<1x128xi32, #tpu.memory_space<vmem>>
    %dma_start3A_56 = tpu.memref_squeeze %dma_start3A_55 : memref<1x128xi32, #tpu.memory_space<vmem>> -> memref<128xi32, #tpu.memory_space<vmem>>
    %dma_start3A_57 = arith.constant 0 : i32
    %dma_start3A_58 = arith.constant 0 : i32
    %dma_start3A_59 = tpu.memref_slice %arg2[%dma_start3A_57, %dma_start3A_58] : memref<10240x128xf32, #tpu.memory_space<hbm>> -> memref<10240x128xf32, #tpu.memory_space<hbm>>
    %dma_start3A_60 = tpu.memref_slice %arg7[%dma_start3A_49] : memref<4x!tpu.dma_semaphore, #tpu.memory_space<semaphore_mem>> -> memref<1x!tpu.dma_semaphore, #tpu.memory_space<semaphore_mem>>
    %dma_start3A_61 = tpu.memref_squeeze %dma_start3A_60 : memref<1x!tpu.dma_semaphore, #tpu.memory_space<semaphore_mem>> -> memref<!tpu.dma_semaphore, #tpu.memory_space<semaphore_mem>>
    tpu.enqueue_indirect_dma source(%dma_start3A_59 : memref<10240x128xf32, #tpu.memory_space<hbm>>) target(%dma_start3A_53 : memref<128x128xf32, #tpu.memory_space<vmem>>) offsets(%dma_start3A_56 : memref<128xi32, #tpu.memory_space<vmem>>) semaphore(%dma_start3A_61 : memref<!tpu.dma_semaphore, #tpu.memory_space<semaphore_mem>>)
    %dma_wait3A = arith.constant 0 : i32
    %dma_wait3A_62 = arith.constant 0 : i32
    %dma_wait3A_63 = arith.constant 0 : i32
    %dma_wait3A_64 = arith.constant 0 : i32
    %dma_wait3A_65 = arith.constant 0 : i32
    %dma_wait3A_66 = tpu.memref_slice %arg6[%dma_wait3A_62, %dma_wait3A_64, %dma_wait3A_65] : memref<4x128x128xf32, #tpu.memory_space<vmem>> -> memref<1x128x128xf32, #tpu.memory_space<vmem>>
    %dma_wait3A_67 = tpu.memref_squeeze %dma_wait3A_66 : memref<1x128x128xf32, #tpu.memory_space<vmem>> -> memref<128x128xf32, #tpu.memory_space<vmem>>
    %dma_wait3A_68 = arith.constant 0 : i32
    %dma_wait3A_69 = tpu.memref_slice %arg5[%dma_wait3A, %dma_wait3A_68] : memref<4x128xi32, #tpu.memory_space<vmem>> -> memref<1x128xi32, #tpu.memory_space<vmem>>
    %dma_wait3A_70 = tpu.memref_squeeze %dma_wait3A_69 : memref<1x128xi32, #tpu.memory_space<vmem>> -> memref<128xi32, #tpu.memory_space<vmem>>
    %dma_wait3A_71 = arith.constant 0 : i32
    %dma_wait3A_72 = arith.constant 0 : i32
    %dma_wait3A_73 = tpu.memref_slice %arg2[%dma_wait3A_71, %dma_wait3A_72] : memref<10240x128xf32, #tpu.memory_space<hbm>> -> memref<10240x128xf32, #tpu.memory_space<hbm>>
    %dma_wait3A_74 = tpu.memref_slice %arg7[%dma_wait3A_63] : memref<4x!tpu.dma_semaphore, #tpu.memory_space<semaphore_mem>> -> memref<1x!tpu.dma_semaphore, #tpu.memory_space<semaphore_mem>>
    %dma_wait3A_75 = tpu.memref_squeeze %dma_wait3A_74 : memref<1x!tpu.dma_semaphore, #tpu.memory_space<semaphore_mem>> -> memref<!tpu.dma_semaphore, #tpu.memory_space<semaphore_mem>>
    tpu.wait_indirect_dma semaphore(%dma_wait3A_75 : memref<!tpu.dma_semaphore, #tpu.memory_space<semaphore_mem>>) src(%dma_wait3A_73 : memref<10240x128xf32, #tpu.memory_space<hbm>>) dst(%dma_wait3A_67 : memref<128x128xf32, #tpu.memory_space<vmem>>)
    %add3A_76 = arith.constant 0 : i32
    %add3A_77 = arith.addi %mul3A_2, %add3A_76 : i32
    %mul3A_78 = arith.constant 128 : i32
    %mul3A_79 = arith.muli %add3A_77, %mul3A_78 : i32
    %dma_start3A_80 = arith.constant 0 : i32
    %dma_start3A_81 = arith.constant 0 : i32
    %dma_start3A_82 = arith.constant 0 : i32
    %dma_start3A_83 = arith.constant 0 : i32
    %dma_start3A_84 = tpu.memref_slice %arg6[%dma_start3A_80, %dma_start3A_82, %dma_start3A_83] : memref<4x128x128xf32, #tpu.memory_space<vmem>> -> memref<1x128x128xf32, #tpu.memory_space<vmem>>
    %dma_start3A_85 = tpu.memref_squeeze %dma_start3A_84 : memref<1x128x128xf32, #tpu.memory_space<vmem>> -> memref<128x128xf32, #tpu.memory_space<vmem>>
    %dma_start3A_86 = arith.constant 0 : i32
    %dma_start3A_87 = tpu.memref_slice %arg4[%mul3A_79, %dma_start3A_86] : memref<16384x128xf32, #tpu.memory_space<hbm>> -> memref<128x128xf32, #tpu.memory_space<hbm>>
    %dma_start3A_88 = tpu.memref_slice %arg8[%dma_start3A_81] : memref<4x!tpu.dma_semaphore, #tpu.memory_space<semaphore_mem>> -> memref<1x!tpu.dma_semaphore, #tpu.memory_space<semaphore_mem>>
    %dma_start3A_89 = tpu.memref_squeeze %dma_start3A_88 : memref<1x!tpu.dma_semaphore, #tpu.memory_space<semaphore_mem>> -> memref<!tpu.dma_semaphore, #tpu.memory_space<semaphore_mem>>
    %dma_start3A_90 = arith.constant 0 : i32
    %dma_start3A_91 = tpu.memref_slice %arg4[%mul3A_79, %dma_start3A_90] : memref<16384x128xf32, #tpu.memory_space<hbm>> -> memref<128x128xf32, #tpu.memory_space<hbm>>
    %dma_start3A_92 = arith.constant 0 : i32
    %dma_start3A_93 = arith.constant 0 : i32
    %dma_start3A_94 = tpu.memref_slice %arg6[%dma_start3A_80, %dma_start3A_92, %dma_start3A_93] : memref<4x128x128xf32, #tpu.memory_space<vmem>> -> memref<1x128x128xf32, #tpu.memory_space<vmem>>
    %dma_start3A_95 = tpu.memref_squeeze %dma_start3A_94 : memref<1x128x128xf32, #tpu.memory_space<vmem>> -> memref<128x128xf32, #tpu.memory_space<vmem>>
    tpu.enqueue_dma source(%dma_start3A_95 : memref<128x128xf32, #tpu.memory_space<vmem>>) target(%dma_start3A_91 : memref<128x128xf32, #tpu.memory_space<hbm>>) target_semaphore(%dma_start3A_89 : memref<!tpu.dma_semaphore, #tpu.memory_space<semaphore_mem>>)
    %dma_wait3A_96 = arith.constant 1 : i32
    %dma_wait3A_97 = arith.constant 1 : i32
    %dma_wait3A_98 = arith.constant 1 : i32
    %dma_wait3A_99 = arith.constant 0 : i32
    %dma_wait3A_100 = arith.constant 0 : i32
    %dma_wait3A_101 = tpu.memref_slice %arg6[%dma_wait3A_97, %dma_wait3A_99, %dma_wait3A_100] : memref<4x128x128xf32, #tpu.memory_space<vmem>> -> memref<1x128x128xf32, #tpu.memory_space<vmem>>
    %dma_wait3A_102 = tpu.memref_squeeze %dma_wait3A_101 : memref<1x128x128xf32, #tpu.memory_space<vmem>> -> memref<128x128xf32, #tpu.memory_space<vmem>>
    %dma_wait3A_103 = arith.constant 0 : i32
    %dma_wait3A_104 = tpu.memref_slice %arg5[%dma_wait3A_96, %dma_wait3A_103] : memref<4x128xi32, #tpu.memory_space<vmem>> -> memref<1x128xi32, #tpu.memory_space<vmem>>
    %dma_wait3A_105 = tpu.memref_squeeze %dma_wait3A_104 : memref<1x128xi32, #tpu.memory_space<vmem>> -> memref<128xi32, #tpu.memory_space<vmem>>
    %dma_wait3A_106 = arith.constant 0 : i32
    %dma_wait3A_107 = arith.constant 0 : i32
    %dma_wait3A_108 = tpu.memref_slice %arg2[%dma_wait3A_106, %dma_wait3A_107] : memref<10240x128xf32, #tpu.memory_space<hbm>> -> memref<10240x128xf32, #tpu.memory_space<hbm>>
    %dma_wait3A_109 = tpu.memref_slice %arg7[%dma_wait3A_98] : memref<4x!tpu.dma_semaphore, #tpu.memory_space<semaphore_mem>> -> memref<1x!tpu.dma_semaphore, #tpu.memory_space<semaphore_mem>>
    %dma_wait3A_110 = tpu.memref_squeeze %dma_wait3A_109 : memref<1x!tpu.dma_semaphore, #tpu.memory_space<semaphore_mem>> -> memref<!tpu.dma_semaphore, #tpu.memory_space<semaphore_mem>>
    tpu.wait_indirect_dma semaphore(%dma_wait3A_110 : memref<!tpu.dma_semaphore, #tpu.memory_space<semaphore_mem>>) src(%dma_wait3A_108 : memref<10240x128xf32, #tpu.memory_space<hbm>>) dst(%dma_wait3A_102 : memref<128x128xf32, #tpu.memory_space<vmem>>)
    %add3A_111 = arith.constant 1 : i32
    %add3A_112 = arith.addi %mul3A_2, %add3A_111 : i32
    %mul3A_113 = arith.constant 128 : i32
    %mul3A_114 = arith.muli %add3A_112, %mul3A_113 : i32
    %dma_start3A_115 = arith.constant 1 : i32
    %dma_start3A_116 = arith.constant 1 : i32
    %dma_start3A_117 = arith.constant 0 : i32
    %dma_start3A_118 = arith.constant 0 : i32
    %dma_start3A_119 = tpu.memref_slice %arg6[%dma_start3A_115, %dma_start3A_117, %dma_start3A_118] : memref<4x128x128xf32, #tpu.memory_space<vmem>> -> memref<1x128x128xf32, #tpu.memory_space<vmem>>
    %dma_start3A_120 = tpu.memref_squeeze %dma_start3A_119 : memref<1x128x128xf32, #tpu.memory_space<vmem>> -> memref<128x128xf32, #tpu.memory_space<vmem>>
    %dma_start3A_121 = arith.constant 0 : i32
    %dma_start3A_122 = tpu.memref_slice %arg4[%mul3A_114, %dma_start3A_121] : memref<16384x128xf32, #tpu.memory_space<hbm>> -> memref<128x128xf32, #tpu.memory_space<hbm>>
    %dma_start3A_123 = tpu.memref_slice %arg8[%dma_start3A_116] : memref<4x!tpu.dma_semaphore, #tpu.memory_space<semaphore_mem>> -> memref<1x!tpu.dma_semaphore, #tpu.memory_space<semaphore_mem>>
    %dma_start3A_124 = tpu.memref_squeeze %dma_start3A_123 : memref<1x!tpu.dma_semaphore, #tpu.memory_space<semaphore_mem>> -> memref<!tpu.dma_semaphore, #tpu.memory_space<semaphore_mem>>
    %dma_start3A_125 = arith.constant 0 : i32
    %dma_start3A_126 = tpu.memref_slice %arg4[%mul3A_114, %dma_start3A_125] : memref<16384x128xf32, #tpu.memory_space<hbm>> -> memref<128x128xf32, #tpu.memory_space<hbm>>
    %dma_start3A_127 = arith.constant 0 : i32
    %dma_start3A_128 = arith.constant 0 : i32
    %dma_start3A_129 = tpu.memref_slice %arg6[%dma_start3A_115, %dma_start3A_127, %dma_start3A_128] : memref<4x128x128xf32, #tpu.memory_space<vmem>> -> memref<1x128x128xf32, #tpu.memory_space<vmem>>
    %dma_start3A_130 = tpu.memref_squeeze %dma_start3A_129 : memref<1x128x128xf32, #tpu.memory_space<vmem>> -> memref<128x128xf32, #tpu.memory_space<vmem>>
    tpu.enqueue_dma source(%dma_start3A_130 : memref<128x128xf32, #tpu.memory_space<vmem>>) target(%dma_start3A_126 : memref<128x128xf32, #tpu.memory_space<hbm>>) target_semaphore(%dma_start3A_124 : memref<!tpu.dma_semaphore, #tpu.memory_space<semaphore_mem>>)
    %dma_wait3A_131 = arith.constant 2 : i32
    %dma_wait3A_132 = arith.constant 2 : i32
    %dma_wait3A_133 = arith.constant 2 : i32
    %dma_wait3A_134 = arith.constant 0 : i32
    %dma_wait3A_135 = arith.constant 0 : i32
    %dma_wait3A_136 = tpu.memref_slice %arg6[%dma_wait3A_132, %dma_wait3A_134, %dma_wait3A_135] : memref<4x128x128xf32, #tpu.memory_space<vmem>> -> memref<1x128x128xf32, #tpu.memory_space<vmem>>
    %dma_wait3A_137 = tpu.memref_squeeze %dma_wait3A_136 : memref<1x128x128xf32, #tpu.memory_space<vmem>> -> memref<128x128xf32, #tpu.memory_space<vmem>>
    %dma_wait3A_138 = arith.constant 0 : i32
    %dma_wait3A_139 = tpu.memref_slice %arg5[%dma_wait3A_131, %dma_wait3A_138] : memref<4x128xi32, #tpu.memory_space<vmem>> -> memref<1x128xi32, #tpu.memory_space<vmem>>
    %dma_wait3A_140 = tpu.memref_squeeze %dma_wait3A_139 : memref<1x128xi32, #tpu.memory_space<vmem>> -> memref<128xi32, #tpu.memory_space<vmem>>
    %dma_wait3A_141 = arith.constant 0 : i32
    %dma_wait3A_142 = arith.constant 0 : i32
    %dma_wait3A_143 = tpu.memref_slice %arg2[%dma_wait3A_141, %dma_wait3A_142] : memref<10240x128xf32, #tpu.memory_space<hbm>> -> memref<10240x128xf32, #tpu.memory_space<hbm>>
    %dma_wait3A_144 = tpu.memref_slice %arg7[%dma_wait3A_133] : memref<4x!tpu.dma_semaphore, #tpu.memory_space<semaphore_mem>> -> memref<1x!tpu.dma_semaphore, #tpu.memory_space<semaphore_mem>>
    %dma_wait3A_145 = tpu.memref_squeeze %dma_wait3A_144 : memref<1x!tpu.dma_semaphore, #tpu.memory_space<semaphore_mem>> -> memref<!tpu.dma_semaphore, #tpu.memory_space<semaphore_mem>>
    tpu.wait_indirect_dma semaphore(%dma_wait3A_145 : memref<!tpu.dma_semaphore, #tpu.memory_space<semaphore_mem>>) src(%dma_wait3A_143 : memref<10240x128xf32, #tpu.memory_space<hbm>>) dst(%dma_wait3A_137 : memref<128x128xf32, #tpu.memory_space<vmem>>)
    %add3A_146 = arith.constant 2 : i32
    %add3A_147 = arith.addi %mul3A_2, %add3A_146 : i32
    %mul3A_148 = arith.constant 128 : i32
    %mul3A_149 = arith.muli %add3A_147, %mul3A_148 : i32
    %dma_start3A_150 = arith.constant 2 : i32
    %dma_start3A_151 = arith.constant 2 : i32
    %dma_start3A_152 = arith.constant 0 : i32
    %dma_start3A_153 = arith.constant 0 : i32
    %dma_start3A_154 = tpu.memref_slice %arg6[%dma_start3A_150, %dma_start3A_152, %dma_start3A_153] : memref<4x128x128xf32, #tpu.memory_space<vmem>> -> memref<1x128x128xf32, #tpu.memory_space<vmem>>
    %dma_start3A_155 = tpu.memref_squeeze %dma_start3A_154 : memref<1x128x128xf32, #tpu.memory_space<vmem>> -> memref<128x128xf32, #tpu.memory_space<vmem>>
    %dma_start3A_156 = arith.constant 0 : i32
    %dma_start3A_157 = tpu.memref_slice %arg4[%mul3A_149, %dma_start3A_156] : memref<16384x128xf32, #tpu.memory_space<hbm>> -> memref<128x128xf32, #tpu.memory_space<hbm>>
    %dma_start3A_158 = tpu.memref_slice %arg8[%dma_start3A_151] : memref<4x!tpu.dma_semaphore, #tpu.memory_space<semaphore_mem>> -> memref<1x!tpu.dma_semaphore, #tpu.memory_space<semaphore_mem>>
    %dma_start3A_159 = tpu.memref_squeeze %dma_start3A_158 : memref<1x!tpu.dma_semaphore, #tpu.memory_space<semaphore_mem>> -> memref<!tpu.dma_semaphore, #tpu.memory_space<semaphore_mem>>
    %dma_start3A_160 = arith.constant 0 : i32
    %dma_start3A_161 = tpu.memref_slice %arg4[%mul3A_149, %dma_start3A_160] : memref<16384x128xf32, #tpu.memory_space<hbm>> -> memref<128x128xf32, #tpu.memory_space<hbm>>
    %dma_start3A_162 = arith.constant 0 : i32
    %dma_start3A_163 = arith.constant 0 : i32
    %dma_start3A_164 = tpu.memref_slice %arg6[%dma_start3A_150, %dma_start3A_162, %dma_start3A_163] : memref<4x128x128xf32, #tpu.memory_space<vmem>> -> memref<1x128x128xf32, #tpu.memory_space<vmem>>
    %dma_start3A_165 = tpu.memref_squeeze %dma_start3A_164 : memref<1x128x128xf32, #tpu.memory_space<vmem>> -> memref<128x128xf32, #tpu.memory_space<vmem>>
    tpu.enqueue_dma source(%dma_start3A_165 : memref<128x128xf32, #tpu.memory_space<vmem>>) target(%dma_start3A_161 : memref<128x128xf32, #tpu.memory_space<hbm>>) target_semaphore(%dma_start3A_159 : memref<!tpu.dma_semaphore, #tpu.memory_space<semaphore_mem>>)
    %dma_wait3A_166 = arith.constant 3 : i32
    %dma_wait3A_167 = arith.constant 3 : i32
    %dma_wait3A_168 = arith.constant 3 : i32
    %dma_wait3A_169 = arith.constant 0 : i32
    %dma_wait3A_170 = arith.constant 0 : i32
    %dma_wait3A_171 = tpu.memref_slice %arg6[%dma_wait3A_167, %dma_wait3A_169, %dma_wait3A_170] : memref<4x128x128xf32, #tpu.memory_space<vmem>> -> memref<1x128x128xf32, #tpu.memory_space<vmem>>
    %dma_wait3A_172 = tpu.memref_squeeze %dma_wait3A_171 : memref<1x128x128xf32, #tpu.memory_space<vmem>> -> memref<128x128xf32, #tpu.memory_space<vmem>>
    %dma_wait3A_173 = arith.constant 0 : i32
    %dma_wait3A_174 = tpu.memref_slice %arg5[%dma_wait3A_166, %dma_wait3A_173] : memref<4x128xi32, #tpu.memory_space<vmem>> -> memref<1x128xi32, #tpu.memory_space<vmem>>
    %dma_wait3A_175 = tpu.memref_squeeze %dma_wait3A_174 : memref<1x128xi32, #tpu.memory_space<vmem>> -> memref<128xi32, #tpu.memory_space<vmem>>
    %dma_wait3A_176 = arith.constant 0 : i32
    %dma_wait3A_177 = arith.constant 0 : i32
    %dma_wait3A_178 = tpu.memref_slice %arg2[%dma_wait3A_176, %dma_wait3A_177] : memref<10240x128xf32, #tpu.memory_space<hbm>> -> memref<10240x128xf32, #tpu.memory_space<hbm>>
    %dma_wait3A_179 = tpu.memref_slice %arg7[%dma_wait3A_168] : memref<4x!tpu.dma_semaphore, #tpu.memory_space<semaphore_mem>> -> memref<1x!tpu.dma_semaphore, #tpu.memory_space<semaphore_mem>>
    %dma_wait3A_180 = tpu.memref_squeeze %dma_wait3A_179 : memref<1x!tpu.dma_semaphore, #tpu.memory_space<semaphore_mem>> -> memref<!tpu.dma_semaphore, #tpu.memory_space<semaphore_mem>>
    tpu.wait_indirect_dma semaphore(%dma_wait3A_180 : memref<!tpu.dma_semaphore, #tpu.memory_space<semaphore_mem>>) src(%dma_wait3A_178 : memref<10240x128xf32, #tpu.memory_space<hbm>>) dst(%dma_wait3A_172 : memref<128x128xf32, #tpu.memory_space<vmem>>)
    %add3A_181 = arith.constant 3 : i32
    %add3A_182 = arith.addi %mul3A_2, %add3A_181 : i32
    %mul3A_183 = arith.constant 128 : i32
    %mul3A_184 = arith.muli %add3A_182, %mul3A_183 : i32
    %dma_start3A_185 = arith.constant 3 : i32
    %dma_start3A_186 = arith.constant 3 : i32
    %dma_start3A_187 = arith.constant 0 : i32
    %dma_start3A_188 = arith.constant 0 : i32
    %dma_start3A_189 = tpu.memref_slice %arg6[%dma_start3A_185, %dma_start3A_187, %dma_start3A_188] : memref<4x128x128xf32, #tpu.memory_space<vmem>> -> memref<1x128x128xf32, #tpu.memory_space<vmem>>
    %dma_start3A_190 = tpu.memref_squeeze %dma_start3A_189 : memref<1x128x128xf32, #tpu.memory_space<vmem>> -> memref<128x128xf32, #tpu.memory_space<vmem>>
    %dma_start3A_191 = arith.constant 0 : i32
    %dma_start3A_192 = tpu.memref_slice %arg4[%mul3A_184, %dma_start3A_191] : memref<16384x128xf32, #tpu.memory_space<hbm>> -> memref<128x128xf32, #tpu.memory_space<hbm>>
    %dma_start3A_193 = tpu.memref_slice %arg8[%dma_start3A_186] : memref<4x!tpu.dma_semaphore, #tpu.memory_space<semaphore_mem>> -> memref<1x!tpu.dma_semaphore, #tpu.memory_space<semaphore_mem>>
    %dma_start3A_194 = tpu.memref_squeeze %dma_start3A_193 : memref<1x!tpu.dma_semaphore, #tpu.memory_space<semaphore_mem>> -> memref<!tpu.dma_semaphore, #tpu.memory_space<semaphore_mem>>
    %dma_start3A_195 = arith.constant 0 : i32
    %dma_start3A_196 = tpu.memref_slice %arg4[%mul3A_184, %dma_start3A_195] : memref<16384x128xf32, #tpu.memory_space<hbm>> -> memref<128x128xf32, #tpu.memory_space<hbm>>
    %dma_start3A_197 = arith.constant 0 : i32
    %dma_start3A_198 = arith.constant 0 : i32
    %dma_start3A_199 = tpu.memref_slice %arg6[%dma_start3A_185, %dma_start3A_197, %dma_start3A_198] : memref<4x128x128xf32, #tpu.memory_space<vmem>> -> memref<1x128x128xf32, #tpu.memory_space<vmem>>
    %dma_start3A_200 = tpu.memref_squeeze %dma_start3A_199 : memref<1x128x128xf32, #tpu.memory_space<vmem>> -> memref<128x128xf32, #tpu.memory_space<vmem>>
    tpu.enqueue_dma source(%dma_start3A_200 : memref<128x128xf32, #tpu.memory_space<vmem>>) target(%dma_start3A_196 : memref<128x128xf32, #tpu.memory_space<hbm>>) target_semaphore(%dma_start3A_194 : memref<!tpu.dma_semaphore, #tpu.memory_space<semaphore_mem>>)
    %add3A_201 = arith.constant 0 : i32
    %add3A_202 = arith.addi %mul3A_2, %add3A_201 : i32
    %mul3A_203 = arith.constant 128 : i32
    %mul3A_204 = arith.muli %add3A_202, %mul3A_203 : i32
    %dma_wait3A_205 = arith.constant 0 : i32
    %dma_wait3A_206 = arith.constant 0 : i32
    %dma_wait3A_207 = arith.constant 0 : i32
    %dma_wait3A_208 = arith.constant 0 : i32
    %dma_wait3A_209 = tpu.memref_slice %arg6[%dma_wait3A_205, %dma_wait3A_207, %dma_wait3A_208] : memref<4x128x128xf32, #tpu.memory_space<vmem>> -> memref<1x128x128xf32, #tpu.memory_space<vmem>>
    %dma_wait3A_210 = tpu.memref_squeeze %dma_wait3A_209 : memref<1x128x128xf32, #tpu.memory_space<vmem>> -> memref<128x128xf32, #tpu.memory_space<vmem>>
    %dma_wait3A_211 = arith.constant 0 : i32
    %dma_wait3A_212 = tpu.memref_slice %arg4[%mul3A_204, %dma_wait3A_211] : memref<16384x128xf32, #tpu.memory_space<hbm>> -> memref<128x128xf32, #tpu.memory_space<hbm>>
    %dma_wait3A_213 = tpu.memref_slice %arg8[%dma_wait3A_206] : memref<4x!tpu.dma_semaphore, #tpu.memory_space<semaphore_mem>> -> memref<1x!tpu.dma_semaphore, #tpu.memory_space<semaphore_mem>>
    %dma_wait3A_214 = tpu.memref_squeeze %dma_wait3A_213 : memref<1x!tpu.dma_semaphore, #tpu.memory_space<semaphore_mem>> -> memref<!tpu.dma_semaphore, #tpu.memory_space<semaphore_mem>>
    %dma_wait3A_215 = arith.constant 0 : i32
    %dma_wait3A_216 = tpu.memref_slice %arg4[%mul3A_204, %dma_wait3A_215] : memref<16384x128xf32, #tpu.memory_space<hbm>> -> memref<128x128xf32, #tpu.memory_space<hbm>>
    %dma_wait3A_217 = arith.constant 0 : i32
    %dma_wait3A_218 = arith.constant 0 : i32
    %dma_wait3A_219 = tpu.memref_slice %arg6[%dma_wait3A_205, %dma_wait3A_217, %dma_wait3A_218] : memref<4x128x128xf32, #tpu.memory_space<vmem>> -> memref<1x128x128xf32, #tpu.memory_space<vmem>>
    %dma_wait3A_220 = tpu.memref_squeeze %dma_wait3A_219 : memref<1x128x128xf32, #tpu.memory_space<vmem>> -> memref<128x128xf32, #tpu.memory_space<vmem>>
    tpu.wait_dma2 semaphore(%dma_wait3A_214 : memref<!tpu.dma_semaphore, #tpu.memory_space<semaphore_mem>>) src(%dma_wait3A_220 : memref<128x128xf32, #tpu.memory_space<vmem>>) dst(%dma_wait3A_216 : memref<128x128xf32, #tpu.memory_space<hbm>>)
    %add3A_221 = arith.constant 1 : i32
    %add3A_222 = arith.addi %mul3A_2, %add3A_221 : i32
    %mul3A_223 = arith.constant 128 : i32
    %mul3A_224 = arith.muli %add3A_222, %mul3A_223 : i32
    %dma_wait3A_225 = arith.constant 1 : i32
    %dma_wait3A_226 = arith.constant 1 : i32
    %dma_wait3A_227 = arith.constant 0 : i32
    %dma_wait3A_228 = arith.constant 0 : i32
    %dma_wait3A_229 = tpu.memref_slice %arg6[%dma_wait3A_225, %dma_wait3A_227, %dma_wait3A_228] : memref<4x128x128xf32, #tpu.memory_space<vmem>> -> memref<1x128x128xf32, #tpu.memory_space<vmem>>
    %dma_wait3A_230 = tpu.memref_squeeze %dma_wait3A_229 : memref<1x128x128xf32, #tpu.memory_space<vmem>> -> memref<128x128xf32, #tpu.memory_space<vmem>>
    %dma_wait3A_231 = arith.constant 0 : i32
    %dma_wait3A_232 = tpu.memref_slice %arg4[%mul3A_224, %dma_wait3A_231] : memref<16384x128xf32, #tpu.memory_space<hbm>> -> memref<128x128xf32, #tpu.memory_space<hbm>>
    %dma_wait3A_233 = tpu.memref_slice %arg8[%dma_wait3A_226] : memref<4x!tpu.dma_semaphore, #tpu.memory_space<semaphore_mem>> -> memref<1x!tpu.dma_semaphore, #tpu.memory_space<semaphore_mem>>
    %dma_wait3A_234 = tpu.memref_squeeze %dma_wait3A_233 : memref<1x!tpu.dma_semaphore, #tpu.memory_space<semaphore_mem>> -> memref<!tpu.dma_semaphore, #tpu.memory_space<semaphore_mem>>
    %dma_wait3A_235 = arith.constant 0 : i32
    %dma_wait3A_236 = tpu.memref_slice %arg4[%mul3A_224, %dma_wait3A_235] : memref<16384x128xf32, #tpu.memory_space<hbm>> -> memref<128x128xf32, #tpu.memory_space<hbm>>
    %dma_wait3A_237 = arith.constant 0 : i32
    %dma_wait3A_238 = arith.constant 0 : i32
    %dma_wait3A_239 = tpu.memref_slice %arg6[%dma_wait3A_225, %dma_wait3A_237, %dma_wait3A_238] : memref<4x128x128xf32, #tpu.memory_space<vmem>> -> memref<1x128x128xf32, #tpu.memory_space<vmem>>
    %dma_wait3A_240 = tpu.memref_squeeze %dma_wait3A_239 : memref<1x128x128xf32, #tpu.memory_space<vmem>> -> memref<128x128xf32, #tpu.memory_space<vmem>>
    tpu.wait_dma2 semaphore(%dma_wait3A_234 : memref<!tpu.dma_semaphore, #tpu.memory_space<semaphore_mem>>) src(%dma_wait3A_240 : memref<128x128xf32, #tpu.memory_space<vmem>>) dst(%dma_wait3A_236 : memref<128x128xf32, #tpu.memory_space<hbm>>)
    %add3A_241 = arith.constant 2 : i32
    %add3A_242 = arith.addi %mul3A_2, %add3A_241 : i32
    %mul3A_243 = arith.constant 128 : i32
    %mul3A_244 = arith.muli %add3A_242, %mul3A_243 : i32
    %dma_wait3A_245 = arith.constant 2 : i32
    %dma_wait3A_246 = arith.constant 2 : i32
    %dma_wait3A_247 = arith.constant 0 : i32
    %dma_wait3A_248 = arith.constant 0 : i32
    %dma_wait3A_249 = tpu.memref_slice %arg6[%dma_wait3A_245, %dma_wait3A_247, %dma_wait3A_248] : memref<4x128x128xf32, #tpu.memory_space<vmem>> -> memref<1x128x128xf32, #tpu.memory_space<vmem>>
    %dma_wait3A_250 = tpu.memref_squeeze %dma_wait3A_249 : memref<1x128x128xf32, #tpu.memory_space<vmem>> -> memref<128x128xf32, #tpu.memory_space<vmem>>
    %dma_wait3A_251 = arith.constant 0 : i32
    %dma_wait3A_252 = tpu.memref_slice %arg4[%mul3A_244, %dma_wait3A_251] : memref<16384x128xf32, #tpu.memory_space<hbm>> -> memref<128x128xf32, #tpu.memory_space<hbm>>
    %dma_wait3A_253 = tpu.memref_slice %arg8[%dma_wait3A_246] : memref<4x!tpu.dma_semaphore, #tpu.memory_space<semaphore_mem>> -> memref<1x!tpu.dma_semaphore, #tpu.memory_space<semaphore_mem>>
    %dma_wait3A_254 = tpu.memref_squeeze %dma_wait3A_253 : memref<1x!tpu.dma_semaphore, #tpu.memory_space<semaphore_mem>> -> memref<!tpu.dma_semaphore, #tpu.memory_space<semaphore_mem>>
    %dma_wait3A_255 = arith.constant 0 : i32
    %dma_wait3A_256 = tpu.memref_slice %arg4[%mul3A_244, %dma_wait3A_255] : memref<16384x128xf32, #tpu.memory_space<hbm>> -> memref<128x128xf32, #tpu.memory_space<hbm>>
    %dma_wait3A_257 = arith.constant 0 : i32
    %dma_wait3A_258 = arith.constant 0 : i32
    %dma_wait3A_259 = tpu.memref_slice %arg6[%dma_wait3A_245, %dma_wait3A_257, %dma_wait3A_258] : memref<4x128x128xf32, #tpu.memory_space<vmem>> -> memref<1x128x128xf32, #tpu.memory_space<vmem>>
    %dma_wait3A_260 = tpu.memref_squeeze %dma_wait3A_259 : memref<1x128x128xf32, #tpu.memory_space<vmem>> -> memref<128x128xf32, #tpu.memory_space<vmem>>
    tpu.wait_dma2 semaphore(%dma_wait3A_254 : memref<!tpu.dma_semaphore, #tpu.memory_space<semaphore_mem>>) src(%dma_wait3A_260 : memref<128x128xf32, #tpu.memory_space<vmem>>) dst(%dma_wait3A_256 : memref<128x128xf32, #tpu.memory_space<hbm>>)
    %add3A_261 = arith.constant 3 : i32
    %add3A_262 = arith.addi %mul3A_2, %add3A_261 : i32
    %mul3A_263 = arith.constant 128 : i32
    %mul3A_264 = arith.muli %add3A_262, %mul3A_263 : i32
    %dma_wait3A_265 = arith.constant 3 : i32
    %dma_wait3A_266 = arith.constant 3 : i32
    %dma_wait3A_267 = arith.constant 0 : i32
    %dma_wait3A_268 = arith.constant 0 : i32
    %dma_wait3A_269 = tpu.memref_slice %arg6[%dma_wait3A_265, %dma_wait3A_267, %dma_wait3A_268] : memref<4x128x128xf32, #tpu.memory_space<vmem>> -> memref<1x128x128xf32, #tpu.memory_space<vmem>>
    %dma_wait3A_270 = tpu.memref_squeeze %dma_wait3A_269 : memref<1x128x128xf32, #tpu.memory_space<vmem>> -> memref<128x128xf32, #tpu.memory_space<vmem>>
    %dma_wait3A_271 = arith.constant 0 : i32
    %dma_wait3A_272 = tpu.memref_slice %arg4[%mul3A_264, %dma_wait3A_271] : memref<16384x128xf32, #tpu.memory_space<hbm>> -> memref<128x128xf32, #tpu.memory_space<hbm>>
    %dma_wait3A_273 = tpu.memref_slice %arg8[%dma_wait3A_266] : memref<4x!tpu.dma_semaphore, #tpu.memory_space<semaphore_mem>> -> memref<1x!tpu.dma_semaphore, #tpu.memory_space<semaphore_mem>>
    %dma_wait3A_274 = tpu.memref_squeeze %dma_wait3A_273 : memref<1x!tpu.dma_semaphore, #tpu.memory_space<semaphore_mem>> -> memref<!tpu.dma_semaphore, #tpu.memory_space<semaphore_mem>>
    %dma_wait3A_275 = arith.constant 0 : i32
    %dma_wait3A_276 = tpu.memref_slice %arg4[%mul3A_264, %dma_wait3A_275] : memref<16384x128xf32, #tpu.memory_space<hbm>> -> memref<128x128xf32, #tpu.memory_space<hbm>>
    %dma_wait3A_277 = arith.constant 0 : i32
    %dma_wait3A_278 = arith.constant 0 : i32
    %dma_wait3A_279 = tpu.memref_slice %arg6[%dma_wait3A_265, %dma_wait3A_277, %dma_wait3A_278] : memref<4x128x128xf32, #tpu.memory_space<vmem>> -> memref<1x128x128xf32, #tpu.memory_space<vmem>>
    %dma_wait3A_280 = tpu.memref_squeeze %dma_wait3A_279 : memref<1x128x128xf32, #tpu.memory_space<vmem>> -> memref<128x128xf32, #tpu.memory_space<vmem>>
    tpu.wait_dma2 semaphore(%dma_wait3A_274 : memref<!tpu.dma_semaphore, #tpu.memory_space<semaphore_mem>>) src(%dma_wait3A_280 : memref<128x128xf32, #tpu.memory_space<vmem>>) dst(%dma_wait3A_276 : memref<128x128xf32, #tpu.memory_space<hbm>>)
    return
  }
}

#map = affine_map<(d0, d1) -> (0, 0)>
#map1 = affine_map<(d0, d1) -> (0, 0, 0)>
module attributes {stable_mosaic.version = 14 : i64} {
  func.func @gk(%arg0: i32, %arg1: i32, %arg2: memref<10240x128xf32, #tpu.memory_space<hbm>>, %arg3: memref<32x4x128xi32, #tpu.memory_space<hbm>>, %arg4: memref<16384x128xf32, #tpu.memory_space<hbm>>, %arg5: memref<4x128xi32, #tpu.memory_space<vmem>>, %arg6: memref<4x128x128xf32, #tpu.memory_space<vmem>>, %arg7: memref<4x!tpu.dma_semaphore, #tpu.memory_space<semaphore_mem>>, %arg8: memref<4x!tpu.dma_semaphore, #tpu.memory_space<semaphore_mem>>) attributes {dimension_semantics = [#tpu.dimension_semantics<core_parallel>, #tpu.dimension_semantics<subcore_parallel>], iteration_bounds = array<i64: 2, 16>, scalar_prefetch = 0 : i64, scratch_operands = 4 : i64, tpu.core_type = #tpu.core_type<sc_vector_subcore>, window_params = [{transform_indices = #map}, {transform_indices = #map1}, {transform_indices = #map}]} {
    %mul3A = arith.constant 2 : i32
    %mul3A_0 = arith.muli %arg1, %mul3A : i32
    %add3A = arith.addi %mul3A_0, %arg0 : i32
    %mul3A_1 = arith.constant 4 : i32
    %mul3A_2 = arith.muli %add3A, %mul3A_1 : i32
    "tpu.region"() ({
      %run_scoped3A = tpu.sem_alloc : memref<!tpu.dma_semaphore, #tpu.memory_space<semaphore_mem>>
      %dma_start3A_281 = arith.constant 0 : i32
      %dma_start3A_282 = arith.constant 0 : i32
      %dma_start3A_283 = tpu.memref_slice %arg3[%add3A, %dma_start3A_281, %dma_start3A_282] : memref<32x4x128xi32, #tpu.memory_space<hbm>> -> memref<1x4x128xi32, #tpu.memory_space<hbm>>
      %dma_start3A_284 = tpu.memref_squeeze %dma_start3A_283 : memref<1x4x128xi32, #tpu.memory_space<hbm>> -> memref<4x128xi32, #tpu.memory_space<hbm>>
      %dma_start3A_285 = arith.constant 0 : i32
      %dma_start3A_286 = arith.constant 0 : i32
      %dma_start3A_287 = tpu.memref_slice %arg3[%add3A, %dma_start3A_285, %dma_start3A_286] : memref<32x4x128xi32, #tpu.memory_space<hbm>> -> memref<1x4x128xi32, #tpu.memory_space<hbm>>
      %dma_start3A_288 = tpu.memref_squeeze %dma_start3A_287 : memref<1x4x128xi32, #tpu.memory_space<hbm>> -> memref<4x128xi32, #tpu.memory_space<hbm>>
      tpu.enqueue_dma source(%dma_start3A_288 : memref<4x128xi32, #tpu.memory_space<hbm>>) target(%arg5 : memref<4x128xi32, #tpu.memory_space<vmem>>) target_semaphore(%run_scoped3A : memref<!tpu.dma_semaphore, #tpu.memory_space<semaphore_mem>>)
      %dma_wait3A_289 = arith.constant 0 : i32
      %dma_wait3A_290 = arith.constant 0 : i32
      %dma_wait3A_291 = tpu.memref_slice %arg3[%add3A, %dma_wait3A_289, %dma_wait3A_290] : memref<32x4x128xi32, #tpu.memory_space<hbm>> -> memref<1x4x128xi32, #tpu.memory_space<hbm>>
      %dma_wait3A_292 = tpu.memref_squeeze %dma_wait3A_291 : memref<1x4x128xi32, #tpu.memory_space<hbm>> -> memref<4x128xi32, #tpu.memory_space<hbm>>
      %dma_wait3A_293 = arith.constant 0 : i32
      %dma_wait3A_294 = arith.constant 0 : i32
      %dma_wait3A_295 = tpu.memref_slice %arg3[%add3A, %dma_wait3A_293, %dma_wait3A_294] : memref<32x4x128xi32, #tpu.memory_space<hbm>> -> memref<1x4x128xi32, #tpu.memory_space<hbm>>
      %dma_wait3A_296 = tpu.memref_squeeze %dma_wait3A_295 : memref<1x4x128xi32, #tpu.memory_space<hbm>> -> memref<4x128xi32, #tpu.memory_space<hbm>>
      tpu.wait_dma2 semaphore(%run_scoped3A : memref<!tpu.dma_semaphore, #tpu.memory_space<semaphore_mem>>) src(%dma_wait3A_296 : memref<4x128xi32, #tpu.memory_space<hbm>>) dst(%arg5 : memref<4x128xi32, #tpu.memory_space<vmem>>)
      tpu.yield
    }) : () -> ()
    %dma_start3A = arith.constant 0 : i32
    %dma_start3A_3 = arith.constant 0 : i32
    %dma_start3A_4 = arith.constant 0 : i32
    %dma_start3A_5 = arith.constant 0 : i32
    %dma_start3A_6 = arith.constant 0 : i32
    %dma_start3A_7 = tpu.memref_slice %arg6[%dma_start3A_3, %dma_start3A_5, %dma_start3A_6] : memref<4x128x128xf32, #tpu.memory_space<vmem>> -> memref<1x128x128xf32, #tpu.memory_space<vmem>>
    %dma_start3A_8 = tpu.memref_squeeze %dma_start3A_7 : memref<1x128x128xf32, #tpu.memory_space<vmem>> -> memref<128x128xf32, #tpu.memory_space<vmem>>
    %dma_start3A_9 = arith.constant 0 : i32
    %dma_start3A_10 = tpu.memref_slice %arg5[%dma_start3A, %dma_start3A_9] : memref<4x128xi32, #tpu.memory_space<vmem>> -> memref<1x128xi32, #tpu.memory_space<vmem>>
    %dma_start3A_11 = tpu.memref_squeeze %dma_start3A_10 : memref<1x128xi32, #tpu.memory_space<vmem>> -> memref<128xi32, #tpu.memory_space<vmem>>
    %dma_start3A_12 = arith.constant 0 : i32
    %dma_start3A_13 = arith.constant 0 : i32
    %dma_start3A_14 = tpu.memref_slice %arg2[%dma_start3A_12, %dma_start3A_13] : memref<10240x128xf32, #tpu.memory_space<hbm>> -> memref<10240x128xf32, #tpu.memory_space<hbm>>
    %dma_start3A_15 = tpu.memref_slice %arg7[%dma_start3A_4] : memref<4x!tpu.dma_semaphore, #tpu.memory_space<semaphore_mem>> -> memref<1x!tpu.dma_semaphore, #tpu.memory_space<semaphore_mem>>
    %dma_start3A_16 = tpu.memref_squeeze %dma_start3A_15 : memref<1x!tpu.dma_semaphore, #tpu.memory_space<semaphore_mem>> -> memref<!tpu.dma_semaphore, #tpu.memory_space<semaphore_mem>>
    tpu.enqueue_indirect_dma source(%dma_start3A_14 : memref<10240x128xf32, #tpu.memory_space<hbm>>) target(%dma_start3A_8 : memref<128x128xf32, #tpu.memory_space<vmem>>) offsets(%dma_start3A_11 : memref<128xi32, #tpu.memory_space<vmem>>) semaphore(%dma_start3A_16 : memref<!tpu.dma_semaphore, #tpu.memory_space<semaphore_mem>>)
    %dma_start3A_17 = arith.constant 1 : i32
    %dma_start3A_18 = arith.constant 1 : i32
    %dma_start3A_19 = arith.constant 1 : i32
    %dma_start3A_20 = arith.constant 0 : i32
    %dma_start3A_21 = arith.constant 0 : i32
    %dma_start3A_22 = tpu.memref_slice %arg6[%dma_start3A_18, %dma_start3A_20, %dma_start3A_21] : memref<4x128x128xf32, #tpu.memory_space<vmem>> -> memref<1x128x128xf32, #tpu.memory_space<vmem>>
    %dma_start3A_23 = tpu.memref_squeeze %dma_start3A_22 : memref<1x128x128xf32, #tpu.memory_space<vmem>> -> memref<128x128xf32, #tpu.memory_space<vmem>>
    %dma_start3A_24 = arith.constant 0 : i32
    %dma_start3A_25 = tpu.memref_slice %arg5[%dma_start3A_17, %dma_start3A_24] : memref<4x128xi32, #tpu.memory_space<vmem>> -> memref<1x128xi32, #tpu.memory_space<vmem>>
    %dma_start3A_26 = tpu.memref_squeeze %dma_start3A_25 : memref<1x128xi32, #tpu.memory_space<vmem>> -> memref<128xi32, #tpu.memory_space<vmem>>
    %dma_start3A_27 = arith.constant 0 : i32
    %dma_start3A_28 = arith.constant 0 : i32
    %dma_start3A_29 = tpu.memref_slice %arg2[%dma_start3A_27, %dma_start3A_28] : memref<10240x128xf32, #tpu.memory_space<hbm>> -> memref<10240x128xf32, #tpu.memory_space<hbm>>
    %dma_start3A_30 = tpu.memref_slice %arg7[%dma_start3A_19] : memref<4x!tpu.dma_semaphore, #tpu.memory_space<semaphore_mem>> -> memref<1x!tpu.dma_semaphore, #tpu.memory_space<semaphore_mem>>
    %dma_start3A_31 = tpu.memref_squeeze %dma_start3A_30 : memref<1x!tpu.dma_semaphore, #tpu.memory_space<semaphore_mem>> -> memref<!tpu.dma_semaphore, #tpu.memory_space<semaphore_mem>>
    tpu.enqueue_indirect_dma source(%dma_start3A_29 : memref<10240x128xf32, #tpu.memory_space<hbm>>) target(%dma_start3A_23 : memref<128x128xf32, #tpu.memory_space<vmem>>) offsets(%dma_start3A_26 : memref<128xi32, #tpu.memory_space<vmem>>) semaphore(%dma_start3A_31 : memref<!tpu.dma_semaphore, #tpu.memory_space<semaphore_mem>>)
    %dma_start3A_32 = arith.constant 2 : i32
    %dma_start3A_33 = arith.constant 2 : i32
    %dma_start3A_34 = arith.constant 2 : i32
    %dma_start3A_35 = arith.constant 0 : i32
    %dma_start3A_36 = arith.constant 0 : i32
    %dma_start3A_37 = tpu.memref_slice %arg6[%dma_start3A_33, %dma_start3A_35, %dma_start3A_36] : memref<4x128x128xf32, #tpu.memory_space<vmem>> -> memref<1x128x128xf32, #tpu.memory_space<vmem>>
    %dma_start3A_38 = tpu.memref_squeeze %dma_start3A_37 : memref<1x128x128xf32, #tpu.memory_space<vmem>> -> memref<128x128xf32, #tpu.memory_space<vmem>>
    %dma_start3A_39 = arith.constant 0 : i32
    %dma_start3A_40 = tpu.memref_slice %arg5[%dma_start3A_32, %dma_start3A_39] : memref<4x128xi32, #tpu.memory_space<vmem>> -> memref<1x128xi32, #tpu.memory_space<vmem>>
    %dma_start3A_41 = tpu.memref_squeeze %dma_start3A_40 : memref<1x128xi32, #tpu.memory_space<vmem>> -> memref<128xi32, #tpu.memory_space<vmem>>
    %dma_start3A_42 = arith.constant 0 : i32
    %dma_start3A_43 = arith.constant 0 : i32
    %dma_start3A_44 = tpu.memref_slice %arg2[%dma_start3A_42, %dma_start3A_43] : memref<10240x128xf32, #tpu.memory_space<hbm>> -> memref<10240x128xf32, #tpu.memory_space<hbm>>
    %dma_start3A_45 = tpu.memref_slice %arg7[%dma_start3A_34] : memref<4x!tpu.dma_semaphore, #tpu.memory_space<semaphore_mem>> -> memref<1x!tpu.dma_semaphore, #tpu.memory_space<semaphore_mem>>
    %dma_start3A_46 = tpu.memref_squeeze %dma_start3A_45 : memref<1x!tpu.dma_semaphore, #tpu.memory_space<semaphore_mem>> -> memref<!tpu.dma_semaphore, #tpu.memory_space<semaphore_mem>>
    tpu.enqueue_indirect_dma source(%dma_start3A_44 : memref<10240x128xf32, #tpu.memory_space<hbm>>) target(%dma_start3A_38 : memref<128x128xf32, #tpu.memory_space<vmem>>) offsets(%dma_start3A_41 : memref<128xi32, #tpu.memory_space<vmem>>) semaphore(%dma_start3A_46 : memref<!tpu.dma_semaphore, #tpu.memory_space<semaphore_mem>>)
    %dma_start3A_47 = arith.constant 3 : i32
    %dma_start3A_48 = arith.constant 3 : i32
    %dma_start3A_49 = arith.constant 3 : i32
    %dma_start3A_50 = arith.constant 0 : i32
    %dma_start3A_51 = arith.constant 0 : i32
    %dma_start3A_52 = tpu.memref_slice %arg6[%dma_start3A_48, %dma_start3A_50, %dma_start3A_51] : memref<4x128x128xf32, #tpu.memory_space<vmem>> -> memref<1x128x128xf32, #tpu.memory_space<vmem>>
    %dma_start3A_53 = tpu.memref_squeeze %dma_start3A_52 : memref<1x128x128xf32, #tpu.memory_space<vmem>> -> memref<128x128xf32, #tpu.memory_space<vmem>>
    %dma_start3A_54 = arith.constant 0 : i32
    %dma_start3A_55 = tpu.memref_slice %arg5[%dma_start3A_47, %dma_start3A_54] : memref<4x128xi32, #tpu.memory_space<vmem>> -> memref<1x128xi32, #tpu.memory_space<vmem>>
    %dma_start3A_56 = tpu.memref_squeeze %dma_start3A_55 : memref<1x128xi32, #tpu.memory_space<vmem>> -> memref<128xi32, #tpu.memory_space<vmem>>
    %dma_start3A_57 = arith.constant 0 : i32
    %dma_start3A_58 = arith.constant 0 : i32
    %dma_start3A_59 = tpu.memref_slice %arg2[%dma_start3A_57, %dma_start3A_58] : memref<10240x128xf32, #tpu.memory_space<hbm>> -> memref<10240x128xf32, #tpu.memory_space<hbm>>
    %dma_start3A_60 = tpu.memref_slice %arg7[%dma_start3A_49] : memref<4x!tpu.dma_semaphore, #tpu.memory_space<semaphore_mem>> -> memref<1x!tpu.dma_semaphore, #tpu.memory_space<semaphore_mem>>
    %dma_start3A_61 = tpu.memref_squeeze %dma_start3A_60 : memref<1x!tpu.dma_semaphore, #tpu.memory_space<semaphore_mem>> -> memref<!tpu.dma_semaphore, #tpu.memory_space<semaphore_mem>>
    tpu.enqueue_indirect_dma source(%dma_start3A_59 : memref<10240x128xf32, #tpu.memory_space<hbm>>) target(%dma_start3A_53 : memref<128x128xf32, #tpu.memory_space<vmem>>) offsets(%dma_start3A_56 : memref<128xi32, #tpu.memory_space<vmem>>) semaphore(%dma_start3A_61 : memref<!tpu.dma_semaphore, #tpu.memory_space<semaphore_mem>>)
    %dma_wait3A = arith.constant 0 : i32
    %dma_wait3A_62 = arith.constant 0 : i32
    %dma_wait3A_63 = arith.constant 0 : i32
    %dma_wait3A_64 = arith.constant 0 : i32
    %dma_wait3A_65 = arith.constant 0 : i32
    %dma_wait3A_66 = tpu.memref_slice %arg6[%dma_wait3A_62, %dma_wait3A_64, %dma_wait3A_65] : memref<4x128x128xf32, #tpu.memory_space<vmem>> -> memref<1x128x128xf32, #tpu.memory_space<vmem>>
    %dma_wait3A_67 = tpu.memref_squeeze %dma_wait3A_66 : memref<1x128x128xf32, #tpu.memory_space<vmem>> -> memref<128x128xf32, #tpu.memory_space<vmem>>
    %dma_wait3A_68 = arith.constant 0 : i32
    %dma_wait3A_69 = tpu.memref_slice %arg5[%dma_wait3A, %dma_wait3A_68] : memref<4x128xi32, #tpu.memory_space<vmem>> -> memref<1x128xi32, #tpu.memory_space<vmem>>
    %dma_wait3A_70 = tpu.memref_squeeze %dma_wait3A_69 : memref<1x128xi32, #tpu.memory_space<vmem>> -> memref<128xi32, #tpu.memory_space<vmem>>
    %dma_wait3A_71 = arith.constant 0 : i32
    %dma_wait3A_72 = arith.constant 0 : i32
    %dma_wait3A_73 = tpu.memref_slice %arg2[%dma_wait3A_71, %dma_wait3A_72] : memref<10240x128xf32, #tpu.memory_space<hbm>> -> memref<10240x128xf32, #tpu.memory_space<hbm>>
    %dma_wait3A_74 = tpu.memref_slice %arg7[%dma_wait3A_63] : memref<4x!tpu.dma_semaphore, #tpu.memory_space<semaphore_mem>> -> memref<1x!tpu.dma_semaphore, #tpu.memory_space<semaphore_mem>>
    %dma_wait3A_75 = tpu.memref_squeeze %dma_wait3A_74 : memref<1x!tpu.dma_semaphore, #tpu.memory_space<semaphore_mem>> -> memref<!tpu.dma_semaphore, #tpu.memory_space<semaphore_mem>>
    tpu.wait_indirect_dma semaphore(%dma_wait3A_75 : memref<!tpu.dma_semaphore, #tpu.memory_space<semaphore_mem>>) src(%dma_wait3A_73 : memref<10240x128xf32, #tpu.memory_space<hbm>>) dst(%dma_wait3A_67 : memref<128x128xf32, #tpu.memory_space<vmem>>)
    %add3A_76 = arith.constant 0 : i32
    %add3A_77 = arith.addi %mul3A_2, %add3A_76 : i32
    %mul3A_78 = arith.constant 128 : i32
    %mul3A_79 = arith.muli %add3A_77, %mul3A_78 : i32
    %dma_start3A_80 = arith.constant 0 : i32
    %dma_start3A_81 = arith.constant 0 : i32
    %dma_start3A_82 = arith.constant 0 : i32
    %dma_start3A_83 = arith.constant 0 : i32
    %dma_start3A_84 = tpu.memref_slice %arg6[%dma_start3A_80, %dma_start3A_82, %dma_start3A_83] : memref<4x128x128xf32, #tpu.memory_space<vmem>> -> memref<1x128x128xf32, #tpu.memory_space<vmem>>
    %dma_start3A_85 = tpu.memref_squeeze %dma_start3A_84 : memref<1x128x128xf32, #tpu.memory_space<vmem>> -> memref<128x128xf32, #tpu.memory_space<vmem>>
    %dma_start3A_86 = arith.constant 0 : i32
    %dma_start3A_87 = tpu.memref_slice %arg4[%mul3A_79, %dma_start3A_86] : memref<16384x128xf32, #tpu.memory_space<hbm>> -> memref<128x128xf32, #tpu.memory_space<hbm>>
    %dma_start3A_88 = tpu.memref_slice %arg8[%dma_start3A_81] : memref<4x!tpu.dma_semaphore, #tpu.memory_space<semaphore_mem>> -> memref<1x!tpu.dma_semaphore, #tpu.memory_space<semaphore_mem>>
    %dma_start3A_89 = tpu.memref_squeeze %dma_start3A_88 : memref<1x!tpu.dma_semaphore, #tpu.memory_space<semaphore_mem>> -> memref<!tpu.dma_semaphore, #tpu.memory_space<semaphore_mem>>
    %dma_start3A_90 = arith.constant 0 : i32
    %dma_start3A_91 = tpu.memref_slice %arg4[%mul3A_79, %dma_start3A_90] : memref<16384x128xf32, #tpu.memory_space<hbm>> -> memref<128x128xf32, #tpu.memory_space<hbm>>
    %dma_start3A_92 = arith.constant 0 : i32
    %dma_start3A_93 = arith.constant 0 : i32
    %dma_start3A_94 = tpu.memref_slice %arg6[%dma_start3A_80, %dma_start3A_92, %dma_start3A_93] : memref<4x128x128xf32, #tpu.memory_space<vmem>> -> memref<1x128x128xf32, #tpu.memory_space<vmem>>
    %dma_start3A_95 = tpu.memref_squeeze %dma_start3A_94 : memref<1x128x128xf32, #tpu.memory_space<vmem>> -> memref<128x128xf32, #tpu.memory_space<vmem>>
    tpu.enqueue_dma source(%dma_start3A_95 : memref<128x128xf32, #tpu.memory_space<vmem>>) target(%dma_start3A_91 : memref<128x128xf32, #tpu.memory_space<hbm>>) target_semaphore(%dma_start3A_89 : memref<!tpu.dma_semaphore, #tpu.memory_space<semaphore_mem>>)
    %dma_wait3A_96 = arith.constant 1 : i32
    %dma_wait3A_97 = arith.constant 1 : i32
    %dma_wait3A_98 = arith.constant 1 : i32
    %dma_wait3A_99 = arith.constant 0 : i32
    %dma_wait3A_100 = arith.constant 0 : i32
    %dma_wait3A_101 = tpu.memref_slice %arg6[%dma_wait3A_97, %dma_wait3A_99, %dma_wait3A_100] : memref<4x128x128xf32, #tpu.memory_space<vmem>> -> memref<1x128x128xf32, #tpu.memory_space<vmem>>
    %dma_wait3A_102 = tpu.memref_squeeze %dma_wait3A_101 : memref<1x128x128xf32, #tpu.memory_space<vmem>> -> memref<128x128xf32, #tpu.memory_space<vmem>>
    %dma_wait3A_103 = arith.constant 0 : i32
    %dma_wait3A_104 = tpu.memref_slice %arg5[%dma_wait3A_96, %dma_wait3A_103] : memref<4x128xi32, #tpu.memory_space<vmem>> -> memref<1x128xi32, #tpu.memory_space<vmem>>
    %dma_wait3A_105 = tpu.memref_squeeze %dma_wait3A_104 : memref<1x128xi32, #tpu.memory_space<vmem>> -> memref<128xi32, #tpu.memory_space<vmem>>
    %dma_wait3A_106 = arith.constant 0 : i32
    %dma_wait3A_107 = arith.constant 0 : i32
    %dma_wait3A_108 = tpu.memref_slice %arg2[%dma_wait3A_106, %dma_wait3A_107] : memref<10240x128xf32, #tpu.memory_space<hbm>> -> memref<10240x128xf32, #tpu.memory_space<hbm>>
    %dma_wait3A_109 = tpu.memref_slice %arg7[%dma_wait3A_98] : memref<4x!tpu.dma_semaphore, #tpu.memory_space<semaphore_mem>> -> memref<1x!tpu.dma_semaphore, #tpu.memory_space<semaphore_mem>>
    %dma_wait3A_110 = tpu.memref_squeeze %dma_wait3A_109 : memref<1x!tpu.dma_semaphore, #tpu.memory_space<semaphore_mem>> -> memref<!tpu.dma_semaphore, #tpu.memory_space<semaphore_mem>>
    tpu.wait_indirect_dma semaphore(%dma_wait3A_110 : memref<!tpu.dma_semaphore, #tpu.memory_space<semaphore_mem>>) src(%dma_wait3A_108 : memref<10240x128xf32, #tpu.memory_space<hbm>>) dst(%dma_wait3A_102 : memref<128x128xf32, #tpu.memory_space<vmem>>)
    %add3A_111 = arith.constant 1 : i32
    %add3A_112 = arith.addi %mul3A_2, %add3A_111 : i32
    %mul3A_113 = arith.constant 128 : i32
    %mul3A_114 = arith.muli %add3A_112, %mul3A_113 : i32
    %dma_start3A_115 = arith.constant 1 : i32
    %dma_start3A_116 = arith.constant 1 : i32
    %dma_start3A_117 = arith.constant 0 : i32
    %dma_start3A_118 = arith.constant 0 : i32
    %dma_start3A_119 = tpu.memref_slice %arg6[%dma_start3A_115, %dma_start3A_117, %dma_start3A_118] : memref<4x128x128xf32, #tpu.memory_space<vmem>> -> memref<1x128x128xf32, #tpu.memory_space<vmem>>
    %dma_start3A_120 = tpu.memref_squeeze %dma_start3A_119 : memref<1x128x128xf32, #tpu.memory_space<vmem>> -> memref<128x128xf32, #tpu.memory_space<vmem>>
    %dma_start3A_121 = arith.constant 0 : i32
    %dma_start3A_122 = tpu.memref_slice %arg4[%mul3A_114, %dma_start3A_121] : memref<16384x128xf32, #tpu.memory_space<hbm>> -> memref<128x128xf32, #tpu.memory_space<hbm>>
    %dma_start3A_123 = tpu.memref_slice %arg8[%dma_start3A_116] : memref<4x!tpu.dma_semaphore, #tpu.memory_space<semaphore_mem>> -> memref<1x!tpu.dma_semaphore, #tpu.memory_space<semaphore_mem>>
    %dma_start3A_124 = tpu.memref_squeeze %dma_start3A_123 : memref<1x!tpu.dma_semaphore, #tpu.memory_space<semaphore_mem>> -> memref<!tpu.dma_semaphore, #tpu.memory_space<semaphore_mem>>
    %dma_start3A_125 = arith.constant 0 : i32
    %dma_start3A_126 = tpu.memref_slice %arg4[%mul3A_114, %dma_start3A_125] : memref<16384x128xf32, #tpu.memory_space<hbm>> -> memref<128x128xf32, #tpu.memory_space<hbm>>
    %dma_start3A_127 = arith.constant 0 : i32
    %dma_start3A_128 = arith.constant 0 : i32
    %dma_start3A_129 = tpu.memref_slice %arg6[%dma_start3A_115, %dma_start3A_127, %dma_start3A_128] : memref<4x128x128xf32, #tpu.memory_space<vmem>> -> memref<1x128x128xf32, #tpu.memory_space<vmem>>
    %dma_start3A_130 = tpu.memref_squeeze %dma_start3A_129 : memref<1x128x128xf32, #tpu.memory_space<vmem>> -> memref<128x128xf32, #tpu.memory_space<vmem>>
    tpu.enqueue_dma source(%dma_start3A_130 : memref<128x128xf32, #tpu.memory_space<vmem>>) target(%dma_start3A_126 : memref<128x128xf32, #tpu.memory_space<hbm>>) target_semaphore(%dma_start3A_124 : memref<!tpu.dma_semaphore, #tpu.memory_space<semaphore_mem>>)
    %dma_wait3A_131 = arith.constant 2 : i32
    %dma_wait3A_132 = arith.constant 2 : i32
    %dma_wait3A_133 = arith.constant 2 : i32
    %dma_wait3A_134 = arith.constant 0 : i32
    %dma_wait3A_135 = arith.constant 0 : i32
    %dma_wait3A_136 = tpu.memref_slice %arg6[%dma_wait3A_132, %dma_wait3A_134, %dma_wait3A_135] : memref<4x128x128xf32, #tpu.memory_space<vmem>> -> memref<1x128x128xf32, #tpu.memory_space<vmem>>
    %dma_wait3A_137 = tpu.memref_squeeze %dma_wait3A_136 : memref<1x128x128xf32, #tpu.memory_space<vmem>> -> memref<128x128xf32, #tpu.memory_space<vmem>>
    %dma_wait3A_138 = arith.constant 0 : i32
    %dma_wait3A_139 = tpu.memref_slice %arg5[%dma_wait3A_131, %dma_wait3A_138] : memref<4x128xi32, #tpu.memory_space<vmem>> -> memref<1x128xi32, #tpu.memory_space<vmem>>
    %dma_wait3A_140 = tpu.memref_squeeze %dma_wait3A_139 : memref<1x128xi32, #tpu.memory_space<vmem>> -> memref<128xi32, #tpu.memory_space<vmem>>
    %dma_wait3A_141 = arith.constant 0 : i32
    %dma_wait3A_142 = arith.constant 0 : i32
    %dma_wait3A_143 = tpu.memref_slice %arg2[%dma_wait3A_141, %dma_wait3A_142] : memref<10240x128xf32, #tpu.memory_space<hbm>> -> memref<10240x128xf32, #tpu.memory_space<hbm>>
    %dma_wait3A_144 = tpu.memref_slice %arg7[%dma_wait3A_133] : memref<4x!tpu.dma_semaphore, #tpu.memory_space<semaphore_mem>> -> memref<1x!tpu.dma_semaphore, #tpu.memory_space<semaphore_mem>>
    %dma_wait3A_145 = tpu.memref_squeeze %dma_wait3A_144 : memref<1x!tpu.dma_semaphore, #tpu.memory_space<semaphore_mem>> -> memref<!tpu.dma_semaphore, #tpu.memory_space<semaphore_mem>>
    tpu.wait_indirect_dma semaphore(%dma_wait3A_145 : memref<!tpu.dma_semaphore, #tpu.memory_space<semaphore_mem>>) src(%dma_wait3A_143 : memref<10240x128xf32, #tpu.memory_space<hbm>>) dst(%dma_wait3A_137 : memref<128x128xf32, #tpu.memory_space<vmem>>)
    %add3A_146 = arith.constant 2 : i32
    %add3A_147 = arith.addi %mul3A_2, %add3A_146 : i32
    %mul3A_148 = arith.constant 128 : i32
    %mul3A_149 = arith.muli %add3A_147, %mul3A_148 : i32
    %dma_start3A_150 = arith.constant 2 : i32
    %dma_start3A_151 = arith.constant 2 : i32
    %dma_start3A_152 = arith.constant 0 : i32
    %dma_start3A_153 = arith.constant 0 : i32
    %dma_start3A_154 = tpu.memref_slice %arg6[%dma_start3A_150, %dma_start3A_152, %dma_start3A_153] : memref<4x128x128xf32, #tpu.memory_space<vmem>> -> memref<1x128x128xf32, #tpu.memory_space<vmem>>
    %dma_start3A_155 = tpu.memref_squeeze %dma_start3A_154 : memref<1x128x128xf32, #tpu.memory_space<vmem>> -> memref<128x128xf32, #tpu.memory_space<vmem>>
    %dma_start3A_156 = arith.constant 0 : i32
    %dma_start3A_157 = tpu.memref_slice %arg4[%mul3A_149, %dma_start3A_156] : memref<16384x128xf32, #tpu.memory_space<hbm>> -> memref<128x128xf32, #tpu.memory_space<hbm>>
    %dma_start3A_158 = tpu.memref_slice %arg8[%dma_start3A_151] : memref<4x!tpu.dma_semaphore, #tpu.memory_space<semaphore_mem>> -> memref<1x!tpu.dma_semaphore, #tpu.memory_space<semaphore_mem>>
    %dma_start3A_159 = tpu.memref_squeeze %dma_start3A_158 : memref<1x!tpu.dma_semaphore, #tpu.memory_space<semaphore_mem>> -> memref<!tpu.dma_semaphore, #tpu.memory_space<semaphore_mem>>
    %dma_start3A_160 = arith.constant 0 : i32
    %dma_start3A_161 = tpu.memref_slice %arg4[%mul3A_149, %dma_start3A_160] : memref<16384x128xf32, #tpu.memory_space<hbm>> -> memref<128x128xf32, #tpu.memory_space<hbm>>
    %dma_start3A_162 = arith.constant 0 : i32
    %dma_start3A_163 = arith.constant 0 : i32
    %dma_start3A_164 = tpu.memref_slice %arg6[%dma_start3A_150, %dma_start3A_162, %dma_start3A_163] : memref<4x128x128xf32, #tpu.memory_space<vmem>> -> memref<1x128x128xf32, #tpu.memory_space<vmem>>
    %dma_start3A_165 = tpu.memref_squeeze %dma_start3A_164 : memref<1x128x128xf32, #tpu.memory_space<vmem>> -> memref<128x128xf32, #tpu.memory_space<vmem>>
    tpu.enqueue_dma source(%dma_start3A_165 : memref<128x128xf32, #tpu.memory_space<vmem>>) target(%dma_start3A_161 : memref<128x128xf32, #tpu.memory_space<hbm>>) target_semaphore(%dma_start3A_159 : memref<!tpu.dma_semaphore, #tpu.memory_space<semaphore_mem>>)
    %dma_wait3A_166 = arith.constant 3 : i32
    %dma_wait3A_167 = arith.constant 3 : i32
    %dma_wait3A_168 = arith.constant 3 : i32
    %dma_wait3A_169 = arith.constant 0 : i32
    %dma_wait3A_170 = arith.constant 0 : i32
    %dma_wait3A_171 = tpu.memref_slice %arg6[%dma_wait3A_167, %dma_wait3A_169, %dma_wait3A_170] : memref<4x128x128xf32, #tpu.memory_space<vmem>> -> memref<1x128x128xf32, #tpu.memory_space<vmem>>
    %dma_wait3A_172 = tpu.memref_squeeze %dma_wait3A_171 : memref<1x128x128xf32, #tpu.memory_space<vmem>> -> memref<128x128xf32, #tpu.memory_space<vmem>>
    %dma_wait3A_173 = arith.constant 0 : i32
    %dma_wait3A_174 = tpu.memref_slice %arg5[%dma_wait3A_166, %dma_wait3A_173] : memref<4x128xi32, #tpu.memory_space<vmem>> -> memref<1x128xi32, #tpu.memory_space<vmem>>
    %dma_wait3A_175 = tpu.memref_squeeze %dma_wait3A_174 : memref<1x128xi32, #tpu.memory_space<vmem>> -> memref<128xi32, #tpu.memory_space<vmem>>
    %dma_wait3A_176 = arith.constant 0 : i32
    %dma_wait3A_177 = arith.constant 0 : i32
    %dma_wait3A_178 = tpu.memref_slice %arg2[%dma_wait3A_176, %dma_wait3A_177] : memref<10240x128xf32, #tpu.memory_space<hbm>> -> memref<10240x128xf32, #tpu.memory_space<hbm>>
    %dma_wait3A_179 = tpu.memref_slice %arg7[%dma_wait3A_168] : memref<4x!tpu.dma_semaphore, #tpu.memory_space<semaphore_mem>> -> memref<1x!tpu.dma_semaphore, #tpu.memory_space<semaphore_mem>>
    %dma_wait3A_180 = tpu.memref_squeeze %dma_wait3A_179 : memref<1x!tpu.dma_semaphore, #tpu.memory_space<semaphore_mem>> -> memref<!tpu.dma_semaphore, #tpu.memory_space<semaphore_mem>>
    tpu.wait_indirect_dma semaphore(%dma_wait3A_180 : memref<!tpu.dma_semaphore, #tpu.memory_space<semaphore_mem>>) src(%dma_wait3A_178 : memref<10240x128xf32, #tpu.memory_space<hbm>>) dst(%dma_wait3A_172 : memref<128x128xf32, #tpu.memory_space<vmem>>)
    %add3A_181 = arith.constant 3 : i32
    %add3A_182 = arith.addi %mul3A_2, %add3A_181 : i32
    %mul3A_183 = arith.constant 128 : i32
    %mul3A_184 = arith.muli %add3A_182, %mul3A_183 : i32
    %dma_start3A_185 = arith.constant 3 : i32
    %dma_start3A_186 = arith.constant 3 : i32
    %dma_start3A_187 = arith.constant 0 : i32
    %dma_start3A_188 = arith.constant 0 : i32
    %dma_start3A_189 = tpu.memref_slice %arg6[%dma_start3A_185, %dma_start3A_187, %dma_start3A_188] : memref<4x128x128xf32, #tpu.memory_space<vmem>> -> memref<1x128x128xf32, #tpu.memory_space<vmem>>
    %dma_start3A_190 = tpu.memref_squeeze %dma_start3A_189 : memref<1x128x128xf32, #tpu.memory_space<vmem>> -> memref<128x128xf32, #tpu.memory_space<vmem>>
    %dma_start3A_191 = arith.constant 0 : i32
    %dma_start3A_192 = tpu.memref_slice %arg4[%mul3A_184, %dma_start3A_191] : memref<16384x128xf32, #tpu.memory_space<hbm>> -> memref<128x128xf32, #tpu.memory_space<hbm>>
    %dma_start3A_193 = tpu.memref_slice %arg8[%dma_start3A_186] : memref<4x!tpu.dma_semaphore, #tpu.memory_space<semaphore_mem>> -> memref<1x!tpu.dma_semaphore, #tpu.memory_space<semaphore_mem>>
    %dma_start3A_194 = tpu.memref_squeeze %dma_start3A_193 : memref<1x!tpu.dma_semaphore, #tpu.memory_space<semaphore_mem>> -> memref<!tpu.dma_semaphore, #tpu.memory_space<semaphore_mem>>
    %dma_start3A_195 = arith.constant 0 : i32
    %dma_start3A_196 = tpu.memref_slice %arg4[%mul3A_184, %dma_start3A_195] : memref<16384x128xf32, #tpu.memory_space<hbm>> -> memref<128x128xf32, #tpu.memory_space<hbm>>
    %dma_start3A_197 = arith.constant 0 : i32
    %dma_start3A_198 = arith.constant 0 : i32
    %dma_start3A_199 = tpu.memref_slice %arg6[%dma_start3A_185, %dma_start3A_197, %dma_start3A_198] : memref<4x128x128xf32, #tpu.memory_space<vmem>> -> memref<1x128x128xf32, #tpu.memory_space<vmem>>
    %dma_start3A_200 = tpu.memref_squeeze %dma_start3A_199 : memref<1x128x128xf32, #tpu.memory_space<vmem>> -> memref<128x128xf32, #tpu.memory_space<vmem>>
    tpu.enqueue_dma source(%dma_start3A_200 : memref<128x128xf32, #tpu.memory_space<vmem>>) target(%dma_start3A_196 : memref<128x128xf32, #tpu.memory_space<hbm>>) target_semaphore(%dma_start3A_194 : memref<!tpu.dma_semaphore, #tpu.memory_space<semaphore_mem>>)
    %add3A_201 = arith.constant 0 : i32
    %add3A_202 = arith.addi %mul3A_2, %add3A_201 : i32
    %mul3A_203 = arith.constant 128 : i32
    %mul3A_204 = arith.muli %add3A_202, %mul3A_203 : i32
    %dma_wait3A_205 = arith.constant 0 : i32
    %dma_wait3A_206 = arith.constant 0 : i32
    %dma_wait3A_207 = arith.constant 0 : i32
    %dma_wait3A_208 = arith.constant 0 : i32
    %dma_wait3A_209 = tpu.memref_slice %arg6[%dma_wait3A_205, %dma_wait3A_207, %dma_wait3A_208] : memref<4x128x128xf32, #tpu.memory_space<vmem>> -> memref<1x128x128xf32, #tpu.memory_space<vmem>>
    %dma_wait3A_210 = tpu.memref_squeeze %dma_wait3A_209 : memref<1x128x128xf32, #tpu.memory_space<vmem>> -> memref<128x128xf32, #tpu.memory_space<vmem>>
    %dma_wait3A_211 = arith.constant 0 : i32
    %dma_wait3A_212 = tpu.memref_slice %arg4[%mul3A_204, %dma_wait3A_211] : memref<16384x128xf32, #tpu.memory_space<hbm>> -> memref<128x128xf32, #tpu.memory_space<hbm>>
    %dma_wait3A_213 = tpu.memref_slice %arg8[%dma_wait3A_206] : memref<4x!tpu.dma_semaphore, #tpu.memory_space<semaphore_mem>> -> memref<1x!tpu.dma_semaphore, #tpu.memory_space<semaphore_mem>>
    %dma_wait3A_214 = tpu.memref_squeeze %dma_wait3A_213 : memref<1x!tpu.dma_semaphore, #tpu.memory_space<semaphore_mem>> -> memref<!tpu.dma_semaphore, #tpu.memory_space<semaphore_mem>>
    %dma_wait3A_215 = arith.constant 0 : i32
    %dma_wait3A_216 = tpu.memref_slice %arg4[%mul3A_204, %dma_wait3A_215] : memref<16384x128xf32, #tpu.memory_space<hbm>> -> memref<128x128xf32, #tpu.memory_space<hbm>>
    %dma_wait3A_217 = arith.constant 0 : i32
    %dma_wait3A_218 = arith.constant 0 : i32
    %dma_wait3A_219 = tpu.memref_slice %arg6[%dma_wait3A_205, %dma_wait3A_217, %dma_wait3A_218] : memref<4x128x128xf32, #tpu.memory_space<vmem>> -> memref<1x128x128xf32, #tpu.memory_space<vmem>>
    %dma_wait3A_220 = tpu.memref_squeeze %dma_wait3A_219 : memref<1x128x128xf32, #tpu.memory_space<vmem>> -> memref<128x128xf32, #tpu.memory_space<vmem>>
    tpu.wait_dma2 semaphore(%dma_wait3A_214 : memref<!tpu.dma_semaphore, #tpu.memory_space<semaphore_mem>>) src(%dma_wait3A_220 : memref<128x128xf32, #tpu.memory_space<vmem>>) dst(%dma_wait3A_216 : memref<128x128xf32, #tpu.memory_space<hbm>>)
    %add3A_221 = arith.constant 1 : i32
    %add3A_222 = arith.addi %mul3A_2, %add3A_221 : i32
    %mul3A_223 = arith.constant 128 : i32
    %mul3A_224 = arith.muli %add3A_222, %mul3A_223 : i32
    %dma_wait3A_225 = arith.constant 1 : i32
    %dma_wait3A_226 = arith.constant 1 : i32
    %dma_wait3A_227 = arith.constant 0 : i32
    %dma_wait3A_228 = arith.constant 0 : i32
    %dma_wait3A_229 = tpu.memref_slice %arg6[%dma_wait3A_225, %dma_wait3A_227, %dma_wait3A_228] : memref<4x128x128xf32, #tpu.memory_space<vmem>> -> memref<1x128x128xf32, #tpu.memory_space<vmem>>
    %dma_wait3A_230 = tpu.memref_squeeze %dma_wait3A_229 : memref<1x128x128xf32, #tpu.memory_space<vmem>> -> memref<128x128xf32, #tpu.memory_space<vmem>>
    %dma_wait3A_231 = arith.constant 0 : i32
    %dma_wait3A_232 = tpu.memref_slice %arg4[%mul3A_224, %dma_wait3A_231] : memref<16384x128xf32, #tpu.memory_space<hbm>> -> memref<128x128xf32, #tpu.memory_space<hbm>>
    %dma_wait3A_233 = tpu.memref_slice %arg8[%dma_wait3A_226] : memref<4x!tpu.dma_semaphore, #tpu.memory_space<semaphore_mem>> -> memref<1x!tpu.dma_semaphore, #tpu.memory_space<semaphore_mem>>
    %dma_wait3A_234 = tpu.memref_squeeze %dma_wait3A_233 : memref<1x!tpu.dma_semaphore, #tpu.memory_space<semaphore_mem>> -> memref<!tpu.dma_semaphore, #tpu.memory_space<semaphore_mem>>
    %dma_wait3A_235 = arith.constant 0 : i32
    %dma_wait3A_236 = tpu.memref_slice %arg4[%mul3A_224, %dma_wait3A_235] : memref<16384x128xf32, #tpu.memory_space<hbm>> -> memref<128x128xf32, #tpu.memory_space<hbm>>
    %dma_wait3A_237 = arith.constant 0 : i32
    %dma_wait3A_238 = arith.constant 0 : i32
    %dma_wait3A_239 = tpu.memref_slice %arg6[%dma_wait3A_225, %dma_wait3A_237, %dma_wait3A_238] : memref<4x128x128xf32, #tpu.memory_space<vmem>> -> memref<1x128x128xf32, #tpu.memory_space<vmem>>
    %dma_wait3A_240 = tpu.memref_squeeze %dma_wait3A_239 : memref<1x128x128xf32, #tpu.memory_space<vmem>> -> memref<128x128xf32, #tpu.memory_space<vmem>>
    tpu.wait_dma2 semaphore(%dma_wait3A_234 : memref<!tpu.dma_semaphore, #tpu.memory_space<semaphore_mem>>) src(%dma_wait3A_240 : memref<128x128xf32, #tpu.memory_space<vmem>>) dst(%dma_wait3A_236 : memref<128x128xf32, #tpu.memory_space<hbm>>)
    %add3A_241 = arith.constant 2 : i32
    %add3A_242 = arith.addi %mul3A_2, %add3A_241 : i32
    %mul3A_243 = arith.constant 128 : i32
    %mul3A_244 = arith.muli %add3A_242, %mul3A_243 : i32
    %dma_wait3A_245 = arith.constant 2 : i32
    %dma_wait3A_246 = arith.constant 2 : i32
    %dma_wait3A_247 = arith.constant 0 : i32
    %dma_wait3A_248 = arith.constant 0 : i32
    %dma_wait3A_249 = tpu.memref_slice %arg6[%dma_wait3A_245, %dma_wait3A_247, %dma_wait3A_248] : memref<4x128x128xf32, #tpu.memory_space<vmem>> -> memref<1x128x128xf32, #tpu.memory_space<vmem>>
    %dma_wait3A_250 = tpu.memref_squeeze %dma_wait3A_249 : memref<1x128x128xf32, #tpu.memory_space<vmem>> -> memref<128x128xf32, #tpu.memory_space<vmem>>
    %dma_wait3A_251 = arith.constant 0 : i32
    %dma_wait3A_252 = tpu.memref_slice %arg4[%mul3A_244, %dma_wait3A_251] : memref<16384x128xf32, #tpu.memory_space<hbm>> -> memref<128x128xf32, #tpu.memory_space<hbm>>
    %dma_wait3A_253 = tpu.memref_slice %arg8[%dma_wait3A_246] : memref<4x!tpu.dma_semaphore, #tpu.memory_space<semaphore_mem>> -> memref<1x!tpu.dma_semaphore, #tpu.memory_space<semaphore_mem>>
    %dma_wait3A_254 = tpu.memref_squeeze %dma_wait3A_253 : memref<1x!tpu.dma_semaphore, #tpu.memory_space<semaphore_mem>> -> memref<!tpu.dma_semaphore, #tpu.memory_space<semaphore_mem>>
    %dma_wait3A_255 = arith.constant 0 : i32
    %dma_wait3A_256 = tpu.memref_slice %arg4[%mul3A_244, %dma_wait3A_255] : memref<16384x128xf32, #tpu.memory_space<hbm>> -> memref<128x128xf32, #tpu.memory_space<hbm>>
    %dma_wait3A_257 = arith.constant 0 : i32
    %dma_wait3A_258 = arith.constant 0 : i32
    %dma_wait3A_259 = tpu.memref_slice %arg6[%dma_wait3A_245, %dma_wait3A_257, %dma_wait3A_258] : memref<4x128x128xf32, #tpu.memory_space<vmem>> -> memref<1x128x128xf32, #tpu.memory_space<vmem>>
    %dma_wait3A_260 = tpu.memref_squeeze %dma_wait3A_259 : memref<1x128x128xf32, #tpu.memory_space<vmem>> -> memref<128x128xf32, #tpu.memory_space<vmem>>
    tpu.wait_dma2 semaphore(%dma_wait3A_254 : memref<!tpu.dma_semaphore, #tpu.memory_space<semaphore_mem>>) src(%dma_wait3A_260 : memref<128x128xf32, #tpu.memory_space<vmem>>) dst(%dma_wait3A_256 : memref<128x128xf32, #tpu.memory_space<hbm>>)
    %add3A_261 = arith.constant 3 : i32
    %add3A_262 = arith.addi %mul3A_2, %add3A_261 : i32
    %mul3A_263 = arith.constant 128 : i32
    %mul3A_264 = arith.muli %add3A_262, %mul3A_263 : i32
    %dma_wait3A_265 = arith.constant 3 : i32
    %dma_wait3A_266 = arith.constant 3 : i32
    %dma_wait3A_267 = arith.constant 0 : i32
    %dma_wait3A_268 = arith.constant 0 : i32
    %dma_wait3A_269 = tpu.memref_slice %arg6[%dma_wait3A_265, %dma_wait3A_267, %dma_wait3A_268] : memref<4x128x128xf32, #tpu.memory_space<vmem>> -> memref<1x128x128xf32, #tpu.memory_space<vmem>>
    %dma_wait3A_270 = tpu.memref_squeeze %dma_wait3A_269 : memref<1x128x128xf32, #tpu.memory_space<vmem>> -> memref<128x128xf32, #tpu.memory_space<vmem>>
    %dma_wait3A_271 = arith.constant 0 : i32
    %dma_wait3A_272 = tpu.memref_slice %arg4[%mul3A_264, %dma_wait3A_271] : memref<16384x128xf32, #tpu.memory_space<hbm>> -> memref<128x128xf32, #tpu.memory_space<hbm>>
    %dma_wait3A_273 = tpu.memref_slice %arg8[%dma_wait3A_266] : memref<4x!tpu.dma_semaphore, #tpu.memory_space<semaphore_mem>> -> memref<1x!tpu.dma_semaphore, #tpu.memory_space<semaphore_mem>>
    %dma_wait3A_274 = tpu.memref_squeeze %dma_wait3A_273 : memref<1x!tpu.dma_semaphore, #tpu.memory_space<semaphore_mem>> -> memref<!tpu.dma_semaphore, #tpu.memory_space<semaphore_mem>>
    %dma_wait3A_275 = arith.constant 0 : i32
    %dma_wait3A_276 = tpu.memref_slice %arg4[%mul3A_264, %dma_wait3A_275] : memref<16384x128xf32, #tpu.memory_space<hbm>> -> memref<128x128xf32, #tpu.memory_space<hbm>>
    %dma_wait3A_277 = arith.constant 0 : i32
    %dma_wait3A_278 = arith.constant 0 : i32
    %dma_wait3A_279 = tpu.memref_slice %arg6[%dma_wait3A_265, %dma_wait3A_277, %dma_wait3A_278] : memref<4x128x128xf32, #tpu.memory_space<vmem>> -> memref<1x128x128xf32, #tpu.memory_space<vmem>>
    %dma_wait3A_280 = tpu.memref_squeeze %dma_wait3A_279 : memref<1x128x128xf32, #tpu.memory_space<vmem>> -> memref<128x128xf32, #tpu.memory_space<vmem>>
    tpu.wait_dma2 semaphore(%dma_wait3A_274 : memref<!tpu.dma_semaphore, #tpu.memory_space<semaphore_mem>>) src(%dma_wait3A_280 : memref<128x128xf32, #tpu.memory_space<vmem>>) dst(%dma_wait3A_276 : memref<128x128xf32, #tpu.memory_space<hbm>>)
    return
  }
}

module attributes {stable_mosaic.version = 14 : i64} {
  func.func @_stats_body(%arg0: i32, %arg1: memref<512x128xf32, #tpu.memory_space<vmem>>, %arg2: memref<8x128xf32, #tpu.memory_space<vmem>>, %arg3: memref<8x128xf32, #tpu.memory_space<vmem>>, %arg4: memref<8x128xf32, #tpu.memory_space<vmem>>) attributes {dimension_semantics = [#tpu.dimension_semantics<arbitrary>], iteration_bounds = array<i64: 20>, scalar_prefetch = 0 : i64, scratch_operands = 1 : i64, tpu.core_type = #tpu.core_type<tc>, window_params = [{transform_indices = @transform_0, window_bounds = array<i64: 512, 128>}, {pipeline_mode = #tpu.pipeline_mode<synchronous>, transform_indices = @transform_1, window_bounds = array<i64: 8, 128>}, {pipeline_mode = #tpu.pipeline_mode<synchronous>, transform_indices = @transform_2, window_bounds = array<i64: 8, 128>}]} {
    %eq3A = arith.constant 0 : i32
    %eq3A_0 = arith.cmpi eq, %arg0, %eq3A : i32
    %convert_element_type3A = arith.extui %eq3A_0 : i1 to i32
    %cond3A = arith.constant 0 : i32
    %cond3A_1 = arith.cmpi ne, %convert_element_type3A, %cond3A : i32
    scf.if %cond3A_1 {
      %broadcast_in_dim3A_25 = arith.constant 0.000000e+00 : f32
      %broadcast_in_dim3A_26 = vector.broadcast %broadcast_in_dim3A_25 : f32 to vector<8x128xf32>
      %swap3A_27 = arith.constant 0 : index
      %swap3A_28 = arith.constant 0 : index
      %swap3A_29 = vector.load %arg4[%swap3A_27, %swap3A_28] : memref<8x128xf32, #tpu.memory_space<vmem>>, vector<8x128xf32>
      tpu.vector_store %arg4[%swap3A_27, %swap3A_28], %broadcast_in_dim3A_26 {strides = array<i32>} : memref<8x128xf32, #tpu.memory_space<vmem>>, vector<8x128xf32>,
    } else {
    }
    %get3A = arith.constant 0 : index
    %get3A_2 = arith.constant 0 : index
    %get3A_3 = vector.load %arg1[%get3A, %get3A_2] : memref<512x128xf32, #tpu.memory_space<vmem>>, vector<512x128xf32>
    %get3A_4 = arith.constant 0 : index
    %get3A_5 = arith.constant 0 : index
    %get3A_6 = vector.load %arg4[%get3A_4, %get3A_5] : memref<8x128xf32, #tpu.memory_space<vmem>>, vector<1x128xf32>
    %reduce_sum3A = arith.constant dense<0.000000e+00> : vector<128xf32>
    %reduce_sum3A_7 = vector.multi_reduction <add>, %get3A_3, %reduce_sum3A [0] : vector<512x128xf32> to vector<128xf32>
    %broadcast_in_dim3A = vector.shape_cast %reduce_sum3A_7 : vector<128xf32> to vector<1x128xf32>
    %add3A = arith.addf %get3A_6, %broadcast_in_dim3A : vector<1x128xf32>
    %swap3A = arith.constant 0 : index
    %swap3A_8 = arith.constant 0 : index
    %swap3A_9 = vector.load %arg4[%swap3A, %swap3A_8] : memref<8x128xf32, #tpu.memory_space<vmem>>, vector<1x128xf32>
    tpu.vector_store %arg4[%swap3A, %swap3A_8], %add3A {strides = array<i32>} : memref<8x128xf32, #tpu.memory_space<vmem>>, vector<1x128xf32>,
    %get3A_10 = arith.constant 1 : index
    %get3A_11 = arith.constant 0 : index
    %get3A_12 = vector.load %arg4[%get3A_10, %get3A_11] : memref<8x128xf32, #tpu.memory_space<vmem>>, vector<1x128xf32>
    %mul3A = arith.mulf %get3A_3, %get3A_3 : vector<512x128xf32>
    %reduce_sum3A_13 = arith.constant dense<0.000000e+00> : vector<128xf32>
    %reduce_sum3A_14 = vector.multi_reduction <add>, %mul3A, %reduce_sum3A_13 [0] : vector<512x128xf32> to vector<128xf32>
    %broadcast_in_dim3A_15 = vector.shape_cast %reduce_sum3A_14 : vector<128xf32> to vector<1x128xf32>
    %add3A_16 = arith.addf %get3A_12, %broadcast_in_dim3A_15 : vector<1x128xf32>
    %swap3A_17 = arith.constant 1 : index
    %swap3A_18 = arith.constant 0 : index
    %swap3A_19 = vector.load %arg4[%swap3A_17, %swap3A_18] : memref<8x128xf32, #tpu.memory_space<vmem>>, vector<1x128xf32>
    tpu.vector_store %arg4[%swap3A_17, %swap3A_18], %add3A_16 {strides = array<i32>} : memref<8x128xf32, #tpu.memory_space<vmem>>, vector<1x128xf32>,
    %eq3A_20 = arith.constant 19 : i32
    %eq3A_21 = arith.cmpi eq, %arg0, %eq3A_20 : i32
    %convert_element_type3A_22 = arith.extui %eq3A_21 : i1 to i32
    %cond3A_23 = arith.constant 0 : i32
    %cond3A_24 = arith.cmpi ne, %convert_element_type3A_22, %cond3A_23 : i32
    scf.if %cond3A_24 {
      %get3A_25 = arith.constant 0 : index
      %get3A_26 = arith.constant 0 : index
      %get3A_27 = vector.load %arg4[%get3A_25, %get3A_26] : memref<8x128xf32, #tpu.memory_space<vmem>>, vector<1x128xf32>
      %get3A_28 = arith.constant 1 : index
      %get3A_29 = arith.constant 0 : index
      %get3A_30 = vector.load %arg4[%get3A_28, %get3A_29] : memref<8x128xf32, #tpu.memory_space<vmem>>, vector<1x128xf32>
      %div3A = arith.constant 1.000000e+04 : f32
      %div3A_31 = vector.broadcast %div3A : f32 to vector<1x128xf32>
      %div3A_32 = arith.divf %get3A_27, %div3A_31 : vector<1x128xf32>
      %div3A_33 = arith.constant 1.000000e+04 : f32
      %div3A_34 = vector.broadcast %div3A_33 : f32 to vector<1x128xf32>
      %div3A_35 = arith.divf %get3A_30, %div3A_34 : vector<1x128xf32>
      %mul3A_36 = arith.mulf %div3A_32, %div3A_32 : vector<1x128xf32>
      %sub3A = arith.subf %div3A_35, %mul3A_36 : vector<1x128xf32>
      %get3A_37 = arith.constant 0 : index
      %get3A_38 = arith.constant 0 : index
      %get3A_39 = vector.load %arg2[%get3A_37, %get3A_38] : memref<8x128xf32, #tpu.memory_space<vmem>>, vector<1x128xf32>
      %add3A_40 = arith.constant 9.99999974E-6 : f32
      %add3A_41 = vector.broadcast %add3A_40 : f32 to vector<1x128xf32>
      %add3A_42 = arith.addf %sub3A, %add3A_41 : vector<1x128xf32>
      %rsqrt3A = math.rsqrt %add3A_42 : vector<1x128xf32>
      %mul3A_43 = arith.mulf %get3A_39, %rsqrt3A : vector<1x128xf32>
      %get3A_44 = arith.constant 1 : index
      %get3A_45 = arith.constant 0 : index
      %get3A_46 = vector.load %arg2[%get3A_44, %get3A_45] : memref<8x128xf32, #tpu.memory_space<vmem>>, vector<1x128xf32>
      %mul3A_47 = arith.mulf %div3A_32, %mul3A_43 : vector<1x128xf32>
      %sub3A_48 = arith.subf %get3A_46, %mul3A_47 : vector<1x128xf32>
      %iota3A = tpu.iota {dimensions = array<i32: 0>} : vector<8x128xi32>
      %eq3A_49 = arith.constant 0 : i32
      %eq3A_50 = vector.broadcast %eq3A_49 : i32 to vector<8x128xi32>
      %eq3A_51 = arith.cmpi eq, %iota3A, %eq3A_50 : vector<8x128xi32>
      %eq3A_52 = arith.constant 1 : i32
      %eq3A_53 = vector.broadcast %eq3A_52 : i32 to vector<8x128xi32>
      %eq3A_54 = arith.cmpi eq, %iota3A, %eq3A_53 : vector<8x128xi32>
      %jit3A = arith.constant 0.000000e+00 : f32
      %broadcast_in_dim3A_55 = vector.shape_cast %sub3A_48 : vector<1x128xf32> to vector<1x128xf32>
      %broadcast_in_dim3A_56 = vector.broadcast %broadcast_in_dim3A_55 : vector<1x128xf32> to vector<8x128xf32>
      %broadcast_in_dim3A_57 = vector.broadcast %jit3A : f32 to vector<8x128xf32>
      %select_n3A = arith.select %eq3A_54, %broadcast_in_dim3A_56, %broadcast_in_dim3A_57 : vector<8x128xi1>, vector<8x128xf32>
      %broadcast_in_dim3A_58 = vector.shape_cast %mul3A_43 : vector<1x128xf32> to vector<1x128xf32>
      %broadcast_in_dim3A_59 = vector.broadcast %broadcast_in_dim3A_58 : vector<1x128xf32> to vector<8x128xf32>
      %select_n3A_60 = arith.select %eq3A_51, %broadcast_in_dim3A_59, %select_n3A : vector<8x128xi1>, vector<8x128xf32>
      %swap3A_61 = arith.constant 0 : index
      %swap3A_62 = arith.constant 0 : index
      %swap3A_63 = vector.load %arg3[%swap3A_61, %swap3A_62] : memref<8x128xf32, #tpu.memory_space<vmem>>, vector<8x128xf32>
      tpu.vector_store %arg3[%swap3A_61, %swap3A_62], %select_n3A_60 {strides = array<i32>} : memref<8x128xf32, #tpu.memory_space<vmem>>, vector<8x128xf32>,
    } else {
    }
    return
  }
  func.func @transform_0(%arg0: i32) -> (i32, i32) {
    %c0_i32 = arith.constant 0 : i32
    %c0_i32_0 = arith.constant 0 : i32
    return %arg0, %c0_i32 : i32, i32
  }
  func.func @transform_1(%arg0: i32) -> (i32, i32) {
    %c0_i32 = arith.constant 0 : i32
    %c0_i32_0 = arith.constant 0 : i32
    %c0_i32_1 = arith.constant 0 : i32
    return %c0_i32, %c0_i32_0 : i32, i32
  }
  func.func @transform_2(%arg0: i32) -> (i32, i32) {
    %c0_i32 = arith.constant 0 : i32
    %c0_i32_0 = arith.constant 0 : i32
    %c0_i32_1 = arith.constant 0 : i32
    return %c0_i32, %c0_i32_0 : i32, i32
  }
}

module attributes {stable_mosaic.version = 14 : i64} {
  func.func @_recur_body(%arg0: i32, %arg1: memref<2x832xi32, #tpu.memory_space<smem>>, %arg2: memref<1x8x512x128xf32, #tpu.memory_space<vmem>>, %arg3: memref<128x384xf32, #tpu.memory_space<vmem>>, %arg4: memref<128x384xf32, #tpu.memory_space<vmem>>, %arg5: memref<2x384xf32, #tpu.memory_space<vmem>>, %arg6: memref<10240x128xf32, #tpu.memory_space<vmem>>) attributes {dimension_semantics = [#tpu.dimension_semantics<arbitrary>], iteration_bounds = array<i64: 104>, scalar_prefetch = 1 : i64, scratch_operands = 0 : i64, tpu.core_type = #tpu.core_type<tc>, window_params = [{transform_indices = @transform_0, window_bounds = array<i64: 1, 8, 512, 128>}, {pipeline_mode = #tpu.pipeline_mode<synchronous>, transform_indices = @transform_1, window_bounds = array<i64: 128, 384>}, {pipeline_mode = #tpu.pipeline_mode<synchronous>, transform_indices = @transform_2, window_bounds = array<i64: 128, 384>}, {pipeline_mode = #tpu.pipeline_mode<synchronous>, transform_indices = @transform_3, window_bounds = array<i64: 2, 384>}, {pipeline_mode = #tpu.pipeline_mode<synchronous>, transform_indices = @transform_4, window_bounds = array<i64: 10240, 128>}]} {
    %eq3A = arith.constant 0 : i32
    %eq3A_0 = arith.cmpi eq, %arg0, %eq3A : i32
    %convert_element_type3A = arith.extui %eq3A_0 : i1 to i32
    %cond3A = arith.constant 0 : i32
    %cond3A_1 = arith.cmpi ne, %convert_element_type3A, %cond3A : i32
    scf.if %cond3A_1 {
      %broadcast_in_dim3A = arith.constant 0.000000e+00 : f32
      %broadcast_in_dim3A_150 = vector.broadcast %broadcast_in_dim3A : f32 to vector<10240x128xf32>
      %swap3A = arith.constant 0 : index
      %swap3A_151 = arith.constant 0 : index
      %swap3A_152 = vector.load %arg6[%swap3A, %swap3A_151] : memref<10240x128xf32, #tpu.memory_space<vmem>>, vector<10240x128xf32>
      tpu.vector_store %arg6[%swap3A, %swap3A_151], %broadcast_in_dim3A_150 {strides = array<i32>} : memref<10240x128xf32, #tpu.memory_space<vmem>>, vector<10240x128xf32>,
    } else {
    }
    %mul3A = arith.constant 8 : i32
    %mul3A_2 = arith.muli %arg0, %mul3A : i32
    %add3A = arith.constant 0 : i32
    %add3A_3 = arith.addi %mul3A_2, %add3A : i32
    %get3A = arith.constant 0 : index
    %get3A_4 = arith.index_cast %add3A_3 : i32 to index
    %get3A_5 = memref.load %arg1[%get3A, %get3A_4] : memref<2x832xi32, #tpu.memory_space<smem>>
    %mul3A_6 = arith.constant 8 : i32
    %mul3A_7 = arith.muli %arg0, %mul3A_6 : i32
    %add3A_8 = arith.constant 0 : i32
    %add3A_9 = arith.addi %mul3A_7, %add3A_8 : i32
    %get3A_10 = arith.constant 1 : index
    %get3A_11 = arith.index_cast %add3A_9 : i32 to index
    %get3A_12 = memref.load %arg1[%get3A_10, %get3A_11] : memref<2x832xi32, #tpu.memory_space<smem>>
    %gt3A = arith.constant 0 : i32
    %gt3A_13 = arith.cmpi sgt, %get3A_12, %gt3A : i32
    %convert_element_type3A_14 = arith.extui %gt3A_13 : i1 to i32
    %cond3A_15 = arith.constant 0 : i32
    %cond3A_16 = arith.cmpi ne, %convert_element_type3A_14, %cond3A_15 : i32
    scf.if %cond3A_16 {
      %mul3A_150 = arith.constant 512 : i32
      %mul3A_151 = arith.muli %get3A_5, %mul3A_150 : i32
      %multiple_of3A = tpu.assume_multiple %mul3A_151, 512 : i32
      %get3A_152 = arith.constant 0 : index
      %get3A_153 = arith.constant 0 : index
      %get3A_154 = arith.constant 0 : index
      %get3A_155 = arith.constant 0 : index
      %get3A_156 = vector.load %arg2[%get3A_152, %get3A_153, %get3A_154, %get3A_155] : memref<1x8x512x128xf32, #tpu.memory_space<vmem>>, vector<1x1x512x128xf32>
      %get3A_157 = vector.shape_cast %get3A_156 : vector<1x1x512x128xf32> to vector<512x128xf32>
      %get3A_158 = arith.index_cast %multiple_of3A : i32 to index
      %get3A_159 = arith.constant 0 : index
      %get3A_160 = vector.load %arg6[%get3A_158, %get3A_159] : memref<10240x128xf32, #tpu.memory_space<vmem>>, vector<512x128xf32>
      %get3A_161 = arith.constant 0 : index
      %get3A_162 = arith.constant 0 : index
      %get3A_163 = vector.load %arg3[%get3A_161, %get3A_162] : memref<128x384xf32, #tpu.memory_space<vmem>>, vector<128x384xf32>
      %dot_general3A = arith.constant dense<0.000000e+00> : vector<512x384xf32>
      %dot_general3A_164 = tpu.matmul %get3A_157, %get3A_163, %dot_general3A {dimension_numbers = #tpu.dot_dimension_numbers<[1], [0], [0], [1], [0, 0, 1, 1], [], []>, transpose_lhs_hint = false} : vector<512x128xf32>, vector<128x384xf32>, vector<512x384xf32> -> vector<512x384xf32>
      %get3A_165 = arith.constant 0 : index
      %get3A_166 = arith.constant 0 : index
      %get3A_167 = vector.load %arg5[%get3A_165, %get3A_166] : memref<2x384xf32, #tpu.memory_space<vmem>>, vector<1x384xf32>
      %add3A_168 = vector.broadcast %get3A_167 : vector<1x384xf32> to vector<512x384xf32>
      %add3A_169 = arith.addf %dot_general3A_164, %add3A_168 : vector<512x384xf32>
      %get3A_170 = arith.constant 0 : index
      %get3A_171 = arith.constant 0 : index
      %get3A_172 = vector.load %arg4[%get3A_170, %get3A_171] : memref<128x384xf32, #tpu.memory_space<vmem>>, vector<128x384xf32>
      %dot_general3A_173 = arith.constant dense<0.000000e+00> : vector<512x384xf32>
      %dot_general3A_174 = tpu.matmul %get3A_160, %get3A_172, %dot_general3A_173 {dimension_numbers = #tpu.dot_dimension_numbers<[1], [0], [0], [1], [0, 0, 1, 1], [], []>, transpose_lhs_hint = false} : vector<512x128xf32>, vector<128x384xf32>, vector<512x384xf32> -> vector<512x384xf32>
      %get3A_175 = arith.constant 1 : index
      %get3A_176 = arith.constant 0 : index
      %get3A_177 = vector.load %arg5[%get3A_175, %get3A_176] : memref<2x384xf32, #tpu.memory_space<vmem>>, vector<1x384xf32>
      %add3A_178 = vector.broadcast %get3A_177 : vector<1x384xf32> to vector<512x384xf32>
      %add3A_179 = arith.addf %dot_general3A_174, %add3A_178 : vector<512x384xf32>
      %slice3A = vector.extract_strided_slice %add3A_169 {offsets = [0, 0], sizes = [512, 128], strides = [1, 1]} : vector<512x384xf32> to vector<512x128xf32>
      %slice3A_180 = vector.extract_strided_slice %add3A_179 {offsets = [0, 0], sizes = [512, 128], strides = [1, 1]} : vector<512x384xf32> to vector<512x128xf32>
      %add3A_181 = arith.addf %slice3A, %slice3A_180 : vector<512x128xf32>
      %logistic3A = arith.negf %add3A_181 : vector<512x128xf32>
      %logistic3A_182 = math.exp %logistic3A : vector<512x128xf32>
      %logistic3A_183 = arith.constant 1.000000e+00 : f32
      %logistic3A_184 = vector.broadcast %logistic3A_183 : f32 to vector<512x128xf32>
      %logistic3A_185 = arith.addf %logistic3A_184, %logistic3A_182 : vector<512x128xf32>
      %logistic3A_186 = arith.divf %logistic3A_184, %logistic3A_185 : vector<512x128xf32>
      %slice3A_187 = vector.extract_strided_slice %add3A_169 {offsets = [0, 128], sizes = [512, 128], strides = [1, 1]} : vector<512x384xf32> to vector<512x128xf32>
      %slice3A_188 = vector.extract_strided_slice %add3A_179 {offsets = [0, 128], sizes = [512, 128], strides = [1, 1]} : vector<512x384xf32> to vector<512x128xf32>
      %add3A_189 = arith.addf %slice3A_187, %slice3A_188 : vector<512x128xf32>
      %logistic3A_190 = arith.negf %add3A_189 : vector<512x128xf32>
      %logistic3A_191 = math.exp %logistic3A_190 : vector<512x128xf32>
      %logistic3A_192 = arith.constant 1.000000e+00 : f32
      %logistic3A_193 = vector.broadcast %logistic3A_192 : f32 to vector<512x128xf32>
      %logistic3A_194 = arith.addf %logistic3A_193, %logistic3A_191 : vector<512x128xf32>
      %logistic3A_195 = arith.divf %logistic3A_193, %logistic3A_194 : vector<512x128xf32>
      %slice3A_196 = vector.extract_strided_slice %add3A_169 {offsets = [0, 256], sizes = [512, 128], strides = [1, 1]} : vector<512x384xf32> to vector<512x128xf32>
      %slice3A_197 = vector.extract_strided_slice %add3A_179 {offsets = [0, 256], sizes = [512, 128], strides = [1, 1]} : vector<512x384xf32> to vector<512x128xf32>
      %mul3A_198 = arith.mulf %logistic3A_186, %slice3A_197 : vector<512x128xf32>
      %add3A_199 = arith.addf %slice3A_196, %mul3A_198 : vector<512x128xf32>
      %tanh3A = math.tanh %add3A_199 : vector<512x128xf32>
      %sub3A = arith.subf %get3A_160, %tanh3A : vector<512x128xf32>
      %mul3A_200 = arith.mulf %logistic3A_195, %sub3A : vector<512x128xf32>
      %add3A_201 = arith.addf %tanh3A, %mul3A_200 : vector<512x128xf32>
      %iota3A = tpu.iota {dimensions = array<i32: 0>} : vector<512x1xi32>
      %lt3A = vector.broadcast %get3A_12 : i32 to vector<512x1xi32>
      %lt3A_202 = arith.cmpi slt, %iota3A, %lt3A : vector<512x1xi32>
      %broadcast_in_dim3A = vector.shape_cast %lt3A_202 : vector<512x1xi1> to vector<512x1xi1>
      %broadcast_in_dim3A_203 = vector.broadcast %broadcast_in_dim3A : vector<512x1xi1> to vector<512x128xi1>
      %select_n3A = arith.select %broadcast_in_dim3A_203, %add3A_201, %get3A_160 : vector<512x128xi1>, vector<512x128xf32>
      %swap3A = arith.index_cast %multiple_of3A : i32 to index
      %swap3A_204 = arith.constant 0 : index
      %swap3A_205 = vector.load %arg6[%swap3A, %swap3A_204] : memref<10240x128xf32, #tpu.memory_space<vmem>>, vector<512x128xf32>
      tpu.vector_store %arg6[%swap3A, %swap3A_204], %select_n3A {strides = array<i32>} : memref<10240x128xf32, #tpu.memory_space<vmem>>, vector<512x128xf32>,
    } else {
    }
    %mul3A_17 = arith.constant 8 : i32
    %mul3A_18 = arith.muli %arg0, %mul3A_17 : i32
    %add3A_19 = arith.constant 1 : i32
    %add3A_20 = arith.addi %mul3A_18, %add3A_19 : i32
    %get3A_21 = arith.constant 0 : index
    %get3A_22 = arith.index_cast %add3A_20 : i32 to index
    %get3A_23 = memref.load %arg1[%get3A_21, %get3A_22] : memref<2x832xi32, #tpu.memory_space<smem>>
    %mul3A_24 = arith.constant 8 : i32
    %mul3A_25 = arith.muli %arg0, %mul3A_24 : i32
    %add3A_26 = arith.constant 1 : i32
    %add3A_27 = arith.addi %mul3A_25, %add3A_26 : i32
    %get3A_28 = arith.constant 1 : index
    %get3A_29 = arith.index_cast %add3A_27 : i32 to index
    %get3A_30 = memref.load %arg1[%get3A_28, %get3A_29] : memref<2x832xi32, #tpu.memory_space<smem>>
    %gt3A_31 = arith.constant 0 : i32
    %gt3A_32 = arith.cmpi sgt, %get3A_30, %gt3A_31 : i32
    %convert_element_type3A_33 = arith.extui %gt3A_32 : i1 to i32
    %cond3A_34 = arith.constant 0 : i32
    %cond3A_35 = arith.cmpi ne, %convert_element_type3A_33, %cond3A_34 : i32
    scf.if %cond3A_35 {
      %mul3A_150 = arith.constant 512 : i32
      %mul3A_151 = arith.muli %get3A_23, %mul3A_150 : i32
      %multiple_of3A = tpu.assume_multiple %mul3A_151, 512 : i32
      %get3A_152 = arith.constant 0 : index
      %get3A_153 = arith.constant 1 : index
      %get3A_154 = arith.constant 0 : index
      %get3A_155 = arith.constant 0 : index
      %get3A_156 = vector.load %arg2[%get3A_152, %get3A_153, %get3A_154, %get3A_155] : memref<1x8x512x128xf32, #tpu.memory_space<vmem>>, vector<1x1x512x128xf32>
      %get3A_157 = vector.shape_cast %get3A_156 : vector<1x1x512x128xf32> to vector<512x128xf32>
      %get3A_158 = arith.index_cast %multiple_of3A : i32 to index
      %get3A_159 = arith.constant 0 : index
      %get3A_160 = vector.load %arg6[%get3A_158, %get3A_159] : memref<10240x128xf32, #tpu.memory_space<vmem>>, vector<512x128xf32>
      %get3A_161 = arith.constant 0 : index
      %get3A_162 = arith.constant 0 : index
      %get3A_163 = vector.load %arg3[%get3A_161, %get3A_162] : memref<128x384xf32, #tpu.memory_space<vmem>>, vector<128x384xf32>
      %dot_general3A = arith.constant dense<0.000000e+00> : vector<512x384xf32>
      %dot_general3A_164 = tpu.matmul %get3A_157, %get3A_163, %dot_general3A {dimension_numbers = #tpu.dot_dimension_numbers<[1], [0], [0], [1], [0, 0, 1, 1], [], []>, transpose_lhs_hint = false} : vector<512x128xf32>, vector<128x384xf32>, vector<512x384xf32> -> vector<512x384xf32>
      %get3A_165 = arith.constant 0 : index
      %get3A_166 = arith.constant 0 : index
      %get3A_167 = vector.load %arg5[%get3A_165, %get3A_166] : memref<2x384xf32, #tpu.memory_space<vmem>>, vector<1x384xf32>
      %add3A_168 = vector.broadcast %get3A_167 : vector<1x384xf32> to vector<512x384xf32>
      %add3A_169 = arith.addf %dot_general3A_164, %add3A_168 : vector<512x384xf32>
      %get3A_170 = arith.constant 0 : index
      %get3A_171 = arith.constant 0 : index
      %get3A_172 = vector.load %arg4[%get3A_170, %get3A_171] : memref<128x384xf32, #tpu.memory_space<vmem>>, vector<128x384xf32>
      %dot_general3A_173 = arith.constant dense<0.000000e+00> : vector<512x384xf32>
      %dot_general3A_174 = tpu.matmul %get3A_160, %get3A_172, %dot_general3A_173 {dimension_numbers = #tpu.dot_dimension_numbers<[1], [0], [0], [1], [0, 0, 1, 1], [], []>, transpose_lhs_hint = false} : vector<512x128xf32>, vector<128x384xf32>, vector<512x384xf32> -> vector<512x384xf32>
      %get3A_175 = arith.constant 1 : index
      %get3A_176 = arith.constant 0 : index
      %get3A_177 = vector.load %arg5[%get3A_175, %get3A_176] : memref<2x384xf32, #tpu.memory_space<vmem>>, vector<1x384xf32>
      %add3A_178 = vector.broadcast %get3A_177 : vector<1x384xf32> to vector<512x384xf32>
      %add3A_179 = arith.addf %dot_general3A_174, %add3A_178 : vector<512x384xf32>
      %slice3A = vector.extract_strided_slice %add3A_169 {offsets = [0, 0], sizes = [512, 128], strides = [1, 1]} : vector<512x384xf32> to vector<512x128xf32>
      %slice3A_180 = vector.extract_strided_slice %add3A_179 {offsets = [0, 0], sizes = [512, 128], strides = [1, 1]} : vector<512x384xf32> to vector<512x128xf32>
      %add3A_181 = arith.addf %slice3A, %slice3A_180 : vector<512x128xf32>
      %logistic3A = arith.negf %add3A_181 : vector<512x128xf32>
      %logistic3A_182 = math.exp %logistic3A : vector<512x128xf32>
      %logistic3A_183 = arith.constant 1.000000e+00 : f32
      %logistic3A_184 = vector.broadcast %logistic3A_183 : f32 to vector<512x128xf32>
      %logistic3A_185 = arith.addf %logistic3A_184, %logistic3A_182 : vector<512x128xf32>
      %logistic3A_186 = arith.divf %logistic3A_184, %logistic3A_185 : vector<512x128xf32>
      %slice3A_187 = vector.extract_strided_slice %add3A_169 {offsets = [0, 128], sizes = [512, 128], strides = [1, 1]} : vector<512x384xf32> to vector<512x128xf32>
      %slice3A_188 = vector.extract_strided_slice %add3A_179 {offsets = [0, 128], sizes = [512, 128], strides = [1, 1]} : vector<512x384xf32> to vector<512x128xf32>
      %add3A_189 = arith.addf %slice3A_187, %slice3A_188 : vector<512x128xf32>
      %logistic3A_190 = arith.negf %add3A_189 : vector<512x128xf32>
      %logistic3A_191 = math.exp %logistic3A_190 : vector<512x128xf32>
      %logistic3A_192 = arith.constant 1.000000e+00 : f32
      %logistic3A_193 = vector.broadcast %logistic3A_192 : f32 to vector<512x128xf32>
      %logistic3A_194 = arith.addf %logistic3A_193, %logistic3A_191 : vector<512x128xf32>
      %logistic3A_195 = arith.divf %logistic3A_193, %logistic3A_194 : vector<512x128xf32>
      %slice3A_196 = vector.extract_strided_slice %add3A_169 {offsets = [0, 256], sizes = [512, 128], strides = [1, 1]} : vector<512x384xf32> to vector<512x128xf32>
      %slice3A_197 = vector.extract_strided_slice %add3A_179 {offsets = [0, 256], sizes = [512, 128], strides = [1, 1]} : vector<512x384xf32> to vector<512x128xf32>
      %mul3A_198 = arith.mulf %logistic3A_186, %slice3A_197 : vector<512x128xf32>
      %add3A_199 = arith.addf %slice3A_196, %mul3A_198 : vector<512x128xf32>
      %tanh3A = math.tanh %add3A_199 : vector<512x128xf32>
      %sub3A = arith.subf %get3A_160, %tanh3A : vector<512x128xf32>
      %mul3A_200 = arith.mulf %logistic3A_195, %sub3A : vector<512x128xf32>
      %add3A_201 = arith.addf %tanh3A, %mul3A_200 : vector<512x128xf32>
      %iota3A = tpu.iota {dimensions = array<i32: 0>} : vector<512x1xi32>
      %lt3A = vector.broadcast %get3A_30 : i32 to vector<512x1xi32>
      %lt3A_202 = arith.cmpi slt, %iota3A, %lt3A : vector<512x1xi32>
      %broadcast_in_dim3A = vector.shape_cast %lt3A_202 : vector<512x1xi1> to vector<512x1xi1>
      %broadcast_in_dim3A_203 = vector.broadcast %broadcast_in_dim3A : vector<512x1xi1> to vector<512x128xi1>
      %select_n3A = arith.select %broadcast_in_dim3A_203, %add3A_201, %get3A_160 : vector<512x128xi1>, vector<512x128xf32>
      %swap3A = arith.index_cast %multiple_of3A : i32 to index
      %swap3A_204 = arith.constant 0 : index
      %swap3A_205 = vector.load %arg6[%swap3A, %swap3A_204] : memref<10240x128xf32, #tpu.memory_space<vmem>>, vector<512x128xf32>
      tpu.vector_store %arg6[%swap3A, %swap3A_204], %select_n3A {strides = array<i32>} : memref<10240x128xf32, #tpu.memory_space<vmem>>, vector<512x128xf32>,
    } else {
    }
    %mul3A_36 = arith.constant 8 : i32
    %mul3A_37 = arith.muli %arg0, %mul3A_36 : i32
    %add3A_38 = arith.constant 2 : i32
    %add3A_39 = arith.addi %mul3A_37, %add3A_38 : i32
    %get3A_40 = arith.constant 0 : index
    %get3A_41 = arith.index_cast %add3A_39 : i32 to index
    %get3A_42 = memref.load %arg1[%get3A_40, %get3A_41] : memref<2x832xi32, #tpu.memory_space<smem>>
    %mul3A_43 = arith.constant 8 : i32
    %mul3A_44 = arith.muli %arg0, %mul3A_43 : i32
    %add3A_45 = arith.constant 2 : i32
    %add3A_46 = arith.addi %mul3A_44, %add3A_45 : i32
    %get3A_47 = arith.constant 1 : index
    %get3A_48 = arith.index_cast %add3A_46 : i32 to index
    %get3A_49 = memref.load %arg1[%get3A_47, %get3A_48] : memref<2x832xi32, #tpu.memory_space<smem>>
    %gt3A_50 = arith.constant 0 : i32
    %gt3A_51 = arith.cmpi sgt, %get3A_49, %gt3A_50 : i32
    %convert_element_type3A_52 = arith.extui %gt3A_51 : i1 to i32
    %cond3A_53 = arith.constant 0 : i32
    %cond3A_54 = arith.cmpi ne, %convert_element_type3A_52, %cond3A_53 : i32
    scf.if %cond3A_54 {
      %mul3A_150 = arith.constant 512 : i32
      %mul3A_151 = arith.muli %get3A_42, %mul3A_150 : i32
      %multiple_of3A = tpu.assume_multiple %mul3A_151, 512 : i32
      %get3A_152 = arith.constant 0 : index
      %get3A_153 = arith.constant 2 : index
      %get3A_154 = arith.constant 0 : index
      %get3A_155 = arith.constant 0 : index
      %get3A_156 = vector.load %arg2[%get3A_152, %get3A_153, %get3A_154, %get3A_155] : memref<1x8x512x128xf32, #tpu.memory_space<vmem>>, vector<1x1x512x128xf32>
      %get3A_157 = vector.shape_cast %get3A_156 : vector<1x1x512x128xf32> to vector<512x128xf32>
      %get3A_158 = arith.index_cast %multiple_of3A : i32 to index
      %get3A_159 = arith.constant 0 : index
      %get3A_160 = vector.load %arg6[%get3A_158, %get3A_159] : memref<10240x128xf32, #tpu.memory_space<vmem>>, vector<512x128xf32>
      %get3A_161 = arith.constant 0 : index
      %get3A_162 = arith.constant 0 : index
      %get3A_163 = vector.load %arg3[%get3A_161, %get3A_162] : memref<128x384xf32, #tpu.memory_space<vmem>>, vector<128x384xf32>
      %dot_general3A = arith.constant dense<0.000000e+00> : vector<512x384xf32>
      %dot_general3A_164 = tpu.matmul %get3A_157, %get3A_163, %dot_general3A {dimension_numbers = #tpu.dot_dimension_numbers<[1], [0], [0], [1], [0, 0, 1, 1], [], []>, transpose_lhs_hint = false} : vector<512x128xf32>, vector<128x384xf32>, vector<512x384xf32> -> vector<512x384xf32>
      %get3A_165 = arith.constant 0 : index
      %get3A_166 = arith.constant 0 : index
      %get3A_167 = vector.load %arg5[%get3A_165, %get3A_166] : memref<2x384xf32, #tpu.memory_space<vmem>>, vector<1x384xf32>
      %add3A_168 = vector.broadcast %get3A_167 : vector<1x384xf32> to vector<512x384xf32>
      %add3A_169 = arith.addf %dot_general3A_164, %add3A_168 : vector<512x384xf32>
      %get3A_170 = arith.constant 0 : index
      %get3A_171 = arith.constant 0 : index
      %get3A_172 = vector.load %arg4[%get3A_170, %get3A_171] : memref<128x384xf32, #tpu.memory_space<vmem>>, vector<128x384xf32>
      %dot_general3A_173 = arith.constant dense<0.000000e+00> : vector<512x384xf32>
      %dot_general3A_174 = tpu.matmul %get3A_160, %get3A_172, %dot_general3A_173 {dimension_numbers = #tpu.dot_dimension_numbers<[1], [0], [0], [1], [0, 0, 1, 1], [], []>, transpose_lhs_hint = false} : vector<512x128xf32>, vector<128x384xf32>, vector<512x384xf32> -> vector<512x384xf32>
      %get3A_175 = arith.constant 1 : index
      %get3A_176 = arith.constant 0 : index
      %get3A_177 = vector.load %arg5[%get3A_175, %get3A_176] : memref<2x384xf32, #tpu.memory_space<vmem>>, vector<1x384xf32>
      %add3A_178 = vector.broadcast %get3A_177 : vector<1x384xf32> to vector<512x384xf32>
      %add3A_179 = arith.addf %dot_general3A_174, %add3A_178 : vector<512x384xf32>
      %slice3A = vector.extract_strided_slice %add3A_169 {offsets = [0, 0], sizes = [512, 128], strides = [1, 1]} : vector<512x384xf32> to vector<512x128xf32>
      %slice3A_180 = vector.extract_strided_slice %add3A_179 {offsets = [0, 0], sizes = [512, 128], strides = [1, 1]} : vector<512x384xf32> to vector<512x128xf32>
      %add3A_181 = arith.addf %slice3A, %slice3A_180 : vector<512x128xf32>
      %logistic3A = arith.negf %add3A_181 : vector<512x128xf32>
      %logistic3A_182 = math.exp %logistic3A : vector<512x128xf32>
      %logistic3A_183 = arith.constant 1.000000e+00 : f32
      %logistic3A_184 = vector.broadcast %logistic3A_183 : f32 to vector<512x128xf32>
      %logistic3A_185 = arith.addf %logistic3A_184, %logistic3A_182 : vector<512x128xf32>
      %logistic3A_186 = arith.divf %logistic3A_184, %logistic3A_185 : vector<512x128xf32>
      %slice3A_187 = vector.extract_strided_slice %add3A_169 {offsets = [0, 128], sizes = [512, 128], strides = [1, 1]} : vector<512x384xf32> to vector<512x128xf32>
      %slice3A_188 = vector.extract_strided_slice %add3A_179 {offsets = [0, 128], sizes = [512, 128], strides = [1, 1]} : vector<512x384xf32> to vector<512x128xf32>
      %add3A_189 = arith.addf %slice3A_187, %slice3A_188 : vector<512x128xf32>
      %logistic3A_190 = arith.negf %add3A_189 : vector<512x128xf32>
      %logistic3A_191 = math.exp %logistic3A_190 : vector<512x128xf32>
      %logistic3A_192 = arith.constant 1.000000e+00 : f32
      %logistic3A_193 = vector.broadcast %logistic3A_192 : f32 to vector<512x128xf32>
      %logistic3A_194 = arith.addf %logistic3A_193, %logistic3A_191 : vector<512x128xf32>
      %logistic3A_195 = arith.divf %logistic3A_193, %logistic3A_194 : vector<512x128xf32>
      %slice3A_196 = vector.extract_strided_slice %add3A_169 {offsets = [0, 256], sizes = [512, 128], strides = [1, 1]} : vector<512x384xf32> to vector<512x128xf32>
      %slice3A_197 = vector.extract_strided_slice %add3A_179 {offsets = [0, 256], sizes = [512, 128], strides = [1, 1]} : vector<512x384xf32> to vector<512x128xf32>
      %mul3A_198 = arith.mulf %logistic3A_186, %slice3A_197 : vector<512x128xf32>
      %add3A_199 = arith.addf %slice3A_196, %mul3A_198 : vector<512x128xf32>
      %tanh3A = math.tanh %add3A_199 : vector<512x128xf32>
      %sub3A = arith.subf %get3A_160, %tanh3A : vector<512x128xf32>
      %mul3A_200 = arith.mulf %logistic3A_195, %sub3A : vector<512x128xf32>
      %add3A_201 = arith.addf %tanh3A, %mul3A_200 : vector<512x128xf32>
      %iota3A = tpu.iota {dimensions = array<i32: 0>} : vector<512x1xi32>
      %lt3A = vector.broadcast %get3A_49 : i32 to vector<512x1xi32>
      %lt3A_202 = arith.cmpi slt, %iota3A, %lt3A : vector<512x1xi32>
      %broadcast_in_dim3A = vector.shape_cast %lt3A_202 : vector<512x1xi1> to vector<512x1xi1>
      %broadcast_in_dim3A_203 = vector.broadcast %broadcast_in_dim3A : vector<512x1xi1> to vector<512x128xi1>
      %select_n3A = arith.select %broadcast_in_dim3A_203, %add3A_201, %get3A_160 : vector<512x128xi1>, vector<512x128xf32>
      %swap3A = arith.index_cast %multiple_of3A : i32 to index
      %swap3A_204 = arith.constant 0 : index
      %swap3A_205 = vector.load %arg6[%swap3A, %swap3A_204] : memref<10240x128xf32, #tpu.memory_space<vmem>>, vector<512x128xf32>
      tpu.vector_store %arg6[%swap3A, %swap3A_204], %select_n3A {strides = array<i32>} : memref<10240x128xf32, #tpu.memory_space<vmem>>, vector<512x128xf32>,
    } else {
    }
    %mul3A_55 = arith.constant 8 : i32
    %mul3A_56 = arith.muli %arg0, %mul3A_55 : i32
    %add3A_57 = arith.constant 3 : i32
    %add3A_58 = arith.addi %mul3A_56, %add3A_57 : i32
    %get3A_59 = arith.constant 0 : index
    %get3A_60 = arith.index_cast %add3A_58 : i32 to index
    %get3A_61 = memref.load %arg1[%get3A_59, %get3A_60] : memref<2x832xi32, #tpu.memory_space<smem>>
    %mul3A_62 = arith.constant 8 : i32
    %mul3A_63 = arith.muli %arg0, %mul3A_62 : i32
    %add3A_64 = arith.constant 3 : i32
    %add3A_65 = arith.addi %mul3A_63, %add3A_64 : i32
    %get3A_66 = arith.constant 1 : index
    %get3A_67 = arith.index_cast %add3A_65 : i32 to index
    %get3A_68 = memref.load %arg1[%get3A_66, %get3A_67] : memref<2x832xi32, #tpu.memory_space<smem>>
    %gt3A_69 = arith.constant 0 : i32
    %gt3A_70 = arith.cmpi sgt, %get3A_68, %gt3A_69 : i32
    %convert_element_type3A_71 = arith.extui %gt3A_70 : i1 to i32
    %cond3A_72 = arith.constant 0 : i32
    %cond3A_73 = arith.cmpi ne, %convert_element_type3A_71, %cond3A_72 : i32
    scf.if %cond3A_73 {
      %mul3A_150 = arith.constant 512 : i32
      %mul3A_151 = arith.muli %get3A_61, %mul3A_150 : i32
      %multiple_of3A = tpu.assume_multiple %mul3A_151, 512 : i32
      %get3A_152 = arith.constant 0 : index
      %get3A_153 = arith.constant 3 : index
      %get3A_154 = arith.constant 0 : index
      %get3A_155 = arith.constant 0 : index
      %get3A_156 = vector.load %arg2[%get3A_152, %get3A_153, %get3A_154, %get3A_155] : memref<1x8x512x128xf32, #tpu.memory_space<vmem>>, vector<1x1x512x128xf32>
      %get3A_157 = vector.shape_cast %get3A_156 : vector<1x1x512x128xf32> to vector<512x128xf32>
      %get3A_158 = arith.index_cast %multiple_of3A : i32 to index
      %get3A_159 = arith.constant 0 : index
      %get3A_160 = vector.load %arg6[%get3A_158, %get3A_159] : memref<10240x128xf32, #tpu.memory_space<vmem>>, vector<512x128xf32>
      %get3A_161 = arith.constant 0 : index
      %get3A_162 = arith.constant 0 : index
      %get3A_163 = vector.load %arg3[%get3A_161, %get3A_162] : memref<128x384xf32, #tpu.memory_space<vmem>>, vector<128x384xf32>
      %dot_general3A = arith.constant dense<0.000000e+00> : vector<512x384xf32>
      %dot_general3A_164 = tpu.matmul %get3A_157, %get3A_163, %dot_general3A {dimension_numbers = #tpu.dot_dimension_numbers<[1], [0], [0], [1], [0, 0, 1, 1], [], []>, transpose_lhs_hint = false} : vector<512x128xf32>, vector<128x384xf32>, vector<512x384xf32> -> vector<512x384xf32>
      %get3A_165 = arith.constant 0 : index
      %get3A_166 = arith.constant 0 : index
      %get3A_167 = vector.load %arg5[%get3A_165, %get3A_166] : memref<2x384xf32, #tpu.memory_space<vmem>>, vector<1x384xf32>
      %add3A_168 = vector.broadcast %get3A_167 : vector<1x384xf32> to vector<512x384xf32>
      %add3A_169 = arith.addf %dot_general3A_164, %add3A_168 : vector<512x384xf32>
      %get3A_170 = arith.constant 0 : index
      %get3A_171 = arith.constant 0 : index
      %get3A_172 = vector.load %arg4[%get3A_170, %get3A_171] : memref<128x384xf32, #tpu.memory_space<vmem>>, vector<128x384xf32>
      %dot_general3A_173 = arith.constant dense<0.000000e+00> : vector<512x384xf32>
      %dot_general3A_174 = tpu.matmul %get3A_160, %get3A_172, %dot_general3A_173 {dimension_numbers = #tpu.dot_dimension_numbers<[1], [0], [0], [1], [0, 0, 1, 1], [], []>, transpose_lhs_hint = false} : vector<512x128xf32>, vector<128x384xf32>, vector<512x384xf32> -> vector<512x384xf32>
      %get3A_175 = arith.constant 1 : index
      %get3A_176 = arith.constant 0 : index
      %get3A_177 = vector.load %arg5[%get3A_175, %get3A_176] : memref<2x384xf32, #tpu.memory_space<vmem>>, vector<1x384xf32>
      %add3A_178 = vector.broadcast %get3A_177 : vector<1x384xf32> to vector<512x384xf32>
      %add3A_179 = arith.addf %dot_general3A_174, %add3A_178 : vector<512x384xf32>
      %slice3A = vector.extract_strided_slice %add3A_169 {offsets = [0, 0], sizes = [512, 128], strides = [1, 1]} : vector<512x384xf32> to vector<512x128xf32>
      %slice3A_180 = vector.extract_strided_slice %add3A_179 {offsets = [0, 0], sizes = [512, 128], strides = [1, 1]} : vector<512x384xf32> to vector<512x128xf32>
      %add3A_181 = arith.addf %slice3A, %slice3A_180 : vector<512x128xf32>
      %logistic3A = arith.negf %add3A_181 : vector<512x128xf32>
      %logistic3A_182 = math.exp %logistic3A : vector<512x128xf32>
      %logistic3A_183 = arith.constant 1.000000e+00 : f32
      %logistic3A_184 = vector.broadcast %logistic3A_183 : f32 to vector<512x128xf32>
      %logistic3A_185 = arith.addf %logistic3A_184, %logistic3A_182 : vector<512x128xf32>
      %logistic3A_186 = arith.divf %logistic3A_184, %logistic3A_185 : vector<512x128xf32>
      %slice3A_187 = vector.extract_strided_slice %add3A_169 {offsets = [0, 128], sizes = [512, 128], strides = [1, 1]} : vector<512x384xf32> to vector<512x128xf32>
      %slice3A_188 = vector.extract_strided_slice %add3A_179 {offsets = [0, 128], sizes = [512, 128], strides = [1, 1]} : vector<512x384xf32> to vector<512x128xf32>
      %add3A_189 = arith.addf %slice3A_187, %slice3A_188 : vector<512x128xf32>
      %logistic3A_190 = arith.negf %add3A_189 : vector<512x128xf32>
      %logistic3A_191 = math.exp %logistic3A_190 : vector<512x128xf32>
      %logistic3A_192 = arith.constant 1.000000e+00 : f32
      %logistic3A_193 = vector.broadcast %logistic3A_192 : f32 to vector<512x128xf32>
      %logistic3A_194 = arith.addf %logistic3A_193, %logistic3A_191 : vector<512x128xf32>
      %logistic3A_195 = arith.divf %logistic3A_193, %logistic3A_194 : vector<512x128xf32>
      %slice3A_196 = vector.extract_strided_slice %add3A_169 {offsets = [0, 256], sizes = [512, 128], strides = [1, 1]} : vector<512x384xf32> to vector<512x128xf32>
      %slice3A_197 = vector.extract_strided_slice %add3A_179 {offsets = [0, 256], sizes = [512, 128], strides = [1, 1]} : vector<512x384xf32> to vector<512x128xf32>
      %mul3A_198 = arith.mulf %logistic3A_186, %slice3A_197 : vector<512x128xf32>
      %add3A_199 = arith.addf %slice3A_196, %mul3A_198 : vector<512x128xf32>
      %tanh3A = math.tanh %add3A_199 : vector<512x128xf32>
      %sub3A = arith.subf %get3A_160, %tanh3A : vector<512x128xf32>
      %mul3A_200 = arith.mulf %logistic3A_195, %sub3A : vector<512x128xf32>
      %add3A_201 = arith.addf %tanh3A, %mul3A_200 : vector<512x128xf32>
      %iota3A = tpu.iota {dimensions = array<i32: 0>} : vector<512x1xi32>
      %lt3A = vector.broadcast %get3A_68 : i32 to vector<512x1xi32>
      %lt3A_202 = arith.cmpi slt, %iota3A, %lt3A : vector<512x1xi32>
      %broadcast_in_dim3A = vector.shape_cast %lt3A_202 : vector<512x1xi1> to vector<512x1xi1>
      %broadcast_in_dim3A_203 = vector.broadcast %broadcast_in_dim3A : vector<512x1xi1> to vector<512x128xi1>
      %select_n3A = arith.select %broadcast_in_dim3A_203, %add3A_201, %get3A_160 : vector<512x128xi1>, vector<512x128xf32>
      %swap3A = arith.index_cast %multiple_of3A : i32 to index
      %swap3A_204 = arith.constant 0 : index
      %swap3A_205 = vector.load %arg6[%swap3A, %swap3A_204] : memref<10240x128xf32, #tpu.memory_space<vmem>>, vector<512x128xf32>
      tpu.vector_store %arg6[%swap3A, %swap3A_204], %select_n3A {strides = array<i32>} : memref<10240x128xf32, #tpu.memory_space<vmem>>, vector<512x128xf32>,
    } else {
    }
    %mul3A_74 = arith.constant 8 : i32
    %mul3A_75 = arith.muli %arg0, %mul3A_74 : i32
    %add3A_76 = arith.constant 4 : i32
    %add3A_77 = arith.addi %mul3A_75, %add3A_76 : i32
    %get3A_78 = arith.constant 0 : index
    %get3A_79 = arith.index_cast %add3A_77 : i32 to index
    %get3A_80 = memref.load %arg1[%get3A_78, %get3A_79] : memref<2x832xi32, #tpu.memory_space<smem>>
    %mul3A_81 = arith.constant 8 : i32
    %mul3A_82 = arith.muli %arg0, %mul3A_81 : i32
    %add3A_83 = arith.constant 4 : i32
    %add3A_84 = arith.addi %mul3A_82, %add3A_83 : i32
    %get3A_85 = arith.constant 1 : index
    %get3A_86 = arith.index_cast %add3A_84 : i32 to index
    %get3A_87 = memref.load %arg1[%get3A_85, %get3A_86] : memref<2x832xi32, #tpu.memory_space<smem>>
    %gt3A_88 = arith.constant 0 : i32
    %gt3A_89 = arith.cmpi sgt, %get3A_87, %gt3A_88 : i32
    %convert_element_type3A_90 = arith.extui %gt3A_89 : i1 to i32
    %cond3A_91 = arith.constant 0 : i32
    %cond3A_92 = arith.cmpi ne, %convert_element_type3A_90, %cond3A_91 : i32
    scf.if %cond3A_92 {
      %mul3A_150 = arith.constant 512 : i32
      %mul3A_151 = arith.muli %get3A_80, %mul3A_150 : i32
      %multiple_of3A = tpu.assume_multiple %mul3A_151, 512 : i32
      %get3A_152 = arith.constant 0 : index
      %get3A_153 = arith.constant 4 : index
      %get3A_154 = arith.constant 0 : index
      %get3A_155 = arith.constant 0 : index
      %get3A_156 = vector.load %arg2[%get3A_152, %get3A_153, %get3A_154, %get3A_155] : memref<1x8x512x128xf32, #tpu.memory_space<vmem>>, vector<1x1x512x128xf32>
      %get3A_157 = vector.shape_cast %get3A_156 : vector<1x1x512x128xf32> to vector<512x128xf32>
      %get3A_158 = arith.index_cast %multiple_of3A : i32 to index
      %get3A_159 = arith.constant 0 : index
      %get3A_160 = vector.load %arg6[%get3A_158, %get3A_159] : memref<10240x128xf32, #tpu.memory_space<vmem>>, vector<512x128xf32>
      %get3A_161 = arith.constant 0 : index
      %get3A_162 = arith.constant 0 : index
      %get3A_163 = vector.load %arg3[%get3A_161, %get3A_162] : memref<128x384xf32, #tpu.memory_space<vmem>>, vector<128x384xf32>
      %dot_general3A = arith.constant dense<0.000000e+00> : vector<512x384xf32>
      %dot_general3A_164 = tpu.matmul %get3A_157, %get3A_163, %dot_general3A {dimension_numbers = #tpu.dot_dimension_numbers<[1], [0], [0], [1], [0, 0, 1, 1], [], []>, transpose_lhs_hint = false} : vector<512x128xf32>, vector<128x384xf32>, vector<512x384xf32> -> vector<512x384xf32>
      %get3A_165 = arith.constant 0 : index
      %get3A_166 = arith.constant 0 : index
      %get3A_167 = vector.load %arg5[%get3A_165, %get3A_166] : memref<2x384xf32, #tpu.memory_space<vmem>>, vector<1x384xf32>
      %add3A_168 = vector.broadcast %get3A_167 : vector<1x384xf32> to vector<512x384xf32>
      %add3A_169 = arith.addf %dot_general3A_164, %add3A_168 : vector<512x384xf32>
      %get3A_170 = arith.constant 0 : index
      %get3A_171 = arith.constant 0 : index
      %get3A_172 = vector.load %arg4[%get3A_170, %get3A_171] : memref<128x384xf32, #tpu.memory_space<vmem>>, vector<128x384xf32>
      %dot_general3A_173 = arith.constant dense<0.000000e+00> : vector<512x384xf32>
      %dot_general3A_174 = tpu.matmul %get3A_160, %get3A_172, %dot_general3A_173 {dimension_numbers = #tpu.dot_dimension_numbers<[1], [0], [0], [1], [0, 0, 1, 1], [], []>, transpose_lhs_hint = false} : vector<512x128xf32>, vector<128x384xf32>, vector<512x384xf32> -> vector<512x384xf32>
      %get3A_175 = arith.constant 1 : index
      %get3A_176 = arith.constant 0 : index
      %get3A_177 = vector.load %arg5[%get3A_175, %get3A_176] : memref<2x384xf32, #tpu.memory_space<vmem>>, vector<1x384xf32>
      %add3A_178 = vector.broadcast %get3A_177 : vector<1x384xf32> to vector<512x384xf32>
      %add3A_179 = arith.addf %dot_general3A_174, %add3A_178 : vector<512x384xf32>
      %slice3A = vector.extract_strided_slice %add3A_169 {offsets = [0, 0], sizes = [512, 128], strides = [1, 1]} : vector<512x384xf32> to vector<512x128xf32>
      %slice3A_180 = vector.extract_strided_slice %add3A_179 {offsets = [0, 0], sizes = [512, 128], strides = [1, 1]} : vector<512x384xf32> to vector<512x128xf32>
      %add3A_181 = arith.addf %slice3A, %slice3A_180 : vector<512x128xf32>
      %logistic3A = arith.negf %add3A_181 : vector<512x128xf32>
      %logistic3A_182 = math.exp %logistic3A : vector<512x128xf32>
      %logistic3A_183 = arith.constant 1.000000e+00 : f32
      %logistic3A_184 = vector.broadcast %logistic3A_183 : f32 to vector<512x128xf32>
      %logistic3A_185 = arith.addf %logistic3A_184, %logistic3A_182 : vector<512x128xf32>
      %logistic3A_186 = arith.divf %logistic3A_184, %logistic3A_185 : vector<512x128xf32>
      %slice3A_187 = vector.extract_strided_slice %add3A_169 {offsets = [0, 128], sizes = [512, 128], strides = [1, 1]} : vector<512x384xf32> to vector<512x128xf32>
      %slice3A_188 = vector.extract_strided_slice %add3A_179 {offsets = [0, 128], sizes = [512, 128], strides = [1, 1]} : vector<512x384xf32> to vector<512x128xf32>
      %add3A_189 = arith.addf %slice3A_187, %slice3A_188 : vector<512x128xf32>
      %logistic3A_190 = arith.negf %add3A_189 : vector<512x128xf32>
      %logistic3A_191 = math.exp %logistic3A_190 : vector<512x128xf32>
      %logistic3A_192 = arith.constant 1.000000e+00 : f32
      %logistic3A_193 = vector.broadcast %logistic3A_192 : f32 to vector<512x128xf32>
      %logistic3A_194 = arith.addf %logistic3A_193, %logistic3A_191 : vector<512x128xf32>
      %logistic3A_195 = arith.divf %logistic3A_193, %logistic3A_194 : vector<512x128xf32>
      %slice3A_196 = vector.extract_strided_slice %add3A_169 {offsets = [0, 256], sizes = [512, 128], strides = [1, 1]} : vector<512x384xf32> to vector<512x128xf32>
      %slice3A_197 = vector.extract_strided_slice %add3A_179 {offsets = [0, 256], sizes = [512, 128], strides = [1, 1]} : vector<512x384xf32> to vector<512x128xf32>
      %mul3A_198 = arith.mulf %logistic3A_186, %slice3A_197 : vector<512x128xf32>
      %add3A_199 = arith.addf %slice3A_196, %mul3A_198 : vector<512x128xf32>
      %tanh3A = math.tanh %add3A_199 : vector<512x128xf32>
      %sub3A = arith.subf %get3A_160, %tanh3A : vector<512x128xf32>
      %mul3A_200 = arith.mulf %logistic3A_195, %sub3A : vector<512x128xf32>
      %add3A_201 = arith.addf %tanh3A, %mul3A_200 : vector<512x128xf32>
      %iota3A = tpu.iota {dimensions = array<i32: 0>} : vector<512x1xi32>
      %lt3A = vector.broadcast %get3A_87 : i32 to vector<512x1xi32>
      %lt3A_202 = arith.cmpi slt, %iota3A, %lt3A : vector<512x1xi32>
      %broadcast_in_dim3A = vector.shape_cast %lt3A_202 : vector<512x1xi1> to vector<512x1xi1>
      %broadcast_in_dim3A_203 = vector.broadcast %broadcast_in_dim3A : vector<512x1xi1> to vector<512x128xi1>
      %select_n3A = arith.select %broadcast_in_dim3A_203, %add3A_201, %get3A_160 : vector<512x128xi1>, vector<512x128xf32>
      %swap3A = arith.index_cast %multiple_of3A : i32 to index
      %swap3A_204 = arith.constant 0 : index
      %swap3A_205 = vector.load %arg6[%swap3A, %swap3A_204] : memref<10240x128xf32, #tpu.memory_space<vmem>>, vector<512x128xf32>
      tpu.vector_store %arg6[%swap3A, %swap3A_204], %select_n3A {strides = array<i32>} : memref<10240x128xf32, #tpu.memory_space<vmem>>, vector<512x128xf32>,
    } else {
    }
    %mul3A_93 = arith.constant 8 : i32
    %mul3A_94 = arith.muli %arg0, %mul3A_93 : i32
    %add3A_95 = arith.constant 5 : i32
    %add3A_96 = arith.addi %mul3A_94, %add3A_95 : i32
    %get3A_97 = arith.constant 0 : index
    %get3A_98 = arith.index_cast %add3A_96 : i32 to index
    %get3A_99 = memref.load %arg1[%get3A_97, %get3A_98] : memref<2x832xi32, #tpu.memory_space<smem>>
    %mul3A_100 = arith.constant 8 : i32
    %mul3A_101 = arith.muli %arg0, %mul3A_100 : i32
    %add3A_102 = arith.constant 5 : i32
    %add3A_103 = arith.addi %mul3A_101, %add3A_102 : i32
    %get3A_104 = arith.constant 1 : index
    %get3A_105 = arith.index_cast %add3A_103 : i32 to index
    %get3A_106 = memref.load %arg1[%get3A_104, %get3A_105] : memref<2x832xi32, #tpu.memory_space<smem>>
    %gt3A_107 = arith.constant 0 : i32
    %gt3A_108 = arith.cmpi sgt, %get3A_106, %gt3A_107 : i32
    %convert_element_type3A_109 = arith.extui %gt3A_108 : i1 to i32
    %cond3A_110 = arith.constant 0 : i32
    %cond3A_111 = arith.cmpi ne, %convert_element_type3A_109, %cond3A_110 : i32
    scf.if %cond3A_111 {
      %mul3A_150 = arith.constant 512 : i32
      %mul3A_151 = arith.muli %get3A_99, %mul3A_150 : i32
      %multiple_of3A = tpu.assume_multiple %mul3A_151, 512 : i32
      %get3A_152 = arith.constant 0 : index
      %get3A_153 = arith.constant 5 : index
      %get3A_154 = arith.constant 0 : index
      %get3A_155 = arith.constant 0 : index
      %get3A_156 = vector.load %arg2[%get3A_152, %get3A_153, %get3A_154, %get3A_155] : memref<1x8x512x128xf32, #tpu.memory_space<vmem>>, vector<1x1x512x128xf32>
      %get3A_157 = vector.shape_cast %get3A_156 : vector<1x1x512x128xf32> to vector<512x128xf32>
      %get3A_158 = arith.index_cast %multiple_of3A : i32 to index
      %get3A_159 = arith.constant 0 : index
      %get3A_160 = vector.load %arg6[%get3A_158, %get3A_159] : memref<10240x128xf32, #tpu.memory_space<vmem>>, vector<512x128xf32>
      %get3A_161 = arith.constant 0 : index
      %get3A_162 = arith.constant 0 : index
      %get3A_163 = vector.load %arg3[%get3A_161, %get3A_162] : memref<128x384xf32, #tpu.memory_space<vmem>>, vector<128x384xf32>
      %dot_general3A = arith.constant dense<0.000000e+00> : vector<512x384xf32>
      %dot_general3A_164 = tpu.matmul %get3A_157, %get3A_163, %dot_general3A {dimension_numbers = #tpu.dot_dimension_numbers<[1], [0], [0], [1], [0, 0, 1, 1], [], []>, transpose_lhs_hint = false} : vector<512x128xf32>, vector<128x384xf32>, vector<512x384xf32> -> vector<512x384xf32>
      %get3A_165 = arith.constant 0 : index
      %get3A_166 = arith.constant 0 : index
      %get3A_167 = vector.load %arg5[%get3A_165, %get3A_166] : memref<2x384xf32, #tpu.memory_space<vmem>>, vector<1x384xf32>
      %add3A_168 = vector.broadcast %get3A_167 : vector<1x384xf32> to vector<512x384xf32>
      %add3A_169 = arith.addf %dot_general3A_164, %add3A_168 : vector<512x384xf32>
      %get3A_170 = arith.constant 0 : index
      %get3A_171 = arith.constant 0 : index
      %get3A_172 = vector.load %arg4[%get3A_170, %get3A_171] : memref<128x384xf32, #tpu.memory_space<vmem>>, vector<128x384xf32>
      %dot_general3A_173 = arith.constant dense<0.000000e+00> : vector<512x384xf32>
      %dot_general3A_174 = tpu.matmul %get3A_160, %get3A_172, %dot_general3A_173 {dimension_numbers = #tpu.dot_dimension_numbers<[1], [0], [0], [1], [0, 0, 1, 1], [], []>, transpose_lhs_hint = false} : vector<512x128xf32>, vector<128x384xf32>, vector<512x384xf32> -> vector<512x384xf32>
      %get3A_175 = arith.constant 1 : index
      %get3A_176 = arith.constant 0 : index
      %get3A_177 = vector.load %arg5[%get3A_175, %get3A_176] : memref<2x384xf32, #tpu.memory_space<vmem>>, vector<1x384xf32>
      %add3A_178 = vector.broadcast %get3A_177 : vector<1x384xf32> to vector<512x384xf32>
      %add3A_179 = arith.addf %dot_general3A_174, %add3A_178 : vector<512x384xf32>
      %slice3A = vector.extract_strided_slice %add3A_169 {offsets = [0, 0], sizes = [512, 128], strides = [1, 1]} : vector<512x384xf32> to vector<512x128xf32>
      %slice3A_180 = vector.extract_strided_slice %add3A_179 {offsets = [0, 0], sizes = [512, 128], strides = [1, 1]} : vector<512x384xf32> to vector<512x128xf32>
      %add3A_181 = arith.addf %slice3A, %slice3A_180 : vector<512x128xf32>
      %logistic3A = arith.negf %add3A_181 : vector<512x128xf32>
      %logistic3A_182 = math.exp %logistic3A : vector<512x128xf32>
      %logistic3A_183 = arith.constant 1.000000e+00 : f32
      %logistic3A_184 = vector.broadcast %logistic3A_183 : f32 to vector<512x128xf32>
      %logistic3A_185 = arith.addf %logistic3A_184, %logistic3A_182 : vector<512x128xf32>
      %logistic3A_186 = arith.divf %logistic3A_184, %logistic3A_185 : vector<512x128xf32>
      %slice3A_187 = vector.extract_strided_slice %add3A_169 {offsets = [0, 128], sizes = [512, 128], strides = [1, 1]} : vector<512x384xf32> to vector<512x128xf32>
      %slice3A_188 = vector.extract_strided_slice %add3A_179 {offsets = [0, 128], sizes = [512, 128], strides = [1, 1]} : vector<512x384xf32> to vector<512x128xf32>
      %add3A_189 = arith.addf %slice3A_187, %slice3A_188 : vector<512x128xf32>
      %logistic3A_190 = arith.negf %add3A_189 : vector<512x128xf32>
      %logistic3A_191 = math.exp %logistic3A_190 : vector<512x128xf32>
      %logistic3A_192 = arith.constant 1.000000e+00 : f32
      %logistic3A_193 = vector.broadcast %logistic3A_192 : f32 to vector<512x128xf32>
      %logistic3A_194 = arith.addf %logistic3A_193, %logistic3A_191 : vector<512x128xf32>
      %logistic3A_195 = arith.divf %logistic3A_193, %logistic3A_194 : vector<512x128xf32>
      %slice3A_196 = vector.extract_strided_slice %add3A_169 {offsets = [0, 256], sizes = [512, 128], strides = [1, 1]} : vector<512x384xf32> to vector<512x128xf32>
      %slice3A_197 = vector.extract_strided_slice %add3A_179 {offsets = [0, 256], sizes = [512, 128], strides = [1, 1]} : vector<512x384xf32> to vector<512x128xf32>
      %mul3A_198 = arith.mulf %logistic3A_186, %slice3A_197 : vector<512x128xf32>
      %add3A_199 = arith.addf %slice3A_196, %mul3A_198 : vector<512x128xf32>
      %tanh3A = math.tanh %add3A_199 : vector<512x128xf32>
      %sub3A = arith.subf %get3A_160, %tanh3A : vector<512x128xf32>
      %mul3A_200 = arith.mulf %logistic3A_195, %sub3A : vector<512x128xf32>
      %add3A_201 = arith.addf %tanh3A, %mul3A_200 : vector<512x128xf32>
      %iota3A = tpu.iota {dimensions = array<i32: 0>} : vector<512x1xi32>
      %lt3A = vector.broadcast %get3A_106 : i32 to vector<512x1xi32>
      %lt3A_202 = arith.cmpi slt, %iota3A, %lt3A : vector<512x1xi32>
      %broadcast_in_dim3A = vector.shape_cast %lt3A_202 : vector<512x1xi1> to vector<512x1xi1>
      %broadcast_in_dim3A_203 = vector.broadcast %broadcast_in_dim3A : vector<512x1xi1> to vector<512x128xi1>
      %select_n3A = arith.select %broadcast_in_dim3A_203, %add3A_201, %get3A_160 : vector<512x128xi1>, vector<512x128xf32>
      %swap3A = arith.index_cast %multiple_of3A : i32 to index
      %swap3A_204 = arith.constant 0 : index
      %swap3A_205 = vector.load %arg6[%swap3A, %swap3A_204] : memref<10240x128xf32, #tpu.memory_space<vmem>>, vector<512x128xf32>
      tpu.vector_store %arg6[%swap3A, %swap3A_204], %select_n3A {strides = array<i32>} : memref<10240x128xf32, #tpu.memory_space<vmem>>, vector<512x128xf32>,
    } else {
    }
    %mul3A_112 = arith.constant 8 : i32
    %mul3A_113 = arith.muli %arg0, %mul3A_112 : i32
    %add3A_114 = arith.constant 6 : i32
    %add3A_115 = arith.addi %mul3A_113, %add3A_114 : i32
    %get3A_116 = arith.constant 0 : index
    %get3A_117 = arith.index_cast %add3A_115 : i32 to index
    %get3A_118 = memref.load %arg1[%get3A_116, %get3A_117] : memref<2x832xi32, #tpu.memory_space<smem>>
    %mul3A_119 = arith.constant 8 : i32
    %mul3A_120 = arith.muli %arg0, %mul3A_119 : i32
    %add3A_121 = arith.constant 6 : i32
    %add3A_122 = arith.addi %mul3A_120, %add3A_121 : i32
    %get3A_123 = arith.constant 1 : index
    %get3A_124 = arith.index_cast %add3A_122 : i32 to index
    %get3A_125 = memref.load %arg1[%get3A_123, %get3A_124] : memref<2x832xi32, #tpu.memory_space<smem>>
    %gt3A_126 = arith.constant 0 : i32
    %gt3A_127 = arith.cmpi sgt, %get3A_125, %gt3A_126 : i32
    %convert_element_type3A_128 = arith.extui %gt3A_127 : i1 to i32
    %cond3A_129 = arith.constant 0 : i32
    %cond3A_130 = arith.cmpi ne, %convert_element_type3A_128, %cond3A_129 : i32
    scf.if %cond3A_130 {
      %mul3A_150 = arith.constant 512 : i32
      %mul3A_151 = arith.muli %get3A_118, %mul3A_150 : i32
      %multiple_of3A = tpu.assume_multiple %mul3A_151, 512 : i32
      %get3A_152 = arith.constant 0 : index
      %get3A_153 = arith.constant 6 : index
      %get3A_154 = arith.constant 0 : index
      %get3A_155 = arith.constant 0 : index
      %get3A_156 = vector.load %arg2[%get3A_152, %get3A_153, %get3A_154, %get3A_155] : memref<1x8x512x128xf32, #tpu.memory_space<vmem>>, vector<1x1x512x128xf32>
      %get3A_157 = vector.shape_cast %get3A_156 : vector<1x1x512x128xf32> to vector<512x128xf32>
      %get3A_158 = arith.index_cast %multiple_of3A : i32 to index
      %get3A_159 = arith.constant 0 : index
      %get3A_160 = vector.load %arg6[%get3A_158, %get3A_159] : memref<10240x128xf32, #tpu.memory_space<vmem>>, vector<512x128xf32>
      %get3A_161 = arith.constant 0 : index
      %get3A_162 = arith.constant 0 : index
      %get3A_163 = vector.load %arg3[%get3A_161, %get3A_162] : memref<128x384xf32, #tpu.memory_space<vmem>>, vector<128x384xf32>
      %dot_general3A = arith.constant dense<0.000000e+00> : vector<512x384xf32>
      %dot_general3A_164 = tpu.matmul %get3A_157, %get3A_163, %dot_general3A {dimension_numbers = #tpu.dot_dimension_numbers<[1], [0], [0], [1], [0, 0, 1, 1], [], []>, transpose_lhs_hint = false} : vector<512x128xf32>, vector<128x384xf32>, vector<512x384xf32> -> vector<512x384xf32>
      %get3A_165 = arith.constant 0 : index
      %get3A_166 = arith.constant 0 : index
      %get3A_167 = vector.load %arg5[%get3A_165, %get3A_166] : memref<2x384xf32, #tpu.memory_space<vmem>>, vector<1x384xf32>
      %add3A_168 = vector.broadcast %get3A_167 : vector<1x384xf32> to vector<512x384xf32>
      %add3A_169 = arith.addf %dot_general3A_164, %add3A_168 : vector<512x384xf32>
      %get3A_170 = arith.constant 0 : index
      %get3A_171 = arith.constant 0 : index
      %get3A_172 = vector.load %arg4[%get3A_170, %get3A_171] : memref<128x384xf32, #tpu.memory_space<vmem>>, vector<128x384xf32>
      %dot_general3A_173 = arith.constant dense<0.000000e+00> : vector<512x384xf32>
      %dot_general3A_174 = tpu.matmul %get3A_160, %get3A_172, %dot_general3A_173 {dimension_numbers = #tpu.dot_dimension_numbers<[1], [0], [0], [1], [0, 0, 1, 1], [], []>, transpose_lhs_hint = false} : vector<512x128xf32>, vector<128x384xf32>, vector<512x384xf32> -> vector<512x384xf32>
      %get3A_175 = arith.constant 1 : index
      %get3A_176 = arith.constant 0 : index
      %get3A_177 = vector.load %arg5[%get3A_175, %get3A_176] : memref<2x384xf32, #tpu.memory_space<vmem>>, vector<1x384xf32>
      %add3A_178 = vector.broadcast %get3A_177 : vector<1x384xf32> to vector<512x384xf32>
      %add3A_179 = arith.addf %dot_general3A_174, %add3A_178 : vector<512x384xf32>
      %slice3A = vector.extract_strided_slice %add3A_169 {offsets = [0, 0], sizes = [512, 128], strides = [1, 1]} : vector<512x384xf32> to vector<512x128xf32>
      %slice3A_180 = vector.extract_strided_slice %add3A_179 {offsets = [0, 0], sizes = [512, 128], strides = [1, 1]} : vector<512x384xf32> to vector<512x128xf32>
      %add3A_181 = arith.addf %slice3A, %slice3A_180 : vector<512x128xf32>
      %logistic3A = arith.negf %add3A_181 : vector<512x128xf32>
      %logistic3A_182 = math.exp %logistic3A : vector<512x128xf32>
      %logistic3A_183 = arith.constant 1.000000e+00 : f32
      %logistic3A_184 = vector.broadcast %logistic3A_183 : f32 to vector<512x128xf32>
      %logistic3A_185 = arith.addf %logistic3A_184, %logistic3A_182 : vector<512x128xf32>
      %logistic3A_186 = arith.divf %logistic3A_184, %logistic3A_185 : vector<512x128xf32>
      %slice3A_187 = vector.extract_strided_slice %add3A_169 {offsets = [0, 128], sizes = [512, 128], strides = [1, 1]} : vector<512x384xf32> to vector<512x128xf32>
      %slice3A_188 = vector.extract_strided_slice %add3A_179 {offsets = [0, 128], sizes = [512, 128], strides = [1, 1]} : vector<512x384xf32> to vector<512x128xf32>
      %add3A_189 = arith.addf %slice3A_187, %slice3A_188 : vector<512x128xf32>
      %logistic3A_190 = arith.negf %add3A_189 : vector<512x128xf32>
      %logistic3A_191 = math.exp %logistic3A_190 : vector<512x128xf32>
      %logistic3A_192 = arith.constant 1.000000e+00 : f32
      %logistic3A_193 = vector.broadcast %logistic3A_192 : f32 to vector<512x128xf32>
      %logistic3A_194 = arith.addf %logistic3A_193, %logistic3A_191 : vector<512x128xf32>
      %logistic3A_195 = arith.divf %logistic3A_193, %logistic3A_194 : vector<512x128xf32>
      %slice3A_196 = vector.extract_strided_slice %add3A_169 {offsets = [0, 256], sizes = [512, 128], strides = [1, 1]} : vector<512x384xf32> to vector<512x128xf32>
      %slice3A_197 = vector.extract_strided_slice %add3A_179 {offsets = [0, 256], sizes = [512, 128], strides = [1, 1]} : vector<512x384xf32> to vector<512x128xf32>
      %mul3A_198 = arith.mulf %logistic3A_186, %slice3A_197 : vector<512x128xf32>
      %add3A_199 = arith.addf %slice3A_196, %mul3A_198 : vector<512x128xf32>
      %tanh3A = math.tanh %add3A_199 : vector<512x128xf32>
      %sub3A = arith.subf %get3A_160, %tanh3A : vector<512x128xf32>
      %mul3A_200 = arith.mulf %logistic3A_195, %sub3A : vector<512x128xf32>
      %add3A_201 = arith.addf %tanh3A, %mul3A_200 : vector<512x128xf32>
      %iota3A = tpu.iota {dimensions = array<i32: 0>} : vector<512x1xi32>
      %lt3A = vector.broadcast %get3A_125 : i32 to vector<512x1xi32>
      %lt3A_202 = arith.cmpi slt, %iota3A, %lt3A : vector<512x1xi32>
      %broadcast_in_dim3A = vector.shape_cast %lt3A_202 : vector<512x1xi1> to vector<512x1xi1>
      %broadcast_in_dim3A_203 = vector.broadcast %broadcast_in_dim3A : vector<512x1xi1> to vector<512x128xi1>
      %select_n3A = arith.select %broadcast_in_dim3A_203, %add3A_201, %get3A_160 : vector<512x128xi1>, vector<512x128xf32>
      %swap3A = arith.index_cast %multiple_of3A : i32 to index
      %swap3A_204 = arith.constant 0 : index
      %swap3A_205 = vector.load %arg6[%swap3A, %swap3A_204] : memref<10240x128xf32, #tpu.memory_space<vmem>>, vector<512x128xf32>
      tpu.vector_store %arg6[%swap3A, %swap3A_204], %select_n3A {strides = array<i32>} : memref<10240x128xf32, #tpu.memory_space<vmem>>, vector<512x128xf32>,
    } else {
    }
    %mul3A_131 = arith.constant 8 : i32
    %mul3A_132 = arith.muli %arg0, %mul3A_131 : i32
    %add3A_133 = arith.constant 7 : i32
    %add3A_134 = arith.addi %mul3A_132, %add3A_133 : i32
    %get3A_135 = arith.constant 0 : index
    %get3A_136 = arith.index_cast %add3A_134 : i32 to index
    %get3A_137 = memref.load %arg1[%get3A_135, %get3A_136] : memref<2x832xi32, #tpu.memory_space<smem>>
    %mul3A_138 = arith.constant 8 : i32
    %mul3A_139 = arith.muli %arg0, %mul3A_138 : i32
    %add3A_140 = arith.constant 7 : i32
    %add3A_141 = arith.addi %mul3A_139, %add3A_140 : i32
    %get3A_142 = arith.constant 1 : index
    %get3A_143 = arith.index_cast %add3A_141 : i32 to index
    %get3A_144 = memref.load %arg1[%get3A_142, %get3A_143] : memref<2x832xi32, #tpu.memory_space<smem>>
    %gt3A_145 = arith.constant 0 : i32
    %gt3A_146 = arith.cmpi sgt, %get3A_144, %gt3A_145 : i32
    %convert_element_type3A_147 = arith.extui %gt3A_146 : i1 to i32
    %cond3A_148 = arith.constant 0 : i32
    %cond3A_149 = arith.cmpi ne, %convert_element_type3A_147, %cond3A_148 : i32
    scf.if %cond3A_149 {
      %mul3A_150 = arith.constant 512 : i32
      %mul3A_151 = arith.muli %get3A_137, %mul3A_150 : i32
      %multiple_of3A = tpu.assume_multiple %mul3A_151, 512 : i32
      %get3A_152 = arith.constant 0 : index
      %get3A_153 = arith.constant 7 : index
      %get3A_154 = arith.constant 0 : index
      %get3A_155 = arith.constant 0 : index
      %get3A_156 = vector.load %arg2[%get3A_152, %get3A_153, %get3A_154, %get3A_155] : memref<1x8x512x128xf32, #tpu.memory_space<vmem>>, vector<1x1x512x128xf32>
      %get3A_157 = vector.shape_cast %get3A_156 : vector<1x1x512x128xf32> to vector<512x128xf32>
      %get3A_158 = arith.index_cast %multiple_of3A : i32 to index
      %get3A_159 = arith.constant 0 : index
      %get3A_160 = vector.load %arg6[%get3A_158, %get3A_159] : memref<10240x128xf32, #tpu.memory_space<vmem>>, vector<512x128xf32>
      %get3A_161 = arith.constant 0 : index
      %get3A_162 = arith.constant 0 : index
      %get3A_163 = vector.load %arg3[%get3A_161, %get3A_162] : memref<128x384xf32, #tpu.memory_space<vmem>>, vector<128x384xf32>
      %dot_general3A = arith.constant dense<0.000000e+00> : vector<512x384xf32>
      %dot_general3A_164 = tpu.matmul %get3A_157, %get3A_163, %dot_general3A {dimension_numbers = #tpu.dot_dimension_numbers<[1], [0], [0], [1], [0, 0, 1, 1], [], []>, transpose_lhs_hint = false} : vector<512x128xf32>, vector<128x384xf32>, vector<512x384xf32> -> vector<512x384xf32>
      %get3A_165 = arith.constant 0 : index
      %get3A_166 = arith.constant 0 : index
      %get3A_167 = vector.load %arg5[%get3A_165, %get3A_166] : memref<2x384xf32, #tpu.memory_space<vmem>>, vector<1x384xf32>
      %add3A_168 = vector.broadcast %get3A_167 : vector<1x384xf32> to vector<512x384xf32>
      %add3A_169 = arith.addf %dot_general3A_164, %add3A_168 : vector<512x384xf32>
      %get3A_170 = arith.constant 0 : index
      %get3A_171 = arith.constant 0 : index
      %get3A_172 = vector.load %arg4[%get3A_170, %get3A_171] : memref<128x384xf32, #tpu.memory_space<vmem>>, vector<128x384xf32>
      %dot_general3A_173 = arith.constant dense<0.000000e+00> : vector<512x384xf32>
      %dot_general3A_174 = tpu.matmul %get3A_160, %get3A_172, %dot_general3A_173 {dimension_numbers = #tpu.dot_dimension_numbers<[1], [0], [0], [1], [0, 0, 1, 1], [], []>, transpose_lhs_hint = false} : vector<512x128xf32>, vector<128x384xf32>, vector<512x384xf32> -> vector<512x384xf32>
      %get3A_175 = arith.constant 1 : index
      %get3A_176 = arith.constant 0 : index
      %get3A_177 = vector.load %arg5[%get3A_175, %get3A_176] : memref<2x384xf32, #tpu.memory_space<vmem>>, vector<1x384xf32>
      %add3A_178 = vector.broadcast %get3A_177 : vector<1x384xf32> to vector<512x384xf32>
      %add3A_179 = arith.addf %dot_general3A_174, %add3A_178 : vector<512x384xf32>
      %slice3A = vector.extract_strided_slice %add3A_169 {offsets = [0, 0], sizes = [512, 128], strides = [1, 1]} : vector<512x384xf32> to vector<512x128xf32>
      %slice3A_180 = vector.extract_strided_slice %add3A_179 {offsets = [0, 0], sizes = [512, 128], strides = [1, 1]} : vector<512x384xf32> to vector<512x128xf32>
      %add3A_181 = arith.addf %slice3A, %slice3A_180 : vector<512x128xf32>
      %logistic3A = arith.negf %add3A_181 : vector<512x128xf32>
      %logistic3A_182 = math.exp %logistic3A : vector<512x128xf32>
      %logistic3A_183 = arith.constant 1.000000e+00 : f32
      %logistic3A_184 = vector.broadcast %logistic3A_183 : f32 to vector<512x128xf32>
      %logistic3A_185 = arith.addf %logistic3A_184, %logistic3A_182 : vector<512x128xf32>
      %logistic3A_186 = arith.divf %logistic3A_184, %logistic3A_185 : vector<512x128xf32>
      %slice3A_187 = vector.extract_strided_slice %add3A_169 {offsets = [0, 128], sizes = [512, 128], strides = [1, 1]} : vector<512x384xf32> to vector<512x128xf32>
      %slice3A_188 = vector.extract_strided_slice %add3A_179 {offsets = [0, 128], sizes = [512, 128], strides = [1, 1]} : vector<512x384xf32> to vector<512x128xf32>
      %add3A_189 = arith.addf %slice3A_187, %slice3A_188 : vector<512x128xf32>
      %logistic3A_190 = arith.negf %add3A_189 : vector<512x128xf32>
      %logistic3A_191 = math.exp %logistic3A_190 : vector<512x128xf32>
      %logistic3A_192 = arith.constant 1.000000e+00 : f32
      %logistic3A_193 = vector.broadcast %logistic3A_192 : f32 to vector<512x128xf32>
      %logistic3A_194 = arith.addf %logistic3A_193, %logistic3A_191 : vector<512x128xf32>
      %logistic3A_195 = arith.divf %logistic3A_193, %logistic3A_194 : vector<512x128xf32>
      %slice3A_196 = vector.extract_strided_slice %add3A_169 {offsets = [0, 256], sizes = [512, 128], strides = [1, 1]} : vector<512x384xf32> to vector<512x128xf32>
      %slice3A_197 = vector.extract_strided_slice %add3A_179 {offsets = [0, 256], sizes = [512, 128], strides = [1, 1]} : vector<512x384xf32> to vector<512x128xf32>
      %mul3A_198 = arith.mulf %logistic3A_186, %slice3A_197 : vector<512x128xf32>
      %add3A_199 = arith.addf %slice3A_196, %mul3A_198 : vector<512x128xf32>
      %tanh3A = math.tanh %add3A_199 : vector<512x128xf32>
      %sub3A = arith.subf %get3A_160, %tanh3A : vector<512x128xf32>
      %mul3A_200 = arith.mulf %logistic3A_195, %sub3A : vector<512x128xf32>
      %add3A_201 = arith.addf %tanh3A, %mul3A_200 : vector<512x128xf32>
      %iota3A = tpu.iota {dimensions = array<i32: 0>} : vector<512x1xi32>
      %lt3A = vector.broadcast %get3A_144 : i32 to vector<512x1xi32>
      %lt3A_202 = arith.cmpi slt, %iota3A, %lt3A : vector<512x1xi32>
      %broadcast_in_dim3A = vector.shape_cast %lt3A_202 : vector<512x1xi1> to vector<512x1xi1>
      %broadcast_in_dim3A_203 = vector.broadcast %broadcast_in_dim3A : vector<512x1xi1> to vector<512x128xi1>
      %select_n3A = arith.select %broadcast_in_dim3A_203, %add3A_201, %get3A_160 : vector<512x128xi1>, vector<512x128xf32>
      %swap3A = arith.index_cast %multiple_of3A : i32 to index
      %swap3A_204 = arith.constant 0 : index
      %swap3A_205 = vector.load %arg6[%swap3A, %swap3A_204] : memref<10240x128xf32, #tpu.memory_space<vmem>>, vector<512x128xf32>
      tpu.vector_store %arg6[%swap3A, %swap3A_204], %select_n3A {strides = array<i32>} : memref<10240x128xf32, #tpu.memory_space<vmem>>, vector<512x128xf32>,
    } else {
    }
    return
  }
  func.func @transform_0(%arg0: i32, %arg1: memref<2x832xi32, #tpu.memory_space<smem>>) -> (i32, i32, i32, i32) {
    %c0_i32 = arith.constant 0 : i32
    %c0_i32_0 = arith.constant 0 : i32
    %c0_i32_1 = arith.constant 0 : i32
    %c0_i32_2 = arith.constant 0 : i32
    return %arg0, %c0_i32, %c0_i32_0, %c0_i32_1 : i32, i32, i32, i32
  }
  func.func @transform_1(%arg0: i32, %arg1: memref<2x832xi32, #tpu.memory_space<smem>>) -> (i32, i32) {
    %c0_i32 = arith.constant 0 : i32
    %c0_i32_0 = arith.constant 0 : i32
    %c0_i32_1 = arith.constant 0 : i32
    return %c0_i32, %c0_i32_0 : i32, i32
  }
  func.func @transform_2(%arg0: i32, %arg1: memref<2x832xi32, #tpu.memory_space<smem>>) -> (i32, i32) {
    %c0_i32 = arith.constant 0 : i32
    %c0_i32_0 = arith.constant 0 : i32
    %c0_i32_1 = arith.constant 0 : i32
    return %c0_i32, %c0_i32_0 : i32, i32
  }
  func.func @transform_3(%arg0: i32, %arg1: memref<2x832xi32, #tpu.memory_space<smem>>) -> (i32, i32) {
    %c0_i32 = arith.constant 0 : i32
    %c0_i32_0 = arith.constant 0 : i32
    %c0_i32_1 = arith.constant 0 : i32
    return %c0_i32, %c0_i32_0 : i32, i32
  }
  func.func @transform_4(%arg0: i32, %arg1: memref<2x832xi32, #tpu.memory_space<smem>>) -> (i32, i32) {
    %c0_i32 = arith.constant 0 : i32
    %c0_i32_0 = arith.constant 0 : i32
    %c0_i32_1 = arith.constant 0 : i32
    return %c0_i32, %c0_i32_0 : i32, i32
  }
}

module attributes {stable_mosaic.version = 14 : i64} {
  func.func @_tail_body(%arg0: i32, %arg1: memref<1xi32, #tpu.memory_space<smem>>, %arg2: memref<512x128xf32, #tpu.memory_space<vmem>>, %arg3: memref<512x128xf32, #tpu.memory_space<vmem>>, %arg4: memref<512x1xi32, #tpu.memory_space<vmem>>, %arg5: memref<128x384xf32, #tpu.memory_space<vmem>>, %arg6: memref<128x384xf32, #tpu.memory_space<vmem>>, %arg7: memref<2x384xf32, #tpu.memory_space<vmem>>, %arg8: memref<512x128xf32, #tpu.memory_space<vmem>>) attributes {dimension_semantics = [#tpu.dimension_semantics<arbitrary>], iteration_bounds = array<i64: 20>, scalar_prefetch = 1 : i64, scratch_operands = 0 : i64, tpu.core_type = #tpu.core_type<tc>, window_params = [{transform_indices = @transform_0, window_bounds = array<i64: 512, 128>}, {transform_indices = @transform_1, window_bounds = array<i64: 512, 128>}, {transform_indices = @transform_2, window_bounds = array<i64: 512, 1>}, {pipeline_mode = #tpu.pipeline_mode<synchronous>, transform_indices = @transform_3, window_bounds = array<i64: 128, 384>}, {pipeline_mode = #tpu.pipeline_mode<synchronous>, transform_indices = @transform_4, window_bounds = array<i64: 128, 384>}, {pipeline_mode = #tpu.pipeline_mode<synchronous>, transform_indices = @transform_5, window_bounds = array<i64: 2, 384>}, {transform_indices = @transform_6, window_bounds = array<i64: 512, 128>}]} {
    %get3A = arith.constant 0 : index
    %get3A_0 = memref.load %arg1[%get3A] : memref<1xi32, #tpu.memory_space<smem>>
    %get3A_1 = arith.constant 0 : index
    %get3A_2 = arith.constant 0 : index
    %get3A_3 = vector.load %arg2[%get3A_1, %get3A_2] : memref<512x128xf32, #tpu.memory_space<vmem>>, vector<512x128xf32>
    %get3A_4 = arith.constant 0 : index
    %get3A_5 = arith.constant 0 : index
    %get3A_6 = vector.load %arg3[%get3A_4, %get3A_5] : memref<512x128xf32, #tpu.memory_space<vmem>>, vector<512x128xf32>
    %get3A_7 = arith.constant 0 : index
    %get3A_8 = arith.constant 0 : index
    %get3A_9 = vector.load %arg5[%get3A_7, %get3A_8] : memref<128x384xf32, #tpu.memory_space<vmem>>, vector<128x384xf32>
    %dot_general3A = arith.constant dense<0.000000e+00> : vector<512x384xf32>
    %dot_general3A_10 = tpu.matmul %get3A_3, %get3A_9, %dot_general3A {dimension_numbers = #tpu.dot_dimension_numbers<[1], [0], [0], [1], [0, 0, 1, 1], [], []>, transpose_lhs_hint = false} : vector<512x128xf32>, vector<128x384xf32>, vector<512x384xf32> -> vector<512x384xf32>
    %get3A_11 = arith.constant 0 : index
    %get3A_12 = arith.constant 0 : index
    %get3A_13 = vector.load %arg7[%get3A_11, %get3A_12] : memref<2x384xf32, #tpu.memory_space<vmem>>, vector<1x384xf32>
    %add3A = vector.broadcast %get3A_13 : vector<1x384xf32> to vector<512x384xf32>
    %add3A_14 = arith.addf %dot_general3A_10, %add3A : vector<512x384xf32>
    %get3A_15 = arith.constant 0 : index
    %get3A_16 = arith.constant 0 : index
    %get3A_17 = vector.load %arg6[%get3A_15, %get3A_16] : memref<128x384xf32, #tpu.memory_space<vmem>>, vector<128x384xf32>
    %dot_general3A_18 = arith.constant dense<0.000000e+00> : vector<512x384xf32>
    %dot_general3A_19 = tpu.matmul %get3A_6, %get3A_17, %dot_general3A_18 {dimension_numbers = #tpu.dot_dimension_numbers<[1], [0], [0], [1], [0, 0, 1, 1], [], []>, transpose_lhs_hint = false} : vector<512x128xf32>, vector<128x384xf32>, vector<512x384xf32> -> vector<512x384xf32>
    %get3A_20 = arith.constant 1 : index
    %get3A_21 = arith.constant 0 : index
    %get3A_22 = vector.load %arg7[%get3A_20, %get3A_21] : memref<2x384xf32, #tpu.memory_space<vmem>>, vector<1x384xf32>
    %add3A_23 = vector.broadcast %get3A_22 : vector<1x384xf32> to vector<512x384xf32>
    %add3A_24 = arith.addf %dot_general3A_19, %add3A_23 : vector<512x384xf32>
    %slice3A = vector.extract_strided_slice %add3A_14 {offsets = [0, 0], sizes = [512, 128], strides = [1, 1]} : vector<512x384xf32> to vector<512x128xf32>
    %slice3A_25 = vector.extract_strided_slice %add3A_24 {offsets = [0, 0], sizes = [512, 128], strides = [1, 1]} : vector<512x384xf32> to vector<512x128xf32>
    %add3A_26 = arith.addf %slice3A, %slice3A_25 : vector<512x128xf32>
    %logistic3A = arith.negf %add3A_26 : vector<512x128xf32>
    %logistic3A_27 = math.exp %logistic3A : vector<512x128xf32>
    %logistic3A_28 = arith.constant 1.000000e+00 : f32
    %logistic3A_29 = vector.broadcast %logistic3A_28 : f32 to vector<512x128xf32>
    %logistic3A_30 = arith.addf %logistic3A_29, %logistic3A_27 : vector<512x128xf32>
    %logistic3A_31 = arith.divf %logistic3A_29, %logistic3A_30 : vector<512x128xf32>
    %slice3A_32 = vector.extract_strided_slice %add3A_14 {offsets = [0, 128], sizes = [512, 128], strides = [1, 1]} : vector<512x384xf32> to vector<512x128xf32>
    %slice3A_33 = vector.extract_strided_slice %add3A_24 {offsets = [0, 128], sizes = [512, 128], strides = [1, 1]} : vector<512x384xf32> to vector<512x128xf32>
    %add3A_34 = arith.addf %slice3A_32, %slice3A_33 : vector<512x128xf32>
    %logistic3A_35 = arith.negf %add3A_34 : vector<512x128xf32>
    %logistic3A_36 = math.exp %logistic3A_35 : vector<512x128xf32>
    %logistic3A_37 = arith.constant 1.000000e+00 : f32
    %logistic3A_38 = vector.broadcast %logistic3A_37 : f32 to vector<512x128xf32>
    %logistic3A_39 = arith.addf %logistic3A_38, %logistic3A_36 : vector<512x128xf32>
    %logistic3A_40 = arith.divf %logistic3A_38, %logistic3A_39 : vector<512x128xf32>
    %slice3A_41 = vector.extract_strided_slice %add3A_14 {offsets = [0, 256], sizes = [512, 128], strides = [1, 1]} : vector<512x384xf32> to vector<512x128xf32>
    %slice3A_42 = vector.extract_strided_slice %add3A_24 {offsets = [0, 256], sizes = [512, 128], strides = [1, 1]} : vector<512x384xf32> to vector<512x128xf32>
    %mul3A = arith.mulf %logistic3A_31, %slice3A_42 : vector<512x128xf32>
    %add3A_43 = arith.addf %slice3A_41, %mul3A : vector<512x128xf32>
    %tanh3A = math.tanh %add3A_43 : vector<512x128xf32>
    %sub3A = arith.subf %get3A_6, %tanh3A : vector<512x128xf32>
    %mul3A_44 = arith.mulf %logistic3A_40, %sub3A : vector<512x128xf32>
    %add3A_45 = arith.addf %tanh3A, %mul3A_44 : vector<512x128xf32>
    %get3A_46 = arith.constant 0 : index
    %get3A_47 = arith.constant 0 : index
    %get3A_48 = vector.load %arg4[%get3A_46, %get3A_47] : memref<512x1xi32, #tpu.memory_space<vmem>>, vector<512x1xi32>
    %gt3A = vector.broadcast %get3A_0 : i32 to vector<512x1xi32>
    %gt3A_49 = arith.cmpi sgt, %get3A_48, %gt3A : vector<512x1xi32>
    %broadcast_in_dim3A = vector.shape_cast %gt3A_49 : vector<512x1xi1> to vector<512x1xi1>
    %broadcast_in_dim3A_50 = vector.broadcast %broadcast_in_dim3A : vector<512x1xi1> to vector<512x128xi1>
    %select_n3A = arith.select %broadcast_in_dim3A_50, %add3A_45, %get3A_6 : vector<512x128xi1>, vector<512x128xf32>
    %swap3A = arith.constant 0 : index
    %swap3A_51 = arith.constant 0 : index
    %swap3A_52 = vector.load %arg8[%swap3A, %swap3A_51] : memref<512x128xf32, #tpu.memory_space<vmem>>, vector<512x128xf32>
    tpu.vector_store %arg8[%swap3A, %swap3A_51], %select_n3A {strides = array<i32>} : memref<512x128xf32, #tpu.memory_space<vmem>>, vector<512x128xf32>,
    return
  }
  func.func @transform_0(%arg0: i32, %arg1: memref<1xi32, #tpu.memory_space<smem>>) -> (i32, i32) {
    %c0_i32 = arith.constant 0 : i32
    %c0_i32_0 = arith.constant 0 : i32
    return %arg0, %c0_i32 : i32, i32
  }
  func.func @transform_1(%arg0: i32, %arg1: memref<1xi32, #tpu.memory_space<smem>>) -> (i32, i32) {
    %c0_i32 = arith.constant 0 : i32
    %c0_i32_0 = arith.constant 0 : i32
    return %arg0, %c0_i32 : i32, i32
  }
  func.func @transform_2(%arg0: i32, %arg1: memref<1xi32, #tpu.memory_space<smem>>) -> (i32, i32) {
    %c0_i32 = arith.constant 0 : i32
    %c0_i32_0 = arith.constant 0 : i32
    return %arg0, %c0_i32 : i32, i32
  }
  func.func @transform_3(%arg0: i32, %arg1: memref<1xi32, #tpu.memory_space<smem>>) -> (i32, i32) {
    %c0_i32 = arith.constant 0 : i32
    %c0_i32_0 = arith.constant 0 : i32
    %c0_i32_1 = arith.constant 0 : i32
    return %c0_i32, %c0_i32_0 : i32, i32
  }
  func.func @transform_4(%arg0: i32, %arg1: memref<1xi32, #tpu.memory_space<smem>>) -> (i32, i32) {
    %c0_i32 = arith.constant 0 : i32
    %c0_i32_0 = arith.constant 0 : i32
    %c0_i32_1 = arith.constant 0 : i32
    return %c0_i32, %c0_i32_0 : i32, i32
  }
  func.func @transform_5(%arg0: i32, %arg1: memref<1xi32, #tpu.memory_space<smem>>) -> (i32, i32) {
    %c0_i32 = arith.constant 0 : i32
    %c0_i32_0 = arith.constant 0 : i32
    %c0_i32_1 = arith.constant 0 : i32
    return %c0_i32, %c0_i32_0 : i32, i32
  }
  func.func @transform_6(%arg0: i32, %arg1: memref<1xi32, #tpu.memory_space<smem>>) -> (i32, i32) {
    %c0_i32 = arith.constant 0 : i32
    %c0_i32_0 = arith.constant 0 : i32
    return %arg0, %c0_i32 : i32, i32
  }
}

module attributes {stable_mosaic.version = 14 : i64} {
  func.func @_rstself_body(%arg0: i32, %arg1: memref<512x128xf32, #tpu.memory_space<vmem>>, %arg2: memref<128x128xf32, #tpu.memory_space<vmem>>, %arg3: memref<1x128xf32, #tpu.memory_space<vmem>>, %arg4: memref<512x128xf32, #tpu.memory_space<vmem>>) attributes {dimension_semantics = [#tpu.dimension_semantics<arbitrary>], iteration_bounds = array<i64: 20>, scalar_prefetch = 0 : i64, scratch_operands = 0 : i64, tpu.core_type = #tpu.core_type<tc>, window_params = [{transform_indices = @transform_0, window_bounds = array<i64: 512, 128>}, {pipeline_mode = #tpu.pipeline_mode<synchronous>, transform_indices = @transform_1, window_bounds = array<i64: 128, 128>}, {pipeline_mode = #tpu.pipeline_mode<synchronous>, transform_indices = @transform_2, window_bounds = array<i64: 1, 128>}, {transform_indices = @transform_3, window_bounds = array<i64: 512, 128>}]} {
    %get3A = arith.constant 0 : index
    %get3A_0 = arith.constant 0 : index
    %get3A_1 = vector.load %arg1[%get3A, %get3A_0] : memref<512x128xf32, #tpu.memory_space<vmem>>, vector<512x128xf32>
    %get3A_2 = arith.constant 0 : index
    %get3A_3 = arith.constant 0 : index
    %get3A_4 = vector.load %arg2[%get3A_2, %get3A_3] : memref<128x128xf32, #tpu.memory_space<vmem>>, vector<128x128xf32>
    %dot_general3A = arith.constant dense<0.000000e+00> : vector<512x128xf32>
    %dot_general3A_5 = tpu.matmul %get3A_1, %get3A_4, %dot_general3A {dimension_numbers = #tpu.dot_dimension_numbers<[1], [0], [0], [1], [0, 0, 1, 1], [], []>, transpose_lhs_hint = false} : vector<512x128xf32>, vector<128x128xf32>, vector<512x128xf32> -> vector<512x128xf32>
    %get3A_6 = arith.constant 0 : index
    %get3A_7 = arith.constant 0 : index
    %get3A_8 = vector.load %arg3[%get3A_6, %get3A_7] : memref<1x128xf32, #tpu.memory_space<vmem>>, vector<1x128xf32>
    %add3A = vector.broadcast %get3A_8 : vector<1x128xf32> to vector<512x128xf32>
    %add3A_9 = arith.addf %dot_general3A_5, %add3A : vector<512x128xf32>
    %swap3A = arith.constant 0 : index
    %swap3A_10 = arith.constant 0 : index
    %swap3A_11 = vector.load %arg4[%swap3A, %swap3A_10] : memref<512x128xf32, #tpu.memory_space<vmem>>, vector<512x128xf32>
    tpu.vector_store %arg4[%swap3A, %swap3A_10], %add3A_9 {strides = array<i32>} : memref<512x128xf32, #tpu.memory_space<vmem>>, vector<512x128xf32>,
    return
  }
  func.func @transform_0(%arg0: i32) -> (i32, i32) {
    %c0_i32 = arith.constant 0 : i32
    %c0_i32_0 = arith.constant 0 : i32
    return %arg0, %c0_i32 : i32, i32
  }
  func.func @transform_1(%arg0: i32) -> (i32, i32) {
    %c0_i32 = arith.constant 0 : i32
    %c0_i32_0 = arith.constant 0 : i32
    %c0_i32_1 = arith.constant 0 : i32
    return %c0_i32, %c0_i32_0 : i32, i32
  }
  func.func @transform_2(%arg0: i32) -> (i32, i32) {
    %c0_i32 = arith.constant 0 : i32
    %c0_i32_0 = arith.constant 0 : i32
    %c0_i32_1 = arith.constant 0 : i32
    return %c0_i32, %c0_i32_0 : i32, i32
  }
  func.func @transform_3(%arg0: i32) -> (i32, i32) {
    %c0_i32 = arith.constant 0 : i32
    %c0_i32_0 = arith.constant 0 : i32
    return %arg0, %c0_i32 : i32, i32
  }
}

module attributes {stable_mosaic.version = 14 : i64} {
  func.func @_out_body(%arg0: i32, %arg1: memref<512x128xf32, #tpu.memory_space<vmem>>, %arg2: memref<512x128xf32, #tpu.memory_space<vmem>>, %arg3: memref<128x128xf32, #tpu.memory_space<vmem>>, %arg4: memref<512x128xf32, #tpu.memory_space<vmem>>) attributes {dimension_semantics = [#tpu.dimension_semantics<arbitrary>], iteration_bounds = array<i64: 20>, scalar_prefetch = 0 : i64, scratch_operands = 0 : i64, tpu.core_type = #tpu.core_type<tc>, window_params = [{transform_indices = @transform_0, window_bounds = array<i64: 512, 128>}, {transform_indices = @transform_1, window_bounds = array<i64: 512, 128>}, {pipeline_mode = #tpu.pipeline_mode<synchronous>, transform_indices = @transform_2, window_bounds = array<i64: 128, 128>}, {transform_indices = @transform_3, window_bounds = array<i64: 512, 128>}]} {
    %get3A = arith.constant 0 : index
    %get3A_0 = arith.constant 0 : index
    %get3A_1 = vector.load %arg1[%get3A, %get3A_0] : memref<512x128xf32, #tpu.memory_space<vmem>>, vector<512x128xf32>
    %get3A_2 = arith.constant 0 : index
    %get3A_3 = arith.constant 0 : index
    %get3A_4 = vector.load %arg2[%get3A_2, %get3A_3] : memref<512x128xf32, #tpu.memory_space<vmem>>, vector<512x128xf32>
    %get3A_5 = arith.constant 0 : index
    %get3A_6 = arith.constant 0 : index
    %get3A_7 = vector.load %arg3[%get3A_5, %get3A_6] : memref<128x128xf32, #tpu.memory_space<vmem>>, vector<128x128xf32>
    %dot_general3A = arith.constant dense<0.000000e+00> : vector<512x128xf32>
    %dot_general3A_8 = tpu.matmul %get3A_4, %get3A_7, %dot_general3A {dimension_numbers = #tpu.dot_dimension_numbers<[1], [0], [0], [1], [0, 0, 1, 1], [], []>, transpose_lhs_hint = false} : vector<512x128xf32>, vector<128x128xf32>, vector<512x128xf32> -> vector<512x128xf32>
    %add3A = arith.addf %get3A_1, %dot_general3A_8 : vector<512x128xf32>
    %swap3A = arith.constant 0 : index
    %swap3A_9 = arith.constant 0 : index
    %swap3A_10 = vector.load %arg4[%swap3A, %swap3A_9] : memref<512x128xf32, #tpu.memory_space<vmem>>, vector<512x128xf32>
    tpu.vector_store %arg4[%swap3A, %swap3A_9], %add3A {strides = array<i32>} : memref<512x128xf32, #tpu.memory_space<vmem>>, vector<512x128xf32>,
    return
  }
  func.func @transform_0(%arg0: i32) -> (i32, i32) {
    %c0_i32 = arith.constant 0 : i32
    %c0_i32_0 = arith.constant 0 : i32
    return %arg0, %c0_i32 : i32, i32
  }
  func.func @transform_1(%arg0: i32) -> (i32, i32) {
    %c0_i32 = arith.constant 0 : i32
    %c0_i32_0 = arith.constant 0 : i32
    return %arg0, %c0_i32 : i32, i32
  }
  func.func @transform_2(%arg0: i32) -> (i32, i32) {
    %c0_i32 = arith.constant 0 : i32
    %c0_i32_0 = arith.constant 0 : i32
    %c0_i32_1 = arith.constant 0 : i32
    return %c0_i32, %c0_i32_0 : i32, i32
  }
  func.func @transform_3(%arg0: i32) -> (i32, i32) {
    %c0_i32 = arith.constant 0 : i32
    %c0_i32_0 = arith.constant 0 : i32
    return %arg0, %c0_i32 : i32, i32
  }
}

</mosaic_0001>

<sc_bundles>
// kernel: body.8.cloned.1.call-start
scs
__scs_entry_jumppad:
0x0: {  	(pc) =	sbr.rel $0x88, $3  }
0x1: {  	(tag) =	ssettag $0x0;
	lr =	simm.s32 $0x1  }
0x2: {  	[smem:$0x3F97] =	sst lr;
	_ =	strace $0xD0000000  }
0x3: {  	_ = 	snop  }
0x4: {  	_ = 	snop  }
0x5: {  	_ = 	snop  }
0x6: {  	_ = 	snop  }
0x7: {  	_ = 	snop  }
__scs_overlays_trampoline_lowered:
0x8: {  	[smem:$0x3FA6] =	sst s0  }
0x9: {  	[smem:$0x3FA7] =	sst s1  }
0xa: {  	[smem:$0x3FA8] =	sst s2  }
0xb: {  	[smem:$0x3FA9] =	sst s3  }
0xc: {  	[smem:$0x3FAA] =	sst s4  }
0xd: {  	[smem:$0x3FAB] =	sst s5  }
0xe: {  	[smem:$0x3FAC] =	sst s6  }
0xf: {  	[smem:$0x3FAD] =	sst s7  }
0x10: {  	[smem:$0x3FAE] =	sst s8  }
0x11: {  	[smem:$0x3FAF] =	sst s9;
	s0 =	simm.s32 @!p0 $0x0  }
0x12: {  	s1 =	sld [smem:$0x3F95];
	s0 =	simm.s32 @p0 $0x1  }
0x13: {  	[smem:$0x3FB0] =	sst s0;
	s0 =	simm.s32 @!p1 $0x0  }
0x14: {  	s2 =	sld [smem:$0x3F94];
	s0 =	simm.s32 @p1 $0x1  }
0x15: {  	[smem:$0x3FB1] =	sst s0;
	s0 =	simm.s32 @!p2 $0x0  }
0x16: {  	s3 =	sld [smem:$0x3FDB];
	s0 =	simm.s32 @p2 $0x1  }
0x17: {  	s4 =	simm.s32 $0x1BF5;
	[smem:$0x3FB3] =	sst s0  }
0x18: {  	s0 =	sld [smem:$0x3F96];
	_ =	swait.ge [sflag:s4], $0x0  }
0x19: {  	s7 =	sld [smem:$0x3F97]  }
0x1a: {  	s8 =	sadd.s32 $0xFFFFE003, lr  }
0x1b: {  	s9 =	sadd.s32 $0xFFFFFEF7, lr;
	s5 =	simm.s32 $0xFFFFFFFF;
	p2 =	slt.u32 s8, $0xFFFFF086  }
0x1c: {  	p1 =	slt.u32 s9, $0xF7A;
	s5 =	simm.s32 @!p2 $0x0  }
0x1d: {  	s5 =	simm.s32 @p1 $0x1;
	p0 =	seq.s32 s7, s2  }
0x1e: {  	s7 =	smul.u32 @!p0 $0xF7A, s2;
	p2 =	seq.s32 @!p0 s5, $0x0  }
0x1f: {  	s9 =	smul.u32 $0xF7A, s1;
	s8 =	simm.s32 @!p0 $0x1BF5;
	p2 =	por !p2, p0  }
0x20: {  	[sflag:s8] =	ssyncset.s32 @!p0 $0xFFFFF086;
	s6 =	sadd.s32 @!p0 s3, s7;
	s7 =	simm.s32 @!p0 $0x108  }
0x21: {  	s3 =	sadd.s32 s3, s9;
	s6 =	sadd.s32 @!p0 $0x88, s6;
	s7 =	simm.s32 @p2 $0x1082  }
0x22: {  	[simem:s7], [sflag:s8] =	dma.local @!p0 [hbm:s6], $0xF7A  }
0x23: {  	s9 =	sor.u32 $0xD0000000, s2;
	s6 =	simm.s32 $0x108;
	_ =	swait.ge @!p0 [sflag:s8], $0x0  }
0x24: {  	s3 =	sadd.s32 $0x88, s3;
	s6 =	simm.s32 @!p1 $0x1082;
	[sflag:s4] =	ssyncset.s32 $0xFFFFF086  }
0x25: {  	[simem:s6], [sflag:s4] =	dma.local [hbm:s3], $0xF7A  }
0x26: {  	[smem:$0x3F97] =	sst s1;
	(tag) =	ssettag s2;
	_ =	strace s9  }
0x27: {  	s1 =	sld [smem:$0x3FA7]  }
0x28: {  	s2 =	sld [smem:$0x3FA8]  }
0x29: {  	s4 =	sld [smem:$0x3FAA]  }
0x2a: {  	p0 =	seq.s32 s5, $0x0;
	s5 =	sld [smem:$0x3FAB]  }
0x2b: {  	s6 =	sld [smem:$0x3FAC]  }
0x2c: {  	s7 =	sld [smem:$0x3FAD]  }
0x2d: {  	s3 =	simm.s32 $0x108;
	s8 =	sld [smem:$0x3FAE]  }
0x2e: {  	s3 =	simm.s32 @!p0 $0x1082;
	s9 =	sld [smem:$0x3FAF]  }
0x2f: {  	lr =	sadd.s32 s0, s3;
	s0 =	sld [smem:$0x3FA6]  }
0x30: {  	s3 =	sld [smem:$0x3FA9]  }
0x31: {  	[smem:$0x3FB2] =	sst s10  }
0x32: {  	s10 =	sld [smem:$0x3FB0];
	_ =	sdelay $0x3  }
0x33: {  	p0 =	seq.s32 s10, $0x1;
	s10 =	sld [smem:$0x3FB2];
	_ =	sdelay $0x3  }
0x34: {  	[smem:$0x3FB2] =	sst s10  }
0x35: {  	s10 =	sld [smem:$0x3FB1];
	_ =	sdelay $0x3  }
0x36: {  	p1 =	seq.s32 s10, $0x1;
	s10 =	sld [smem:$0x3FB2];
	_ =	sdelay $0x3  }
0x37: {  	[smem:$0x3FB2] =	sst s10  }
0x38: {  	s10 =	sld [smem:$0x3FB3]  }
0x39: {  	_ = 	snop;
	(pc) =	sbr.ind lr, $3  }
0x3a: {  	_ = 	snop  }
0x3b: {  	_ = 	snop  }
0x3c: {  	p2 =	seq.s32 s10, $0x1;
	s10 =	sld [smem:$0x3FB2]  }
0x3d: {  	_ =	shalt  }
0x3e: {  	_ =	shalt  }
0x3f: {  	_ =	shalt  }
0x40: {  	_ =	shalt  }
0x41: {  	_ =	shalt  }
0x42: {  	_ =	shalt  }
0x43: {  	_ =	shalt  }
0x44: {  	_ =	shalt  }
0x45: {  	_ =	shalt  }
0x46: {  	_ =	shalt  }
0x47: {  	_ =	shalt  }
0x48: {  	_ =	shalt  }
0x49: {  	_ =	shalt  }
0x4a: {  	_ =	shalt  }
0x4b: {  	_ =	shalt  }
0x4c: {  	_ =	shalt  }
0x4d: {  	_ =	shalt  }
0x4e: {  	_ =	shalt  }
0x4f: {  	_ =	shalt  }
0x50: {  	_ =	shalt  }
0x51: {  	_ =	shalt  }
0x52: {  	_ =	shalt  }
0x53: {  	_ =	shalt  }
0x54: {  	_ =	shalt  }
0x55: {  	_ =	shalt  }
0x56: {  	_ =	shalt  }
0x57: {  	_ =	shalt  }
0x58: {  	_ =	shalt  }
0x59: {  	_ =	shalt  }
0x5a: {  	_ =	shalt  }
0x5b: {  	_ =	shalt  }
0x5c: {  	_ =	shalt  }
0x5d: {  	_ =	shalt  }
0x5e: {  	_ =	shalt  }
0x5f: {  	_ =	shalt  }
0x60: {  	_ =	shalt  }
0x61: {  	_ =	shalt  }
0x62: {  	_ =	shalt  }
0x63: {  	_ =	shalt  }
0x64: {  	_ =	shalt  }
0x65: {  	_ =	shalt  }
0x66: {  	_ =	shalt  }
0x67: {  	_ =	shalt  }
0x68: {  	_ =	shalt  }
0x69: {  	_ =	shalt  }
0x6a: {  	_ =	shalt  }
0x6b: {  	_ =	shalt  }
0x6c: {  	_ =	shalt  }
0x6d: {  	_ =	shalt  }
0x6e: {  	_ =	shalt  }
0x6f: {  	_ =	shalt  }
0x70: {  	_ =	shalt  }
0x71: {  	_ =	shalt  }
0x72: {  	_ =	shalt  }
0x73: {  	_ =	shalt  }
0x74: {  	_ =	shalt  }
0x75: {  	_ =	shalt  }
0x76: {  	_ =	shalt  }
0x77: {  	_ =	shalt  }
0x78: {  	_ =	shalt  }
0x79: {  	_ =	shalt  }
0x7a: {  	_ =	shalt  }
0x7b: {  	_ =	shalt  }
0x7c: {  	_ =	shalt  }
0x7d: {  	_ =	shalt  }
0x7e: {  	_ =	shalt  }
0x7f: {  	_ =	shalt  }
0x80: {  	_ =	shalt  }
0x81: {  	_ =	shalt  }
0x82: {  	_ =	shalt  }
0x83: {  	_ =	shalt  }
0x84: {  	_ =	shalt  }
0x85: {  	_ =	shalt  }
0x86: {  	_ =	shalt  }
0x87: {  	_ =	shalt  }
.Lfunc_end0:
.L_simem_size_0:
called_computation.8_lowered:
.L_overlay_start_0:
0x88: {  	s2 =	sld [smem:$0x3FD9]  }
0x89: {  	s3 =	sld [smem:$0x3FFE];
	_ =	sdelay $0x1  }
0x8a: {  	s1 =	srdreg.scid  }
0x8b: {  	s0 =	sand.u32 $0x1, s1  }
0x8c: {  	s17 =	sshll.u32 s0, $0xA;
	s2 =	sadd.s32 s3, s2  }
0x8d: {  	s2 =	sadd.s32 s2, s17  }
0x8e: {  	[smem:$0x3FBE] =	sst s2  }
0x8f: {  	_ = 	snop  }
0x90: {  	s2 =	sld [smem:$0x3FD0];
	(tm) =	ssettm $0x1  }
0x91: {  	s18 =	sld [smem:$0x3FFB];
	_ =	sdelay $0x3  }
0x92: {  	_ =	strace s18  }
0x93: {  	s3 =	sld [smem:$0x3FFC];
	_ =	sdelay $0x3  }
0x94: {  	_ =	strace s3  }
0x95: {  	s3 =	sld [smem:$0x3FFD];
	_ =	sdelay $0x3  }
0x96: {  	_ =	strace s3  }
0x97: {  	_ =	strace $0x8FFFFFFF  }
0x98: {  	s19 =	sld [smem:$0x3FDB];
	_ =	sdelay $0x1  }
0x99: {  	s4 =	simm.s32 $_scs_section_size  }
0x9a: {  	s5 =	simm.s32 $_size__tile_overlayer_lowered;
	s6 =	simm.s32 $_tile_overlayer_lowered  }
0x9b: {  	s22 =	simm.s32 $0x1BFF;
	s21 =	sshll.u32 s6, $0x1;
	s3 =	sadd.s32 s4, s19  }
0x9c: {  	s7 =	simm.s32 $0x0;
	s20 =	sshll.u32 s5, $0x1;
	s5 =	sadd.s32 s21, s3  }
0x9d: {  	[timem:s7], [sflag:s22] =	dma.local [hbm:s5], s20  }
0x9e: {  	_ =	swait.ge [sflag:s22], s20  }
0x9f: {  	s4 =	ssub.s32 $0x0, s20;
	[sflag:s22] =	ssyncset.done $0x0  }
0xa0: {  	[sflag:s22] =	ssyncadd.s32 s4;
	_ =	sdelay $0x1  }
0xa1: {  	s23 =	simm.s32 $0x1B8B  }
0xa2: {  	_ =	swait.ge [sflag:s23], $0x1  }
0xa3: {  	[sflag:s23] =	ssyncset.done $0x0  }
0xa4: {  	s25 =	simm.s32 $0x1B8E;
	s24 =	sld [smem:$0x3FFE];
	[sflag:s23] =	ssyncadd.s32 $0xFFFFFFFF  }
0xa5: {  	s26 =	simm.s32 $execute0_lowered;
	[smem:$0x3FD2] =	sst s25  }
0xa6: {  	s5 =	sshll.u32 s26, $0x1;
	_ =	strace $0x80000064;
	[dreg:$0x1] =	wrdreg $0xFFFFFFFF  }
0xa7: {  	s28 =	simm.s32 $_size_execute0_lowered;
	s3 =	sadd.s32 s3, s5;
	[dreg:$0x0] =	wrdreg $0x0  }
0xa8: {  	s5 =	sshll.u32 s28, $0x1;
	[dreg:$0x2] =	wrdreg s3  }
0xa9: {  	[dreg:$0x3] =	wrdreg s5  }
0xaa: {  	[dreg:$0x4] =	wrdreg $0xC0  }
0xab: {  	_ =	task [dreg:s7], $0x5FFFF  }
0xac: {  	[dreg:$0x1] =	wrdreg $0xFFFFFFFF  }
0xad: {  	[dreg:$0x0] =	wrdreg $0x60  }
0xae: {  	[dreg:$0x2] =	wrdreg s24  }
0xaf: {  	[dreg:$0x3] =	wrdreg s2  }
0xb0: {  	[dreg:$0x4] =	wrdreg $0x9  }
0xb1: {  	_ =	task.clear_ibuf [dreg:s7], $0x5FFFF;
	_ =	strace $0x90000064  }
0xb2: {  	s29 =	simm.s32 $0x9;
	_ =	strace $0x80000066  }
0xb3: {  	_ =	swait.ge [sflag:s29], $0x1  }
0xb4: {  	[sflag:s29] =	ssyncadd.s32 $0xFFFFFFFF  }
0xb5: {  	_ =	strace $0x90000066  }
0xb6: {  	_ =	sfence  }
0xb7: {  	s30 =	sld [smem:$0x0];
	_ =	sdelay $0x2  }
0xb8: {  	s31 =	sshll.u32 s1, $0xD;
	s1 =	sshrl.u32 s1, $0x2  }
0xb9: {  	s3 =	sand.u32 $0x4000, s31;
	s1 =	sadd.s32 s1, s30  }
0xba: {  	s0 =	sor.u32 s3, s0;
	s1 =	sshll.u32 s1, $0x11  }
0xbb: {  	s0 =	sor.u32 s1, s0  }
0xbc: {  	s0 =	sadd.s32 $0x8F2B, s0  }
0xbd: {  	[sflag:s0] =	ssyncadd.remote.s32 $0x1  }
0xbe: {  	_ =	sfence.sel $0xFFFF  }
0xbf: {  	[dreg:$0x0] =	wrdreg $0xFFFFFFFF;
	(pc) =	sbr.abs _section_cstart, $3  }
0xc0: {  	[dreg:$0x1] =	wrdreg $0xFFFFFFFF  }
0xc1: {  	_ =	task.clear_ibuf [dreg:s7], $0x2FFFF;
	_ =	strace $0x9FFFFFFF  }
0xc2: {  	(tm) =	ssettm $0x7FFFFFFF  }
0xc3: {  	_ =	shalt  }
tec
execute0_lowered:
.L_overlay_start_1:
0x0: {  	(tag) =	ssettag $0x1  }
0x1: {  	s14 =	rddreg [dreg:$0x0]  }
0x2: {  	s1 =	srdreg.scid;
	s0 =	stileid.u32  }
0x3: {  	s3 =	rddreg [dreg:$0x1];
	s23 =	sand.u32 $0x1, s1;
	s4 =	sshll.u32 s0, $0x1  }
0x4: {  	s2 =	simm.s32 $0x0;
	s1 =	rddreg [dreg:$0x2];
	s15 =	sor.u32 s23, s4  }
0x5: {  	[smem:$0x7FF] =	sst s2;
	s4 =	sshll.u32 s15, $0x6  }
0x6: {  	_ =	strace $0x80000065;
	s3 =	sadd.s32 s3, s4;
	s4 =	simm.s32 $0x9  }
0x7: {  	[tilespmem:s2], [sflag:$0x9] =	stream.linear.gather [hbm4b:s3+s2], $0x200, $0x38;
	[tilespmem:$0x10200] =	vst v63  }
0x8: {  	_ =	swait.ge [sflag:s4], $0x200  }
0x9: {  	s6 =	simm.s32 $0x80;
	[sflag:s4] =	ssyncset.done $0x0  }
0xa: {  	s7 =	simm.s32 $0x200;
	s5 =	sadd.s32 $0x1E200, s14;
	[sflag:s4] =	ssyncadd.s32 $0xFFFFFE00  }
0xb: {  	[tilespmem:s7], [sflag:$0x1] =	stream.indirect.gather [hbm4b:s5+s6], $0x80, s2, s6, $0xb8;
	[tilespmem:$0x10200] =	vst v63  }
0xc: {  	s8 =	simm.s32 $0x4200  }
0xd: {  	[tilespmem:s8], [sflag:$0x2] =	stream.indirect.gather [hbm4b:s5+s6], $0x80, s6, s6, $0xb8;
	[tilespmem:$0x10200] =	vst v63  }
0xe: {  	s9 =	simm.s32 $0x100;
	s10 =	simm.s32 $0x8200  }
0xf: {  	[tilespmem:s10], [sflag:$0x3] =	stream.indirect.gather [hbm4b:s5+s6], $0x80, s9, s6, $0xb8;
	[tilespmem:$0x10200] =	vst v63  }
0x10: {  	s11 =	simm.s32 $0x180;
	s12 =	simm.s32 $0xC200;
	s13 =	simm.s32 $0x1  }
0x11: {  	[tilespmem:s12], [sflag:$0x4] =	stream.indirect.gather [hbm4b:s5+s6], $0x80, s11, s6, $0xb8;
	[tilespmem:$0x10200] =	vst v63  }
0x12: {  	s15 =	sshll.u32 s15, $0xD;
	_ =	swait.ge [sflag:s13], $0x4000  }
0x13: {  	s20 =	sadd.s32 s15, s14;
	[sflag:s13] =	ssyncset.done $0x0  }
0x14: {  	s15 =	simm.s32 $0x2;
	s14 =	sadd.s32 $0x50000, s20;
	[sflag:s13] =	ssyncadd.s32 $0xFFFFC000  }
0x15: {  	[hbm4b:s14+s2] =	stream.linear.scatter [tilespmem:s7], [sflag:$0x5], $0x4000, $0x38;
	[tilespmem:$0x10200] =	vst v63  }
0x16: {  	_ =	swait.ge [sflag:s15], $0x4000  }
0x17: {  	[sflag:s15] =	ssyncset.done $0x0  }
0x18: {  	s17 =	simm.s32 $0x3;
	s16 =	sadd.s32 $0x50800, s20;
	[sflag:s15] =	ssyncadd.s32 $0xFFFFC000  }
0x19: {  	[hbm4b:s16+s2] =	stream.linear.scatter [tilespmem:s8], [sflag:$0x6], $0x4000, $0x38;
	[tilespmem:$0x10200] =	vst v63  }
0x1a: {  	_ =	swait.ge [sflag:s17], $0x4000  }
0x1b: {  	[sflag:s17] =	ssyncset.done $0x0  }
0x1c: {  	s19 =	simm.s32 $0x4;
	s18 =	sadd.s32 $0x51000, s20;
	[sflag:s17] =	ssyncadd.s32 $0xFFFFC000  }
0x1d: {  	[hbm4b:s18+s2] =	stream.linear.scatter [tilespmem:s10], [sflag:$0x7], $0x4000, $0x38;
	[tilespmem:$0x10200] =	vst v63  }
0x1e: {  	_ =	swait.ge [sflag:s19], $0x4000  }
0x1f: {  	[sflag:s19] =	ssyncset.done $0x0  }
0x20: {  	s21 =	simm.s32 $0x5;
	s20 =	sadd.s32 $0x51800, s20;
	[sflag:s19] =	ssyncadd.s32 $0xFFFFC000  }
0x21: {  	[hbm4b:s20+s2] =	stream.linear.scatter [tilespmem:s12], [sflag:$0x8], $0x4000, $0x38;
	[tilespmem:$0x10200] =	vst v63  }
0x22: {  	_ =	swait.ge [sflag:s21], $0x4000  }
0x23: {  	s24 =	ssub.s32 $0x2, s23;
	[sflag:s21] =	ssyncset.done $0x0  }
0x24: {  	s22 =	simm.s32 $0x6;
	s25 =	sshrl.u32 s24, $0x1;
	[sflag:s21] =	ssyncadd.s32 $0xFFFFC000  }
0x25: {  	s24 =	ssub.s32 s24, s25;
	_ =	swait.ge [sflag:s22], $0x4000  }
0x26: {  	s25 =	smax.u32 s24, $0x1;
	[sflag:s22] =	ssyncset.done $0x0  }
0x27: {  	s23 =	simm.s32 $0x7;
	p0 =	sne.s32 s25, $0x1;
	[sflag:s22] =	ssyncadd.s32 $0xFFFFC000  }
.Ltmp0:
0x28: {  	_ =	swait.ge [sflag:s23], $0x4000;
	(pc) =	sbr.rel @!p0 .LBB2_2-.Ltmp0, $4  }
0x29: {  	[sflag:s23] =	ssyncset.done $0x0  }
0x2a: {  	s24 =	simm.s32 $0x8;
	[sflag:s23] =	ssyncadd.s32 $0xFFFFC000  }
0x2b: {  	_ =	swait.ge [sflag:s24], $0x4000  }
0x2c: {  	s25 =	sadd.s32 $0xFFFFFFFF, s25;
	[sflag:s24] =	ssyncset.done $0x0  }
.LBB2_1:
0x2d: {  	p0 =	sne.s32 s25, $0x1;
	s25 =	sadd.s32 $0xFFFFFFFF, s25;
	[sflag:s24] =	ssyncadd.s32 $0xFFFFC000  }
0x2e: {  	[tilespmem:s2], [sflag:$0x9] =	stream.linear.gather [hbm4b:s3+s2], $0x200, $0x38;
	[tilespmem:$0x10200] =	vst v63  }
0x2f: {  	_ =	swait.ge [sflag:s4], $0x200  }
0x30: {  	[sflag:s4] =	ssyncset.done $0x0  }
0x31: {  	[sflag:s4] =	ssyncadd.s32 $0xFFFFFE00  }
0x32: {  	[tilespmem:s7], [sflag:$0x1] =	stream.indirect.gather [hbm4b:s5+s6], $0x80, s2, s6, $0xb8;
	[tilespmem:$0x10200] =	vst v63  }
0x33: {  	_ = 	snop  }
0x34: {  	[tilespmem:s8], [sflag:$0x2] =	stream.indirect.gather [hbm4b:s5+s6], $0x80, s6, s6, $0xb8;
	[tilespmem:$0x10200] =	vst v63  }
0x35: {  	_ = 	snop  }
0x36: {  	[tilespmem:s10], [sflag:$0x3] =	stream.indirect.gather [hbm4b:s5+s6], $0x80, s9, s6, $0xb8;
	[tilespmem:$0x10200] =	vst v63  }
0x37: {  	_ = 	snop  }
0x38: {  	[tilespmem:s12], [sflag:$0x4] =	stream.indirect.gather [hbm4b:s5+s6], $0x80, s11, s6, $0xb8;
	[tilespmem:$0x10200] =	vst v63  }
0x39: {  	_ =	swait.ge [sflag:s13], $0x4000  }
0x3a: {  	[sflag:s13] =	ssyncset.done $0x0  }
0x3b: {  	[sflag:s13] =	ssyncadd.s32 $0xFFFFC000  }
0x3c: {  	[hbm4b:s14+s2] =	stream.linear.scatter [tilespmem:s7], [sflag:$0x5], $0x4000, $0x38;
	[tilespmem:$0x10200] =	vst v63  }
0x3d: {  	_ =	swait.ge [sflag:s15], $0x4000  }
0x3e: {  	[sflag:s15] =	ssyncset.done $0x0  }
0x3f: {  	[sflag:s15] =	ssyncadd.s32 $0xFFFFC000  }
0x40: {  	[hbm4b:s16+s2] =	stream.linear.scatter [tilespmem:s8], [sflag:$0x6], $0x4000, $0x38;
	[tilespmem:$0x10200] =	vst v63  }
0x41: {  	_ =	swait.ge [sflag:s17], $0x4000  }
0x42: {  	[sflag:s17] =	ssyncset.done $0x0  }
0x43: {  	[sflag:s17] =	ssyncadd.s32 $0xFFFFC000  }
0x44: {  	[hbm4b:s18+s2] =	stream.linear.scatter [tilespmem:s10], [sflag:$0x7], $0x4000, $0x38;
	[tilespmem:$0x10200] =	vst v63  }
0x45: {  	_ =	swait.ge [sflag:s19], $0x4000  }
0x46: {  	[sflag:s19] =	ssyncset.done $0x0  }
0x47: {  	[sflag:s19] =	ssyncadd.s32 $0xFFFFC000  }
0x48: {  	[hbm4b:s20+s2] =	stream.linear.scatter [tilespmem:s12], [sflag:$0x8], $0x4000, $0x38;
	[tilespmem:$0x10200] =	vst v63  }
0x49: {  	_ =	swait.ge [sflag:s21], $0x4000  }
0x4a: {  	[sflag:s21] =	ssyncset.done $0x0  }
0x4b: {  	[sflag:s21] =	ssyncadd.s32 $0xFFFFC000  }
0x4c: {  	_ =	swait.ge [sflag:s22], $0x4000  }
0x4d: {  	[sflag:s22] =	ssyncset.done $0x0  }
0x4e: {  	[sflag:s22] =	ssyncadd.s32 $0xFFFFC000  }
.Ltmp1:
0x4f: {  	_ =	swait.ge [sflag:s23], $0x4000;
	(pc) =	sbr.rel @p0 .LBB2_1-.Ltmp1, $4  }
0x50: {  	[sflag:s23] =	ssyncset.done $0x0  }
0x51: {  	[sflag:s23] =	ssyncadd.s32 $0xFFFFC000  }
0x52: {  	_ =	swait.ge [sflag:s24], $0x4000  }
0x53: {  	[sflag:s24] =	ssyncset.done $0x0  }
.LBB2_2:
0x54: {  	[sflag:s24] =	ssyncadd.s32 $0xFFFFC000  }
0x55: {  	_ =	sfence.sel $0x180000  }
0x56: {  	[bflag:$0x0] =	sbarrier.arrive $0xFFFF  }
0x57: {  	p0 =	sne.s32 s0, $0x0;
	_ =	strace $0x90000065  }
0x58: {  	s0 =	sadd.s32 @!p0 $0x100000, s1;
	[bflag:$0x2] =	sbarrier.arrive $0xFFFF  }
0x59: {  	[sflag:s0] =	ssyncadd.tile.s32 @!p0 $0x1;
	_ =	shalt  }
.Lfunc_end2:
_tile_overlayer_lowered:
.L_overlay_start_2:
0x5a: {  	(tag) =	ssettag $0x2  }
0x5b: {  	s0 =	rddreg [dreg:$0x0];
	s2 =	stileid.u32  }
0x5c: {  	s1 =	rddreg [dreg:$0x1];
	p0 =	sne.s32 s2, $0x0  }
0x5d: {  	s3 =	rddreg [dreg:$0x2];
	[bflag:$0x3] =	sbarrier.arrive $0xFFFF;
	s2 =	simm.s32 @!p0 $0x1C09  }
0x5e: {  	[timem:s3], [sflag:s2] =	dma.local @!p0 [hbm:s0], s1  }
0x5f: {  	s0 =	simm.s32 @!p0 $0x9  }
0x60: {  	_ =	swait.ge @!p0 [sflag:s0], s1  }
0x61: {  	s1 =	ssub.s32 @!p0 $0x0, s1;
	[sflag:s0] =	ssyncset.done @!p0 $0x0  }
0x62: {  	[sflag:s0] =	ssyncadd.s32 @!p0 s1  }
0x63: {  	[bflag:$0x3] =	sbarrier.arrive $0xFFFF  }
0x64: {  	_ =	shalt  }

// kernel: gather_offload_async_start.1
scs
__scs_entry_jumppad:
0x0: {  	(pc) =	sbr.rel $0x88, $3  }
0x1: {  	(tag) =	ssettag $0x0;
	lr =	simm.s32 $0x1  }
0x2: {  	[smem:$0x3F97] =	sst lr;
	_ =	strace $0xD0000000  }
0x3: {  	_ = 	snop  }
0x4: {  	_ = 	snop  }
0x5: {  	_ = 	snop  }
0x6: {  	_ = 	snop  }
0x7: {  	_ = 	snop  }
__scs_overlays_trampoline_lowered:
0x8: {  	[smem:$0x3FA6] =	sst s0  }
0x9: {  	[smem:$0x3FA7] =	sst s1  }
0xa: {  	[smem:$0x3FA8] =	sst s2  }
0xb: {  	[smem:$0x3FA9] =	sst s3  }
0xc: {  	[smem:$0x3FAA] =	sst s4  }
0xd: {  	[smem:$0x3FAB] =	sst s5  }
0xe: {  	[smem:$0x3FAC] =	sst s6  }
0xf: {  	[smem:$0x3FAD] =	sst s7  }
0x10: {  	[smem:$0x3FAE] =	sst s8  }
0x11: {  	[smem:$0x3FAF] =	sst s9;
	s0 =	simm.s32 @!p0 $0x0  }
0x12: {  	s1 =	sld [smem:$0x3F95];
	s0 =	simm.s32 @p0 $0x1  }
0x13: {  	[smem:$0x3FB0] =	sst s0;
	s0 =	simm.s32 @!p1 $0x0  }
0x14: {  	s2 =	sld [smem:$0x3F94];
	s0 =	simm.s32 @p1 $0x1  }
0x15: {  	[smem:$0x3FB1] =	sst s0;
	s0 =	simm.s32 @!p2 $0x0  }
0x16: {  	s3 =	sld [smem:$0x3FDB];
	s0 =	simm.s32 @p2 $0x1  }
0x17: {  	s4 =	simm.s32 $0x1BF5;
	[smem:$0x3FB3] =	sst s0  }
0x18: {  	s0 =	sld [smem:$0x3F96];
	_ =	swait.ge [sflag:s4], $0x0  }
0x19: {  	s7 =	sld [smem:$0x3F97]  }
0x1a: {  	s8 =	sadd.s32 $0xFFFFE003, lr  }
0x1b: {  	s9 =	sadd.s32 $0xFFFFFEF7, lr;
	s5 =	simm.s32 $0xFFFFFFFF;
	p2 =	slt.u32 s8, $0xFFFFF086  }
0x1c: {  	p1 =	slt.u32 s9, $0xF7A;
	s5 =	simm.s32 @!p2 $0x0  }
0x1d: {  	s5 =	simm.s32 @p1 $0x1;
	p0 =	seq.s32 s7, s2  }
0x1e: {  	s7 =	smul.u32 @!p0 $0xF7A, s2;
	p2 =	seq.s32 @!p0 s5, $0x0  }
0x1f: {  	s9 =	smul.u32 $0xF7A, s1;
	s8 =	simm.s32 @!p0 $0x1BF5;
	p2 =	por !p2, p0  }
0x20: {  	[sflag:s8] =	ssyncset.s32 @!p0 $0xFFFFF086;
	s6 =	sadd.s32 @!p0 s3, s7;
	s7 =	simm.s32 @!p0 $0x108  }
0x21: {  	s3 =	sadd.s32 s3, s9;
	s6 =	sadd.s32 @!p0 $0x88, s6;
	s7 =	simm.s32 @p2 $0x1082  }
0x22: {  	[simem:s7], [sflag:s8] =	dma.local @!p0 [hbm:s6], $0xF7A  }
0x23: {  	s9 =	sor.u32 $0xD0000000, s2;
	s6 =	simm.s32 $0x108;
	_ =	swait.ge @!p0 [sflag:s8], $0x0  }
0x24: {  	s3 =	sadd.s32 $0x88, s3;
	s6 =	simm.s32 @!p1 $0x1082;
	[sflag:s4] =	ssyncset.s32 $0xFFFFF086  }
0x25: {  	[simem:s6], [sflag:s4] =	dma.local [hbm:s3], $0xF7A  }
0x26: {  	[smem:$0x3F97] =	sst s1;
	(tag) =	ssettag s2;
	_ =	strace s9  }
0x27: {  	s1 =	sld [smem:$0x3FA7]  }
0x28: {  	s2 =	sld [smem:$0x3FA8]  }
0x29: {  	s4 =	sld [smem:$0x3FAA]  }
0x2a: {  	p0 =	seq.s32 s5, $0x0;
	s5 =	sld [smem:$0x3FAB]  }
0x2b: {  	s6 =	sld [smem:$0x3FAC]  }
0x2c: {  	s7 =	sld [smem:$0x3FAD]  }
0x2d: {  	s3 =	simm.s32 $0x108;
	s8 =	sld [smem:$0x3FAE]  }
0x2e: {  	s3 =	simm.s32 @!p0 $0x1082;
	s9 =	sld [smem:$0x3FAF]  }
0x2f: {  	lr =	sadd.s32 s0, s3;
	s0 =	sld [smem:$0x3FA6]  }
0x30: {  	s3 =	sld [smem:$0x3FA9]  }
0x31: {  	[smem:$0x3FB2] =	sst s10  }
0x32: {  	s10 =	sld [smem:$0x3FB0];
	_ =	sdelay $0x3  }
0x33: {  	p0 =	seq.s32 s10, $0x1;
	s10 =	sld [smem:$0x3FB2];
	_ =	sdelay $0x3  }
0x34: {  	[smem:$0x3FB2] =	sst s10  }
0x35: {  	s10 =	sld [smem:$0x3FB1];
	_ =	sdelay $0x3  }
0x36: {  	p1 =	seq.s32 s10, $0x1;
	s10 =	sld [smem:$0x3FB2];
	_ =	sdelay $0x3  }
0x37: {  	[smem:$0x3FB2] =	sst s10  }
0x38: {  	s10 =	sld [smem:$0x3FB3]  }
0x39: {  	_ = 	snop;
	(pc) =	sbr.ind lr, $3  }
0x3a: {  	_ = 	snop  }
0x3b: {  	_ = 	snop  }
0x3c: {  	p2 =	seq.s32 s10, $0x1;
	s10 =	sld [smem:$0x3FB2]  }
0x3d: {  	_ =	shalt  }
0x3e: {  	_ =	shalt  }
0x3f: {  	_ =	shalt  }
0x40: {  	_ =	shalt  }
0x41: {  	_ =	shalt  }
0x42: {  	_ =	shalt  }
0x43: {  	_ =	shalt  }
0x44: {  	_ =	shalt  }
0x45: {  	_ =	shalt  }
0x46: {  	_ =	shalt  }
0x47: {  	_ =	shalt  }
0x48: {  	_ =	shalt  }
0x49: {  	_ =	shalt  }
0x4a: {  	_ =	shalt  }
0x4b: {  	_ =	shalt  }
0x4c: {  	_ =	shalt  }
0x4d: {  	_ =	shalt  }
0x4e: {  	_ =	shalt  }
0x4f: {  	_ =	shalt  }
0x50: {  	_ =	shalt  }
0x51: {  	_ =	shalt  }
0x52: {  	_ =	shalt  }
0x53: {  	_ =	shalt  }
0x54: {  	_ =	shalt  }
0x55: {  	_ =	shalt  }
0x56: {  	_ =	shalt  }
0x57: {  	_ =	shalt  }
0x58: {  	_ =	shalt  }
0x59: {  	_ =	shalt  }
0x5a: {  	_ =	shalt  }
0x5b: {  	_ =	shalt  }
0x5c: {  	_ =	shalt  }
0x5d: {  	_ =	shalt  }
0x5e: {  	_ =	shalt  }
0x5f: {  	_ =	shalt  }
0x60: {  	_ =	shalt  }
0x61: {  	_ =	shalt  }
0x62: {  	_ =	shalt  }
0x63: {  	_ =	shalt  }
0x64: {  	_ =	shalt  }
0x65: {  	_ =	shalt  }
0x66: {  	_ =	shalt  }
0x67: {  	_ =	shalt  }
0x68: {  	_ =	shalt  }
0x69: {  	_ =	shalt  }
0x6a: {  	_ =	shalt  }
0x6b: {  	_ =	shalt  }
0x6c: {  	_ =	shalt  }
0x6d: {  	_ =	shalt  }
0x6e: {  	_ =	shalt  }
0x6f: {  	_ =	shalt  }
0x70: {  	_ =	shalt  }
0x71: {  	_ =	shalt  }
0x72: {  	_ =	shalt  }
0x73: {  	_ =	shalt  }
0x74: {  	_ =	shalt  }
0x75: {  	_ =	shalt  }
0x76: {  	_ =	shalt  }
0x77: {  	_ =	shalt  }
0x78: {  	_ =	shalt  }
0x79: {  	_ =	shalt  }
0x7a: {  	_ =	shalt  }
0x7b: {  	_ =	shalt  }
0x7c: {  	_ =	shalt  }
0x7d: {  	_ =	shalt  }
0x7e: {  	_ =	shalt  }
0x7f: {  	_ =	shalt  }
0x80: {  	_ =	shalt  }
0x81: {  	_ =	shalt  }
0x82: {  	_ =	shalt  }
0x83: {  	_ =	shalt  }
0x84: {  	_ =	shalt  }
0x85: {  	_ =	shalt  }
0x86: {  	_ =	shalt  }
0x87: {  	_ =	shalt  }
.Lfunc_end0:
.L_simem_size_0:
called_computation.4_lowered:
.L_overlay_start_0:
0x88: {  	s2 =	sld [smem:$0x3FD9]  }
0x89: {  	s3 =	sld [smem:$0x3FFE];
	_ =	sdelay $0x1  }
0x8a: {  	s1 =	srdreg.scid  }
0x8b: {  	s0 =	sand.u32 $0x1, s1  }
0x8c: {  	s16 =	sshll.u32 s0, $0xA;
	s2 =	sadd.s32 s3, s2  }
0x8d: {  	s2 =	sadd.s32 s2, s16  }
0x8e: {  	[smem:$0x3FBE] =	sst s2  }
0x8f: {  	_ = 	snop  }
0x90: {  	(tm) =	ssettm $0x1  }
0x91: {  	s17 =	sld [smem:$0x3FFB];
	_ =	sdelay $0x3  }
0x92: {  	_ =	strace s17  }
0x93: {  	s2 =	sld [smem:$0x3FFC];
	_ =	sdelay $0x3  }
0x94: {  	_ =	strace s2  }
0x95: {  	s2 =	sld [smem:$0x3FFD];
	_ =	sdelay $0x3  }
0x96: {  	_ =	strace s2  }
0x97: {  	_ =	strace $0x8FFFFFFF  }
0x98: {  	s18 =	sld [smem:$0x3FDB];
	_ =	sdelay $0x1  }
0x99: {  	s19 =	simm.s32 $_scs_section_size  }
0x9a: {  	s4 =	simm.s32 $_size__tile_overlayer_lowered;
	s5 =	simm.s32 $_tile_overlayer_lowered  }
0x9b: {  	s22 =	simm.s32 $0x1BFF;
	s21 =	sshll.u32 s5, $0x1;
	s2 =	sadd.s32 s19, s18  }
0x9c: {  	s6 =	simm.s32 $0x0;
	s20 =	sshll.u32 s4, $0x1;
	s4 =	sadd.s32 s21, s2  }
0x9d: {  	[timem:s6], [sflag:s22] =	dma.local [hbm:s4], s20  }
0x9e: {  	_ =	swait.ge [sflag:s22], s20  }
0x9f: {  	s3 =	ssub.s32 $0x0, s20;
	[sflag:s22] =	ssyncset.done $0x0  }
0xa0: {  	[sflag:s22] =	ssyncadd.s32 s3;
	_ =	sdelay $0x1  }
0xa1: {  	s23 =	simm.s32 $0x1B8B  }
0xa2: {  	_ =	swait.ge [sflag:s23], $0x1  }
0xa3: {  	[sflag:s23] =	ssyncset.done $0x0  }
0xa4: {  	s25 =	simm.s32 $0x1B8E;
	s24 =	sld [smem:$0x3FFE];
	[sflag:s23] =	ssyncadd.s32 $0xFFFFFFFF  }
0xa5: {  	s26 =	simm.s32 $execute0_lowered;
	[smem:$0x3FD2] =	sst s25  }
0xa6: {  	s4 =	sshll.u32 s26, $0x1;
	_ =	strace $0x80000052;
	[dreg:$0x1] =	wrdreg $0xFFFFFFFF  }
0xa7: {  	s28 =	simm.s32 $_size_execute0_lowered;
	s2 =	sadd.s32 s2, s4;
	[dreg:$0x0] =	wrdreg $0x0  }
0xa8: {  	s4 =	sshll.u32 s28, $0x1;
	[dreg:$0x2] =	wrdreg s2  }
0xa9: {  	[dreg:$0x3] =	wrdreg s4  }
0xaa: {  	[dreg:$0x4] =	wrdreg $0xC0  }
0xab: {  	_ =	task [dreg:s6], $0x5FFFF  }
0xac: {  	[dreg:$0x1] =	wrdreg $0xFFFFFFFF  }
0xad: {  	[dreg:$0x0] =	wrdreg $0x60  }
0xae: {  	[dreg:$0x2] =	wrdreg s24  }
0xaf: {  	[dreg:$0x3] =	wrdreg $0x9  }
0xb0: {  	_ =	task.clear_ibuf [dreg:s6], $0x4FFFF;
	_ =	strace $0x90000052  }
0xb1: {  	s29 =	simm.s32 $0x9;
	_ =	strace $0x80000054  }
0xb2: {  	_ =	swait.ge [sflag:s29], $0x1  }
0xb3: {  	[sflag:s29] =	ssyncadd.s32 $0xFFFFFFFF  }
0xb4: {  	_ =	strace $0x90000054  }
0xb5: {  	_ =	sfence  }
0xb6: {  	s30 =	sld [smem:$0x0];
	_ =	sdelay $0x2  }
0xb7: {  	s31 =	sshll.u32 s1, $0xD;
	s1 =	sshrl.u32 s1, $0x2  }
0xb8: {  	s3 =	sand.u32 $0x4000, s31;
	s1 =	sadd.s32 s1, s30  }
0xb9: {  	s0 =	sor.u32 s3, s0;
	s1 =	sshll.u32 s1, $0x11  }
0xba: {  	s0 =	sor.u32 s1, s0  }
0xbb: {  	s0 =	sadd.s32 $0x8F2B, s0  }
0xbc: {  	[sflag:s0] =	ssyncadd.remote.s32 $0x1  }
0xbd: {  	_ =	sfence.sel $0xFFFF  }
0xbe: {  	[dreg:$0x0] =	wrdreg $0xFFFFFFFF;
	(pc) =	sbr.abs _section_cstart, $3  }
0xbf: {  	[dreg:$0x1] =	wrdreg $0xFFFFFFFF  }
0xc0: {  	_ =	task.clear_ibuf [dreg:s6], $0x2FFFF;
	_ =	strace $0x9FFFFFFF  }
0xc1: {  	(tm) =	ssettm $0x7FFFFFFF  }
tec
execute0_lowered:
.L_overlay_start_1:
0x0: {  	(tag) =	ssettag $0x1  }
0x1: {  	s2 =	rddreg [dreg:$0x0]  }
0x2: {  	s0 =	rddreg [dreg:$0x1];
	s1 =	stileid.u32  }
0x3: {  	s3 =	srdreg.scid;
	_ =	strace $0x80000053;
	s4 =	simm.s32 $0x1  }
0x4: {  	s7 =	simm.s32 $0x1;
	s8 =	simm.s32 $0x1;
	s9 =	simm.s32 $0x3  }
0x5: {  	s10 =	simm.s32 $0x0;
	s5 =	sand.u32 $0x1, s3;
	s6 =	sshll.u32 s1, $0x1  }
0x6: {  	s13 =	simm.s32 $0x0;
	s12 =	simm.s32 $0x0;
	s5 =	sor.u32 s6, s5  }
.Ltmp0:
0x7: {  	[sflag:s4] =	ssyncpa.u1 $0x0;
	p0 =	slt.u32 s5, $0x9;
	(pc) =	sbr.rel .LBB2_1-.Ltmp0, $4  }
0x8: {  	s6 =	simm.s32 $0x2;
	s7 =	simm.s32 @!p0 $0x0;
	p0 =	sne.s32 s5, $0x8  }
0x9: {  	[sflag:s6] =	ssyncpa.u1 $0x0;
	s5 =	smul.u32 $0x1F40, s5;
	s8 =	simm.s32 @!p0 $0x0  }
0xa: {  	s3 =	sadd.s32 $0xA000, s2;
	[sflag:s9] =	ssyncpa.u1 $0x0;
	s7 =	sadd.s32 s8, s7  }
0xb: {  	vm0 =	vmmov $0xffff;
	s8 =	sadd.s32 $0x46200, s2;
	s11 =	smov.u32 s5;
	s9 =	sadd.s32 $0x1, s7  }
.LBB2_4:
0xc: {  	v2 =	vnsel vm1, $0x0, v2  }
0xd: {  	vm1 =	vgt.s32 v0, $0x0;
	v2 =	vmin.u32 v2, $0x4E1FF  }
0xe: {  	v0 =	vnsel vm1, $0x0, v0  }
0xf: {  	v0 =	vmin.u32 v0, $0x4E1FF  }
0x10: {  	[tilespmem:s18], [sflag:$0x1] =	stream.indirect_vreg.gather [hbm4b:s2+s10], $0x1, v1, vm0, $0x4038;
	[tilespmem:$0x7D00] =	vst v63  }
0x11: {  	(ifvalue) =	ssetifvalue $0x7FFFFFFF  }
0x12: {  	[tilespmem:s15], [sflag:$0x1] =	stream.indirect_vreg.gather [hbm4b:s2+s10], $0x1, v2, vm0, $0x4038;
	[tilespmem:$0x7D00] =	vst v63  }
0x13: {  	s29 =	sadd.s32 $0x10, s15;
	(ifvalue) =	ssetifvalue $0x7FFFFFFF  }
0x14: {  	[tilespmem:s29], [sflag:$0x1] =	stream.indirect_vreg.gather [hbm4b:s2+s10], $0x1, v0, vm0, $0x4038;
	[tilespmem:$0x7D00] =	vst v63  }
0x15: {  	_ =	swait.ge [sflag:s4], $0x1F40  }
0x16: {  	s30 =	sshrl.u32 s13, $0x3;
	[sflag:s4] =	ssyncset.done $0x0  }
0x17: {  	s31 =	sand.u32 $0x7, s13;
	s15 =	sadd.s32 s8, s30;
	[sflag:s4] =	ssyncadd.s32 $0xFFFFE0C0  }
0x18: {  	[hbm4b:s15+s31] =	stream.linear.scatter [tilespmem:s14], [sflag:$0x3], $0x1F40, $0x38;
	[tilespmem:$0x7D00] =	vst v63  }
.LBB2_5:
0x19: {  	s15 =	sadd.s32 $0x3E800, s11  }
0x1a: {  	p1 =	sgt.s32 s15, $0x4E1FF  }
0x1b: {  	s15 =	smov.u32 @p1 s5;
	p1 =	sne.s32 s12, s9  }
.Ltmp1:
0x1c: {  	p0 =	slt.u32 s12, $0x2;
	(pc) =	sbr.rel @!p1 .LBB2_6-.Ltmp1, $4  }
0x1d: {  	s14 =	simm.s32 @!p0 $0x3  }
0x1e: {  	_ =	swait.ge @!p0 [sflag:s14], $0x1F40  }
0x1f: {  	s16 =	sadd.s32 $0x1, s12;
	s13 =	smov.u32 s11;
	[sflag:s14] =	ssyncset.done @!p0 $0x0  }
0x20: {  	s12 =	smov.u32 s16;
	s11 =	smov.u32 s15;
	[sflag:s14] =	ssyncadd.s32 @!p0 $0xFFFFE0C0  }
.LBB2_1:
0x21: {  	p0 =	sge.u32 s12, s7  }
0x22: {  	s14 =	sxor.u32 @!p0 $0x1, s12  }
0x23: {  	s14 =	smul.u32 @!p0 $0x7D00, s14  }
0x24: {  	s31 =	sadd.s32 $0xFFFFFFFF, s12;
	s15 =	sshrl.u32 @!p0 s11, $0x3  }
0x25: {  	s16 =	sand.u32 @!p0 $0x7, s11;
	s15 =	sadd.s32 @!p0 s3, s15;
	s14 =	sshra.s32 @!p0 s14, $0x2  }
0x26: {  	[tilespmem:s14], [sflag:$0x2] =	stream.linear.gather @!p0 [hbm4b:s15+s16], $0x1F40, $0x38;
	[tilespmem:$0x7D00] =	vst v63  }
0x27: {  	p0 =	sge.u32 s31, s7  }
.Ltmp2:
0x28: {  	_ = 	snop;
	(pc) =	sbr.rel @p0 .LBB2_5-.Ltmp2, $1  }
0x29: {  	_ =	sdelay $0x3  }
0x2a: {  	s14 =	sand.u32 $0x1, s12  }
0x2b: {  	_ =	swait.ge [sflag:s6], $0x1F40;
	p0 =	seq.s32 s14, $0x1;
	s14 =	simm.s32 $0x1F40  }
0x2c: {  	[sflag:s6] =	ssyncset.done $0x0;
	s14 =	simm.s32 @!p0 $0x0  }
0x2d: {  	[sflag:s6] =	ssyncadd.s32 $0xFFFFE0C0;
	(ifvalue) =	ssetifvalue $0x7FFFFFFF;
	v0 =	vld.msk [tilespmem:s14+$0x0 ss:$0x1], $0xffff;
	_ =	sdelay $0x4  }
0x2e: {  	s15 =	sadd.s32 $0x10, s14;
	vm1 =	vgt.s32 v0, $0x0  }
0x2f: {  	v2 =	vld.msk [tilespmem:s15+$0x0 ss:$0x1], $0xffff;
	v1 =	vnsel vm1, $0x0, v0  }
0x30: {  	v1 =	vmin.u32 v1, $0x4E1FF;
	_ =	sdelay $0x2  }
0x31: {  	s17 =	simm.s32 $0x20;
	s14 =	sadd.s32 $0x3E80, s14;
	s16 =	sadd.s32 $0x10, s15  }
0x32: {  	s15 =	sadd.s32 $0x10, s14;
	s18 =	smov.u32 s14;
	v0 =	vld.msk [tilespmem:s16+$0x0 ss:$0x1], $0xffff;
	vm1 =	vgt.s32 v2, $0x0;
	(ifvalue) =	ssetifvalue $0x7FFFFFFF  }
.LBB2_3:
0x33: {  	[tilespmem:s18], [sflag:$0x1] =	stream.indirect_vreg.gather [hbm4b:s2+s10], $0x1, v1, vm0, $0x4038;
	[tilespmem:$0x7D00] =	vst v63  }
0x34: {  	s17 =	sadd.s32 $0x10, s17  }
0x35: {  	v2 =	vnsel vm1, $0x0, v2;
	p0 =	slt.u32 s17, $0x1F30  }
.Ltmp3:
0x36: {  	s18 =	smov.u32 s15;
	v1 =	vmin.u32 v2, $0x4E1FF;
	(pc) =	sbr.rel @p0 .LBB2_3-.Ltmp3, $3  }
0x37: {  	_ =	sdelay $0x1  }
0x38: {  	s16 =	sadd.s32 $0x10, s16  }
0x39: {  	vm1 =	vgt.s32 v0, $0x0;
	s15 =	sadd.s32 $0x10, s15;
	v2 =	vmov v0;
	(ifvalue) =	ssetifvalue $0x7FFFFFFF;
	v0 =	vld.msk [tilespmem:s16+$0x0 ss:$0x1], $0xffff  }
.Ltmp4:
0x3a: {  	_ = 	snop;
	(pc) =	sbr.rel .LBB2_4-.Ltmp4, $1  }
0x3b: {  	_ =	sdelay $0x3  }
.LBB2_6:
0x3c: {  	_ =	sfence.sel $0x180000  }
0x3d: {  	s2 =	simm.s32 $0x2;
	[bflag:$0x0] =	sbarrier.arrive $0xFFFF  }
0x3e: {  	s30 =	simm.s32 $0x3;
	[sflag:s2] =	ssyncpa.u1 $0x1  }
0x3f: {  	s31 =	simm.s32 $0x1;
	[sflag:s30] =	ssyncpa.u1 $0x1  }
0x40: {  	[sflag:s31] =	ssyncpa.u1 $0x1  }
0x41: {  	p0 =	sne.s32 s1, $0x0;
	_ =	strace $0x90000053  }
0x42: {  	s0 =	sadd.s32 @!p0 $0x100000, s0;
	[bflag:$0x2] =	sbarrier.arrive $0xFFFF  }
0x43: {  	[sflag:s0] =	ssyncadd.tile.s32 @!p0 $0x1;
	_ =	shalt  }
.Lfunc_end2:
_tile_overlayer_lowered:
.L_overlay_start_2:
0x44: {  	(tag) =	ssettag $0x2  }
0x45: {  	s0 =	rddreg [dreg:$0x0];
	s2 =	stileid.u32  }
0x46: {  	s1 =	rddreg [dreg:$0x1];
	p0 =	sne.s32 s2, $0x0  }
0x47: {  	s3 =	rddreg [dreg:$0x2];
	[bflag:$0x3] =	sbarrier.arrive $0xFFFF;
	s2 =	simm.s32 @!p0 $0x1C01  }
0x48: {  	[timem:s3], [sflag:s2] =	dma.local @!p0 [hbm:s0], s1  }
0x49: {  	s0 =	simm.s32 @!p0 $0x1  }
0x4a: {  	_ =	swait.ge @!p0 [sflag:s0], s1  }
0x4b: {  	s1 =	ssub.s32 @!p0 $0x0, s1;
	[sflag:s0] =	ssyncset.done @!p0 $0x0  }
0x4c: {  	[sflag:s0] =	ssyncadd.s32 @!p0 s1  }
0x4d: {  	[bflag:$0x3] =	sbarrier.arrive $0xFFFF  }
0x4e: {  	_ =	shalt  }

// kernel: gather_offload_async_start.2
scs
__scs_entry_jumppad:
0x0: {  	(pc) =	sbr.rel $0x88, $3  }
0x1: {  	(tag) =	ssettag $0x0;
	lr =	simm.s32 $0x1  }
0x2: {  	[smem:$0x3F97] =	sst lr;
	_ =	strace $0xD0000000  }
0x3: {  	_ = 	snop  }
0x4: {  	_ = 	snop  }
0x5: {  	_ = 	snop  }
0x6: {  	_ = 	snop  }
0x7: {  	_ = 	snop  }
__scs_overlays_trampoline_lowered:
0x8: {  	[smem:$0x3FA6] =	sst s0  }
0x9: {  	[smem:$0x3FA7] =	sst s1  }
0xa: {  	[smem:$0x3FA8] =	sst s2  }
0xb: {  	[smem:$0x3FA9] =	sst s3  }
0xc: {  	[smem:$0x3FAA] =	sst s4  }
0xd: {  	[smem:$0x3FAB] =	sst s5  }
0xe: {  	[smem:$0x3FAC] =	sst s6  }
0xf: {  	[smem:$0x3FAD] =	sst s7  }
0x10: {  	[smem:$0x3FAE] =	sst s8  }
0x11: {  	[smem:$0x3FAF] =	sst s9;
	s0 =	simm.s32 @!p0 $0x0  }
0x12: {  	s1 =	sld [smem:$0x3F95];
	s0 =	simm.s32 @p0 $0x1  }
0x13: {  	[smem:$0x3FB0] =	sst s0;
	s0 =	simm.s32 @!p1 $0x0  }
0x14: {  	s2 =	sld [smem:$0x3F94];
	s0 =	simm.s32 @p1 $0x1  }
0x15: {  	[smem:$0x3FB1] =	sst s0;
	s0 =	simm.s32 @!p2 $0x0  }
0x16: {  	s3 =	sld [smem:$0x3FDB];
	s0 =	simm.s32 @p2 $0x1  }
0x17: {  	s4 =	simm.s32 $0x1BF5;
	[smem:$0x3FB3] =	sst s0  }
0x18: {  	s0 =	sld [smem:$0x3F96];
	_ =	swait.ge [sflag:s4], $0x0  }
0x19: {  	s7 =	sld [smem:$0x3F97]  }
0x1a: {  	s8 =	sadd.s32 $0xFFFFE003, lr  }
0x1b: {  	s9 =	sadd.s32 $0xFFFFFEF7, lr;
	s5 =	simm.s32 $0xFFFFFFFF;
	p2 =	slt.u32 s8, $0xFFFFF086  }
0x1c: {  	p1 =	slt.u32 s9, $0xF7A;
	s5 =	simm.s32 @!p2 $0x0  }
0x1d: {  	s5 =	simm.s32 @p1 $0x1;
	p0 =	seq.s32 s7, s2  }
0x1e: {  	s7 =	smul.u32 @!p0 $0xF7A, s2;
	p2 =	seq.s32 @!p0 s5, $0x0  }
0x1f: {  	s9 =	smul.u32 $0xF7A, s1;
	s8 =	simm.s32 @!p0 $0x1BF5;
	p2 =	por !p2, p0  }
0x20: {  	[sflag:s8] =	ssyncset.s32 @!p0 $0xFFFFF086;
	s6 =	sadd.s32 @!p0 s3, s7;
	s7 =	simm.s32 @!p0 $0x108  }
0x21: {  	s3 =	sadd.s32 s3, s9;
	s6 =	sadd.s32 @!p0 $0x88, s6;
	s7 =	simm.s32 @p2 $0x1082  }
0x22: {  	[simem:s7], [sflag:s8] =	dma.local @!p0 [hbm:s6], $0xF7A  }
0x23: {  	s9 =	sor.u32 $0xD0000000, s2;
	s6 =	simm.s32 $0x108;
	_ =	swait.ge @!p0 [sflag:s8], $0x0  }
0x24: {  	s3 =	sadd.s32 $0x88, s3;
	s6 =	simm.s32 @!p1 $0x1082;
	[sflag:s4] =	ssyncset.s32 $0xFFFFF086  }
0x25: {  	[simem:s6], [sflag:s4] =	dma.local [hbm:s3], $0xF7A  }
0x26: {  	[smem:$0x3F97] =	sst s1;
	(tag) =	ssettag s2;
	_ =	strace s9  }
0x27: {  	s1 =	sld [smem:$0x3FA7]  }
0x28: {  	s2 =	sld [smem:$0x3FA8]  }
0x29: {  	s4 =	sld [smem:$0x3FAA]  }
0x2a: {  	p0 =	seq.s32 s5, $0x0;
	s5 =	sld [smem:$0x3FAB]  }
0x2b: {  	s6 =	sld [smem:$0x3FAC]  }
0x2c: {  	s7 =	sld [smem:$0x3FAD]  }
0x2d: {  	s3 =	simm.s32 $0x108;
	s8 =	sld [smem:$0x3FAE]  }
0x2e: {  	s3 =	simm.s32 @!p0 $0x1082;
	s9 =	sld [smem:$0x3FAF]  }
0x2f: {  	lr =	sadd.s32 s0, s3;
	s0 =	sld [smem:$0x3FA6]  }
0x30: {  	s3 =	sld [smem:$0x3FA9]  }
0x31: {  	[smem:$0x3FB2] =	sst s10  }
0x32: {  	s10 =	sld [smem:$0x3FB0];
	_ =	sdelay $0x3  }
0x33: {  	p0 =	seq.s32 s10, $0x1;
	s10 =	sld [smem:$0x3FB2];
	_ =	sdelay $0x3  }
0x34: {  	[smem:$0x3FB2] =	sst s10  }
0x35: {  	s10 =	sld [smem:$0x3FB1];
	_ =	sdelay $0x3  }
0x36: {  	p1 =	seq.s32 s10, $0x1;
	s10 =	sld [smem:$0x3FB2];
	_ =	sdelay $0x3  }
0x37: {  	[smem:$0x3FB2] =	sst s10  }
0x38: {  	s10 =	sld [smem:$0x3FB3]  }
0x39: {  	_ = 	snop;
	(pc) =	sbr.ind lr, $3  }
0x3a: {  	_ = 	snop  }
0x3b: {  	_ = 	snop  }
0x3c: {  	p2 =	seq.s32 s10, $0x1;
	s10 =	sld [smem:$0x3FB2]  }
0x3d: {  	_ =	shalt  }
0x3e: {  	_ =	shalt  }
0x3f: {  	_ =	shalt  }
0x40: {  	_ =	shalt  }
0x41: {  	_ =	shalt  }
0x42: {  	_ =	shalt  }
0x43: {  	_ =	shalt  }
0x44: {  	_ =	shalt  }
0x45: {  	_ =	shalt  }
0x46: {  	_ =	shalt  }
0x47: {  	_ =	shalt  }
0x48: {  	_ =	shalt  }
0x49: {  	_ =	shalt  }
0x4a: {  	_ =	shalt  }
0x4b: {  	_ =	shalt  }
0x4c: {  	_ =	shalt  }
0x4d: {  	_ =	shalt  }
0x4e: {  	_ =	shalt  }
0x4f: {  	_ =	shalt  }
0x50: {  	_ =	shalt  }
0x51: {  	_ =	shalt  }
0x52: {  	_ =	shalt  }
0x53: {  	_ =	shalt  }
0x54: {  	_ =	shalt  }
0x55: {  	_ =	shalt  }
0x56: {  	_ =	shalt  }
0x57: {  	_ =	shalt  }
0x58: {  	_ =	shalt  }
0x59: {  	_ =	shalt  }
0x5a: {  	_ =	shalt  }
0x5b: {  	_ =	shalt  }
0x5c: {  	_ =	shalt  }
0x5d: {  	_ =	shalt  }
0x5e: {  	_ =	shalt  }
0x5f: {  	_ =	shalt  }
0x60: {  	_ =	shalt  }
0x61: {  	_ =	shalt  }
0x62: {  	_ =	shalt  }
0x63: {  	_ =	shalt  }
0x64: {  	_ =	shalt  }
0x65: {  	_ =	shalt  }
0x66: {  	_ =	shalt  }
0x67: {  	_ =	shalt  }
0x68: {  	_ =	shalt  }
0x69: {  	_ =	shalt  }
0x6a: {  	_ =	shalt  }
0x6b: {  	_ =	shalt  }
0x6c: {  	_ =	shalt  }
0x6d: {  	_ =	shalt  }
0x6e: {  	_ =	shalt  }
0x6f: {  	_ =	shalt  }
0x70: {  	_ =	shalt  }
0x71: {  	_ =	shalt  }
0x72: {  	_ =	shalt  }
0x73: {  	_ =	shalt  }
0x74: {  	_ =	shalt  }
0x75: {  	_ =	shalt  }
0x76: {  	_ =	shalt  }
0x77: {  	_ =	shalt  }
0x78: {  	_ =	shalt  }
0x79: {  	_ =	shalt  }
0x7a: {  	_ =	shalt  }
0x7b: {  	_ =	shalt  }
0x7c: {  	_ =	shalt  }
0x7d: {  	_ =	shalt  }
0x7e: {  	_ =	shalt  }
0x7f: {  	_ =	shalt  }
0x80: {  	_ =	shalt  }
0x81: {  	_ =	shalt  }
0x82: {  	_ =	shalt  }
0x83: {  	_ =	shalt  }
0x84: {  	_ =	shalt  }
0x85: {  	_ =	shalt  }
0x86: {  	_ =	shalt  }
0x87: {  	_ =	shalt  }
.Lfunc_end0:
.L_simem_size_0:
called_computation.5_lowered:
.L_overlay_start_0:
0x88: {  	s0 =	sld [smem:$0x3FD9]  }
0x89: {  	s1 =	sld [smem:$0x3FFE];
	_ =	sdelay $0x3  }
0x8a: {  	s0 =	sadd.s32 s1, s0  }
0x8b: {  	[smem:$0x3FBE] =	sst s0  }
0x8c: {  	_ = 	snop  }
0x8d: {  	(tm) =	ssettm $0x1  }
0x8e: {  	s15 =	sld [smem:$0x3FFB];
	_ =	sdelay $0x3  }
0x8f: {  	_ =	strace s15  }
0x90: {  	s0 =	sld [smem:$0x3FFC];
	_ =	sdelay $0x3  }
0x91: {  	_ =	strace s0  }
0x92: {  	s0 =	sld [smem:$0x3FFD];
	_ =	sdelay $0x3  }
0x93: {  	_ =	strace s0  }
0x94: {  	_ =	strace $0x8FFFFFFF  }
0x95: {  	s16 =	sld [smem:$0x3FDB];
	_ =	sdelay $0x1  }
0x96: {  	s17 =	simm.s32 $_scs_section_size  }
0x97: {  	s2 =	simm.s32 $_size__tile_overlayer_lowered;
	s3 =	simm.s32 $_tile_overlayer_lowered  }
0x98: {  	s20 =	simm.s32 $0x1BFF;
	s19 =	sshll.u32 s3, $0x1;
	s0 =	sadd.s32 s17, s16  }
0x99: {  	s4 =	simm.s32 $0x0;
	s18 =	sshll.u32 s2, $0x1;
	s2 =	sadd.s32 s19, s0  }
0x9a: {  	[timem:s4], [sflag:s20] =	dma.local [hbm:s2], s18  }
0x9b: {  	_ =	swait.ge [sflag:s20], s18  }
0x9c: {  	s1 =	ssub.s32 $0x0, s18;
	[sflag:s20] =	ssyncset.done $0x0  }
0x9d: {  	[sflag:s20] =	ssyncadd.s32 s1;
	_ =	sdelay $0x1  }
0x9e: {  	s21 =	simm.s32 $0x1B8B  }
0x9f: {  	_ =	swait.ge [sflag:s21], $0x1  }
0xa0: {  	[sflag:s21] =	ssyncset.done $0x0  }
0xa1: {  	s23 =	simm.s32 $0x1B8E;
	s22 =	sld [smem:$0x3FFE];
	[sflag:s21] =	ssyncadd.s32 $0xFFFFFFFF  }
0xa2: {  	s24 =	simm.s32 $execute0_lowered;
	[smem:$0x3FD2] =	sst s23  }
0xa3: {  	s2 =	sshll.u32 s24, $0x1;
	_ =	strace $0x80000058;
	[dreg:$0x1] =	wrdreg $0xFFFFFFFF  }
0xa4: {  	s25 =	simm.s32 $_size_execute0_lowered;
	s0 =	sadd.s32 s0, s2;
	[dreg:$0x0] =	wrdreg $0x0  }
0xa5: {  	s2 =	sshll.u32 s25, $0x1;
	[dreg:$0x2] =	wrdreg s0  }
0xa6: {  	[dreg:$0x3] =	wrdreg s2  }
0xa7: {  	[dreg:$0x4] =	wrdreg $0xC0  }
0xa8: {  	_ =	task [dreg:s4], $0x5FFFF  }
0xa9: {  	[dreg:$0x1] =	wrdreg $0xFFFFFFFF  }
0xaa: {  	[dreg:$0x0] =	wrdreg $0x60  }
0xab: {  	[dreg:$0x2] =	wrdreg s22  }
0xac: {  	[dreg:$0x3] =	wrdreg $0x9  }
0xad: {  	_ =	task.clear_ibuf [dreg:s4], $0x4FFFF;
	_ =	strace $0x90000058  }
0xae: {  	s26 =	simm.s32 $0x9;
	_ =	strace $0x8000005A  }
0xaf: {  	_ =	swait.ge [sflag:s26], $0x1  }
0xb0: {  	[sflag:s26] =	ssyncadd.s32 $0xFFFFFFFF  }
0xb1: {  	_ =	strace $0x9000005A  }
0xb2: {  	_ =	sfence  }
0xb3: {  	s28 =	sld [smem:$0x0];
	_ =	sdelay $0x1  }
0xb4: {  	s29 =	srdreg.scid  }
0xb5: {  	s30 =	sshll.u32 s29, $0xD;
	s31 =	sshrl.u32 s29, $0x2  }
0xb6: {  	s1 =	sand.u32 $0x1, s29;
	s2 =	sand.u32 $0x4000, s30;
	s0 =	sadd.s32 s31, s28  }
0xb7: {  	s1 =	sor.u32 s2, s1;
	s0 =	sshll.u32 s0, $0x11  }
0xb8: {  	s0 =	sor.u32 s0, s1  }
0xb9: {  	s0 =	sadd.s32 $0x8F2B, s0  }
0xba: {  	[sflag:s0] =	ssyncadd.remote.s32 $0x1  }
0xbb: {  	_ =	sfence.sel $0xFFFF  }
0xbc: {  	[dreg:$0x0] =	wrdreg $0xFFFFFFFF;
	(pc) =	sbr.abs _section_cstart, $3  }
0xbd: {  	[dreg:$0x1] =	wrdreg $0xFFFFFFFF  }
0xbe: {  	_ =	task.clear_ibuf [dreg:s4], $0x2FFFF;
	_ =	strace $0x9FFFFFFF  }
0xbf: {  	(tm) =	ssettm $0x7FFFFFFF  }
tec
execute0_lowered:
.L_overlay_start_1:
0x0: {  	(tag) =	ssettag $0x1  }
0x1: {  	s8 =	rddreg [dreg:$0x0]  }
0x2: {  	s0 =	rddreg [dreg:$0x1];
	_ =	strace $0x80000059  }
0x3: {  	s4 =	simm.s32 $0x1;
	s1 =	stileid.u32;
	s7 =	simm.s32 $0x1  }
0x4: {  	s9 =	simm.s32 $0x1;
	s6 =	simm.s32 $0x2;
	s10 =	simm.s32 $0x3  }
0x5: {  	s13 =	simm.s32 $0x0;
	s12 =	simm.s32 $0x0;
	s2 =	sadd.s32 $0x1DC00, s8  }
.Ltmp0:
0x6: {  	s3 =	sadd.s32 $0x14C00, s8;
	p0 =	slt.u32 s1, $0xA;
	(pc) =	sbr.rel .LBB2_1-.Ltmp0, $4  }
0x7: {  	[sflag:s4] =	ssyncpa.u1 $0x0;
	s7 =	simm.s32 @!p0 $0x0;
	p0 =	sne.s32 s1, $0x9  }
0x8: {  	s5 =	smul.u32 $0x190, s1;
	[sflag:s6] =	ssyncpa.u1 $0x0;
	s9 =	simm.s32 @!p0 $0x0  }
0x9: {  	s8 =	sadd.s32 $0x16000, s8;
	[sflag:s10] =	ssyncpa.u1 $0x0;
	s7 =	sadd.s32 s9, s7  }
0xa: {  	vm0 =	vmmov $0xffff;
	s10 =	simm.s32 $0x0;
	s11 =	smov.u32 s5;
	s9 =	sadd.s32 $0x1, s7  }
.LBB2_4:
0xb: {  	v2 =	vnsel vm1, $0x0, v2  }
0xc: {  	vm1 =	vgt.s32 v0, $0x0;
	v2 =	vmin.u32 v2, $0x270F  }
0xd: {  	v0 =	vnsel vm1, $0x0, v0  }
0xe: {  	v0 =	vmin.u32 v0, $0x270F  }
0xf: {  	[tilespmem:s18], [sflag:$0x1] =	stream.indirect_vreg.gather [hbm4b:s2+s10], $0x1, v1, vm0, $0x4038;
	[tilespmem:$0x640] =	vst v63  }
0x10: {  	(ifvalue) =	ssetifvalue $0x7FFFFFFF  }
0x11: {  	[tilespmem:s15], [sflag:$0x1] =	stream.indirect_vreg.gather [hbm4b:s2+s10], $0x1, v2, vm0, $0x4038;
	[tilespmem:$0x640] =	vst v63  }
0x12: {  	s29 =	sadd.s32 $0x10, s15;
	(ifvalue) =	ssetifvalue $0x7FFFFFFF  }
0x13: {  	[tilespmem:s29], [sflag:$0x1] =	stream.indirect_vreg.gather [hbm4b:s2+s10], $0x1, v0, vm0, $0x4038;
	[tilespmem:$0x640] =	vst v63  }
0x14: {  	_ =	swait.ge [sflag:s4], $0x190  }
0x15: {  	s30 =	sshrl.u32 s13, $0x3;
	[sflag:s4] =	ssyncset.done $0x0  }
0x16: {  	s31 =	sand.u32 $0x7, s13;
	s15 =	sadd.s32 s8, s30;
	[sflag:s4] =	ssyncadd.s32 $0xFFFFFE70  }
0x17: {  	[hbm4b:s15+s31] =	stream.linear.scatter [tilespmem:s14], [sflag:$0x3], $0x190, $0x38;
	[tilespmem:$0x640] =	vst v63  }
.LBB2_5:
0x18: {  	s15 =	sadd.s32 $0x1900, s11  }
0x19: {  	p1 =	sgt.s32 s15, $0x270F  }
0x1a: {  	s15 =	smov.u32 @p1 s5;
	p1 =	sne.s32 s12, s9  }
.Ltmp1:
0x1b: {  	p0 =	slt.u32 s12, $0x2;
	(pc) =	sbr.rel @!p1 .LBB2_6-.Ltmp1, $4  }
0x1c: {  	s14 =	simm.s32 @!p0 $0x3  }
0x1d: {  	_ =	swait.ge @!p0 [sflag:s14], $0x190  }
0x1e: {  	s16 =	sadd.s32 $0x1, s12;
	s13 =	smov.u32 s11;
	[sflag:s14] =	ssyncset.done @!p0 $0x0  }
0x1f: {  	s12 =	smov.u32 s16;
	s11 =	smov.u32 s15;
	[sflag:s14] =	ssyncadd.s32 @!p0 $0xFFFFFE70  }
.LBB2_1:
0x20: {  	p0 =	sge.u32 s12, s7  }
0x21: {  	s14 =	sxor.u32 @!p0 $0x1, s12  }
0x22: {  	s14 =	smul.u32 @!p0 $0x640, s14  }
0x23: {  	s31 =	sadd.s32 $0xFFFFFFFF, s12;
	s15 =	sshrl.u32 @!p0 s11, $0x3  }
0x24: {  	s16 =	sand.u32 @!p0 $0x7, s11;
	s15 =	sadd.s32 @!p0 s3, s15;
	s14 =	sshra.s32 @!p0 s14, $0x2  }
0x25: {  	[tilespmem:s14], [sflag:$0x2] =	stream.linear.gather @!p0 [hbm4b:s15+s16], $0x190, $0x38;
	[tilespmem:$0x640] =	vst v63  }
0x26: {  	p0 =	sge.u32 s31, s7  }
.Ltmp2:
0x27: {  	_ = 	snop;
	(pc) =	sbr.rel @p0 .LBB2_5-.Ltmp2, $1  }
0x28: {  	_ =	sdelay $0x3  }
0x29: {  	s14 =	sand.u32 $0x1, s12  }
0x2a: {  	_ =	swait.ge [sflag:s6], $0x190;
	p0 =	seq.s32 s14, $0x1;
	s14 =	simm.s32 $0x190  }
0x2b: {  	[sflag:s6] =	ssyncset.done $0x0;
	s14 =	simm.s32 @!p0 $0x0  }
0x2c: {  	[sflag:s6] =	ssyncadd.s32 $0xFFFFFE70;
	(ifvalue) =	ssetifvalue $0x7FFFFFFF;
	v0 =	vld.msk [tilespmem:s14+$0x0 ss:$0x1], $0xffff;
	_ =	sdelay $0x4  }
0x2d: {  	s15 =	sadd.s32 $0x10, s14;
	vm1 =	vgt.s32 v0, $0x0  }
0x2e: {  	v2 =	vld.msk [tilespmem:s15+$0x0 ss:$0x1], $0xffff;
	v1 =	vnsel vm1, $0x0, v0  }
0x2f: {  	v1 =	vmin.u32 v1, $0x270F;
	_ =	sdelay $0x2  }
0x30: {  	s17 =	simm.s32 $0x20;
	s14 =	sadd.s32 $0x320, s14;
	s16 =	sadd.s32 $0x10, s15  }
0x31: {  	s15 =	sadd.s32 $0x10, s14;
	s18 =	smov.u32 s14;
	v0 =	vld.msk [tilespmem:s16+$0x0 ss:$0x1], $0xffff;
	vm1 =	vgt.s32 v2, $0x0;
	(ifvalue) =	ssetifvalue $0x7FFFFFFF  }
.LBB2_3:
0x32: {  	[tilespmem:s18], [sflag:$0x1] =	stream.indirect_vreg.gather [hbm4b:s2+s10], $0x1, v1, vm0, $0x4038;
	[tilespmem:$0x640] =	vst v63  }
0x33: {  	s17 =	sadd.s32 $0x10, s17  }
0x34: {  	v2 =	vnsel vm1, $0x0, v2;
	p0 =	slt.u32 s17, $0x180  }
.Ltmp3:
0x35: {  	s18 =	smov.u32 s15;
	v1 =	vmin.u32 v2, $0x270F;
	(pc) =	sbr.rel @p0 .LBB2_3-.Ltmp3, $3  }
0x36: {  	_ =	sdelay $0x1  }
0x37: {  	s16 =	sadd.s32 $0x10, s16  }
0x38: {  	vm1 =	vgt.s32 v0, $0x0;
	s15 =	sadd.s32 $0x10, s15;
	v2 =	vmov v0;
	(ifvalue) =	ssetifvalue $0x7FFFFFFF;
	v0 =	vld.msk [tilespmem:s16+$0x0 ss:$0x1], $0xffff  }
.Ltmp4:
0x39: {  	_ = 	snop;
	(pc) =	sbr.rel .LBB2_4-.Ltmp4, $1  }
0x3a: {  	_ =	sdelay $0x3  }
.LBB2_6:
0x3b: {  	_ =	sfence.sel $0x180000  }
0x3c: {  	s2 =	simm.s32 $0x2;
	[bflag:$0x0] =	sbarrier.arrive $0xFFFF  }
0x3d: {  	s30 =	simm.s32 $0x3;
	[sflag:s2] =	ssyncpa.u1 $0x1  }
0x3e: {  	s31 =	simm.s32 $0x1;
	[sflag:s30] =	ssyncpa.u1 $0x1  }
0x3f: {  	[sflag:s31] =	ssyncpa.u1 $0x1  }
0x40: {  	p0 =	sne.s32 s1, $0x0;
	_ =	strace $0x90000059  }
0x41: {  	s0 =	sadd.s32 @!p0 $0x100000, s0;
	[bflag:$0x2] =	sbarrier.arrive $0xFFFF  }
0x42: {  	[sflag:s0] =	ssyncadd.tile.s32 @!p0 $0x1;
	_ =	shalt  }
.Lfunc_end2:
_tile_overlayer_lowered:
.L_overlay_start_2:
0x43: {  	(tag) =	ssettag $0x2  }
0x44: {  	s0 =	rddreg [dreg:$0x0];
	s2 =	stileid.u32  }
0x45: {  	s1 =	rddreg [dreg:$0x1];
	p0 =	sne.s32 s2, $0x0  }
0x46: {  	s3 =	rddreg [dreg:$0x2];
	[bflag:$0x3] =	sbarrier.arrive $0xFFFF;
	s2 =	simm.s32 @!p0 $0x1C01  }
0x47: {  	[timem:s3], [sflag:s2] =	dma.local @!p0 [hbm:s0], s1  }
0x48: {  	s0 =	simm.s32 @!p0 $0x1  }
0x49: {  	_ =	swait.ge @!p0 [sflag:s0], s1  }
0x4a: {  	s1 =	ssub.s32 @!p0 $0x0, s1;
	[sflag:s0] =	ssyncset.done @!p0 $0x0  }
0x4b: {  	[sflag:s0] =	ssyncadd.s32 @!p0 s1  }
0x4c: {  	[bflag:$0x3] =	sbarrier.arrive $0xFFFF  }
0x4d: {  	_ =	shalt  }

// kernel: gather_offload_async_start.3
scs
__scs_entry_jumppad:
0x0: {  	(pc) =	sbr.rel $0x88, $3  }
0x1: {  	(tag) =	ssettag $0x0;
	lr =	simm.s32 $0x1  }
0x2: {  	[smem:$0x3F97] =	sst lr;
	_ =	strace $0xD0000000  }
0x3: {  	_ = 	snop  }
0x4: {  	_ = 	snop  }
0x5: {  	_ = 	snop  }
0x6: {  	_ = 	snop  }
0x7: {  	_ = 	snop  }
__scs_overlays_trampoline_lowered:
0x8: {  	[smem:$0x3FA6] =	sst s0  }
0x9: {  	[smem:$0x3FA7] =	sst s1  }
0xa: {  	[smem:$0x3FA8] =	sst s2  }
0xb: {  	[smem:$0x3FA9] =	sst s3  }
0xc: {  	[smem:$0x3FAA] =	sst s4  }
0xd: {  	[smem:$0x3FAB] =	sst s5  }
0xe: {  	[smem:$0x3FAC] =	sst s6  }
0xf: {  	[smem:$0x3FAD] =	sst s7  }
0x10: {  	[smem:$0x3FAE] =	sst s8  }
0x11: {  	[smem:$0x3FAF] =	sst s9;
	s0 =	simm.s32 @!p0 $0x0  }
0x12: {  	s1 =	sld [smem:$0x3F95];
	s0 =	simm.s32 @p0 $0x1  }
0x13: {  	[smem:$0x3FB0] =	sst s0;
	s0 =	simm.s32 @!p1 $0x0  }
0x14: {  	s2 =	sld [smem:$0x3F94];
	s0 =	simm.s32 @p1 $0x1  }
0x15: {  	[smem:$0x3FB1] =	sst s0;
	s0 =	simm.s32 @!p2 $0x0  }
0x16: {  	s3 =	sld [smem:$0x3FDB];
	s0 =	simm.s32 @p2 $0x1  }
0x17: {  	s4 =	simm.s32 $0x1BF5;
	[smem:$0x3FB3] =	sst s0  }
0x18: {  	s0 =	sld [smem:$0x3F96];
	_ =	swait.ge [sflag:s4], $0x0  }
0x19: {  	s7 =	sld [smem:$0x3F97]  }
0x1a: {  	s8 =	sadd.s32 $0xFFFFE003, lr  }
0x1b: {  	s9 =	sadd.s32 $0xFFFFFEF7, lr;
	s5 =	simm.s32 $0xFFFFFFFF;
	p2 =	slt.u32 s8, $0xFFFFF086  }
0x1c: {  	p1 =	slt.u32 s9, $0xF7A;
	s5 =	simm.s32 @!p2 $0x0  }
0x1d: {  	s5 =	simm.s32 @p1 $0x1;
	p0 =	seq.s32 s7, s2  }
0x1e: {  	s7 =	smul.u32 @!p0 $0xF7A, s2;
	p2 =	seq.s32 @!p0 s5, $0x0  }
0x1f: {  	s9 =	smul.u32 $0xF7A, s1;
	s8 =	simm.s32 @!p0 $0x1BF5;
	p2 =	por !p2, p0  }
0x20: {  	[sflag:s8] =	ssyncset.s32 @!p0 $0xFFFFF086;
	s6 =	sadd.s32 @!p0 s3, s7;
	s7 =	simm.s32 @!p0 $0x108  }
0x21: {  	s3 =	sadd.s32 s3, s9;
	s6 =	sadd.s32 @!p0 $0x88, s6;
	s7 =	simm.s32 @p2 $0x1082  }
0x22: {  	[simem:s7], [sflag:s8] =	dma.local @!p0 [hbm:s6], $0xF7A  }
0x23: {  	s9 =	sor.u32 $0xD0000000, s2;
	s6 =	simm.s32 $0x108;
	_ =	swait.ge @!p0 [sflag:s8], $0x0  }
0x24: {  	s3 =	sadd.s32 $0x88, s3;
	s6 =	simm.s32 @!p1 $0x1082;
	[sflag:s4] =	ssyncset.s32 $0xFFFFF086  }
0x25: {  	[simem:s6], [sflag:s4] =	dma.local [hbm:s3], $0xF7A  }
0x26: {  	[smem:$0x3F97] =	sst s1;
	(tag) =	ssettag s2;
	_ =	strace s9  }
0x27: {  	s1 =	sld [smem:$0x3FA7]  }
0x28: {  	s2 =	sld [smem:$0x3FA8]  }
0x29: {  	s4 =	sld [smem:$0x3FAA]  }
0x2a: {  	p0 =	seq.s32 s5, $0x0;
	s5 =	sld [smem:$0x3FAB]  }
0x2b: {  	s6 =	sld [smem:$0x3FAC]  }
0x2c: {  	s7 =	sld [smem:$0x3FAD]  }
0x2d: {  	s3 =	simm.s32 $0x108;
	s8 =	sld [smem:$0x3FAE]  }
0x2e: {  	s3 =	simm.s32 @!p0 $0x1082;
	s9 =	sld [smem:$0x3FAF]  }
0x2f: {  	lr =	sadd.s32 s0, s3;
	s0 =	sld [smem:$0x3FA6]  }
0x30: {  	s3 =	sld [smem:$0x3FA9]  }
0x31: {  	[smem:$0x3FB2] =	sst s10  }
0x32: {  	s10 =	sld [smem:$0x3FB0];
	_ =	sdelay $0x3  }
0x33: {  	p0 =	seq.s32 s10, $0x1;
	s10 =	sld [smem:$0x3FB2];
	_ =	sdelay $0x3  }
0x34: {  	[smem:$0x3FB2] =	sst s10  }
0x35: {  	s10 =	sld [smem:$0x3FB1];
	_ =	sdelay $0x3  }
0x36: {  	p1 =	seq.s32 s10, $0x1;
	s10 =	sld [smem:$0x3FB2];
	_ =	sdelay $0x3  }
0x37: {  	[smem:$0x3FB2] =	sst s10  }
0x38: {  	s10 =	sld [smem:$0x3FB3]  }
0x39: {  	_ = 	snop;
	(pc) =	sbr.ind lr, $3  }
0x3a: {  	_ = 	snop  }
0x3b: {  	_ = 	snop  }
0x3c: {  	p2 =	seq.s32 s10, $0x1;
	s10 =	sld [smem:$0x3FB2]  }
0x3d: {  	_ =	shalt  }
0x3e: {  	_ =	shalt  }
0x3f: {  	_ =	shalt  }
0x40: {  	_ =	shalt  }
0x41: {  	_ =	shalt  }
0x42: {  	_ =	shalt  }
0x43: {  	_ =	shalt  }
0x44: {  	_ =	shalt  }
0x45: {  	_ =	shalt  }
0x46: {  	_ =	shalt  }
0x47: {  	_ =	shalt  }
0x48: {  	_ =	shalt  }
0x49: {  	_ =	shalt  }
0x4a: {  	_ =	shalt  }
0x4b: {  	_ =	shalt  }
0x4c: {  	_ =	shalt  }
0x4d: {  	_ =	shalt  }
0x4e: {  	_ =	shalt  }
0x4f: {  	_ =	shalt  }
0x50: {  	_ =	shalt  }
0x51: {  	_ =	shalt  }
0x52: {  	_ =	shalt  }
0x53: {  	_ =	shalt  }
0x54: {  	_ =	shalt  }
0x55: {  	_ =	shalt  }
0x56: {  	_ =	shalt  }
0x57: {  	_ =	shalt  }
0x58: {  	_ =	shalt  }
0x59: {  	_ =	shalt  }
0x5a: {  	_ =	shalt  }
0x5b: {  	_ =	shalt  }
0x5c: {  	_ =	shalt  }
0x5d: {  	_ =	shalt  }
0x5e: {  	_ =	shalt  }
0x5f: {  	_ =	shalt  }
0x60: {  	_ =	shalt  }
0x61: {  	_ =	shalt  }
0x62: {  	_ =	shalt  }
0x63: {  	_ =	shalt  }
0x64: {  	_ =	shalt  }
0x65: {  	_ =	shalt  }
0x66: {  	_ =	shalt  }
0x67: {  	_ =	shalt  }
0x68: {  	_ =	shalt  }
0x69: {  	_ =	shalt  }
0x6a: {  	_ =	shalt  }
0x6b: {  	_ =	shalt  }
0x6c: {  	_ =	shalt  }
0x6d: {  	_ =	shalt  }
0x6e: {  	_ =	shalt  }
0x6f: {  	_ =	shalt  }
0x70: {  	_ =	shalt  }
0x71: {  	_ =	shalt  }
0x72: {  	_ =	shalt  }
0x73: {  	_ =	shalt  }
0x74: {  	_ =	shalt  }
0x75: {  	_ =	shalt  }
0x76: {  	_ =	shalt  }
0x77: {  	_ =	shalt  }
0x78: {  	_ =	shalt  }
0x79: {  	_ =	shalt  }
0x7a: {  	_ =	shalt  }
0x7b: {  	_ =	shalt  }
0x7c: {  	_ =	shalt  }
0x7d: {  	_ =	shalt  }
0x7e: {  	_ =	shalt  }
0x7f: {  	_ =	shalt  }
0x80: {  	_ =	shalt  }
0x81: {  	_ =	shalt  }
0x82: {  	_ =	shalt  }
0x83: {  	_ =	shalt  }
0x84: {  	_ =	shalt  }
0x85: {  	_ =	shalt  }
0x86: {  	_ =	shalt  }
0x87: {  	_ =	shalt  }
.Lfunc_end0:
.L_simem_size_0:
called_computation.6_lowered:
.L_overlay_start_0:
0x88: {  	s0 =	sld [smem:$0x3FD9]  }
0x89: {  	s1 =	sld [smem:$0x3FFE];
	_ =	sdelay $0x3  }
0x8a: {  	s0 =	sadd.s32 s1, s0  }
0x8b: {  	[smem:$0x3FBE] =	sst s0  }
0x8c: {  	_ = 	snop  }
0x8d: {  	s0 =	sld [smem:$0x3FD0];
	(tm) =	ssettm $0x1  }
0x8e: {  	s16 =	sld [smem:$0x3FFB];
	_ =	sdelay $0x3  }
0x8f: {  	_ =	strace s16  }
0x90: {  	s1 =	sld [smem:$0x3FFC];
	_ =	sdelay $0x3  }
0x91: {  	_ =	strace s1  }
0x92: {  	s1 =	sld [smem:$0x3FFD];
	_ =	sdelay $0x3  }
0x93: {  	_ =	strace s1  }
0x94: {  	_ =	strace $0x8FFFFFFF  }
0x95: {  	s17 =	sld [smem:$0x3FDB];
	_ =	sdelay $0x1  }
0x96: {  	s2 =	simm.s32 $_scs_section_size  }
0x97: {  	s3 =	simm.s32 $_size__tile_overlayer_lowered;
	s4 =	simm.s32 $_tile_overlayer_lowered  }
0x98: {  	s20 =	simm.s32 $0x1BFF;
	s19 =	sshll.u32 s4, $0x1;
	s1 =	sadd.s32 s2, s17  }
0x99: {  	s5 =	simm.s32 $0x0;
	s18 =	sshll.u32 s3, $0x1;
	s3 =	sadd.s32 s19, s1  }
0x9a: {  	[timem:s5], [sflag:s20] =	dma.local [hbm:s3], s18  }
0x9b: {  	_ =	swait.ge [sflag:s20], s18  }
0x9c: {  	s2 =	ssub.s32 $0x0, s18;
	[sflag:s20] =	ssyncset.done $0x0  }
0x9d: {  	[sflag:s20] =	ssyncadd.s32 s2;
	_ =	sdelay $0x1  }
0x9e: {  	s21 =	simm.s32 $0x1B8B  }
0x9f: {  	_ =	swait.ge [sflag:s21], $0x1  }
0xa0: {  	[sflag:s21] =	ssyncset.done $0x0  }
0xa1: {  	s23 =	simm.s32 $0x1B8E;
	s22 =	sld [smem:$0x3FFE];
	[sflag:s21] =	ssyncadd.s32 $0xFFFFFFFF  }
0xa2: {  	s24 =	simm.s32 $execute0_lowered;
	[smem:$0x3FD2] =	sst s23  }
0xa3: {  	s3 =	sshll.u32 s24, $0x1;
	_ =	strace $0x8000004F;
	[dreg:$0x1] =	wrdreg $0xFFFFFFFF  }
0xa4: {  	s25 =	simm.s32 $_size_execute0_lowered;
	s1 =	sadd.s32 s1, s3;
	[dreg:$0x0] =	wrdreg $0x0  }
0xa5: {  	s3 =	sshll.u32 s25, $0x1;
	[dreg:$0x2] =	wrdreg s1  }
0xa6: {  	[dreg:$0x3] =	wrdreg s3  }
0xa7: {  	[dreg:$0x4] =	wrdreg $0xC0  }
0xa8: {  	_ =	task [dreg:s5], $0x5FFFF  }
0xa9: {  	[dreg:$0x1] =	wrdreg $0xFFFFFFFF  }
0xaa: {  	[dreg:$0x0] =	wrdreg $0x60  }
0xab: {  	[dreg:$0x2] =	wrdreg s0  }
0xac: {  	[dreg:$0x3] =	wrdreg s22  }
0xad: {  	[dreg:$0x4] =	wrdreg $0x9  }
0xae: {  	_ =	task.clear_ibuf [dreg:s5], $0x5FFFF;
	_ =	strace $0x9000004F  }
0xaf: {  	s26 =	simm.s32 $0x9;
	_ =	strace $0x80000051  }
0xb0: {  	_ =	swait.ge [sflag:s26], $0x1  }
0xb1: {  	[sflag:s26] =	ssyncadd.s32 $0xFFFFFFFF  }
0xb2: {  	_ =	strace $0x90000051  }
0xb3: {  	_ =	sfence  }
0xb4: {  	s28 =	sld [smem:$0x0];
	_ =	sdelay $0x1  }
0xb5: {  	s29 =	srdreg.scid  }
0xb6: {  	s30 =	sshll.u32 s29, $0xD;
	s31 =	sshrl.u32 s29, $0x2  }
0xb7: {  	s2 =	sand.u32 $0x4000, s30;
	s1 =	sand.u32 $0x1, s29;
	s0 =	sadd.s32 s31, s28  }
0xb8: {  	s1 =	sor.u32 s2, s1;
	s0 =	sshll.u32 s0, $0x11  }
0xb9: {  	s0 =	sor.u32 s0, s1  }
0xba: {  	s0 =	sadd.s32 $0x8F2B, s0  }
0xbb: {  	[sflag:s0] =	ssyncadd.remote.s32 $0x1  }
0xbc: {  	_ =	sfence.sel $0xFFFF  }
0xbd: {  	[dreg:$0x0] =	wrdreg $0xFFFFFFFF;
	(pc) =	sbr.abs _section_cstart, $3  }
0xbe: {  	[dreg:$0x1] =	wrdreg $0xFFFFFFFF  }
0xbf: {  	_ =	task.clear_ibuf [dreg:s5], $0x2FFFF;
	_ =	strace $0x9FFFFFFF  }
0xc0: {  	(tm) =	ssettm $0x7FFFFFFF  }
0xc1: {  	_ =	shalt  }
tec
execute0_lowered:
.L_overlay_start_1:
0x0: {  	(tag) =	ssettag $0x1  }
0x1: {  	s2 =	rddreg [dreg:$0x0]  }
0x2: {  	s8 =	rddreg [dreg:$0x1]  }
0x3: {  	s0 =	rddreg [dreg:$0x2]  }
0x4: {  	_ =	strace $0x80000050;
	s4 =	simm.s32 $0x1;
	s1 =	stileid.u32  }
0x5: {  	s7 =	simm.s32 $0x1;
	s9 =	simm.s32 $0x1;
	s6 =	simm.s32 $0x2  }
0x6: {  	s10 =	simm.s32 $0x3;
	s13 =	simm.s32 $0x0;
	s12 =	simm.s32 $0x0  }
.Ltmp0:
0x7: {  	s3 =	sadd.s32 $0x14C00, s8;
	p0 =	slt.u32 s1, $0xA;
	(pc) =	sbr.rel .LBB2_1-.Ltmp0, $4  }
0x8: {  	[sflag:s4] =	ssyncpa.u1 $0x0;
	s7 =	simm.s32 @!p0 $0x0;
	p0 =	sne.s32 s1, $0x9  }
0x9: {  	s5 =	smul.u32 $0x190, s1;
	[sflag:s6] =	ssyncpa.u1 $0x0;
	s9 =	simm.s32 @!p0 $0x0  }
0xa: {  	s8 =	sadd.s32 $0x15A00, s8;
	[sflag:s10] =	ssyncpa.u1 $0x0;
	s7 =	sadd.s32 s9, s7  }
0xb: {  	vm0 =	vmmov $0xffff;
	s10 =	simm.s32 $0x0;
	s11 =	smov.u32 s5;
	s9 =	sadd.s32 $0x1, s7  }
.LBB2_4:
0xc: {  	v2 =	vnsel vm1, $0x0, v2  }
0xd: {  	vm1 =	vgt.s32 v0, $0x0;
	v2 =	vmin.u32 v2, $0x270F  }
0xe: {  	v0 =	vnsel vm1, $0x0, v0  }
0xf: {  	v0 =	vmin.u32 v0, $0x270F  }
0x10: {  	[tilespmem:s18], [sflag:$0x1] =	stream.indirect_vreg.gather [hbm4b:s2+s10], $0x1, v1, vm0, $0x4038;
	[tilespmem:$0x640] =	vst v63  }
0x11: {  	(ifvalue) =	ssetifvalue $0x7FFFFFFF  }
0x12: {  	[tilespmem:s15], [sflag:$0x1] =	stream.indirect_vreg.gather [hbm4b:s2+s10], $0x1, v2, vm0, $0x4038;
	[tilespmem:$0x640] =	vst v63  }
0x13: {  	s29 =	sadd.s32 $0x10, s15;
	(ifvalue) =	ssetifvalue $0x7FFFFFFF  }
0x14: {  	[tilespmem:s29], [sflag:$0x1] =	stream.indirect_vreg.gather [hbm4b:s2+s10], $0x1, v0, vm0, $0x4038;
	[tilespmem:$0x640] =	vst v63  }
0x15: {  	_ =	swait.ge [sflag:s4], $0x190  }
0x16: {  	s30 =	sshrl.u32 s13, $0x3;
	[sflag:s4] =	ssyncset.done $0x0  }
0x17: {  	s31 =	sand.u32 $0x7, s13;
	s15 =	sadd.s32 s8, s30;
	[sflag:s4] =	ssyncadd.s32 $0xFFFFFE70  }
0x18: {  	[hbm4b:s15+s31] =	stream.linear.scatter [tilespmem:s14], [sflag:$0x3], $0x190, $0x38;
	[tilespmem:$0x640] =	vst v63  }
.LBB2_5:
0x19: {  	s15 =	sadd.s32 $0x1900, s11  }
0x1a: {  	p1 =	sgt.s32 s15, $0x270F  }
0x1b: {  	s15 =	smov.u32 @p1 s5;
	p1 =	sne.s32 s12, s9  }
.Ltmp1:
0x1c: {  	p0 =	slt.u32 s12, $0x2;
	(pc) =	sbr.rel @!p1 .LBB2_6-.Ltmp1, $4  }
0x1d: {  	s14 =	simm.s32 @!p0 $0x3  }
0x1e: {  	_ =	swait.ge @!p0 [sflag:s14], $0x190  }
0x1f: {  	s16 =	sadd.s32 $0x1, s12;
	s13 =	smov.u32 s11;
	[sflag:s14] =	ssyncset.done @!p0 $0x0  }
0x20: {  	s12 =	smov.u32 s16;
	s11 =	smov.u32 s15;
	[sflag:s14] =	ssyncadd.s32 @!p0 $0xFFFFFE70  }
.LBB2_1:
0x21: {  	p0 =	sge.u32 s12, s7  }
0x22: {  	s14 =	sxor.u32 @!p0 $0x1, s12  }
0x23: {  	s14 =	smul.u32 @!p0 $0x640, s14  }
0x24: {  	s31 =	sadd.s32 $0xFFFFFFFF, s12;
	s15 =	sshrl.u32 @!p0 s11, $0x3  }
0x25: {  	s16 =	sand.u32 @!p0 $0x7, s11;
	s15 =	sadd.s32 @!p0 s3, s15;
	s14 =	sshra.s32 @!p0 s14, $0x2  }
0x26: {  	[tilespmem:s14], [sflag:$0x2] =	stream.linear.gather @!p0 [hbm4b:s15+s16], $0x190, $0x38;
	[tilespmem:$0x640] =	vst v63  }
0x27: {  	p0 =	sge.u32 s31, s7  }
.Ltmp2:
0x28: {  	_ = 	snop;
	(pc) =	sbr.rel @p0 .LBB2_5-.Ltmp2, $1  }
0x29: {  	_ =	sdelay $0x3  }
0x2a: {  	s14 =	sand.u32 $0x1, s12  }
0x2b: {  	_ =	swait.ge [sflag:s6], $0x190;
	p0 =	seq.s32 s14, $0x1;
	s14 =	simm.s32 $0x190  }
0x2c: {  	[sflag:s6] =	ssyncset.done $0x0;
	s14 =	simm.s32 @!p0 $0x0  }
0x2d: {  	[sflag:s6] =	ssyncadd.s32 $0xFFFFFE70;
	(ifvalue) =	ssetifvalue $0x7FFFFFFF;
	v0 =	vld.msk [tilespmem:s14+$0x0 ss:$0x1], $0xffff;
	_ =	sdelay $0x4  }
0x2e: {  	s15 =	sadd.s32 $0x10, s14;
	vm1 =	vgt.s32 v0, $0x0  }
0x2f: {  	v2 =	vld.msk [tilespmem:s15+$0x0 ss:$0x1], $0xffff;
	v1 =	vnsel vm1, $0x0, v0  }
0x30: {  	v1 =	vmin.u32 v1, $0x270F;
	_ =	sdelay $0x2  }
0x31: {  	s17 =	simm.s32 $0x20;
	s14 =	sadd.s32 $0x320, s14;
	s16 =	sadd.s32 $0x10, s15  }
0x32: {  	s15 =	sadd.s32 $0x10, s14;
	s18 =	smov.u32 s14;
	v0 =	vld.msk [tilespmem:s16+$0x0 ss:$0x1], $0xffff;
	vm1 =	vgt.s32 v2, $0x0;
	(ifvalue) =	ssetifvalue $0x7FFFFFFF  }
.LBB2_3:
0x33: {  	[tilespmem:s18], [sflag:$0x1] =	stream.indirect_vreg.gather [hbm4b:s2+s10], $0x1, v1, vm0, $0x4038;
	[tilespmem:$0x640] =	vst v63  }
0x34: {  	s17 =	sadd.s32 $0x10, s17  }
0x35: {  	v2 =	vnsel vm1, $0x0, v2;
	p0 =	slt.u32 s17, $0x180  }
.Ltmp3:
0x36: {  	s18 =	smov.u32 s15;
	v1 =	vmin.u32 v2, $0x270F;
	(pc) =	sbr.rel @p0 .LBB2_3-.Ltmp3, $3  }
0x37: {  	_ =	sdelay $0x1  }
0x38: {  	s16 =	sadd.s32 $0x10, s16  }
0x39: {  	vm1 =	vgt.s32 v0, $0x0;
	s15 =	sadd.s32 $0x10, s15;
	v2 =	vmov v0;
	(ifvalue) =	ssetifvalue $0x7FFFFFFF;
	v0 =	vld.msk [tilespmem:s16+$0x0 ss:$0x1], $0xffff  }
.Ltmp4:
0x3a: {  	_ = 	snop;
	(pc) =	sbr.rel .LBB2_4-.Ltmp4, $1  }
0x3b: {  	_ =	sdelay $0x3  }
.LBB2_6:
0x3c: {  	_ =	sfence.sel $0x180000  }
0x3d: {  	s2 =	simm.s32 $0x2;
	[bflag:$0x0] =	sbarrier.arrive $0xFFFF  }
0x3e: {  	s30 =	simm.s32 $0x3;
	[sflag:s2] =	ssyncpa.u1 $0x1  }
0x3f: {  	s31 =	simm.s32 $0x1;
	[sflag:s30] =	ssyncpa.u1 $0x1  }
0x40: {  	[sflag:s31] =	ssyncpa.u1 $0x1  }
0x41: {  	p0 =	sne.s32 s1, $0x0;
	_ =	strace $0x90000050  }
0x42: {  	s0 =	sadd.s32 @!p0 $0x100000, s0;
	[bflag:$0x2] =	sbarrier.arrive $0xFFFF  }
0x43: {  	[sflag:s0] =	ssyncadd.tile.s32 @!p0 $0x1;
	_ =	shalt  }
.Lfunc_end2:
_tile_overlayer_lowered:
.L_overlay_start_2:
0x44: {  	(tag) =	ssettag $0x2  }
0x45: {  	s0 =	rddreg [dreg:$0x0];
	s2 =	stileid.u32  }
0x46: {  	s1 =	rddreg [dreg:$0x1];
	p0 =	sne.s32 s2, $0x0  }
0x47: {  	s3 =	rddreg [dreg:$0x2];
	[bflag:$0x3] =	sbarrier.arrive $0xFFFF;
	s2 =	simm.s32 @!p0 $0x1C01  }
0x48: {  	[timem:s3], [sflag:s2] =	dma.local @!p0 [hbm:s0], s1  }
0x49: {  	s0 =	simm.s32 @!p0 $0x1  }
0x4a: {  	_ =	swait.ge @!p0 [sflag:s0], s1  }
0x4b: {  	s1 =	ssub.s32 @!p0 $0x0, s1;
	[sflag:s0] =	ssyncset.done @!p0 $0x0  }
0x4c: {  	[sflag:s0] =	ssyncadd.s32 @!p0 s1  }
0x4d: {  	[bflag:$0x3] =	sbarrier.arrive $0xFFFF  }
0x4e: {  	_ =	shalt  }

// kernel: gather_offload_async_start.4
scs
__scs_entry_jumppad:
0x0: {  	(pc) =	sbr.rel $0x88, $3  }
0x1: {  	(tag) =	ssettag $0x0;
	lr =	simm.s32 $0x1  }
0x2: {  	[smem:$0x3F97] =	sst lr;
	_ =	strace $0xD0000000  }
0x3: {  	_ = 	snop  }
0x4: {  	_ = 	snop  }
0x5: {  	_ = 	snop  }
0x6: {  	_ = 	snop  }
0x7: {  	_ = 	snop  }
__scs_overlays_trampoline_lowered:
0x8: {  	[smem:$0x3FA6] =	sst s0  }
0x9: {  	[smem:$0x3FA7] =	sst s1  }
0xa: {  	[smem:$0x3FA8] =	sst s2  }
0xb: {  	[smem:$0x3FA9] =	sst s3  }
0xc: {  	[smem:$0x3FAA] =	sst s4  }
0xd: {  	[smem:$0x3FAB] =	sst s5  }
0xe: {  	[smem:$0x3FAC] =	sst s6  }
0xf: {  	[smem:$0x3FAD] =	sst s7  }
0x10: {  	[smem:$0x3FAE] =	sst s8  }
0x11: {  	[smem:$0x3FAF] =	sst s9;
	s0 =	simm.s32 @!p0 $0x0  }
0x12: {  	s1 =	sld [smem:$0x3F95];
	s0 =	simm.s32 @p0 $0x1  }
0x13: {  	[smem:$0x3FB0] =	sst s0;
	s0 =	simm.s32 @!p1 $0x0  }
0x14: {  	s2 =	sld [smem:$0x3F94];
	s0 =	simm.s32 @p1 $0x1  }
0x15: {  	[smem:$0x3FB1] =	sst s0;
	s0 =	simm.s32 @!p2 $0x0  }
0x16: {  	s3 =	sld [smem:$0x3FDB];
	s0 =	simm.s32 @p2 $0x1  }
0x17: {  	s4 =	simm.s32 $0x1BF5;
	[smem:$0x3FB3] =	sst s0  }
0x18: {  	s0 =	sld [smem:$0x3F96];
	_ =	swait.ge [sflag:s4], $0x0  }
0x19: {  	s7 =	sld [smem:$0x3F97]  }
0x1a: {  	s8 =	sadd.s32 $0xFFFFE003, lr  }
0x1b: {  	s9 =	sadd.s32 $0xFFFFFEF7, lr;
	s5 =	simm.s32 $0xFFFFFFFF;
	p2 =	slt.u32 s8, $0xFFFFF086  }
0x1c: {  	p1 =	slt.u32 s9, $0xF7A;
	s5 =	simm.s32 @!p2 $0x0  }
0x1d: {  	s5 =	simm.s32 @p1 $0x1;
	p0 =	seq.s32 s7, s2  }
0x1e: {  	s7 =	smul.u32 @!p0 $0xF7A, s2;
	p2 =	seq.s32 @!p0 s5, $0x0  }
0x1f: {  	s9 =	smul.u32 $0xF7A, s1;
	s8 =	simm.s32 @!p0 $0x1BF5;
	p2 =	por !p2, p0  }
0x20: {  	[sflag:s8] =	ssyncset.s32 @!p0 $0xFFFFF086;
	s6 =	sadd.s32 @!p0 s3, s7;
	s7 =	simm.s32 @!p0 $0x108  }
0x21: {  	s3 =	sadd.s32 s3, s9;
	s6 =	sadd.s32 @!p0 $0x88, s6;
	s7 =	simm.s32 @p2 $0x1082  }
0x22: {  	[simem:s7], [sflag:s8] =	dma.local @!p0 [hbm:s6], $0xF7A  }
0x23: {  	s9 =	sor.u32 $0xD0000000, s2;
	s6 =	simm.s32 $0x108;
	_ =	swait.ge @!p0 [sflag:s8], $0x0  }
0x24: {  	s3 =	sadd.s32 $0x88, s3;
	s6 =	simm.s32 @!p1 $0x1082;
	[sflag:s4] =	ssyncset.s32 $0xFFFFF086  }
0x25: {  	[simem:s6], [sflag:s4] =	dma.local [hbm:s3], $0xF7A  }
0x26: {  	[smem:$0x3F97] =	sst s1;
	(tag) =	ssettag s2;
	_ =	strace s9  }
0x27: {  	s1 =	sld [smem:$0x3FA7]  }
0x28: {  	s2 =	sld [smem:$0x3FA8]  }
0x29: {  	s4 =	sld [smem:$0x3FAA]  }
0x2a: {  	p0 =	seq.s32 s5, $0x0;
	s5 =	sld [smem:$0x3FAB]  }
0x2b: {  	s6 =	sld [smem:$0x3FAC]  }
0x2c: {  	s7 =	sld [smem:$0x3FAD]  }
0x2d: {  	s3 =	simm.s32 $0x108;
	s8 =	sld [smem:$0x3FAE]  }
0x2e: {  	s3 =	simm.s32 @!p0 $0x1082;
	s9 =	sld [smem:$0x3FAF]  }
0x2f: {  	lr =	sadd.s32 s0, s3;
	s0 =	sld [smem:$0x3FA6]  }
0x30: {  	s3 =	sld [smem:$0x3FA9]  }
0x31: {  	[smem:$0x3FB2] =	sst s10  }
0x32: {  	s10 =	sld [smem:$0x3FB0];
	_ =	sdelay $0x3  }
0x33: {  	p0 =	seq.s32 s10, $0x1;
	s10 =	sld [smem:$0x3FB2];
	_ =	sdelay $0x3  }
0x34: {  	[smem:$0x3FB2] =	sst s10  }
0x35: {  	s10 =	sld [smem:$0x3FB1];
	_ =	sdelay $0x3  }
0x36: {  	p1 =	seq.s32 s10, $0x1;
	s10 =	sld [smem:$0x3FB2];
	_ =	sdelay $0x3  }
0x37: {  	[smem:$0x3FB2] =	sst s10  }
0x38: {  	s10 =	sld [smem:$0x3FB3]  }
0x39: {  	_ = 	snop;
	(pc) =	sbr.ind lr, $3  }
0x3a: {  	_ = 	snop  }
0x3b: {  	_ = 	snop  }
0x3c: {  	p2 =	seq.s32 s10, $0x1;
	s10 =	sld [smem:$0x3FB2]  }
0x3d: {  	_ =	shalt  }
0x3e: {  	_ =	shalt  }
0x3f: {  	_ =	shalt  }
0x40: {  	_ =	shalt  }
0x41: {  	_ =	shalt  }
0x42: {  	_ =	shalt  }
0x43: {  	_ =	shalt  }
0x44: {  	_ =	shalt  }
0x45: {  	_ =	shalt  }
0x46: {  	_ =	shalt  }
0x47: {  	_ =	shalt  }
0x48: {  	_ =	shalt  }
0x49: {  	_ =	shalt  }
0x4a: {  	_ =	shalt  }
0x4b: {  	_ =	shalt  }
0x4c: {  	_ =	shalt  }
0x4d: {  	_ =	shalt  }
0x4e: {  	_ =	shalt  }
0x4f: {  	_ =	shalt  }
0x50: {  	_ =	shalt  }
0x51: {  	_ =	shalt  }
0x52: {  	_ =	shalt  }
0x53: {  	_ =	shalt  }
0x54: {  	_ =	shalt  }
0x55: {  	_ =	shalt  }
0x56: {  	_ =	shalt  }
0x57: {  	_ =	shalt  }
0x58: {  	_ =	shalt  }
0x59: {  	_ =	shalt  }
0x5a: {  	_ =	shalt  }
0x5b: {  	_ =	shalt  }
0x5c: {  	_ =	shalt  }
0x5d: {  	_ =	shalt  }
0x5e: {  	_ =	shalt  }
0x5f: {  	_ =	shalt  }
0x60: {  	_ =	shalt  }
0x61: {  	_ =	shalt  }
0x62: {  	_ =	shalt  }
0x63: {  	_ =	shalt  }
0x64: {  	_ =	shalt  }
0x65: {  	_ =	shalt  }
0x66: {  	_ =	shalt  }
0x67: {  	_ =	shalt  }
0x68: {  	_ =	shalt  }
0x69: {  	_ =	shalt  }
0x6a: {  	_ =	shalt  }
0x6b: {  	_ =	shalt  }
0x6c: {  	_ =	shalt  }
0x6d: {  	_ =	shalt  }
0x6e: {  	_ =	shalt  }
0x6f: {  	_ =	shalt  }
0x70: {  	_ =	shalt  }
0x71: {  	_ =	shalt  }
0x72: {  	_ =	shalt  }
0x73: {  	_ =	shalt  }
0x74: {  	_ =	shalt  }
0x75: {  	_ =	shalt  }
0x76: {  	_ =	shalt  }
0x77: {  	_ =	shalt  }
0x78: {  	_ =	shalt  }
0x79: {  	_ =	shalt  }
0x7a: {  	_ =	shalt  }
0x7b: {  	_ =	shalt  }
0x7c: {  	_ =	shalt  }
0x7d: {  	_ =	shalt  }
0x7e: {  	_ =	shalt  }
0x7f: {  	_ =	shalt  }
0x80: {  	_ =	shalt  }
0x81: {  	_ =	shalt  }
0x82: {  	_ =	shalt  }
0x83: {  	_ =	shalt  }
0x84: {  	_ =	shalt  }
0x85: {  	_ =	shalt  }
0x86: {  	_ =	shalt  }
0x87: {  	_ =	shalt  }
.Lfunc_end0:
.L_simem_size_0:
called_computation.7_lowered:
.L_overlay_start_0:
0x88: {  	s2 =	sld [smem:$0x3FD9]  }
0x89: {  	s3 =	sld [smem:$0x3FFE];
	_ =	sdelay $0x1  }
0x8a: {  	s1 =	srdreg.scid  }
0x8b: {  	s0 =	sand.u32 $0x1, s1  }
0x8c: {  	s17 =	sshll.u32 s0, $0xA;
	s2 =	sadd.s32 s3, s2  }
0x8d: {  	s2 =	sadd.s32 s2, s17  }
0x8e: {  	[smem:$0x3FBE] =	sst s2  }
0x8f: {  	_ = 	snop  }
0x90: {  	s2 =	sld [smem:$0x3FD0];
	(tm) =	ssettm $0x1  }
0x91: {  	s18 =	sld [smem:$0x3FFB];
	_ =	sdelay $0x3  }
0x92: {  	_ =	strace s18  }
0x93: {  	s3 =	sld [smem:$0x3FFC];
	_ =	sdelay $0x3  }
0x94: {  	_ =	strace s3  }
0x95: {  	s3 =	sld [smem:$0x3FFD];
	_ =	sdelay $0x3  }
0x96: {  	_ =	strace s3  }
0x97: {  	_ =	strace $0x8FFFFFFF  }
0x98: {  	s19 =	sld [smem:$0x3FDB];
	_ =	sdelay $0x1  }
0x99: {  	s4 =	simm.s32 $_scs_section_size  }
0x9a: {  	s5 =	simm.s32 $_size__tile_overlayer_lowered;
	s6 =	simm.s32 $_tile_overlayer_lowered  }
0x9b: {  	s22 =	simm.s32 $0x1BFF;
	s21 =	sshll.u32 s6, $0x1;
	s3 =	sadd.s32 s4, s19  }
0x9c: {  	s7 =	simm.s32 $0x0;
	s20 =	sshll.u32 s5, $0x1;
	s5 =	sadd.s32 s21, s3  }
0x9d: {  	[timem:s7], [sflag:s22] =	dma.local [hbm:s5], s20  }
0x9e: {  	_ =	swait.ge [sflag:s22], s20  }
0x9f: {  	s4 =	ssub.s32 $0x0, s20;
	[sflag:s22] =	ssyncset.done $0x0  }
0xa0: {  	[sflag:s22] =	ssyncadd.s32 s4;
	_ =	sdelay $0x1  }
0xa1: {  	s23 =	simm.s32 $0x1B8B  }
0xa2: {  	_ =	swait.ge [sflag:s23], $0x1  }
0xa3: {  	[sflag:s23] =	ssyncset.done $0x0  }
0xa4: {  	s25 =	simm.s32 $0x1B8E;
	s24 =	sld [smem:$0x3FFE];
	[sflag:s23] =	ssyncadd.s32 $0xFFFFFFFF  }
0xa5: {  	s26 =	simm.s32 $execute0_lowered;
	[smem:$0x3FD2] =	sst s25  }
0xa6: {  	s5 =	sshll.u32 s26, $0x1;
	_ =	strace $0x80000055;
	[dreg:$0x1] =	wrdreg $0xFFFFFFFF  }
0xa7: {  	s28 =	simm.s32 $_size_execute0_lowered;
	s3 =	sadd.s32 s3, s5;
	[dreg:$0x0] =	wrdreg $0x0  }
0xa8: {  	s5 =	sshll.u32 s28, $0x1;
	[dreg:$0x2] =	wrdreg s3  }
0xa9: {  	[dreg:$0x3] =	wrdreg s5  }
0xaa: {  	[dreg:$0x4] =	wrdreg $0xC0  }
0xab: {  	_ =	task [dreg:s7], $0x5FFFF  }
0xac: {  	[dreg:$0x1] =	wrdreg $0xFFFFFFFF  }
0xad: {  	[dreg:$0x0] =	wrdreg $0x60  }
0xae: {  	[dreg:$0x2] =	wrdreg s24  }
0xaf: {  	[dreg:$0x3] =	wrdreg s2  }
0xb0: {  	[dreg:$0x4] =	wrdreg $0xA  }
0xb1: {  	_ =	task.clear_ibuf [dreg:s7], $0x5FFFF;
	_ =	strace $0x90000055  }
0xb2: {  	s29 =	simm.s32 $0xA;
	_ =	strace $0x80000057  }
0xb3: {  	_ =	swait.ge [sflag:s29], $0x1  }
0xb4: {  	[sflag:s29] =	ssyncadd.s32 $0xFFFFFFFF  }
0xb5: {  	_ =	strace $0x90000057  }
0xb6: {  	_ =	sfence  }
0xb7: {  	s30 =	sld [smem:$0x0];
	_ =	sdelay $0x2  }
0xb8: {  	s31 =	sshll.u32 s1, $0xD;
	s1 =	sshrl.u32 s1, $0x2  }
0xb9: {  	s3 =	sand.u32 $0x4000, s31;
	s1 =	sadd.s32 s1, s30  }
0xba: {  	s0 =	sor.u32 s3, s0;
	s1 =	sshll.u32 s1, $0x11  }
0xbb: {  	s0 =	sor.u32 s1, s0  }
0xbc: {  	s0 =	sadd.s32 $0x8F2B, s0  }
0xbd: {  	[sflag:s0] =	ssyncadd.remote.s32 $0x1  }
0xbe: {  	_ =	sfence.sel $0xFFFF  }
0xbf: {  	[dreg:$0x0] =	wrdreg $0xFFFFFFFF;
	(pc) =	sbr.abs _section_cstart, $3  }
0xc0: {  	[dreg:$0x1] =	wrdreg $0xFFFFFFFF  }
0xc1: {  	_ =	task.clear_ibuf [dreg:s7], $0x2FFFF;
	_ =	strace $0x9FFFFFFF  }
0xc2: {  	(tm) =	ssettm $0x7FFFFFFF  }
0xc3: {  	_ =	shalt  }
tec
execute0_lowered:
.L_overlay_start_1:
0x0: {  	(tag) =	ssettag $0x1  }
0x1: {  	s1 =	srdreg.scid;
	s5 =	rddreg [dreg:$0x0]  }
0x2: {  	s0 =	stileid.u32;
	s2 =	rddreg [dreg:$0x1];
	s6 =	simm.s32 $0x1  }
0x3: {  	s9 =	simm.s32 $0x1;
	s10 =	simm.s32 $0x3;
	s1 =	sshll.u32 s1, $0xD  }
0x4: {  	s13 =	simm.s32 $0x0;
	s3 =	sshll.u32 s0, $0xE;
	s4 =	sand.u32 $0x2000, s1  }
0x5: {  	s12 =	simm.s32 $0x0;
	s1 =	rddreg [dreg:$0x2];
	s3 =	sor.u32 s3, s4  }
0x6: {  	_ =	strace $0x80000056;
	s4 =	sadd.s32 $0x46200, s5;
	s8 =	ssub.s32 $0x68000, s3  }
.Ltmp0:
0x7: {  	s5 =	sadd.s32 $0x50000, s5;
	s7 =	sand.u32 $0x3E000, s8;
	(pc) =	sbr.rel .LBB2_1-.Ltmp0, $4  }
0x8: {  	[sflag:s6] =	ssyncpa.u1 $0x0;
	s11 =	smov.u32 s3;
	p0 =	sne.s32 s7, $0x0  }
0x9: {  	s8 =	sshrl.u32 s8, $0x12;
	s7 =	simm.s32 $0x2;
	s9 =	simm.s32 @!p0 $0x0  }
0xa: {  	[sflag:s7] =	ssyncpa.u1 $0x0;
	p0 =	por $0x0, $0x0;
	s8 =	sadd.s32 s9, s8  }
0xb: {  	vm0 =	vmmov $0xffff;
	[sflag:s10] =	ssyncpa.u1 $0x0;
	s10 =	simm.s32 $0x0;
	s9 =	sadd.s32 $0x1, s8  }
.LBB2_4:
0xc: {  	v2 =	vnsel vm1, $0x0, v2  }
0xd: {  	vm1 =	vgt.s32 v0, $0x0;
	v2 =	vmin.u32 v2, $0x4E1FF  }
0xe: {  	v0 =	vnsel vm1, $0x0, v0  }
0xf: {  	v0 =	vmin.u32 v0, $0x4E1FF  }
0x10: {  	[tilespmem:s15], [sflag:$0x1] =	stream.indirect_vreg.gather [hbm4b:s4+s10], $0x1, v1, vm0, $0x4038;
	[tilespmem:$0x8000] =	vst v63  }
0x11: {  	(ifvalue) =	ssetifvalue $0x7FFFFFFF  }
0x12: {  	[tilespmem:s16], [sflag:$0x1] =	stream.indirect_vreg.gather [hbm4b:s4+s10], $0x1, v2, vm0, $0x4038;
	[tilespmem:$0x8000] =	vst v63  }
0x13: {  	s29 =	sadd.s32 $0x10, s16;
	(ifvalue) =	ssetifvalue $0x7FFFFFFF  }
0x14: {  	[tilespmem:s29], [sflag:$0x1] =	stream.indirect_vreg.gather [hbm4b:s4+s10], $0x1, v0, vm0, $0x4038;
	[tilespmem:$0x8000] =	vst v63  }
0x15: {  	_ =	swait.ge [sflag:s6], $0x2000  }
0x16: {  	s30 =	sshrl.u32 s13, $0x3;
	[sflag:s6] =	ssyncset.done $0x0  }
0x17: {  	s31 =	sand.u32 $0x7, s13;
	s15 =	sadd.s32 s5, s30;
	[sflag:s6] =	ssyncadd.s32 $0xFFFFE000  }
0x18: {  	[hbm4b:s15+s31] =	stream.linear.scatter [tilespmem:s14], [sflag:$0x3], $0x2000, $0x38;
	[tilespmem:$0x8000] =	vst v63  }
.LBB2_5:
0x19: {  	s15 =	sadd.s32 $0x40000, s11  }
0x1a: {  	p2 =	sgt.s32 s15, $0x67FFF  }
0x1b: {  	s15 =	smov.u32 @p2 s3;
	p2 =	sne.s32 s12, s9  }
.Ltmp1:
0x1c: {  	p1 =	slt.u32 s12, $0x2;
	(pc) =	sbr.rel @!p2 .LBB2_6-.Ltmp1, $4  }
0x1d: {  	s14 =	simm.s32 @!p1 $0x3  }
0x1e: {  	s16 =	sadd.s32 $0x1, s12;
	_ =	swait.ge @!p1 [sflag:s14], $0x2000  }
0x1f: {  	s13 =	smov.u32 s11;
	p0 =	por !p0, !p0;
	[sflag:s14] =	ssyncset.done @!p1 $0x0  }
0x20: {  	s12 =	smov.u32 s16;
	s11 =	smov.u32 s15;
	[sflag:s14] =	ssyncadd.s32 @!p1 $0xFFFFE000  }
.LBB2_1:
0x21: {  	p1 =	sge.u32 s12, s8  }
0x22: {  	s14 =	sxor.u32 @!p1 $0xFFFFFFFF, s12  }
0x23: {  	s31 =	sadd.s32 $0xFFFFFFFF, s12;
	s15 =	sshrl.u32 @!p1 s11, $0x3;
	s14 =	sshll.u32 @!p1 s14, $0xD  }
0x24: {  	s16 =	sand.u32 @!p1 $0x7, s11;
	s15 =	sadd.s32 @!p1 s2, s15;
	s14 =	sand.u32 @!p1 $0x2000, s14  }
0x25: {  	[tilespmem:s14], [sflag:$0x2] =	stream.linear.gather @!p1 [hbm4b:s15+s16], $0x2000, $0x38;
	[tilespmem:$0x8000] =	vst v63  }
0x26: {  	p1 =	sge.u32 s31, s8  }
.Ltmp2:
0x27: {  	_ = 	snop;
	(pc) =	sbr.rel @p1 .LBB2_5-.Ltmp2, $1  }
0x28: {  	_ =	sdelay $0x3  }
0x29: {  	s14 =	simm.s32 $0x1  }
0x2a: {  	_ =	swait.ge [sflag:s7], $0x2000;
	s14 =	simm.s32 @!p0 $0x0  }
0x2b: {  	[sflag:s7] =	ssyncset.done $0x0;
	s14 =	sshll.u32 s14, $0xD  }
0x2c: {  	[sflag:s7] =	ssyncadd.s32 $0xFFFFE000;
	(ifvalue) =	ssetifvalue $0x7FFFFFFF;
	v0 =	vld.msk [tilespmem:s14+$0x0 ss:$0x1], $0xffff;
	_ =	sdelay $0x4  }
0x2d: {  	s15 =	sadd.s32 $0x10, s14;
	vm1 =	vgt.s32 v0, $0x0  }
0x2e: {  	v2 =	vld.msk [tilespmem:s15+$0x0 ss:$0x1], $0xffff;
	v1 =	vnsel vm1, $0x0, v0  }
0x2f: {  	v1 =	vmin.u32 v1, $0x4E1FF;
	_ =	sdelay $0x1  }
0x30: {  	s16 =	sshll.u32 s12, $0xD;
	s18 =	simm.s32 $0x20  }
0x31: {  	s16 =	sand.u32 $0x2000, s16;
	s17 =	sadd.s32 $0x10, s15;
	s15 =	sor.u32 $0x4000, s14  }
0x32: {  	s14 =	sor.u32 $0x4000, s16;
	s16 =	sadd.s32 $0x10, s15;
	v0 =	vld.msk [tilespmem:s17+$0x0 ss:$0x1], $0xffff;
	vm1 =	vgt.s32 v2, $0x0;
	(ifvalue) =	ssetifvalue $0x7FFFFFFF  }
.LBB2_3:
0x33: {  	[tilespmem:s15], [sflag:$0x1] =	stream.indirect_vreg.gather [hbm4b:s4+s10], $0x1, v1, vm0, $0x4038;
	[tilespmem:$0x8000] =	vst v63  }
0x34: {  	s18 =	sadd.s32 $0x10, s18  }
0x35: {  	v2 =	vnsel vm1, $0x0, v2;
	p1 =	slt.u32 s18, $0x1FF0  }
.Ltmp3:
0x36: {  	s15 =	smov.u32 s16;
	v1 =	vmin.u32 v2, $0x4E1FF;
	(pc) =	sbr.rel @p1 .LBB2_3-.Ltmp3, $3  }
0x37: {  	_ =	sdelay $0x1  }
0x38: {  	s17 =	sadd.s32 $0x10, s17  }
0x39: {  	vm1 =	vgt.s32 v0, $0x0;
	s16 =	sadd.s32 $0x10, s16;
	v2 =	vmov v0;
	(ifvalue) =	ssetifvalue $0x7FFFFFFF;
	v0 =	vld.msk [tilespmem:s17+$0x0 ss:$0x1], $0xffff  }
.Ltmp4:
0x3a: {  	_ = 	snop;
	(pc) =	sbr.rel .LBB2_4-.Ltmp4, $1  }
0x3b: {  	_ =	sdelay $0x3  }
.LBB2_6:
0x3c: {  	_ =	sfence.sel $0x180000  }
0x3d: {  	s2 =	simm.s32 $0x2;
	[bflag:$0x0] =	sbarrier.arrive $0xFFFF  }
0x3e: {  	s30 =	simm.s32 $0x3;
	[sflag:s2] =	ssyncpa.u1 $0x1  }
0x3f: {  	s31 =	simm.s32 $0x1;
	[sflag:s30] =	ssyncpa.u1 $0x1  }
0x40: {  	[sflag:s31] =	ssyncpa.u1 $0x1  }
0x41: {  	p0 =	sne.s32 s0, $0x0;
	_ =	strace $0x90000056  }
0x42: {  	s0 =	sadd.s32 @!p0 $0x100000, s1;
	[bflag:$0x2] =	sbarrier.arrive $0xFFFF  }
0x43: {  	[sflag:s0] =	ssyncadd.tile.s32 @!p0 $0x1;
	_ =	shalt  }
.Lfunc_end2:
_tile_overlayer_lowered:
.L_overlay_start_2:
0x44: {  	(tag) =	ssettag $0x2  }
0x45: {  	s0 =	rddreg [dreg:$0x0];
	s2 =	stileid.u32  }
0x46: {  	s1 =	rddreg [dreg:$0x1];
	p0 =	sne.s32 s2, $0x0  }
0x47: {  	s3 =	rddreg [dreg:$0x2];
	[bflag:$0x3] =	sbarrier.arrive $0xFFFF;
	s2 =	simm.s32 @!p0 $0x1C01  }
0x48: {  	[timem:s3], [sflag:s2] =	dma.local @!p0 [hbm:s0], s1  }
0x49: {  	s0 =	simm.s32 @!p0 $0x1  }
0x4a: {  	_ =	swait.ge @!p0 [sflag:s0], s1  }
0x4b: {  	s1 =	ssub.s32 @!p0 $0x0, s1;
	[sflag:s0] =	ssyncset.done @!p0 $0x0  }
0x4c: {  	[sflag:s0] =	ssyncadd.s32 @!p0 s1  }
0x4d: {  	[bflag:$0x3] =	sbarrier.arrive $0xFFFF  }
0x4e: {  	_ =	shalt  }

// kernel: gather_offload_async_start
scs
__scs_entry_jumppad:
0x0: {  	(pc) =	sbr.rel $0x88, $3  }
0x1: {  	(tag) =	ssettag $0x0;
	lr =	simm.s32 $0x1  }
0x2: {  	[smem:$0x3F97] =	sst lr;
	_ =	strace $0xD0000000  }
0x3: {  	_ = 	snop  }
0x4: {  	_ = 	snop  }
0x5: {  	_ = 	snop  }
0x6: {  	_ = 	snop  }
0x7: {  	_ = 	snop  }
__scs_overlays_trampoline_lowered:
0x8: {  	[smem:$0x3FA6] =	sst s0  }
0x9: {  	[smem:$0x3FA7] =	sst s1  }
0xa: {  	[smem:$0x3FA8] =	sst s2  }
0xb: {  	[smem:$0x3FA9] =	sst s3  }
0xc: {  	[smem:$0x3FAA] =	sst s4  }
0xd: {  	[smem:$0x3FAB] =	sst s5  }
0xe: {  	[smem:$0x3FAC] =	sst s6  }
0xf: {  	[smem:$0x3FAD] =	sst s7  }
0x10: {  	[smem:$0x3FAE] =	sst s8  }
0x11: {  	[smem:$0x3FAF] =	sst s9;
	s0 =	simm.s32 @!p0 $0x0  }
0x12: {  	s1 =	sld [smem:$0x3F95];
	s0 =	simm.s32 @p0 $0x1  }
0x13: {  	[smem:$0x3FB0] =	sst s0;
	s0 =	simm.s32 @!p1 $0x0  }
0x14: {  	s2 =	sld [smem:$0x3F94];
	s0 =	simm.s32 @p1 $0x1  }
0x15: {  	[smem:$0x3FB1] =	sst s0;
	s0 =	simm.s32 @!p2 $0x0  }
0x16: {  	s3 =	sld [smem:$0x3FDB];
	s0 =	simm.s32 @p2 $0x1  }
0x17: {  	s4 =	simm.s32 $0x1BF5;
	[smem:$0x3FB3] =	sst s0  }
0x18: {  	s0 =	sld [smem:$0x3F96];
	_ =	swait.ge [sflag:s4], $0x0  }
0x19: {  	s7 =	sld [smem:$0x3F97]  }
0x1a: {  	s8 =	sadd.s32 $0xFFFFE003, lr  }
0x1b: {  	s9 =	sadd.s32 $0xFFFFFEF7, lr;
	s5 =	simm.s32 $0xFFFFFFFF;
	p2 =	slt.u32 s8, $0xFFFFF086  }
0x1c: {  	p1 =	slt.u32 s9, $0xF7A;
	s5 =	simm.s32 @!p2 $0x0  }
0x1d: {  	s5 =	simm.s32 @p1 $0x1;
	p0 =	seq.s32 s7, s2  }
0x1e: {  	s7 =	smul.u32 @!p0 $0xF7A, s2;
	p2 =	seq.s32 @!p0 s5, $0x0  }
0x1f: {  	s9 =	smul.u32 $0xF7A, s1;
	s8 =	simm.s32 @!p0 $0x1BF5;
	p2 =	por !p2, p0  }
0x20: {  	[sflag:s8] =	ssyncset.s32 @!p0 $0xFFFFF086;
	s6 =	sadd.s32 @!p0 s3, s7;
	s7 =	simm.s32 @!p0 $0x108  }
0x21: {  	s3 =	sadd.s32 s3, s9;
	s6 =	sadd.s32 @!p0 $0x88, s6;
	s7 =	simm.s32 @p2 $0x1082  }
0x22: {  	[simem:s7], [sflag:s8] =	dma.local @!p0 [hbm:s6], $0xF7A  }
0x23: {  	s9 =	sor.u32 $0xD0000000, s2;
	s6 =	simm.s32 $0x108;
	_ =	swait.ge @!p0 [sflag:s8], $0x0  }
0x24: {  	s3 =	sadd.s32 $0x88, s3;
	s6 =	simm.s32 @!p1 $0x1082;
	[sflag:s4] =	ssyncset.s32 $0xFFFFF086  }
0x25: {  	[simem:s6], [sflag:s4] =	dma.local [hbm:s3], $0xF7A  }
0x26: {  	[smem:$0x3F97] =	sst s1;
	(tag) =	ssettag s2;
	_ =	strace s9  }
0x27: {  	s1 =	sld [smem:$0x3FA7]  }
0x28: {  	s2 =	sld [smem:$0x3FA8]  }
0x29: {  	s4 =	sld [smem:$0x3FAA]  }
0x2a: {  	p0 =	seq.s32 s5, $0x0;
	s5 =	sld [smem:$0x3FAB]  }
0x2b: {  	s6 =	sld [smem:$0x3FAC]  }
0x2c: {  	s7 =	sld [smem:$0x3FAD]  }
0x2d: {  	s3 =	simm.s32 $0x108;
	s8 =	sld [smem:$0x3FAE]  }
0x2e: {  	s3 =	simm.s32 @!p0 $0x1082;
	s9 =	sld [smem:$0x3FAF]  }
0x2f: {  	lr =	sadd.s32 s0, s3;
	s0 =	sld [smem:$0x3FA6]  }
0x30: {  	s3 =	sld [smem:$0x3FA9]  }
0x31: {  	[smem:$0x3FB2] =	sst s10  }
0x32: {  	s10 =	sld [smem:$0x3FB0];
	_ =	sdelay $0x3  }
0x33: {  	p0 =	seq.s32 s10, $0x1;
	s10 =	sld [smem:$0x3FB2];
	_ =	sdelay $0x3  }
0x34: {  	[smem:$0x3FB2] =	sst s10  }
0x35: {  	s10 =	sld [smem:$0x3FB1];
	_ =	sdelay $0x3  }
0x36: {  	p1 =	seq.s32 s10, $0x1;
	s10 =	sld [smem:$0x3FB2];
	_ =	sdelay $0x3  }
0x37: {  	[smem:$0x3FB2] =	sst s10  }
0x38: {  	s10 =	sld [smem:$0x3FB3]  }
0x39: {  	_ = 	snop;
	(pc) =	sbr.ind lr, $3  }
0x3a: {  	_ = 	snop  }
0x3b: {  	_ = 	snop  }
0x3c: {  	p2 =	seq.s32 s10, $0x1;
	s10 =	sld [smem:$0x3FB2]  }
0x3d: {  	_ =	shalt  }
0x3e: {  	_ =	shalt  }
0x3f: {  	_ =	shalt  }
0x40: {  	_ =	shalt  }
0x41: {  	_ =	shalt  }
0x42: {  	_ =	shalt  }
0x43: {  	_ =	shalt  }
0x44: {  	_ =	shalt  }
0x45: {  	_ =	shalt  }
0x46: {  	_ =	shalt  }
0x47: {  	_ =	shalt  }
0x48: {  	_ =	shalt  }
0x49: {  	_ =	shalt  }
0x4a: {  	_ =	shalt  }
0x4b: {  	_ =	shalt  }
0x4c: {  	_ =	shalt  }
0x4d: {  	_ =	shalt  }
0x4e: {  	_ =	shalt  }
0x4f: {  	_ =	shalt  }
0x50: {  	_ =	shalt  }
0x51: {  	_ =	shalt  }
0x52: {  	_ =	shalt  }
0x53: {  	_ =	shalt  }
0x54: {  	_ =	shalt  }
0x55: {  	_ =	shalt  }
0x56: {  	_ =	shalt  }
0x57: {  	_ =	shalt  }
0x58: {  	_ =	shalt  }
0x59: {  	_ =	shalt  }
0x5a: {  	_ =	shalt  }
0x5b: {  	_ =	shalt  }
0x5c: {  	_ =	shalt  }
0x5d: {  	_ =	shalt  }
0x5e: {  	_ =	shalt  }
0x5f: {  	_ =	shalt  }
0x60: {  	_ =	shalt  }
0x61: {  	_ =	shalt  }
0x62: {  	_ =	shalt  }
0x63: {  	_ =	shalt  }
0x64: {  	_ =	shalt  }
0x65: {  	_ =	shalt  }
0x66: {  	_ =	shalt  }
0x67: {  	_ =	shalt  }
0x68: {  	_ =	shalt  }
0x69: {  	_ =	shalt  }
0x6a: {  	_ =	shalt  }
0x6b: {  	_ =	shalt  }
0x6c: {  	_ =	shalt  }
0x6d: {  	_ =	shalt  }
0x6e: {  	_ =	shalt  }
0x6f: {  	_ =	shalt  }
0x70: {  	_ =	shalt  }
0x71: {  	_ =	shalt  }
0x72: {  	_ =	shalt  }
0x73: {  	_ =	shalt  }
0x74: {  	_ =	shalt  }
0x75: {  	_ =	shalt  }
0x76: {  	_ =	shalt  }
0x77: {  	_ =	shalt  }
0x78: {  	_ =	shalt  }
0x79: {  	_ =	shalt  }
0x7a: {  	_ =	shalt  }
0x7b: {  	_ =	shalt  }
0x7c: {  	_ =	shalt  }
0x7d: {  	_ =	shalt  }
0x7e: {  	_ =	shalt  }
0x7f: {  	_ =	shalt  }
0x80: {  	_ =	shalt  }
0x81: {  	_ =	shalt  }
0x82: {  	_ =	shalt  }
0x83: {  	_ =	shalt  }
0x84: {  	_ =	shalt  }
0x85: {  	_ =	shalt  }
0x86: {  	_ =	shalt  }
0x87: {  	_ =	shalt  }
.Lfunc_end0:
.L_simem_size_0:
called_computation.3_lowered:
.L_overlay_start_0:
0x88: {  	s0 =	sld [smem:$0x3FD9]  }
0x89: {  	s1 =	sld [smem:$0x3FFE];
	_ =	sdelay $0x3  }
0x8a: {  	s0 =	sadd.s32 s1, s0  }
0x8b: {  	[smem:$0x3FBE] =	sst s0  }
0x8c: {  	_ = 	snop  }
0x8d: {  	s0 =	sld [smem:$0x3FD0];
	(tm) =	ssettm $0x1  }
0x8e: {  	s16 =	sld [smem:$0x3FFB];
	_ =	sdelay $0x3  }
0x8f: {  	_ =	strace s16  }
0x90: {  	s1 =	sld [smem:$0x3FFC];
	_ =	sdelay $0x3  }
0x91: {  	_ =	strace s1  }
0x92: {  	s1 =	sld [smem:$0x3FFD];
	_ =	sdelay $0x3  }
0x93: {  	_ =	strace s1  }
0x94: {  	_ =	strace $0x8FFFFFFF  }
0x95: {  	s17 =	sld [smem:$0x3FDB];
	_ =	sdelay $0x1  }
0x96: {  	s2 =	simm.s32 $_scs_section_size  }
0x97: {  	s3 =	simm.s32 $_size__tile_overlayer_lowered;
	s4 =	simm.s32 $_tile_overlayer_lowered  }
0x98: {  	s20 =	simm.s32 $0x1BFF;
	s19 =	sshll.u32 s4, $0x1;
	s1 =	sadd.s32 s2, s17  }
0x99: {  	s5 =	simm.s32 $0x0;
	s18 =	sshll.u32 s3, $0x1;
	s3 =	sadd.s32 s19, s1  }
0x9a: {  	[timem:s5], [sflag:s20] =	dma.local [hbm:s3], s18  }
0x9b: {  	_ =	swait.ge [sflag:s20], s18  }
0x9c: {  	s2 =	ssub.s32 $0x0, s18;
	[sflag:s20] =	ssyncset.done $0x0  }
0x9d: {  	[sflag:s20] =	ssyncadd.s32 s2;
	_ =	sdelay $0x1  }
0x9e: {  	s21 =	simm.s32 $0x1B8B  }
0x9f: {  	_ =	swait.ge [sflag:s21], $0x1  }
0xa0: {  	[sflag:s21] =	ssyncset.done $0x0  }
0xa1: {  	s23 =	simm.s32 $0x1B8E;
	s22 =	sld [smem:$0x3FFE];
	[sflag:s21] =	ssyncadd.s32 $0xFFFFFFFF  }
0xa2: {  	s24 =	simm.s32 $execute0_lowered;
	[smem:$0x3FD2] =	sst s23  }
0xa3: {  	s3 =	sshll.u32 s24, $0x1;
	_ =	strace $0x80000061;
	[dreg:$0x1] =	wrdreg $0xFFFFFFFF  }
0xa4: {  	s25 =	simm.s32 $_size_execute0_lowered;
	s1 =	sadd.s32 s1, s3;
	[dreg:$0x0] =	wrdreg $0x0  }
0xa5: {  	s3 =	sshll.u32 s25, $0x1;
	[dreg:$0x2] =	wrdreg s1  }
0xa6: {  	[dreg:$0x3] =	wrdreg s3  }
0xa7: {  	[dreg:$0x4] =	wrdreg $0xC0  }
0xa8: {  	_ =	task [dreg:s5], $0x5FFFF  }
0xa9: {  	[dreg:$0x1] =	wrdreg $0xFFFFFFFF  }
0xaa: {  	[dreg:$0x0] =	wrdreg $0x60  }
0xab: {  	[dreg:$0x2] =	wrdreg s22  }
0xac: {  	[dreg:$0x3] =	wrdreg s0  }
0xad: {  	[dreg:$0x4] =	wrdreg $0x9  }
0xae: {  	_ =	task.clear_ibuf [dreg:s5], $0x5FFFF;
	_ =	strace $0x90000061  }
0xaf: {  	s26 =	simm.s32 $0x9;
	_ =	strace $0x80000063  }
0xb0: {  	_ =	swait.ge [sflag:s26], $0x1  }
0xb1: {  	[sflag:s26] =	ssyncadd.s32 $0xFFFFFFFF  }
0xb2: {  	_ =	strace $0x90000063  }
0xb3: {  	_ =	sfence  }
0xb4: {  	s28 =	sld [smem:$0x0];
	_ =	sdelay $0x1  }
0xb5: {  	s29 =	srdreg.scid  }
0xb6: {  	s30 =	sshll.u32 s29, $0xD;
	s31 =	sshrl.u32 s29, $0x2  }
0xb7: {  	s2 =	sand.u32 $0x4000, s30;
	s1 =	sand.u32 $0x1, s29;
	s0 =	sadd.s32 s31, s28  }
0xb8: {  	s1 =	sor.u32 s2, s1;
	s0 =	sshll.u32 s0, $0x11  }
0xb9: {  	s0 =	sor.u32 s0, s1  }
0xba: {  	s0 =	sadd.s32 $0x8F2B, s0  }
0xbb: {  	[sflag:s0] =	ssyncadd.remote.s32 $0x1  }
0xbc: {  	_ =	sfence.sel $0xFFFF  }
0xbd: {  	[dreg:$0x0] =	wrdreg $0xFFFFFFFF;
	(pc) =	sbr.abs _section_cstart, $3  }
0xbe: {  	[dreg:$0x1] =	wrdreg $0xFFFFFFFF  }
0xbf: {  	_ =	task.clear_ibuf [dreg:s5], $0x2FFFF;
	_ =	strace $0x9FFFFFFF  }
0xc0: {  	(tm) =	ssettm $0x7FFFFFFF  }
0xc1: {  	_ =	shalt  }
tec
execute0_lowered:
.L_overlay_start_1:
0x0: {  	(tag) =	ssettag $0x1  }
0x1: {  	s8 =	rddreg [dreg:$0x0]  }
0x2: {  	s2 =	rddreg [dreg:$0x1]  }
0x3: {  	s0 =	rddreg [dreg:$0x2]  }
0x4: {  	_ =	strace $0x80000062;
	s4 =	simm.s32 $0x1;
	s1 =	stileid.u32  }
0x5: {  	s7 =	simm.s32 $0x1;
	s9 =	simm.s32 $0x1;
	s6 =	simm.s32 $0x2  }
0x6: {  	s10 =	simm.s32 $0x3;
	s13 =	simm.s32 $0x0;
	s12 =	simm.s32 $0x0  }
.Ltmp0:
0x7: {  	s3 =	sadd.s32 $0x46200, s8;
	p0 =	slt.u32 s1, $0xA;
	(pc) =	sbr.rel .LBB2_1-.Ltmp0, $4  }
0x8: {  	[sflag:s4] =	ssyncpa.u1 $0x0;
	s7 =	simm.s32 @!p0 $0x0;
	p0 =	sne.s32 s1, $0x9  }
0x9: {  	s5 =	smul.u32 $0x190, s1;
	[sflag:s6] =	ssyncpa.u1 $0x0;
	s9 =	simm.s32 @!p0 $0x0  }
0xa: {  	s8 =	sadd.s32 $0x14600, s8;
	[sflag:s10] =	ssyncpa.u1 $0x0;
	s7 =	sadd.s32 s9, s7  }
0xb: {  	vm0 =	vmmov $0xffff;
	s10 =	simm.s32 $0x0;
	s11 =	smov.u32 s5;
	s9 =	sadd.s32 $0x1, s7  }
.LBB2_4:
0xc: {  	v2 =	vnsel vm1, $0x0, v2  }
0xd: {  	vm1 =	vgt.s32 v0, $0x0;
	v2 =	vmin.u32 v2, $0x4E1FF  }
0xe: {  	v0 =	vnsel vm1, $0x0, v0  }
0xf: {  	v0 =	vmin.u32 v0, $0x4E1FF  }
0x10: {  	[tilespmem:s18], [sflag:$0x1] =	stream.indirect_vreg.gather [hbm4b:s3+s10], $0x1, v1, vm0, $0x4038;
	[tilespmem:$0x640] =	vst v63  }
0x11: {  	(ifvalue) =	ssetifvalue $0x7FFFFFFF  }
0x12: {  	[tilespmem:s15], [sflag:$0x1] =	stream.indirect_vreg.gather [hbm4b:s3+s10], $0x1, v2, vm0, $0x4038;
	[tilespmem:$0x640] =	vst v63  }
0x13: {  	s29 =	sadd.s32 $0x10, s15;
	(ifvalue) =	ssetifvalue $0x7FFFFFFF  }
0x14: {  	[tilespmem:s29], [sflag:$0x1] =	stream.indirect_vreg.gather [hbm4b:s3+s10], $0x1, v0, vm0, $0x4038;
	[tilespmem:$0x640] =	vst v63  }
0x15: {  	_ =	swait.ge [sflag:s4], $0x190  }
0x16: {  	s30 =	sshrl.u32 s13, $0x3;
	[sflag:s4] =	ssyncset.done $0x0  }
0x17: {  	s31 =	sand.u32 $0x7, s13;
	s15 =	sadd.s32 s8, s30;
	[sflag:s4] =	ssyncadd.s32 $0xFFFFFE70  }
0x18: {  	[hbm4b:s15+s31] =	stream.linear.scatter [tilespmem:s14], [sflag:$0x3], $0x190, $0x38;
	[tilespmem:$0x640] =	vst v63  }
.LBB2_5:
0x19: {  	s15 =	sadd.s32 $0x1900, s11  }
0x1a: {  	p1 =	sgt.s32 s15, $0x270F  }
0x1b: {  	s15 =	smov.u32 @p1 s5;
	p1 =	sne.s32 s12, s9  }
.Ltmp1:
0x1c: {  	p0 =	slt.u32 s12, $0x2;
	(pc) =	sbr.rel @!p1 .LBB2_6-.Ltmp1, $4  }
0x1d: {  	s14 =	simm.s32 @!p0 $0x3  }
0x1e: {  	_ =	swait.ge @!p0 [sflag:s14], $0x190  }
0x1f: {  	s16 =	sadd.s32 $0x1, s12;
	s13 =	smov.u32 s11;
	[sflag:s14] =	ssyncset.done @!p0 $0x0  }
0x20: {  	s12 =	smov.u32 s16;
	s11 =	smov.u32 s15;
	[sflag:s14] =	ssyncadd.s32 @!p0 $0xFFFFFE70  }
.LBB2_1:
0x21: {  	p0 =	sge.u32 s12, s7  }
0x22: {  	s14 =	sxor.u32 @!p0 $0x1, s12  }
0x23: {  	s14 =	smul.u32 @!p0 $0x640, s14  }
0x24: {  	s31 =	sadd.s32 $0xFFFFFFFF, s12;
	s15 =	sshrl.u32 @!p0 s11, $0x3  }
0x25: {  	s16 =	sand.u32 @!p0 $0x7, s11;
	s15 =	sadd.s32 @!p0 s2, s15;
	s14 =	sshra.s32 @!p0 s14, $0x2  }
0x26: {  	[tilespmem:s14], [sflag:$0x2] =	stream.linear.gather @!p0 [hbm4b:s15+s16], $0x190, $0x38;
	[tilespmem:$0x640] =	vst v63  }
0x27: {  	p0 =	sge.u32 s31, s7  }
.Ltmp2:
0x28: {  	_ = 	snop;
	(pc) =	sbr.rel @p0 .LBB2_5-.Ltmp2, $1  }
0x29: {  	_ =	sdelay $0x3  }
0x2a: {  	s14 =	sand.u32 $0x1, s12  }
0x2b: {  	_ =	swait.ge [sflag:s6], $0x190;
	p0 =	seq.s32 s14, $0x1;
	s14 =	simm.s32 $0x190  }
0x2c: {  	[sflag:s6] =	ssyncset.done $0x0;
	s14 =	simm.s32 @!p0 $0x0  }
0x2d: {  	[sflag:s6] =	ssyncadd.s32 $0xFFFFFE70;
	(ifvalue) =	ssetifvalue $0x7FFFFFFF;
	v0 =	vld.msk [tilespmem:s14+$0x0 ss:$0x1], $0xffff;
	_ =	sdelay $0x4  }
0x2e: {  	s15 =	sadd.s32 $0x10, s14;
	vm1 =	vgt.s32 v0, $0x0  }
0x2f: {  	v2 =	vld.msk [tilespmem:s15+$0x0 ss:$0x1], $0xffff;
	v1 =	vnsel vm1, $0x0, v0  }
0x30: {  	v1 =	vmin.u32 v1, $0x4E1FF;
	_ =	sdelay $0x2  }
0x31: {  	s17 =	simm.s32 $0x20;
	s14 =	sadd.s32 $0x320, s14;
	s16 =	sadd.s32 $0x10, s15  }
0x32: {  	s15 =	sadd.s32 $0x10, s14;
	s18 =	smov.u32 s14;
	v0 =	vld.msk [tilespmem:s16+$0x0 ss:$0x1], $0xffff;
	vm1 =	vgt.s32 v2, $0x0;
	(ifvalue) =	ssetifvalue $0x7FFFFFFF  }
.LBB2_3:
0x33: {  	[tilespmem:s18], [sflag:$0x1] =	stream.indirect_vreg.gather [hbm4b:s3+s10], $0x1, v1, vm0, $0x4038;
	[tilespmem:$0x640] =	vst v63  }
0x34: {  	s17 =	sadd.s32 $0x10, s17  }
0x35: {  	v2 =	vnsel vm1, $0x0, v2;
	p0 =	slt.u32 s17, $0x180  }
.Ltmp3:
0x36: {  	s18 =	smov.u32 s15;
	v1 =	vmin.u32 v2, $0x4E1FF;
	(pc) =	sbr.rel @p0 .LBB2_3-.Ltmp3, $3  }
0x37: {  	_ =	sdelay $0x1  }
0x38: {  	s16 =	sadd.s32 $0x10, s16  }
0x39: {  	vm1 =	vgt.s32 v0, $0x0;
	s15 =	sadd.s32 $0x10, s15;
	v2 =	vmov v0;
	(ifvalue) =	ssetifvalue $0x7FFFFFFF;
	v0 =	vld.msk [tilespmem:s16+$0x0 ss:$0x1], $0xffff  }
.Ltmp4:
0x3a: {  	_ = 	snop;
	(pc) =	sbr.rel .LBB2_4-.Ltmp4, $1  }
0x3b: {  	_ =	sdelay $0x3  }
.LBB2_6:
0x3c: {  	_ =	sfence.sel $0x180000  }
0x3d: {  	s2 =	simm.s32 $0x2;
	[bflag:$0x0] =	sbarrier.arrive $0xFFFF  }
0x3e: {  	s30 =	simm.s32 $0x3;
	[sflag:s2] =	ssyncpa.u1 $0x1  }
0x3f: {  	s31 =	simm.s32 $0x1;
	[sflag:s30] =	ssyncpa.u1 $0x1  }
0x40: {  	[sflag:s31] =	ssyncpa.u1 $0x1  }
0x41: {  	p0 =	sne.s32 s1, $0x0;
	_ =	strace $0x90000062  }
0x42: {  	s0 =	sadd.s32 @!p0 $0x100000, s0;
	[bflag:$0x2] =	sbarrier.arrive $0xFFFF  }
0x43: {  	[sflag:s0] =	ssyncadd.tile.s32 @!p0 $0x1;
	_ =	shalt  }
.Lfunc_end2:
_tile_overlayer_lowered:
.L_overlay_start_2:
0x44: {  	(tag) =	ssettag $0x2  }
0x45: {  	s0 =	rddreg [dreg:$0x0];
	s2 =	stileid.u32  }
0x46: {  	s1 =	rddreg [dreg:$0x1];
	p0 =	sne.s32 s2, $0x0  }
0x47: {  	s3 =	rddreg [dreg:$0x2];
	[bflag:$0x3] =	sbarrier.arrive $0xFFFF;
	s2 =	simm.s32 @!p0 $0x1C01  }
0x48: {  	[timem:s3], [sflag:s2] =	dma.local @!p0 [hbm:s0], s1  }
0x49: {  	s0 =	simm.s32 @!p0 $0x1  }
0x4a: {  	_ =	swait.ge @!p0 [sflag:s0], s1  }
0x4b: {  	s1 =	ssub.s32 @!p0 $0x0, s1;
	[sflag:s0] =	ssyncset.done @!p0 $0x0  }
0x4c: {  	[sflag:s0] =	ssyncadd.s32 @!p0 s1  }
0x4d: {  	[bflag:$0x3] =	sbarrier.arrive $0xFFFF  }
0x4e: {  	_ =	shalt  }

// kernel: kernel.11.cloned.1.call-start
scs
__scs_entry_jumppad:
0x0: {  	(pc) =	sbr.rel $0x88, $3  }
0x1: {  	(tag) =	ssettag $0x0;
	lr =	simm.s32 $0x1  }
0x2: {  	[smem:$0x3F97] =	sst lr;
	_ =	strace $0xD0000000  }
0x3: {  	_ = 	snop  }
0x4: {  	_ = 	snop  }
0x5: {  	_ = 	snop  }
0x6: {  	_ = 	snop  }
0x7: {  	_ = 	snop  }
__scs_overlays_trampoline_lowered:
0x8: {  	[smem:$0x3FA6] =	sst s0  }
0x9: {  	[smem:$0x3FA7] =	sst s1  }
0xa: {  	[smem:$0x3FA8] =	sst s2  }
0xb: {  	[smem:$0x3FA9] =	sst s3  }
0xc: {  	[smem:$0x3FAA] =	sst s4  }
0xd: {  	[smem:$0x3FAB] =	sst s5  }
0xe: {  	[smem:$0x3FAC] =	sst s6  }
0xf: {  	[smem:$0x3FAD] =	sst s7  }
0x10: {  	[smem:$0x3FAE] =	sst s8  }
0x11: {  	[smem:$0x3FAF] =	sst s9;
	s0 =	simm.s32 @!p0 $0x0  }
0x12: {  	s1 =	sld [smem:$0x3F95];
	s0 =	simm.s32 @p0 $0x1  }
0x13: {  	[smem:$0x3FB0] =	sst s0;
	s0 =	simm.s32 @!p1 $0x0  }
0x14: {  	s2 =	sld [smem:$0x3F94];
	s0 =	simm.s32 @p1 $0x1  }
0x15: {  	[smem:$0x3FB1] =	sst s0;
	s0 =	simm.s32 @!p2 $0x0  }
0x16: {  	s3 =	sld [smem:$0x3FDB];
	s0 =	simm.s32 @p2 $0x1  }
0x17: {  	s4 =	simm.s32 $0x1BF5;
	[smem:$0x3FB3] =	sst s0  }
0x18: {  	s0 =	sld [smem:$0x3F96];
	_ =	swait.ge [sflag:s4], $0x0  }
0x19: {  	s7 =	sld [smem:$0x3F97]  }
0x1a: {  	s8 =	sadd.s32 $0xFFFFE003, lr  }
0x1b: {  	s9 =	sadd.s32 $0xFFFFFEF7, lr;
	s5 =	simm.s32 $0xFFFFFFFF;
	p2 =	slt.u32 s8, $0xFFFFF086  }
0x1c: {  	p1 =	slt.u32 s9, $0xF7A;
	s5 =	simm.s32 @!p2 $0x0  }
0x1d: {  	s5 =	simm.s32 @p1 $0x1;
	p0 =	seq.s32 s7, s2  }
0x1e: {  	s7 =	smul.u32 @!p0 $0xF7A, s2;
	p2 =	seq.s32 @!p0 s5, $0x0  }
0x1f: {  	s9 =	smul.u32 $0xF7A, s1;
	s8 =	simm.s32 @!p0 $0x1BF5;
	p2 =	por !p2, p0  }
0x20: {  	[sflag:s8] =	ssyncset.s32 @!p0 $0xFFFFF086;
	s6 =	sadd.s32 @!p0 s3, s7;
	s7 =	simm.s32 @!p0 $0x108  }
0x21: {  	s3 =	sadd.s32 s3, s9;
	s6 =	sadd.s32 @!p0 $0x88, s6;
	s7 =	simm.s32 @p2 $0x1082  }
0x22: {  	[simem:s7], [sflag:s8] =	dma.local @!p0 [hbm:s6], $0xF7A  }
0x23: {  	s9 =	sor.u32 $0xD0000000, s2;
	s6 =	simm.s32 $0x108;
	_ =	swait.ge @!p0 [sflag:s8], $0x0  }
0x24: {  	s3 =	sadd.s32 $0x88, s3;
	s6 =	simm.s32 @!p1 $0x1082;
	[sflag:s4] =	ssyncset.s32 $0xFFFFF086  }
0x25: {  	[simem:s6], [sflag:s4] =	dma.local [hbm:s3], $0xF7A  }
0x26: {  	[smem:$0x3F97] =	sst s1;
	(tag) =	ssettag s2;
	_ =	strace s9  }
0x27: {  	s1 =	sld [smem:$0x3FA7]  }
0x28: {  	s2 =	sld [smem:$0x3FA8]  }
0x29: {  	s4 =	sld [smem:$0x3FAA]  }
0x2a: {  	p0 =	seq.s32 s5, $0x0;
	s5 =	sld [smem:$0x3FAB]  }
0x2b: {  	s6 =	sld [smem:$0x3FAC]  }
0x2c: {  	s7 =	sld [smem:$0x3FAD]  }
0x2d: {  	s3 =	simm.s32 $0x108;
	s8 =	sld [smem:$0x3FAE]  }
0x2e: {  	s3 =	simm.s32 @!p0 $0x1082;
	s9 =	sld [smem:$0x3FAF]  }
0x2f: {  	lr =	sadd.s32 s0, s3;
	s0 =	sld [smem:$0x3FA6]  }
0x30: {  	s3 =	sld [smem:$0x3FA9]  }
0x31: {  	[smem:$0x3FB2] =	sst s10  }
0x32: {  	s10 =	sld [smem:$0x3FB0];
	_ =	sdelay $0x3  }
0x33: {  	p0 =	seq.s32 s10, $0x1;
	s10 =	sld [smem:$0x3FB2];
	_ =	sdelay $0x3  }
0x34: {  	[smem:$0x3FB2] =	sst s10  }
0x35: {  	s10 =	sld [smem:$0x3FB1];
	_ =	sdelay $0x3  }
0x36: {  	p1 =	seq.s32 s10, $0x1;
	s10 =	sld [smem:$0x3FB2];
	_ =	sdelay $0x3  }
0x37: {  	[smem:$0x3FB2] =	sst s10  }
0x38: {  	s10 =	sld [smem:$0x3FB3]  }
0x39: {  	_ = 	snop;
	(pc) =	sbr.ind lr, $3  }
0x3a: {  	_ = 	snop  }
0x3b: {  	_ = 	snop  }
0x3c: {  	p2 =	seq.s32 s10, $0x1;
	s10 =	sld [smem:$0x3FB2]  }
0x3d: {  	_ =	shalt  }
0x3e: {  	_ =	shalt  }
0x3f: {  	_ =	shalt  }
0x40: {  	_ =	shalt  }
0x41: {  	_ =	shalt  }
0x42: {  	_ =	shalt  }
0x43: {  	_ =	shalt  }
0x44: {  	_ =	shalt  }
0x45: {  	_ =	shalt  }
0x46: {  	_ =	shalt  }
0x47: {  	_ =	shalt  }
0x48: {  	_ =	shalt  }
0x49: {  	_ =	shalt  }
0x4a: {  	_ =	shalt  }
0x4b: {  	_ =	shalt  }
0x4c: {  	_ =	shalt  }
0x4d: {  	_ =	shalt  }
0x4e: {  	_ =	shalt  }
0x4f: {  	_ =	shalt  }
0x50: {  	_ =	shalt  }
0x51: {  	_ =	shalt  }
0x52: {  	_ =	shalt  }
0x53: {  	_ =	shalt  }
0x54: {  	_ =	shalt  }
0x55: {  	_ =	shalt  }
0x56: {  	_ =	shalt  }
0x57: {  	_ =	shalt  }
0x58: {  	_ =	shalt  }
0x59: {  	_ =	shalt  }
0x5a: {  	_ =	shalt  }
0x5b: {  	_ =	shalt  }
0x5c: {  	_ =	shalt  }
0x5d: {  	_ =	shalt  }
0x5e: {  	_ =	shalt  }
0x5f: {  	_ =	shalt  }
0x60: {  	_ =	shalt  }
0x61: {  	_ =	shalt  }
0x62: {  	_ =	shalt  }
0x63: {  	_ =	shalt  }
0x64: {  	_ =	shalt  }
0x65: {  	_ =	shalt  }
0x66: {  	_ =	shalt  }
0x67: {  	_ =	shalt  }
0x68: {  	_ =	shalt  }
0x69: {  	_ =	shalt  }
0x6a: {  	_ =	shalt  }
0x6b: {  	_ =	shalt  }
0x6c: {  	_ =	shalt  }
0x6d: {  	_ =	shalt  }
0x6e: {  	_ =	shalt  }
0x6f: {  	_ =	shalt  }
0x70: {  	_ =	shalt  }
0x71: {  	_ =	shalt  }
0x72: {  	_ =	shalt  }
0x73: {  	_ =	shalt  }
0x74: {  	_ =	shalt  }
0x75: {  	_ =	shalt  }
0x76: {  	_ =	shalt  }
0x77: {  	_ =	shalt  }
0x78: {  	_ =	shalt  }
0x79: {  	_ =	shalt  }
0x7a: {  	_ =	shalt  }
0x7b: {  	_ =	shalt  }
0x7c: {  	_ =	shalt  }
0x7d: {  	_ =	shalt  }
0x7e: {  	_ =	shalt  }
0x7f: {  	_ =	shalt  }
0x80: {  	_ =	shalt  }
0x81: {  	_ =	shalt  }
0x82: {  	_ =	shalt  }
0x83: {  	_ =	shalt  }
0x84: {  	_ =	shalt  }
0x85: {  	_ =	shalt  }
0x86: {  	_ =	shalt  }
0x87: {  	_ =	shalt  }
.Lfunc_end0:
.L_simem_size_0:
called_computation.10_lowered:
.L_overlay_start_0:
0x88: {  	s2 =	sld [smem:$0x3FD9]  }
0x89: {  	s3 =	sld [smem:$0x3FFE];
	_ =	sdelay $0x1  }
0x8a: {  	s1 =	srdreg.scid  }
0x8b: {  	s0 =	sand.u32 $0x1, s1  }
0x8c: {  	s16 =	sshll.u32 s0, $0xA;
	s2 =	sadd.s32 s3, s2  }
0x8d: {  	s2 =	sadd.s32 s2, s16  }
0x8e: {  	[smem:$0x3FBE] =	sst s2  }
0x8f: {  	_ = 	snop  }
0x90: {  	(tm) =	ssettm $0x1  }
0x91: {  	s17 =	sld [smem:$0x3FFB];
	_ =	sdelay $0x3  }
0x92: {  	_ =	strace s17  }
0x93: {  	s2 =	sld [smem:$0x3FFC];
	_ =	sdelay $0x3  }
0x94: {  	_ =	strace s2  }
0x95: {  	s2 =	sld [smem:$0x3FFD];
	_ =	sdelay $0x3  }
0x96: {  	_ =	strace s2  }
0x97: {  	_ =	strace $0x8FFFFFFF  }
0x98: {  	s18 =	sld [smem:$0x3FDB];
	_ =	sdelay $0x1  }
0x99: {  	s19 =	simm.s32 $_scs_section_size  }
0x9a: {  	s4 =	simm.s32 $_size__tile_overlayer_lowered;
	s5 =	simm.s32 $_tile_overlayer_lowered  }
0x9b: {  	s22 =	simm.s32 $0x1BFF;
	s21 =	sshll.u32 s5, $0x1;
	s2 =	sadd.s32 s19, s18  }
0x9c: {  	s6 =	simm.s32 $0x0;
	s20 =	sshll.u32 s4, $0x1;
	s4 =	sadd.s32 s21, s2  }
0x9d: {  	[timem:s6], [sflag:s22] =	dma.local [hbm:s4], s20  }
0x9e: {  	_ =	swait.ge [sflag:s22], s20  }
0x9f: {  	s3 =	ssub.s32 $0x0, s20;
	[sflag:s22] =	ssyncset.done $0x0  }
0xa0: {  	[sflag:s22] =	ssyncadd.s32 s3;
	_ =	sdelay $0x1  }
0xa1: {  	s23 =	simm.s32 $0x1B8B  }
0xa2: {  	_ =	swait.ge [sflag:s23], $0x1  }
0xa3: {  	[sflag:s23] =	ssyncset.done $0x0  }
0xa4: {  	s25 =	simm.s32 $0x1B8E;
	s24 =	sld [smem:$0x3FFE];
	[sflag:s23] =	ssyncadd.s32 $0xFFFFFFFF  }
0xa5: {  	s26 =	simm.s32 $execute0_lowered;
	[smem:$0x3FD2] =	sst s25  }
0xa6: {  	s4 =	sshll.u32 s26, $0x1;
	_ =	strace $0x8000005E;
	[dreg:$0x1] =	wrdreg $0xFFFFFFFF  }
0xa7: {  	s28 =	simm.s32 $_size_execute0_lowered;
	s2 =	sadd.s32 s2, s4;
	[dreg:$0x0] =	wrdreg $0x0  }
0xa8: {  	s4 =	sshll.u32 s28, $0x1;
	[dreg:$0x2] =	wrdreg s2  }
0xa9: {  	[dreg:$0x3] =	wrdreg s4  }
0xaa: {  	[dreg:$0x4] =	wrdreg $0xC0  }
0xab: {  	_ =	task [dreg:s6], $0x5FFFF  }
0xac: {  	[dreg:$0x1] =	wrdreg $0xFFFFFFFF  }
0xad: {  	[dreg:$0x0] =	wrdreg $0x60  }
0xae: {  	[dreg:$0x2] =	wrdreg s24  }
0xaf: {  	[dreg:$0x3] =	wrdreg $0x9  }
0xb0: {  	_ =	task.clear_ibuf [dreg:s6], $0x4FFFF;
	_ =	strace $0x9000005E  }
0xb1: {  	s29 =	simm.s32 $0x9;
	_ =	strace $0x80000060  }
0xb2: {  	_ =	swait.ge [sflag:s29], $0x1  }
0xb3: {  	[sflag:s29] =	ssyncadd.s32 $0xFFFFFFFF  }
0xb4: {  	_ =	strace $0x90000060  }
0xb5: {  	_ =	sfence  }
0xb6: {  	s30 =	sld [smem:$0x0];
	_ =	sdelay $0x2  }
0xb7: {  	s31 =	sshll.u32 s1, $0xD;
	s1 =	sshrl.u32 s1, $0x2  }
0xb8: {  	s3 =	sand.u32 $0x4000, s31;
	s1 =	sadd.s32 s1, s30  }
0xb9: {  	s0 =	sor.u32 s3, s0;
	s1 =	sshll.u32 s1, $0x11  }
0xba: {  	s0 =	sor.u32 s1, s0  }
0xbb: {  	s0 =	sadd.s32 $0x8F2B, s0  }
0xbc: {  	[sflag:s0] =	ssyncadd.remote.s32 $0x1  }
0xbd: {  	_ =	sfence.sel $0xFFFF  }
0xbe: {  	[dreg:$0x0] =	wrdreg $0xFFFFFFFF;
	(pc) =	sbr.abs _section_cstart, $3  }
0xbf: {  	[dreg:$0x1] =	wrdreg $0xFFFFFFFF  }
0xc0: {  	_ =	task.clear_ibuf [dreg:s6], $0x2FFFF;
	_ =	strace $0x9FFFFFFF  }
0xc1: {  	(tm) =	ssettm $0x7FFFFFFF  }
tec
execute0_lowered:
.L_overlay_start_1:
0x0: {  	(tag) =	ssettag $0x1  }
0x1: {  	s1 =	srdreg.scid;
	s0 =	stileid.u32  }
0x2: {  	s23 =	sand.u32 $0x1, s1;
	s31 =	sshll.u32 s0, $0x1  }
0x3: {  	s15 =	sor.u32 s23, s31  }
0x4: {  	s14 =	rddreg [dreg:$0x0];
	s2 =	simm.s32 $0x0;
	s3 =	sshll.u32 s15, $0x6  }
0x5: {  	s4 =	simm.s32 $0x9;
	[smem:$0x7FF] =	sst s2;
	s3 =	sadd.s32 s3, s14  }
0x6: {  	s1 =	rddreg [dreg:$0x1];
	_ =	strace $0x8000005F;
	s3 =	sadd.s32 $0x18200, s3  }
0x7: {  	[tilespmem:s2], [sflag:$0x9] =	stream.linear.gather [hbm4b:s3+s2], $0x200, $0x38;
	[tilespmem:$0x10200] =	vst v63  }
0x8: {  	_ =	swait.ge [sflag:s4], $0x200  }
0x9: {  	s6 =	simm.s32 $0x80;
	[sflag:s4] =	ssyncset.done $0x0  }
0xa: {  	s7 =	simm.s32 $0x200;
	s5 =	sadd.s32 $0x18A00, s14;
	[sflag:s4] =	ssyncadd.s32 $0xFFFFFE00  }
0xb: {  	[tilespmem:s7], [sflag:$0x1] =	stream.indirect.gather [hbm4b:s5+s6], $0x80, s2, s6, $0xb8;
	[tilespmem:$0x10200] =	vst v63  }
0xc: {  	s8 =	simm.s32 $0x4200  }
0xd: {  	[tilespmem:s8], [sflag:$0x2] =	stream.indirect.gather [hbm4b:s5+s6], $0x80, s6, s6, $0xb8;
	[tilespmem:$0x10200] =	vst v63  }
0xe: {  	s9 =	simm.s32 $0x100;
	s10 =	simm.s32 $0x8200  }
0xf: {  	[tilespmem:s10], [sflag:$0x3] =	stream.indirect.gather [hbm4b:s5+s6], $0x80, s9, s6, $0xb8;
	[tilespmem:$0x10200] =	vst v63  }
0x10: {  	s11 =	simm.s32 $0x180;
	s12 =	simm.s32 $0xC200;
	s13 =	simm.s32 $0x1  }
0x11: {  	[tilespmem:s12], [sflag:$0x4] =	stream.indirect.gather [hbm4b:s5+s6], $0x80, s11, s6, $0xb8;
	[tilespmem:$0x10200] =	vst v63  }
0x12: {  	s15 =	sshll.u32 s15, $0xD;
	_ =	swait.ge [sflag:s13], $0x4000  }
0x13: {  	s20 =	sadd.s32 s15, s14;
	[sflag:s13] =	ssyncset.done $0x0  }
0x14: {  	s15 =	simm.s32 $0x2;
	s14 =	sadd.s32 $0x40A00, s20;
	[sflag:s13] =	ssyncadd.s32 $0xFFFFC000  }
0x15: {  	[hbm4b:s14+s2] =	stream.linear.scatter [tilespmem:s7], [sflag:$0x5], $0x4000, $0x38;
	[tilespmem:$0x10200] =	vst v63  }
0x16: {  	_ =	swait.ge [sflag:s15], $0x4000  }
0x17: {  	[sflag:s15] =	ssyncset.done $0x0  }
0x18: {  	s17 =	simm.s32 $0x3;
	s16 =	sadd.s32 $0x41200, s20;
	[sflag:s15] =	ssyncadd.s32 $0xFFFFC000  }
0x19: {  	[hbm4b:s16+s2] =	stream.linear.scatter [tilespmem:s8], [sflag:$0x6], $0x4000, $0x38;
	[tilespmem:$0x10200] =	vst v63  }
0x1a: {  	_ =	swait.ge [sflag:s17], $0x4000  }
0x1b: {  	[sflag:s17] =	ssyncset.done $0x0  }
0x1c: {  	s19 =	simm.s32 $0x4;
	s18 =	sadd.s32 $0x41A00, s20;
	[sflag:s17] =	ssyncadd.s32 $0xFFFFC000  }
0x1d: {  	[hbm4b:s18+s2] =	stream.linear.scatter [tilespmem:s10], [sflag:$0x7], $0x4000, $0x38;
	[tilespmem:$0x10200] =	vst v63  }
0x1e: {  	_ =	swait.ge [sflag:s19], $0x4000  }
0x1f: {  	[sflag:s19] =	ssyncset.done $0x0  }
0x20: {  	s21 =	simm.s32 $0x5;
	s20 =	sadd.s32 $0x42200, s20;
	[sflag:s19] =	ssyncadd.s32 $0xFFFFC000  }
0x21: {  	[hbm4b:s20+s2] =	stream.linear.scatter [tilespmem:s12], [sflag:$0x8], $0x4000, $0x38;
	[tilespmem:$0x10200] =	vst v63  }
0x22: {  	_ =	swait.ge [sflag:s21], $0x4000  }
0x23: {  	s24 =	ssub.s32 $0x2, s23;
	[sflag:s21] =	ssyncset.done $0x0  }
0x24: {  	s22 =	simm.s32 $0x6;
	s25 =	sshrl.u32 s24, $0x1;
	[sflag:s21] =	ssyncadd.s32 $0xFFFFC000  }
0x25: {  	s24 =	ssub.s32 s24, s25;
	_ =	swait.ge [sflag:s22], $0x4000  }
0x26: {  	s25 =	smax.u32 s24, $0x1;
	[sflag:s22] =	ssyncset.done $0x0  }
0x27: {  	s23 =	simm.s32 $0x7;
	p0 =	sne.s32 s25, $0x1;
	[sflag:s22] =	ssyncadd.s32 $0xFFFFC000  }
.Ltmp0:
0x28: {  	_ =	swait.ge [sflag:s23], $0x4000;
	(pc) =	sbr.rel @!p0 .LBB2_2-.Ltmp0, $4  }
0x29: {  	[sflag:s23] =	ssyncset.done $0x0  }
0x2a: {  	s24 =	simm.s32 $0x8;
	[sflag:s23] =	ssyncadd.s32 $0xFFFFC000  }
0x2b: {  	_ =	swait.ge [sflag:s24], $0x4000  }
0x2c: {  	s25 =	sadd.s32 $0xFFFFFFFF, s25;
	[sflag:s24] =	ssyncset.done $0x0  }
.LBB2_1:
0x2d: {  	p0 =	sne.s32 s25, $0x1;
	s25 =	sadd.s32 $0xFFFFFFFF, s25;
	[sflag:s24] =	ssyncadd.s32 $0xFFFFC000  }
0x2e: {  	[tilespmem:s2], [sflag:$0x9] =	stream.linear.gather [hbm4b:s3+s2], $0x200, $0x38;
	[tilespmem:$0x10200] =	vst v63  }
0x2f: {  	_ =	swait.ge [sflag:s4], $0x200  }
0x30: {  	[sflag:s4] =	ssyncset.done $0x0  }
0x31: {  	[sflag:s4] =	ssyncadd.s32 $0xFFFFFE00  }
0x32: {  	[tilespmem:s7], [sflag:$0x1] =	stream.indirect.gather [hbm4b:s5+s6], $0x80, s2, s6, $0xb8;
	[tilespmem:$0x10200] =	vst v63  }
0x33: {  	_ = 	snop  }
0x34: {  	[tilespmem:s8], [sflag:$0x2] =	stream.indirect.gather [hbm4b:s5+s6], $0x80, s6, s6, $0xb8;
	[tilespmem:$0x10200] =	vst v63  }
0x35: {  	_ = 	snop  }
0x36: {  	[tilespmem:s10], [sflag:$0x3] =	stream.indirect.gather [hbm4b:s5+s6], $0x80, s9, s6, $0xb8;
	[tilespmem:$0x10200] =	vst v63  }
0x37: {  	_ = 	snop  }
0x38: {  	[tilespmem:s12], [sflag:$0x4] =	stream.indirect.gather [hbm4b:s5+s6], $0x80, s11, s6, $0xb8;
	[tilespmem:$0x10200] =	vst v63  }
0x39: {  	_ =	swait.ge [sflag:s13], $0x4000  }
0x3a: {  	[sflag:s13] =	ssyncset.done $0x0  }
0x3b: {  	[sflag:s13] =	ssyncadd.s32 $0xFFFFC000  }
0x3c: {  	[hbm4b:s14+s2] =	stream.linear.scatter [tilespmem:s7], [sflag:$0x5], $0x4000, $0x38;
	[tilespmem:$0x10200] =	vst v63  }
0x3d: {  	_ =	swait.ge [sflag:s15], $0x4000  }
0x3e: {  	[sflag:s15] =	ssyncset.done $0x0  }
0x3f: {  	[sflag:s15] =	ssyncadd.s32 $0xFFFFC000  }
0x40: {  	[hbm4b:s16+s2] =	stream.linear.scatter [tilespmem:s8], [sflag:$0x6], $0x4000, $0x38;
	[tilespmem:$0x10200] =	vst v63  }
0x41: {  	_ =	swait.ge [sflag:s17], $0x4000  }
0x42: {  	[sflag:s17] =	ssyncset.done $0x0  }
0x43: {  	[sflag:s17] =	ssyncadd.s32 $0xFFFFC000  }
0x44: {  	[hbm4b:s18+s2] =	stream.linear.scatter [tilespmem:s10], [sflag:$0x7], $0x4000, $0x38;
	[tilespmem:$0x10200] =	vst v63  }
0x45: {  	_ =	swait.ge [sflag:s19], $0x4000  }
0x46: {  	[sflag:s19] =	ssyncset.done $0x0  }
0x47: {  	[sflag:s19] =	ssyncadd.s32 $0xFFFFC000  }
0x48: {  	[hbm4b:s20+s2] =	stream.linear.scatter [tilespmem:s12], [sflag:$0x8], $0x4000, $0x38;
	[tilespmem:$0x10200] =	vst v63  }
0x49: {  	_ =	swait.ge [sflag:s21], $0x4000  }
0x4a: {  	[sflag:s21] =	ssyncset.done $0x0  }
0x4b: {  	[sflag:s21] =	ssyncadd.s32 $0xFFFFC000  }
0x4c: {  	_ =	swait.ge [sflag:s22], $0x4000  }
0x4d: {  	[sflag:s22] =	ssyncset.done $0x0  }
0x4e: {  	[sflag:s22] =	ssyncadd.s32 $0xFFFFC000  }
.Ltmp1:
0x4f: {  	_ =	swait.ge [sflag:s23], $0x4000;
	(pc) =	sbr.rel @p0 .LBB2_1-.Ltmp1, $4  }
0x50: {  	[sflag:s23] =	ssyncset.done $0x0  }
0x51: {  	[sflag:s23] =	ssyncadd.s32 $0xFFFFC000  }
0x52: {  	_ =	swait.ge [sflag:s24], $0x4000  }
0x53: {  	[sflag:s24] =	ssyncset.done $0x0  }
.LBB2_2:
0x54: {  	[sflag:s24] =	ssyncadd.s32 $0xFFFFC000  }
0x55: {  	_ =	sfence.sel $0x180000  }
0x56: {  	[bflag:$0x0] =	sbarrier.arrive $0xFFFF  }
0x57: {  	p0 =	sne.s32 s0, $0x0;
	_ =	strace $0x9000005F  }
0x58: {  	s0 =	sadd.s32 @!p0 $0x100000, s1;
	[bflag:$0x2] =	sbarrier.arrive $0xFFFF  }
0x59: {  	[sflag:s0] =	ssyncadd.tile.s32 @!p0 $0x1;
	_ =	shalt  }
.Lfunc_end2:
_tile_overlayer_lowered:
.L_overlay_start_2:
0x5a: {  	(tag) =	ssettag $0x2  }
0x5b: {  	s0 =	rddreg [dreg:$0x0];
	s2 =	stileid.u32  }
0x5c: {  	s1 =	rddreg [dreg:$0x1];
	p0 =	sne.s32 s2, $0x0  }
0x5d: {  	s3 =	rddreg [dreg:$0x2];
	[bflag:$0x3] =	sbarrier.arrive $0xFFFF;
	s2 =	simm.s32 @!p0 $0x1C09  }
0x5e: {  	[timem:s3], [sflag:s2] =	dma.local @!p0 [hbm:s0], s1  }
0x5f: {  	s0 =	simm.s32 @!p0 $0x9  }
0x60: {  	_ =	swait.ge @!p0 [sflag:s0], s1  }
0x61: {  	s1 =	ssub.s32 @!p0 $0x0, s1;
	[sflag:s0] =	ssyncset.done @!p0 $0x0  }
0x62: {  	[sflag:s0] =	ssyncadd.s32 @!p0 s1  }
0x63: {  	[bflag:$0x3] =	sbarrier.arrive $0xFFFF  }
0x64: {  	_ =	shalt  }

// kernel: kernel.8.cloned.1.call-start
scs
__scs_entry_jumppad:
0x0: {  	(pc) =	sbr.rel $0x88, $3  }
0x1: {  	(tag) =	ssettag $0x0;
	lr =	simm.s32 $0x1  }
0x2: {  	[smem:$0x3F97] =	sst lr;
	_ =	strace $0xD0000000  }
0x3: {  	_ = 	snop  }
0x4: {  	_ = 	snop  }
0x5: {  	_ = 	snop  }
0x6: {  	_ = 	snop  }
0x7: {  	_ = 	snop  }
__scs_overlays_trampoline_lowered:
0x8: {  	[smem:$0x3FA6] =	sst s0  }
0x9: {  	[smem:$0x3FA7] =	sst s1  }
0xa: {  	[smem:$0x3FA8] =	sst s2  }
0xb: {  	[smem:$0x3FA9] =	sst s3  }
0xc: {  	[smem:$0x3FAA] =	sst s4  }
0xd: {  	[smem:$0x3FAB] =	sst s5  }
0xe: {  	[smem:$0x3FAC] =	sst s6  }
0xf: {  	[smem:$0x3FAD] =	sst s7  }
0x10: {  	[smem:$0x3FAE] =	sst s8  }
0x11: {  	[smem:$0x3FAF] =	sst s9;
	s0 =	simm.s32 @!p0 $0x0  }
0x12: {  	s1 =	sld [smem:$0x3F95];
	s0 =	simm.s32 @p0 $0x1  }
0x13: {  	[smem:$0x3FB0] =	sst s0;
	s0 =	simm.s32 @!p1 $0x0  }
0x14: {  	s2 =	sld [smem:$0x3F94];
	s0 =	simm.s32 @p1 $0x1  }
0x15: {  	[smem:$0x3FB1] =	sst s0;
	s0 =	simm.s32 @!p2 $0x0  }
0x16: {  	s3 =	sld [smem:$0x3FDB];
	s0 =	simm.s32 @p2 $0x1  }
0x17: {  	s4 =	simm.s32 $0x1BF5;
	[smem:$0x3FB3] =	sst s0  }
0x18: {  	s0 =	sld [smem:$0x3F96];
	_ =	swait.ge [sflag:s4], $0x0  }
0x19: {  	s7 =	sld [smem:$0x3F97]  }
0x1a: {  	s8 =	sadd.s32 $0xFFFFE003, lr  }
0x1b: {  	s9 =	sadd.s32 $0xFFFFFEF7, lr;
	s5 =	simm.s32 $0xFFFFFFFF;
	p2 =	slt.u32 s8, $0xFFFFF086  }
0x1c: {  	p1 =	slt.u32 s9, $0xF7A;
	s5 =	simm.s32 @!p2 $0x0  }
0x1d: {  	s5 =	simm.s32 @p1 $0x1;
	p0 =	seq.s32 s7, s2  }
0x1e: {  	s7 =	smul.u32 @!p0 $0xF7A, s2;
	p2 =	seq.s32 @!p0 s5, $0x0  }
0x1f: {  	s9 =	smul.u32 $0xF7A, s1;
	s8 =	simm.s32 @!p0 $0x1BF5;
	p2 =	por !p2, p0  }
0x20: {  	[sflag:s8] =	ssyncset.s32 @!p0 $0xFFFFF086;
	s6 =	sadd.s32 @!p0 s3, s7;
	s7 =	simm.s32 @!p0 $0x108  }
0x21: {  	s3 =	sadd.s32 s3, s9;
	s6 =	sadd.s32 @!p0 $0x88, s6;
	s7 =	simm.s32 @p2 $0x1082  }
0x22: {  	[simem:s7], [sflag:s8] =	dma.local @!p0 [hbm:s6], $0xF7A  }
0x23: {  	s9 =	sor.u32 $0xD0000000, s2;
	s6 =	simm.s32 $0x108;
	_ =	swait.ge @!p0 [sflag:s8], $0x0  }
0x24: {  	s3 =	sadd.s32 $0x88, s3;
	s6 =	simm.s32 @!p1 $0x1082;
	[sflag:s4] =	ssyncset.s32 $0xFFFFF086  }
0x25: {  	[simem:s6], [sflag:s4] =	dma.local [hbm:s3], $0xF7A  }
0x26: {  	[smem:$0x3F97] =	sst s1;
	(tag) =	ssettag s2;
	_ =	strace s9  }
0x27: {  	s1 =	sld [smem:$0x3FA7]  }
0x28: {  	s2 =	sld [smem:$0x3FA8]  }
0x29: {  	s4 =	sld [smem:$0x3FAA]  }
0x2a: {  	p0 =	seq.s32 s5, $0x0;
	s5 =	sld [smem:$0x3FAB]  }
0x2b: {  	s6 =	sld [smem:$0x3FAC]  }
0x2c: {  	s7 =	sld [smem:$0x3FAD]  }
0x2d: {  	s3 =	simm.s32 $0x108;
	s8 =	sld [smem:$0x3FAE]  }
0x2e: {  	s3 =	simm.s32 @!p0 $0x1082;
	s9 =	sld [smem:$0x3FAF]  }
0x2f: {  	lr =	sadd.s32 s0, s3;
	s0 =	sld [smem:$0x3FA6]  }
0x30: {  	s3 =	sld [smem:$0x3FA9]  }
0x31: {  	[smem:$0x3FB2] =	sst s10  }
0x32: {  	s10 =	sld [smem:$0x3FB0];
	_ =	sdelay $0x3  }
0x33: {  	p0 =	seq.s32 s10, $0x1;
	s10 =	sld [smem:$0x3FB2];
	_ =	sdelay $0x3  }
0x34: {  	[smem:$0x3FB2] =	sst s10  }
0x35: {  	s10 =	sld [smem:$0x3FB1];
	_ =	sdelay $0x3  }
0x36: {  	p1 =	seq.s32 s10, $0x1;
	s10 =	sld [smem:$0x3FB2];
	_ =	sdelay $0x3  }
0x37: {  	[smem:$0x3FB2] =	sst s10  }
0x38: {  	s10 =	sld [smem:$0x3FB3]  }
0x39: {  	_ = 	snop;
	(pc) =	sbr.ind lr, $3  }
0x3a: {  	_ = 	snop  }
0x3b: {  	_ = 	snop  }
0x3c: {  	p2 =	seq.s32 s10, $0x1;
	s10 =	sld [smem:$0x3FB2]  }
0x3d: {  	_ =	shalt  }
0x3e: {  	_ =	shalt  }
0x3f: {  	_ =	shalt  }
0x40: {  	_ =	shalt  }
0x41: {  	_ =	shalt  }
0x42: {  	_ =	shalt  }
0x43: {  	_ =	shalt  }
0x44: {  	_ =	shalt  }
0x45: {  	_ =	shalt  }
0x46: {  	_ =	shalt  }
0x47: {  	_ =	shalt  }
0x48: {  	_ =	shalt  }
0x49: {  	_ =	shalt  }
0x4a: {  	_ =	shalt  }
0x4b: {  	_ =	shalt  }
0x4c: {  	_ =	shalt  }
0x4d: {  	_ =	shalt  }
0x4e: {  	_ =	shalt  }
0x4f: {  	_ =	shalt  }
0x50: {  	_ =	shalt  }
0x51: {  	_ =	shalt  }
0x52: {  	_ =	shalt  }
0x53: {  	_ =	shalt  }
0x54: {  	_ =	shalt  }
0x55: {  	_ =	shalt  }
0x56: {  	_ =	shalt  }
0x57: {  	_ =	shalt  }
0x58: {  	_ =	shalt  }
0x59: {  	_ =	shalt  }
0x5a: {  	_ =	shalt  }
0x5b: {  	_ =	shalt  }
0x5c: {  	_ =	shalt  }
0x5d: {  	_ =	shalt  }
0x5e: {  	_ =	shalt  }
0x5f: {  	_ =	shalt  }
0x60: {  	_ =	shalt  }
0x61: {  	_ =	shalt  }
0x62: {  	_ =	shalt  }
0x63: {  	_ =	shalt  }
0x64: {  	_ =	shalt  }
0x65: {  	_ =	shalt  }
0x66: {  	_ =	shalt  }
0x67: {  	_ =	shalt  }
0x68: {  	_ =	shalt  }
0x69: {  	_ =	shalt  }
0x6a: {  	_ =	shalt  }
0x6b: {  	_ =	shalt  }
0x6c: {  	_ =	shalt  }
0x6d: {  	_ =	shalt  }
0x6e: {  	_ =	shalt  }
0x6f: {  	_ =	shalt  }
0x70: {  	_ =	shalt  }
0x71: {  	_ =	shalt  }
0x72: {  	_ =	shalt  }
0x73: {  	_ =	shalt  }
0x74: {  	_ =	shalt  }
0x75: {  	_ =	shalt  }
0x76: {  	_ =	shalt  }
0x77: {  	_ =	shalt  }
0x78: {  	_ =	shalt  }
0x79: {  	_ =	shalt  }
0x7a: {  	_ =	shalt  }
0x7b: {  	_ =	shalt  }
0x7c: {  	_ =	shalt  }
0x7d: {  	_ =	shalt  }
0x7e: {  	_ =	shalt  }
0x7f: {  	_ =	shalt  }
0x80: {  	_ =	shalt  }
0x81: {  	_ =	shalt  }
0x82: {  	_ =	shalt  }
0x83: {  	_ =	shalt  }
0x84: {  	_ =	shalt  }
0x85: {  	_ =	shalt  }
0x86: {  	_ =	shalt  }
0x87: {  	_ =	shalt  }
.Lfunc_end0:
.L_simem_size_0:
called_computation.9_lowered:
.L_overlay_start_0:
0x88: {  	s2 =	sld [smem:$0x3FD9]  }
0x89: {  	s3 =	sld [smem:$0x3FFE];
	_ =	sdelay $0x1  }
0x8a: {  	s1 =	srdreg.scid  }
0x8b: {  	s0 =	sand.u32 $0x1, s1  }
0x8c: {  	s17 =	sshll.u32 s0, $0xA;
	s2 =	sadd.s32 s3, s2  }
0x8d: {  	s2 =	sadd.s32 s2, s17  }
0x8e: {  	[smem:$0x3FBE] =	sst s2  }
0x8f: {  	_ = 	snop  }
0x90: {  	s18 =	sld [smem:$0x3FD0];
	(tm) =	ssettm $0x1  }
0x91: {  	s19 =	sld [smem:$0x3FFB];
	_ =	sdelay $0x3  }
0x92: {  	_ =	strace s19  }
0x93: {  	s2 =	sld [smem:$0x3FFC];
	_ =	sdelay $0x3  }
0x94: {  	_ =	strace s2  }
0x95: {  	s2 =	sld [smem:$0x3FFD];
	_ =	sdelay $0x3  }
0x96: {  	_ =	strace s2  }
0x97: {  	_ =	strace $0x8FFFFFFF  }
0x98: {  	s20 =	sld [smem:$0x3FDB];
	_ =	sdelay $0x1  }
0x99: {  	s4 =	simm.s32 $_scs_section_size  }
0x9a: {  	s5 =	simm.s32 $_size__tile_overlayer_lowered;
	s6 =	simm.s32 $_tile_overlayer_lowered  }
0x9b: {  	s7 =	simm.s32 $0x1BFF;
	s21 =	sshll.u32 s6, $0x1;
	s4 =	sadd.s32 s4, s20  }
0x9c: {  	s22 =	simm.s32 $0x0;
	s5 =	sshll.u32 s5, $0x1;
	s6 =	sadd.s32 s21, s4  }
0x9d: {  	[timem:s22], [sflag:s7] =	dma.local [hbm:s6], s5  }
0x9e: {  	_ =	swait.ge [sflag:s7], s5  }
0x9f: {  	s5 =	ssub.s32 $0x0, s5;
	[sflag:s7] =	ssyncset.done $0x0  }
0xa0: {  	[sflag:s7] =	ssyncadd.s32 s5;
	_ =	sdelay $0x1  }
0xa1: {  	s23 =	simm.s32 $0x1B8B  }
0xa2: {  	_ =	swait.ge [sflag:s23], $0x1  }
0xa3: {  	[sflag:s23] =	ssyncset.done $0x0  }
0xa4: {  	[sflag:s23] =	ssyncadd.s32 $0xFFFFFFFF  }
0xa5: {  	s5 =	sld [smem:$0x0]  }
0xa6: {  	s6 =	sand.u32 $0xFFFFFFFE, s1  }
0xa7: {  	p0 =	sne.s32 s1, s6  }
0xa8: {  	s6 =	sshll.u32 @p0 s6, $0xE  }
0xa9: {  	s6 =	sadd.s32 @p0 $0x11B8D, s6;
	s7 =	sshll.u32 @p0 s5, $0x11  }
0xaa: {  	s6 =	sor.u32 @p0 s7, s6  }
0xab: {  	[sflag:s6] =	ssyncadd.remote.s32 @p0 $0x1;
	_ =	sdelay $0x1  }
0xac: {  	s6 =	simm.s32 @p0 $0x1B8D  }
0xad: {  	_ =	swait.eq @p0 [sflag:s6], $0x1  }
0xae: {  	[sflag:s6] =	ssyncadd.s32 @p0 $0xFFFFFFFF  }
0xaf: {  	s7 =	sshll.u32 @!p0 s1, $0xE  }
0xb0: {  	s7 =	sor.u32 @!p0 $0x4000, s7;
	s6 =	simm.s32 @!p0 $0x1B8D  }
0xb1: {  	s5 =	sshll.u32 @!p0 s5, $0x11;
	s7 =	sadd.s32 @!p0 $0x11B8D, s7;
	_ =	swait.eq @!p0 [sflag:s6], $0x1  }
0xb2: {  	s5 =	sor.u32 @!p0 s5, s7;
	[sflag:s6] =	ssyncadd.s32 @!p0 $0xFFFFFFFF  }
0xb3: {  	s25 =	simm.s32 $0x1B8E;
	s24 =	sld [smem:$0x3FFE];
	[sflag:s5] =	ssyncadd.remote.s32 @!p0 $0x1  }
0xb4: {  	s26 =	simm.s32 $execute0_lowered;
	[smem:$0x3FD2] =	sst s25  }
0xb5: {  	s6 =	sshll.u32 s26, $0x1;
	_ =	strace $0x8000005B;
	[dreg:$0x1] =	wrdreg $0xFFFFFFFF  }
0xb6: {  	s28 =	simm.s32 $_size_execute0_lowered;
	s4 =	sadd.s32 s4, s6;
	[dreg:$0x0] =	wrdreg $0x0  }
0xb7: {  	s6 =	sshll.u32 s28, $0x1;
	[dreg:$0x2] =	wrdreg s4  }
0xb8: {  	[dreg:$0x3] =	wrdreg s6  }
0xb9: {  	[dreg:$0x4] =	wrdreg $0xC0  }
0xba: {  	_ =	task [dreg:s22], $0x5FFFF  }
0xbb: {  	[dreg:$0x1] =	wrdreg $0xFFFFFFFF  }
0xbc: {  	[dreg:$0x0] =	wrdreg $0x60  }
0xbd: {  	[dreg:$0x2] =	wrdreg s24  }
0xbe: {  	[dreg:$0x3] =	wrdreg s18  }
0xbf: {  	[dreg:$0x4] =	wrdreg $0xA  }
0xc0: {  	_ =	task.clear_ibuf [dreg:s22], $0x5FFFF;
	_ =	strace $0x9000005B  }
0xc1: {  	s29 =	simm.s32 $0xA;
	_ =	strace $0x8000005D  }
0xc2: {  	_ =	swait.ge [sflag:s29], $0x1  }
0xc3: {  	[sflag:s29] =	ssyncadd.s32 $0xFFFFFFFF  }
0xc4: {  	_ =	strace $0x9000005D  }
0xc5: {  	_ =	sfence  }
0xc6: {  	s30 =	sld [smem:$0x0];
	_ =	sdelay $0x2  }
0xc7: {  	s31 =	sshll.u32 s1, $0xD;
	s1 =	sshrl.u32 s1, $0x2  }
0xc8: {  	s4 =	sand.u32 $0x4000, s31;
	s1 =	sadd.s32 s1, s30  }
0xc9: {  	s0 =	sor.u32 s4, s0;
	s1 =	sshll.u32 s1, $0x11  }
0xca: {  	s0 =	sor.u32 s1, s0  }
0xcb: {  	s0 =	sadd.s32 $0x8F2B, s0  }
0xcc: {  	[sflag:s0] =	ssyncadd.remote.s32 $0x1  }
0xcd: {  	_ =	sfence.sel $0xFFFF  }
0xce: {  	[dreg:$0x0] =	wrdreg $0xFFFFFFFF;
	(pc) =	sbr.abs _section_cstart, $3  }
0xcf: {  	[dreg:$0x1] =	wrdreg $0xFFFFFFFF  }
0xd0: {  	_ =	task.clear_ibuf [dreg:s22], $0x2FFFF;
	_ =	strace $0x9FFFFFFF  }
0xd1: {  	(tm) =	ssettm $0x7FFFFFFF  }
tec
execute0_lowered:
.L_overlay_start_1:
0x0: {  	(tag) =	ssettag $0x1  }
0x1: {  	s0 =	rddreg [dreg:$0x0]  }
0x2: {  	s1 =	rddreg [dreg:$0x1]  }
0x3: {  	s3 =	srdreg.scid;
	s13 =	stileid.u32  }
0x4: {  	s2 =	simm.s32 $0x0;
	s14 =	simm.s32 $0x80;
	s15 =	simm.s32 $0x3400  }
0x5: {  	s16 =	simm.s32 $0x7400;
	s18 =	simm.s32 $0xB400;
	s20 =	simm.s32 $0xF400  }
0x6: {  	s21 =	simm.s32 $0x1;
	s22 =	simm.s32 $0x5;
	s23 =	simm.s32 $0x2  }
0x7: {  	s24 =	simm.s32 $0x6;
	s28 =	simm.s32 $0x4;
	s29 =	simm.s32 $0x8  }
0x8: {  	s30 =	simm.s32 $0x0;
	s10 =	sand.u32 $0x1, s3;
	s8 =	smul.u32 $0xD0, s13  }
0x9: {  	s25 =	sshll.u32 s13, $0x1;
	[smem:$0x7FF] =	sst s2;
	s13 =	smul.u32 $0x68000, s13  }
0xa: {  	s3 =	sadd.s32 $0x1E200, s0;
	s4 =	sor.u32 s10, s25;
	s11 =	smul.u32 $0x68, s10  }
0xb: {  	s0 =	sadd.s32 $0x50000, s0;
	s6 =	ssub.s32 $0x2, s10;
	s5 =	smul.u32 $0x1A0000, s4  }
0xc: {  	_ =	strace $0x8000005C;
	s4 =	smul.u32 $0x680, s4;
	s7 =	sshrl.u32 s6, $0x1  }
0xd: {  	s31 =	smul.u32 $0x34000, s10;
	s25 =	simm.s32 $0x3;
	s12 =	ssub.s32 s6, s7  }
0xe: {  	s26 =	sadd.s32 s11, s8;
	s5 =	sshrl.u32 s5, $0x3;
	s1 =	sadd.s32 s1, s4  }
0xf: {  	s9 =	sadd.s32 s0, s5;
	[dreg:$0x3] =	wrdreg s1;
	s1 =	sshll.u32 s26, $0xB  }
0x10: {  	s26 =	simm.s32 $0x7;
	s5 =	sadd.s32 $0x32000, s9;
	s6 =	sadd.s32 $0x32800, s9  }
0x11: {  	s7 =	sadd.s32 $0x33000, s9;
	s8 =	sadd.s32 $0x33800, s9;
	s9 =	smax.u32 s12, $0x1  }
0x12: {  	s1 =	sadd.s32 s1, s0;
	s0 =	sadd.s32 s13, s0;
	s13 =	simm.s32 $0x9  }
0x13: {  	s10 =	sadd.s32 $0x1800, s1;
	s11 =	sadd.s32 $0x1000, s1;
	s12 =	sadd.s32 s31, s0  }
.LBB2_1:
0x14: {  	s0 =	rddreg [dreg:$0x3]  }
0x15: {  	[tilespmem:s2], [sflag:$0x9] =	stream.linear.gather [hbm4b:s0+s2], $0x3400, $0x38;
	[tilespmem:$0x13400] =	vst v63  }
0x16: {  	_ =	swait.ge [sflag:s13], $0x3400  }
0x17: {  	[sflag:s13] =	ssyncset.done $0x0  }
0x18: {  	[sflag:s13] =	ssyncadd.s32 $0xFFFFCC00  }
0x19: {  	[tilespmem:s15], [sflag:$0x1] =	stream.indirect.gather [hbm4b:s3+s14], $0x80, s2, s14, $0xb8;
	[tilespmem:$0x13400] =	vst v63  }
0x1a: {  	_ = 	snop  }
0x1b: {  	[tilespmem:s16], [sflag:$0x2] =	stream.indirect.gather [hbm4b:s3+s14], $0x80, s14, s14, $0xb8;
	[tilespmem:$0x13400] =	vst v63  }
0x1c: {  	s17 =	simm.s32 $0x100  }
0x1d: {  	[tilespmem:s18], [sflag:$0x3] =	stream.indirect.gather [hbm4b:s3+s14], $0x80, s17, s14, $0xb8;
	[tilespmem:$0x13400] =	vst v63  }
0x1e: {  	s19 =	simm.s32 $0x180  }
0x1f: {  	[tilespmem:s20], [sflag:$0x4] =	stream.indirect.gather [hbm4b:s3+s14], $0x80, s19, s14, $0xb8;
	[tilespmem:$0x13400] =	vst v63  }
0x20: {  	_ =	swait.ge [sflag:s21], $0x4000  }
0x21: {  	[sflag:s21] =	ssyncset.done $0x0  }
0x22: {  	[sflag:s21] =	ssyncadd.s32 $0xFFFFC000  }
0x23: {  	[hbm4b:s12+s2] =	stream.linear.scatter [tilespmem:s15], [sflag:$0x5], $0x4000, $0x38;
	[tilespmem:$0x13400] =	vst v63  }
0x24: {  	_ =	swait.ge [sflag:s22], $0x4000  }
0x25: {  	[sflag:s22] =	ssyncset.done $0x0  }
0x26: {  	s1 =	simm.s32 $0x200;
	[sflag:s22] =	ssyncadd.s32 $0xFFFFC000  }
0x27: {  	[tilespmem:s15], [sflag:$0x1] =	stream.indirect.gather [hbm4b:s3+s14], $0x80, s1, s14, $0xb8;
	[tilespmem:$0x13400] =	vst v63  }
0x28: {  	_ =	swait.ge [sflag:s23], $0x4000  }
0x29: {  	[sflag:s23] =	ssyncset.done $0x0  }
0x2a: {  	s4 =	sadd.s32 $0xFFFFF000, s10;
	[sflag:s23] =	ssyncadd.s32 $0xFFFFC000  }
0x2b: {  	[hbm4b:s4+s2] =	stream.linear.scatter [tilespmem:s16], [sflag:$0x6], $0x4000, $0x38;
	[tilespmem:$0x13400] =	vst v63  }
0x2c: {  	_ =	swait.ge [sflag:s24], $0x4000  }
0x2d: {  	[sflag:s24] =	ssyncset.done $0x0  }
0x2e: {  	s17 =	simm.s32 $0x280;
	[sflag:s24] =	ssyncadd.s32 $0xFFFFC000  }
0x2f: {  	[tilespmem:s16], [sflag:$0x2] =	stream.indirect.gather [hbm4b:s3+s14], $0x80, s17, s14, $0xb8;
	[tilespmem:$0x13400] =	vst v63  }
0x30: {  	_ =	swait.ge [sflag:s25], $0x4000  }
0x31: {  	[sflag:s25] =	ssyncset.done $0x0  }
0x32: {  	[sflag:s25] =	ssyncadd.s32 $0xFFFFC000  }
0x33: {  	[hbm4b:s11+s2] =	stream.linear.scatter [tilespmem:s18], [sflag:$0x7], $0x4000, $0x38;
	[tilespmem:$0x13400] =	vst v63  }
0x34: {  	_ =	swait.ge [sflag:s26], $0x4000  }
0x35: {  	[sflag:s26] =	ssyncset.done $0x0  }
0x36: {  	s19 =	simm.s32 $0x300;
	[sflag:s26] =	ssyncadd.s32 $0xFFFFC000  }
0x37: {  	[tilespmem:s18], [sflag:$0x3] =	stream.indirect.gather [hbm4b:s3+s14], $0x80, s19, s14, $0xb8;
	[tilespmem:$0x13400] =	vst v63  }
0x38: {  	_ =	swait.ge [sflag:s28], $0x4000  }
0x39: {  	[sflag:s28] =	ssyncset.done $0x0  }
0x3a: {  	[sflag:s28] =	ssyncadd.s32 $0xFFFFC000  }
0x3b: {  	[hbm4b:s10+s2] =	stream.linear.scatter [tilespmem:s20], [sflag:$0x8], $0x4000, $0x38;
	[tilespmem:$0x13400] =	vst v63  }
0x3c: {  	s31 =	simm.s32 $0x800;
	_ =	swait.ge [sflag:s29], $0x4000  }
0x3d: {  	s0 =	sadd.s32 $0x2000, s11;
	s1 =	sadd.s32 $0x2000, s12;
	[sflag:s29] =	ssyncset.done $0x0  }
0x3e: {  	s17 =	sadd.s32 $0x2000, s10;
	s19 =	simm.s32 $0x380;
	[sflag:s29] =	ssyncadd.s32 $0xFFFFC000  }
.LBB2_2:
0x3f: {  	[tilespmem:s20], [sflag:$0x4] =	stream.indirect.gather [hbm4b:s3+s14], $0x80, s19, s14, $0xb8;
	[tilespmem:$0x13400] =	vst v63  }
0x40: {  	s19 =	smov.u32 s31  }
0x41: {  	p0 =	sne.s32 s31, $0xC000;
	s31 =	sadd.s32 $0x800, s31;
	_ =	swait.ge [sflag:s21], $0x4000  }
0x42: {  	[sflag:s21] =	ssyncset.done $0x0  }
0x43: {  	[sflag:s21] =	ssyncadd.s32 $0xFFFFC000  }
0x44: {  	[hbm4b:s1+s2] =	stream.linear.scatter [tilespmem:s15], [sflag:$0x5], $0x4000, $0x38;
	[tilespmem:$0x13400] =	vst v63  }
0x45: {  	_ =	swait.ge [sflag:s22], $0x4000  }
0x46: {  	s19 =	sshra.s32 s19, $0x2;
	[sflag:s22] =	ssyncset.done $0x0  }
0x47: {  	s4 =	sadd.s32 $0x200, s19;
	[sflag:s22] =	ssyncadd.s32 $0xFFFFC000  }
0x48: {  	[tilespmem:s15], [sflag:$0x1] =	stream.indirect.gather [hbm4b:s3+s14], $0x80, s4, s14, $0xb8;
	[tilespmem:$0x13400] =	vst v63  }
0x49: {  	_ =	swait.ge [sflag:s23], $0x4000  }
0x4a: {  	[sflag:s23] =	ssyncset.done $0x0  }
0x4b: {  	s4 =	sadd.s32 $0xFFFFF000, s17;
	[sflag:s23] =	ssyncadd.s32 $0xFFFFC000  }
0x4c: {  	[hbm4b:s4+s2] =	stream.linear.scatter [tilespmem:s16], [sflag:$0x6], $0x4000, $0x38;
	[tilespmem:$0x13400] =	vst v63  }
0x4d: {  	_ =	swait.ge [sflag:s24], $0x4000  }
0x4e: {  	[sflag:s24] =	ssyncset.done $0x0  }
0x4f: {  	s4 =	sadd.s32 $0x280, s19;
	[sflag:s24] =	ssyncadd.s32 $0xFFFFC000  }
0x50: {  	[tilespmem:s16], [sflag:$0x2] =	stream.indirect.gather [hbm4b:s3+s14], $0x80, s4, s14, $0xb8;
	[tilespmem:$0x13400] =	vst v63  }
0x51: {  	_ =	swait.ge [sflag:s25], $0x4000  }
0x52: {  	[sflag:s25] =	ssyncset.done $0x0  }
0x53: {  	[sflag:s25] =	ssyncadd.s32 $0xFFFFC000  }
0x54: {  	[hbm4b:s0+s2] =	stream.linear.scatter [tilespmem:s18], [sflag:$0x7], $0x4000, $0x38;
	[tilespmem:$0x13400] =	vst v63  }
0x55: {  	_ =	swait.ge [sflag:s26], $0x4000  }
0x56: {  	[sflag:s26] =	ssyncset.done $0x0  }
0x57: {  	s4 =	sadd.s32 $0x300, s19;
	[sflag:s26] =	ssyncadd.s32 $0xFFFFC000  }
0x58: {  	[tilespmem:s18], [sflag:$0x3] =	stream.indirect.gather [hbm4b:s3+s14], $0x80, s4, s14, $0xb8;
	[tilespmem:$0x13400] =	vst v63  }
0x59: {  	_ =	swait.ge [sflag:s28], $0x4000  }
0x5a: {  	[sflag:s28] =	ssyncset.done $0x0  }
.Ltmp0:
0x5b: {  	[sflag:s28] =	ssyncadd.s32 $0xFFFFC000;
	(pc) =	sbr.rel @p0 .LBB2_2-.Ltmp0, $4  }
0x5c: {  	[hbm4b:s17+s2] =	stream.linear.scatter [tilespmem:s20], [sflag:$0x8], $0x4000, $0x38;
	[tilespmem:$0x13400] =	vst v63  }
0x5d: {  	_ =	swait.ge [sflag:s29], $0x4000  }
0x5e: {  	s1 =	sadd.s32 $0x2000, s1;
	s0 =	sadd.s32 $0x2000, s0;
	[sflag:s29] =	ssyncset.done $0x0  }
0x5f: {  	s19 =	sadd.s32 $0x380, s19;
	s17 =	sadd.s32 $0x2000, s17;
	[sflag:s29] =	ssyncadd.s32 $0xFFFFC000  }
0x60: {  	[tilespmem:s20], [sflag:$0x4] =	stream.indirect.gather [hbm4b:s3+s14], $0x80, s19, s14, $0xb8;
	[tilespmem:$0x13400] =	vst v63  }
0x61: {  	_ =	swait.ge [sflag:s21], $0x4000  }
0x62: {  	[sflag:s21] =	ssyncset.done $0x0  }
0x63: {  	[sflag:s21] =	ssyncadd.s32 $0xFFFFC000  }
0x64: {  	[hbm4b:s5+s2] =	stream.linear.scatter [tilespmem:s15], [sflag:$0x5], $0x4000, $0x38;
	[tilespmem:$0x13400] =	vst v63  }
0x65: {  	_ =	swait.ge [sflag:s23], $0x4000  }
0x66: {  	[sflag:s23] =	ssyncset.done $0x0  }
0x67: {  	[sflag:s23] =	ssyncadd.s32 $0xFFFFC000  }
0x68: {  	[hbm4b:s6+s2] =	stream.linear.scatter [tilespmem:s16], [sflag:$0x6], $0x4000, $0x38;
	[tilespmem:$0x13400] =	vst v63  }
0x69: {  	_ =	swait.ge [sflag:s25], $0x4000  }
0x6a: {  	[sflag:s25] =	ssyncset.done $0x0  }
0x6b: {  	[sflag:s25] =	ssyncadd.s32 $0xFFFFC000  }
0x6c: {  	[hbm4b:s7+s2] =	stream.linear.scatter [tilespmem:s18], [sflag:$0x7], $0x4000, $0x38;
	[tilespmem:$0x13400] =	vst v63  }
0x6d: {  	_ =	swait.ge [sflag:s28], $0x4000  }
0x6e: {  	[sflag:s28] =	ssyncset.done $0x0  }
0x6f: {  	[sflag:s28] =	ssyncadd.s32 $0xFFFFC000  }
0x70: {  	[hbm4b:s8+s2] =	stream.linear.scatter [tilespmem:s20], [sflag:$0x8], $0x4000, $0x38;
	[tilespmem:$0x13400] =	vst v63  }
0x71: {  	_ =	swait.ge [sflag:s22], $0x4000  }
0x72: {  	[sflag:s22] =	ssyncset.done $0x0  }
0x73: {  	[sflag:s22] =	ssyncadd.s32 $0xFFFFC000  }
0x74: {  	_ =	swait.ge [sflag:s24], $0x4000  }
0x75: {  	[sflag:s24] =	ssyncset.done $0x0  }
0x76: {  	s30 =	sadd.s32 $0x1, s30;
	[sflag:s24] =	ssyncadd.s32 $0xFFFFC000  }
0x77: {  	p0 =	sne.s32 s30, s9;
	_ =	swait.ge [sflag:s26], $0x4000  }
.Ltmp1:
0x78: {  	[sflag:s26] =	ssyncset.done $0x0;
	(pc) =	sbr.rel @p0 .LBB2_1-.Ltmp1, $4  }
0x79: {  	[sflag:s26] =	ssyncadd.s32 $0xFFFFC000  }
0x7a: {  	_ =	swait.ge [sflag:s29], $0x4000  }
0x7b: {  	[sflag:s29] =	ssyncset.done $0x0  }
0x7c: {  	[sflag:s29] =	ssyncadd.s32 $0xFFFFC000  }
0x7d: {  	_ =	sfence.sel $0x180000  }
0x7e: {  	[bflag:$0x0] =	sbarrier.arrive $0xFFFF  }
0x7f: {  	_ =	strace $0x9000005C  }
0x80: {  	s0 =	stileid.u32;
	[bflag:$0x2] =	sbarrier.arrive $0xFFFF  }
0x81: {  	p0 =	sne.s32 s0, $0x0;
	s0 =	rddreg [dreg:$0x2]  }
0x82: {  	s0 =	sadd.s32 @!p0 $0x100000, s0  }
0x83: {  	[sflag:s0] =	ssyncadd.tile.s32 @!p0 $0x1;
	_ =	shalt  }
.Lfunc_end2:
_tile_overlayer_lowered:
.L_overlay_start_2:
0x84: {  	(tag) =	ssettag $0x2  }
0x85: {  	s0 =	rddreg [dreg:$0x0];
	s2 =	stileid.u32  }
0x86: {  	s1 =	rddreg [dreg:$0x1];
	p0 =	sne.s32 s2, $0x0  }
0x87: {  	s3 =	rddreg [dreg:$0x2];
	[bflag:$0x3] =	sbarrier.arrive $0xFFFF;
	s2 =	simm.s32 @!p0 $0x1C09  }
0x88: {  	[timem:s3], [sflag:s2] =	dma.local @!p0 [hbm:s0], s1  }
0x89: {  	s0 =	simm.s32 @!p0 $0x9  }
0x8a: {  	_ =	swait.ge @!p0 [sflag:s0], s1  }
0x8b: {  	s1 =	ssub.s32 @!p0 $0x0, s1;
	[sflag:s0] =	ssyncset.done @!p0 $0x0  }
0x8c: {  	[sflag:s0] =	ssyncadd.s32 @!p0 s1  }
0x8d: {  	[bflag:$0x3] =	sbarrier.arrive $0xFFFF  }
0x8e: {  	_ =	shalt  }

// kernel: scatter_offload_async_start.1
scs
__scs_entry_jumppad:
0x0: {  	(pc) =	sbr.rel $0x88, $3  }
0x1: {  	(tag) =	ssettag $0x0;
	lr =	simm.s32 $0x1  }
0x2: {  	[smem:$0x3F97] =	sst lr;
	_ =	strace $0xD0000000  }
0x3: {  	_ = 	snop  }
0x4: {  	_ = 	snop  }
0x5: {  	_ = 	snop  }
0x6: {  	_ = 	snop  }
0x7: {  	_ = 	snop  }
__scs_overlays_trampoline_lowered:
0x8: {  	[smem:$0x3FA6] =	sst s0  }
0x9: {  	[smem:$0x3FA7] =	sst s1  }
0xa: {  	[smem:$0x3FA8] =	sst s2  }
0xb: {  	[smem:$0x3FA9] =	sst s3  }
0xc: {  	[smem:$0x3FAA] =	sst s4  }
0xd: {  	[smem:$0x3FAB] =	sst s5  }
0xe: {  	[smem:$0x3FAC] =	sst s6  }
0xf: {  	[smem:$0x3FAD] =	sst s7  }
0x10: {  	[smem:$0x3FAE] =	sst s8  }
0x11: {  	[smem:$0x3FAF] =	sst s9;
	s0 =	simm.s32 @!p0 $0x0  }
0x12: {  	s1 =	sld [smem:$0x3F95];
	s0 =	simm.s32 @p0 $0x1  }
0x13: {  	[smem:$0x3FB0] =	sst s0;
	s0 =	simm.s32 @!p1 $0x0  }
0x14: {  	s2 =	sld [smem:$0x3F94];
	s0 =	simm.s32 @p1 $0x1  }
0x15: {  	[smem:$0x3FB1] =	sst s0;
	s0 =	simm.s32 @!p2 $0x0  }
0x16: {  	s3 =	sld [smem:$0x3FDB];
	s0 =	simm.s32 @p2 $0x1  }
0x17: {  	s4 =	simm.s32 $0x1BF5;
	[smem:$0x3FB3] =	sst s0  }
0x18: {  	s0 =	sld [smem:$0x3F96];
	_ =	swait.ge [sflag:s4], $0x0  }
0x19: {  	s7 =	sld [smem:$0x3F97]  }
0x1a: {  	s8 =	sadd.s32 $0xFFFFE003, lr  }
0x1b: {  	s9 =	sadd.s32 $0xFFFFFEF7, lr;
	s5 =	simm.s32 $0xFFFFFFFF;
	p2 =	slt.u32 s8, $0xFFFFF086  }
0x1c: {  	p1 =	slt.u32 s9, $0xF7A;
	s5 =	simm.s32 @!p2 $0x0  }
0x1d: {  	s5 =	simm.s32 @p1 $0x1;
	p0 =	seq.s32 s7, s2  }
0x1e: {  	s7 =	smul.u32 @!p0 $0xF7A, s2;
	p2 =	seq.s32 @!p0 s5, $0x0  }
0x1f: {  	s9 =	smul.u32 $0xF7A, s1;
	s8 =	simm.s32 @!p0 $0x1BF5;
	p2 =	por !p2, p0  }
0x20: {  	[sflag:s8] =	ssyncset.s32 @!p0 $0xFFFFF086;
	s6 =	sadd.s32 @!p0 s3, s7;
	s7 =	simm.s32 @!p0 $0x108  }
0x21: {  	s3 =	sadd.s32 s3, s9;
	s6 =	sadd.s32 @!p0 $0x88, s6;
	s7 =	simm.s32 @p2 $0x1082  }
0x22: {  	[simem:s7], [sflag:s8] =	dma.local @!p0 [hbm:s6], $0xF7A  }
0x23: {  	s9 =	sor.u32 $0xD0000000, s2;
	s6 =	simm.s32 $0x108;
	_ =	swait.ge @!p0 [sflag:s8], $0x0  }
0x24: {  	s3 =	sadd.s32 $0x88, s3;
	s6 =	simm.s32 @!p1 $0x1082;
	[sflag:s4] =	ssyncset.s32 $0xFFFFF086  }
0x25: {  	[simem:s6], [sflag:s4] =	dma.local [hbm:s3], $0xF7A  }
0x26: {  	[smem:$0x3F97] =	sst s1;
	(tag) =	ssettag s2;
	_ =	strace s9  }
0x27: {  	s1 =	sld [smem:$0x3FA7]  }
0x28: {  	s2 =	sld [smem:$0x3FA8]  }
0x29: {  	s4 =	sld [smem:$0x3FAA]  }
0x2a: {  	p0 =	seq.s32 s5, $0x0;
	s5 =	sld [smem:$0x3FAB]  }
0x2b: {  	s6 =	sld [smem:$0x3FAC]  }
0x2c: {  	s7 =	sld [smem:$0x3FAD]  }
0x2d: {  	s3 =	simm.s32 $0x108;
	s8 =	sld [smem:$0x3FAE]  }
0x2e: {  	s3 =	simm.s32 @!p0 $0x1082;
	s9 =	sld [smem:$0x3FAF]  }
0x2f: {  	lr =	sadd.s32 s0, s3;
	s0 =	sld [smem:$0x3FA6]  }
0x30: {  	s3 =	sld [smem:$0x3FA9]  }
0x31: {  	[smem:$0x3FB2] =	sst s10  }
0x32: {  	s10 =	sld [smem:$0x3FB0];
	_ =	sdelay $0x3  }
0x33: {  	p0 =	seq.s32 s10, $0x1;
	s10 =	sld [smem:$0x3FB2];
	_ =	sdelay $0x3  }
0x34: {  	[smem:$0x3FB2] =	sst s10  }
0x35: {  	s10 =	sld [smem:$0x3FB1];
	_ =	sdelay $0x3  }
0x36: {  	p1 =	seq.s32 s10, $0x1;
	s10 =	sld [smem:$0x3FB2];
	_ =	sdelay $0x3  }
0x37: {  	[smem:$0x3FB2] =	sst s10  }
0x38: {  	s10 =	sld [smem:$0x3FB3]  }
0x39: {  	_ = 	snop;
	(pc) =	sbr.ind lr, $3  }
0x3a: {  	_ = 	snop  }
0x3b: {  	_ = 	snop  }
0x3c: {  	p2 =	seq.s32 s10, $0x1;
	s10 =	sld [smem:$0x3FB2]  }
0x3d: {  	_ =	shalt  }
0x3e: {  	_ =	shalt  }
0x3f: {  	_ =	shalt  }
0x40: {  	_ =	shalt  }
0x41: {  	_ =	shalt  }
0x42: {  	_ =	shalt  }
0x43: {  	_ =	shalt  }
0x44: {  	_ =	shalt  }
0x45: {  	_ =	shalt  }
0x46: {  	_ =	shalt  }
0x47: {  	_ =	shalt  }
0x48: {  	_ =	shalt  }
0x49: {  	_ =	shalt  }
0x4a: {  	_ =	shalt  }
0x4b: {  	_ =	shalt  }
0x4c: {  	_ =	shalt  }
0x4d: {  	_ =	shalt  }
0x4e: {  	_ =	shalt  }
0x4f: {  	_ =	shalt  }
0x50: {  	_ =	shalt  }
0x51: {  	_ =	shalt  }
0x52: {  	_ =	shalt  }
0x53: {  	_ =	shalt  }
0x54: {  	_ =	shalt  }
0x55: {  	_ =	shalt  }
0x56: {  	_ =	shalt  }
0x57: {  	_ =	shalt  }
0x58: {  	_ =	shalt  }
0x59: {  	_ =	shalt  }
0x5a: {  	_ =	shalt  }
0x5b: {  	_ =	shalt  }
0x5c: {  	_ =	shalt  }
0x5d: {  	_ =	shalt  }
0x5e: {  	_ =	shalt  }
0x5f: {  	_ =	shalt  }
0x60: {  	_ =	shalt  }
0x61: {  	_ =	shalt  }
0x62: {  	_ =	shalt  }
0x63: {  	_ =	shalt  }
0x64: {  	_ =	shalt  }
0x65: {  	_ =	shalt  }
0x66: {  	_ =	shalt  }
0x67: {  	_ =	shalt  }
0x68: {  	_ =	shalt  }
0x69: {  	_ =	shalt  }
0x6a: {  	_ =	shalt  }
0x6b: {  	_ =	shalt  }
0x6c: {  	_ =	shalt  }
0x6d: {  	_ =	shalt  }
0x6e: {  	_ =	shalt  }
0x6f: {  	_ =	shalt  }
0x70: {  	_ =	shalt  }
0x71: {  	_ =	shalt  }
0x72: {  	_ =	shalt  }
0x73: {  	_ =	shalt  }
0x74: {  	_ =	shalt  }
0x75: {  	_ =	shalt  }
0x76: {  	_ =	shalt  }
0x77: {  	_ =	shalt  }
0x78: {  	_ =	shalt  }
0x79: {  	_ =	shalt  }
0x7a: {  	_ =	shalt  }
0x7b: {  	_ =	shalt  }
0x7c: {  	_ =	shalt  }
0x7d: {  	_ =	shalt  }
0x7e: {  	_ =	shalt  }
0x7f: {  	_ =	shalt  }
0x80: {  	_ =	shalt  }
0x81: {  	_ =	shalt  }
0x82: {  	_ =	shalt  }
0x83: {  	_ =	shalt  }
0x84: {  	_ =	shalt  }
0x85: {  	_ =	shalt  }
0x86: {  	_ =	shalt  }
0x87: {  	_ =	shalt  }
.Lfunc_end0:
.L_simem_size_0:
called_computation.1_lowered:
.L_overlay_start_0:
0x88: {  	s0 =	sld [smem:$0x3FD9]  }
0x89: {  	s1 =	sld [smem:$0x3FFE];
	_ =	sdelay $0x3  }
0x8a: {  	s0 =	sadd.s32 s1, s0  }
0x8b: {  	[smem:$0x3FBE] =	sst s0  }
0x8c: {  	_ = 	snop  }
0x8d: {  	(tm) =	ssettm $0x1  }
0x8e: {  	s15 =	sld [smem:$0x3FFB];
	_ =	sdelay $0x3  }
0x8f: {  	_ =	strace s15  }
0x90: {  	s0 =	sld [smem:$0x3FFC];
	_ =	sdelay $0x3  }
0x91: {  	_ =	strace s0  }
0x92: {  	s0 =	sld [smem:$0x3FFD];
	_ =	sdelay $0x3  }
0x93: {  	_ =	strace s0  }
0x94: {  	_ =	strace $0x8FFFFFFF  }
0x95: {  	s16 =	sld [smem:$0x3FDB];
	_ =	sdelay $0x1  }
0x96: {  	s17 =	simm.s32 $_scs_section_size  }
0x97: {  	s2 =	simm.s32 $_size__tile_overlayer_lowered;
	s3 =	simm.s32 $_tile_overlayer_lowered  }
0x98: {  	s20 =	simm.s32 $0x1BFF;
	s19 =	sshll.u32 s3, $0x1;
	s0 =	sadd.s32 s17, s16  }
0x99: {  	s4 =	simm.s32 $0x0;
	s18 =	sshll.u32 s2, $0x1;
	s2 =	sadd.s32 s19, s0  }
0x9a: {  	[timem:s4], [sflag:s20] =	dma.local [hbm:s2], s18  }
0x9b: {  	_ =	swait.ge [sflag:s20], s18  }
0x9c: {  	s1 =	ssub.s32 $0x0, s18;
	[sflag:s20] =	ssyncset.done $0x0  }
0x9d: {  	[sflag:s20] =	ssyncadd.s32 s1;
	_ =	sdelay $0x1  }
0x9e: {  	s21 =	simm.s32 $0x1B8B  }
0x9f: {  	_ =	swait.ge [sflag:s21], $0x1  }
0xa0: {  	[sflag:s21] =	ssyncset.done $0x0  }
0xa1: {  	s23 =	simm.s32 $0x1B8E;
	s22 =	sld [smem:$0x3FFE];
	[sflag:s21] =	ssyncadd.s32 $0xFFFFFFFF  }
0xa2: {  	s24 =	simm.s32 $execute0_lowered;
	[smem:$0x3FD2] =	sst s23  }
0xa3: {  	s2 =	sshll.u32 s24, $0x1;
	_ =	strace $0x80000049;
	[dreg:$0x1] =	wrdreg $0xFFFFFFFF  }
0xa4: {  	s25 =	simm.s32 $_size_execute0_lowered;
	s0 =	sadd.s32 s0, s2;
	[dreg:$0x0] =	wrdreg $0x0  }
0xa5: {  	s2 =	sshll.u32 s25, $0x1;
	[dreg:$0x2] =	wrdreg s0  }
0xa6: {  	[dreg:$0x3] =	wrdreg s2  }
0xa7: {  	[dreg:$0x4] =	wrdreg $0xC0  }
0xa8: {  	_ =	task [dreg:s4], $0x5FFFF  }
0xa9: {  	[dreg:$0x1] =	wrdreg $0xFFFFFFFF  }
0xaa: {  	[dreg:$0x0] =	wrdreg $0x60  }
0xab: {  	[dreg:$0x2] =	wrdreg s22  }
0xac: {  	[dreg:$0x3] =	wrdreg $0x9  }
0xad: {  	_ =	task.clear_ibuf [dreg:s4], $0x4FFFF;
	_ =	strace $0x90000049  }
0xae: {  	s26 =	simm.s32 $0x9;
	_ =	strace $0x8000004B  }
0xaf: {  	_ =	swait.ge [sflag:s26], $0x1  }
0xb0: {  	[sflag:s26] =	ssyncadd.s32 $0xFFFFFFFF  }
0xb1: {  	_ =	strace $0x9000004B  }
0xb2: {  	_ =	sfence  }
0xb3: {  	s28 =	sld [smem:$0x0];
	_ =	sdelay $0x1  }
0xb4: {  	s29 =	srdreg.scid  }
0xb5: {  	s30 =	sshll.u32 s29, $0xD;
	s31 =	sshrl.u32 s29, $0x2  }
0xb6: {  	s1 =	sand.u32 $0x1, s29;
	s2 =	sand.u32 $0x4000, s30;
	s0 =	sadd.s32 s31, s28  }
0xb7: {  	s1 =	sor.u32 s2, s1;
	s0 =	sshll.u32 s0, $0x11  }
0xb8: {  	s0 =	sor.u32 s0, s1  }
0xb9: {  	s0 =	sadd.s32 $0x8F2B, s0  }
0xba: {  	[sflag:s0] =	ssyncadd.remote.s32 $0x1  }
0xbb: {  	_ =	sfence.sel $0xFFFF  }
0xbc: {  	[dreg:$0x0] =	wrdreg $0xFFFFFFFF;
	(pc) =	sbr.abs _section_cstart, $3  }
0xbd: {  	[dreg:$0x1] =	wrdreg $0xFFFFFFFF  }
0xbe: {  	_ =	task.clear_ibuf [dreg:s4], $0x2FFFF;
	_ =	strace $0x9FFFFFFF  }
0xbf: {  	(tm) =	ssettm $0x7FFFFFFF  }
tec
execute0_lowered:
.L_overlay_start_1:
0x0: {  	(tag) =	ssettag $0x1  }
0x1: {  	s7 =	rddreg [dreg:$0x0]  }
0x2: {  	s0 =	rddreg [dreg:$0x1]  }
0x3: {  	_ =	strace $0x8000004A;
	s3 =	stileid.u32;
	s4 =	simm.s32 $0x3E  }
0x4: {  	s1 =	sadd.s32 $0x15800, s7;
	p0 =	sne.s32 s3, $0x0;
	[sflag:s4] =	ssyncpa.u1 $0x0  }
0x5: {  	s30 =	smin.u32 s3, $0x9;
	s2 =	simm.s32 @!p0 $0x1C3E;
	s5 =	simm.s32 @!p0 $0x0  }
0x6: {  	[spmem:s5], [sflag:s2] =	dma.local @!p0 [hbm:s1], $0x20  }
0x7: {  	s2 =	sadd.s32 s3, s30  }
0x8: {  	p1 =	slt.u32 s3, $0x9;
	s3 =	simm.s32 $0x320;
	s2 =	smul.u32 $0x190, s2  }
0x9: {  	s3 =	simm.s32 @!p1 $0x190  }
0xa: {  	s3 =	sadd.s32 s3, s2  }
0xb: {  	s3 =	smin.u32 s3, $0x2710  }
0xc: {  	s8 =	ssub.s32 s3, s2  }
0xd: {  	p1 =	sgt.s32 s8, $0x0  }
0xe: {  	s8 =	simm.s32 @!p1 $0x0  }
0xf: {  	s6 =	sand.u32 $0xFFF0, s8  }
0x10: {  	s5 =	simm.s32 @!p0 $0x3E;
	s6 =	sshrl.u32 s6, $0x4  }
0x11: {  	_ =	swait.ge @!p0 [sflag:s5], $0x20;
	s31 =	smul.u32 $0xA3E, s6  }
0x12: {  	[sflag:s5] =	ssyncset.done @!p0 $0x0  }
0x13: {  	[sflag:s5] =	ssyncadd.s32 @!p0 $0xFFFFFFE0;
	s9 =	sshrl.u32 s31, $0x10  }
0x14: {  	s11 =	simm.s32 $0x0;
	[bflag:$0x0] =	sbarrier.arrive $0xFFFF;
	s10 =	smul.u32 $0x190, s9  }
.Ltmp0:
0x15: {  	[sflag:s4] =	ssyncpa.u1 $0x1;
	s4 =	simm.s32 $0x1;
	(pc) =	sbr.rel .LBB2_1-.Ltmp0, $4  }
0x16: {  	s5 =	sadd.s32 $0x13E00, s7;
	s7 =	sadd.s32 $0x15200, s7;
	[sflag:s4] =	ssyncpa.u1 $0x0  }
0x17: {  	s6 =	simm.s32 $0x2;
	p1 =	sne.s32 s8, s10;
	s8 =	simm.s32 $0x1  }
0x18: {  	(ifvalue) =	ssetifvalue $0x100;
	[sflag:s6] =	ssyncpa.u1 $0x0;
	s8 =	simm.s32 @!p1 $0x0  }
0x19: {  	vm0 =	vmmov $0xffff;
	s10 =	smov.u32 s2;
	s8 =	sadd.s32 s9, s8;
	s9 =	simm.s32 $0x0  }
.LBB2_5:
0x1a: {  	p2 =	sne.s32 s11, s8  }
.Ltmp1:
0x1b: {  	_ = 	snop;
	(pc) =	sbr.rel @!p2 .LBB2_6-.Ltmp1, $4  }
0x1c: {  	_ = 	snop  }
0x1d: {  	s12 =	sadd.s32 $0x190, s10  }
0x1e: {  	s10 =	smov.u32 s2;
	s13 =	sadd.s32 $0x1, s11;
	p1 =	slt.s32 s12, s3  }
0x1f: {  	s11 =	smov.u32 s13;
	s10 =	smov.u32 @p1 s12  }
.LBB2_1:
0x20: {  	p1 =	sge.u32 s11, s8  }
0x21: {  	s12 =	sxor.u32 @!p1 $0xFFFFFFFF, s11  }
0x22: {  	s12 =	sand.u32 @!p1 $0x1, s12  }
0x23: {  	s12 =	smul.u32 @!p1 $0x190, s12  }
0x24: {  	s13 =	sshrl.u32 @!p1 s10, $0x3  }
0x25: {  	s16 =	sand.u32 @!p1 $0x7, s10;
	s14 =	sadd.s32 @!p1 s5, s13;
	s15 =	sadd.s32 @!p1 $0x10, s12  }
0x26: {  	[tilespmem:s15], [sflag:$0x2] =	stream.linear.gather @!p1 [hbm4b:s14+s16], $0x190, $0x38;
	[tilespmem:$0x650] =	vst v63  }
0x27: {  	s13 =	sadd.s32 @!p1 s7, s13;
	s12 =	sadd.s32 @!p1 $0x330, s12  }
0x28: {  	[tilespmem:s12], [sflag:$0x2] =	stream.linear.gather @!p1 [hbm4b:s13+s16], $0x190, $0x38;
	[tilespmem:$0x650] =	vst v63  }
0x29: {  	p1 =	seq.s32 s11, $0x0  }
.Ltmp2:
0x2a: {  	_ = 	snop;
	(pc) =	sbr.rel @p1 .LBB2_5-.Ltmp2, $1  }
0x2b: {  	_ =	sdelay $0x3  }
0x2c: {  	s12 =	sand.u32 $0x1, s11  }
0x2d: {  	_ =	swait.ge [sflag:s6], $0x320;
	p1 =	seq.s32 s12, $0x1;
	s12 =	simm.s32 $0x190  }
0x2e: {  	[sflag:s6] =	ssyncset.done $0x0;
	s12 =	simm.s32 @!p1 $0x0  }
0x2f: {  	[sflag:s6] =	ssyncadd.s32 $0xFFFFFCE0;
	s14 =	sadd.s32 $0x10, s12  }
0x30: {  	v0 =	vld.msk [tilespmem:s14+$0x0 ss:$0x1], $0xffff;
	_ =	sdelay $0x4  }
0x31: {  	v0 =	vmin.u32 v0, $0x100;
	_ =	sdelay $0x3  }
0x32: {  	s13 =	simm.s32 $0x0;
	s12 =	sadd.s32 $0x330, s12;
	s14 =	sadd.s32 $0x10, s14  }
0x33: {  	[spmem:s9] =	stream.indirect_vreg.scatter.add.s32 [tilespmem:s12], [sflag:$0x1], $0x1, v0, vm0, $0x4038;
	[tilespmem:$0x650] =	vst v63  }
.LBB2_3:
0x34: {  	v0 =	vld.msk [tilespmem:s14+$0x0 ss:$0x1], $0xffff;
	s13 =	sadd.s32 $0x10, s13  }
0x35: {  	p1 =	slt.u32 s13, $0x180;
	_ =	sdelay $0x4  }
0x36: {  	v0 =	vmin.u32 v0, $0x100  }
.Ltmp3:
0x37: {  	(pc) =	sbr.rel @p1 .LBB2_3-.Ltmp3, $3  }
0x38: {  	_ =	sdelay $0x1  }
0x39: {  	s14 =	sadd.s32 $0x10, s14;
	s12 =	sadd.s32 $0x10, s12  }
0x3a: {  	[spmem:s9] =	stream.indirect_vreg.scatter.add.s32 [tilespmem:s12], [sflag:$0x1], $0x1, v0, vm0, $0x4038;
	[tilespmem:$0x650] =	vst v63  }
.Ltmp4:
0x3b: {  	(pc) =	sbr.rel .LBB2_5-.Ltmp4, $4  }
0x3c: {  	_ = 	snop  }
0x3d: {  	_ =	swait.ge [sflag:s4], $0x190  }
0x3e: {  	[sflag:s4] =	ssyncset.done $0x0  }
0x3f: {  	[sflag:s4] =	ssyncadd.s32 $0xFFFFFE70  }
.LBB2_6:
0x40: {  	_ =	sfence.sel $0x180000  }
0x41: {  	s2 =	simm.s32 $0x2;
	[bflag:$0x0] =	sbarrier.arrive $0xFFFF  }
0x42: {  	s30 =	simm.s32 $0x1;
	[sflag:s2] =	ssyncpa.u1 $0x1  }
0x43: {  	[sflag:s30] =	ssyncpa.u1 $0x1  }
0x44: {  	_ =	sfence.stream.spmem  }
0x45: {  	s31 =	simm.s32 $0x3D;
	[bflag:$0x0] =	sbarrier.arrive $0xFFFF  }
0x46: {  	s2 =	simm.s32 @p0 $0x3D;
	[sflag:s31] =	ssyncpa.u1 $0x0  }
0x47: {  	[sflag:s2] =	ssyncpa.u1 @p0 $0x1  }
0x48: {  	[bflag:$0x0] =	sbarrier.arrive @p0 $0xFFFF  }
0x49: {  	_ =	strace @p0 $0x9000004A  }
0x4a: {  	s3 =	simm.s32 @!p0 $0x1C3D;
	s2 =	simm.s32 @!p0 $0x0;
	[bflag:$0x2] =	sbarrier.arrive @p0 $0xFFFF  }
0x4b: {  	[hbm:s1], [sflag:s3] =	dma.local @!p0 [spmem:s2], $0x20  }
0x4c: {  	s1 =	simm.s32 @!p0 $0x3D  }
0x4d: {  	_ =	swait.ge @!p0 [sflag:s1], $0x20  }
0x4e: {  	[sflag:s1] =	ssyncset.done @!p0 $0x0  }
0x4f: {  	[sflag:s1] =	ssyncadd.s32 @!p0 $0xFFFFFFE0  }
0x50: {  	[sflag:s1] =	ssyncpa.u1 @!p0 $0x1  }
0x51: {  	[bflag:$0x0] =	sbarrier.arrive @!p0 $0xFFFF  }
0x52: {  	_ =	strace @!p0 $0x9000004A  }
0x53: {  	s0 =	sadd.s32 @!p0 $0x100000, s0;
	[bflag:$0x2] =	sbarrier.arrive @!p0 $0xFFFF  }
0x54: {  	[sflag:s0] =	ssyncadd.tile.s32 @!p0 $0x1;
	_ =	shalt  }
.Lfunc_end2:
_tile_overlayer_lowered:
.L_overlay_start_2:
0x55: {  	(tag) =	ssettag $0x2  }
0x56: {  	s0 =	rddreg [dreg:$0x0];
	s2 =	stileid.u32  }
0x57: {  	s1 =	rddreg [dreg:$0x1];
	p0 =	sne.s32 s2, $0x0  }
0x58: {  	s3 =	rddreg [dreg:$0x2];
	[bflag:$0x3] =	sbarrier.arrive $0xFFFF;
	s2 =	simm.s32 @!p0 $0x1C01  }
0x59: {  	[timem:s3], [sflag:s2] =	dma.local @!p0 [hbm:s0], s1  }
0x5a: {  	s0 =	simm.s32 @!p0 $0x1  }
0x5b: {  	_ =	swait.ge @!p0 [sflag:s0], s1  }
0x5c: {  	s1 =	ssub.s32 @!p0 $0x0, s1;
	[sflag:s0] =	ssyncset.done @!p0 $0x0  }
0x5d: {  	[sflag:s0] =	ssyncadd.s32 @!p0 s1  }
0x5e: {  	[bflag:$0x3] =	sbarrier.arrive $0xFFFF  }
0x5f: {  	_ =	shalt  }

// kernel: scatter_offload_async_start.2
scs
__scs_entry_jumppad:
0x0: {  	(pc) =	sbr.rel $0x88, $3  }
0x1: {  	(tag) =	ssettag $0x0;
	lr =	simm.s32 $0x1  }
0x2: {  	[smem:$0x3F97] =	sst lr;
	_ =	strace $0xD0000000  }
0x3: {  	_ = 	snop  }
0x4: {  	_ = 	snop  }
0x5: {  	_ = 	snop  }
0x6: {  	_ = 	snop  }
0x7: {  	_ = 	snop  }
__scs_overlays_trampoline_lowered:
0x8: {  	[smem:$0x3FA6] =	sst s0  }
0x9: {  	[smem:$0x3FA7] =	sst s1  }
0xa: {  	[smem:$0x3FA8] =	sst s2  }
0xb: {  	[smem:$0x3FA9] =	sst s3  }
0xc: {  	[smem:$0x3FAA] =	sst s4  }
0xd: {  	[smem:$0x3FAB] =	sst s5  }
0xe: {  	[smem:$0x3FAC] =	sst s6  }
0xf: {  	[smem:$0x3FAD] =	sst s7  }
0x10: {  	[smem:$0x3FAE] =	sst s8  }
0x11: {  	[smem:$0x3FAF] =	sst s9;
	s0 =	simm.s32 @!p0 $0x0  }
0x12: {  	s1 =	sld [smem:$0x3F95];
	s0 =	simm.s32 @p0 $0x1  }
0x13: {  	[smem:$0x3FB0] =	sst s0;
	s0 =	simm.s32 @!p1 $0x0  }
0x14: {  	s2 =	sld [smem:$0x3F94];
	s0 =	simm.s32 @p1 $0x1  }
0x15: {  	[smem:$0x3FB1] =	sst s0;
	s0 =	simm.s32 @!p2 $0x0  }
0x16: {  	s3 =	sld [smem:$0x3FDB];
	s0 =	simm.s32 @p2 $0x1  }
0x17: {  	s4 =	simm.s32 $0x1BF5;
	[smem:$0x3FB3] =	sst s0  }
0x18: {  	s0 =	sld [smem:$0x3F96];
	_ =	swait.ge [sflag:s4], $0x0  }
0x19: {  	s7 =	sld [smem:$0x3F97]  }
0x1a: {  	s8 =	sadd.s32 $0xFFFFE003, lr  }
0x1b: {  	s9 =	sadd.s32 $0xFFFFFEF7, lr;
	s5 =	simm.s32 $0xFFFFFFFF;
	p2 =	slt.u32 s8, $0xFFFFF086  }
0x1c: {  	p1 =	slt.u32 s9, $0xF7A;
	s5 =	simm.s32 @!p2 $0x0  }
0x1d: {  	s5 =	simm.s32 @p1 $0x1;
	p0 =	seq.s32 s7, s2  }
0x1e: {  	s7 =	smul.u32 @!p0 $0xF7A, s2;
	p2 =	seq.s32 @!p0 s5, $0x0  }
0x1f: {  	s9 =	smul.u32 $0xF7A, s1;
	s8 =	simm.s32 @!p0 $0x1BF5;
	p2 =	por !p2, p0  }
0x20: {  	[sflag:s8] =	ssyncset.s32 @!p0 $0xFFFFF086;
	s6 =	sadd.s32 @!p0 s3, s7;
	s7 =	simm.s32 @!p0 $0x108  }
0x21: {  	s3 =	sadd.s32 s3, s9;
	s6 =	sadd.s32 @!p0 $0x88, s6;
	s7 =	simm.s32 @p2 $0x1082  }
0x22: {  	[simem:s7], [sflag:s8] =	dma.local @!p0 [hbm:s6], $0xF7A  }
0x23: {  	s9 =	sor.u32 $0xD0000000, s2;
	s6 =	simm.s32 $0x108;
	_ =	swait.ge @!p0 [sflag:s8], $0x0  }
0x24: {  	s3 =	sadd.s32 $0x88, s3;
	s6 =	simm.s32 @!p1 $0x1082;
	[sflag:s4] =	ssyncset.s32 $0xFFFFF086  }
0x25: {  	[simem:s6], [sflag:s4] =	dma.local [hbm:s3], $0xF7A  }
0x26: {  	[smem:$0x3F97] =	sst s1;
	(tag) =	ssettag s2;
	_ =	strace s9  }
0x27: {  	s1 =	sld [smem:$0x3FA7]  }
0x28: {  	s2 =	sld [smem:$0x3FA8]  }
0x29: {  	s4 =	sld [smem:$0x3FAA]  }
0x2a: {  	p0 =	seq.s32 s5, $0x0;
	s5 =	sld [smem:$0x3FAB]  }
0x2b: {  	s6 =	sld [smem:$0x3FAC]  }
0x2c: {  	s7 =	sld [smem:$0x3FAD]  }
0x2d: {  	s3 =	simm.s32 $0x108;
	s8 =	sld [smem:$0x3FAE]  }
0x2e: {  	s3 =	simm.s32 @!p0 $0x1082;
	s9 =	sld [smem:$0x3FAF]  }
0x2f: {  	lr =	sadd.s32 s0, s3;
	s0 =	sld [smem:$0x3FA6]  }
0x30: {  	s3 =	sld [smem:$0x3FA9]  }
0x31: {  	[smem:$0x3FB2] =	sst s10  }
0x32: {  	s10 =	sld [smem:$0x3FB0];
	_ =	sdelay $0x3  }
0x33: {  	p0 =	seq.s32 s10, $0x1;
	s10 =	sld [smem:$0x3FB2];
	_ =	sdelay $0x3  }
0x34: {  	[smem:$0x3FB2] =	sst s10  }
0x35: {  	s10 =	sld [smem:$0x3FB1];
	_ =	sdelay $0x3  }
0x36: {  	p1 =	seq.s32 s10, $0x1;
	s10 =	sld [smem:$0x3FB2];
	_ =	sdelay $0x3  }
0x37: {  	[smem:$0x3FB2] =	sst s10  }
0x38: {  	s10 =	sld [smem:$0x3FB3]  }
0x39: {  	_ = 	snop;
	(pc) =	sbr.ind lr, $3  }
0x3a: {  	_ = 	snop  }
0x3b: {  	_ = 	snop  }
0x3c: {  	p2 =	seq.s32 s10, $0x1;
	s10 =	sld [smem:$0x3FB2]  }
0x3d: {  	_ =	shalt  }
0x3e: {  	_ =	shalt  }
0x3f: {  	_ =	shalt  }
0x40: {  	_ =	shalt  }
0x41: {  	_ =	shalt  }
0x42: {  	_ =	shalt  }
0x43: {  	_ =	shalt  }
0x44: {  	_ =	shalt  }
0x45: {  	_ =	shalt  }
0x46: {  	_ =	shalt  }
0x47: {  	_ =	shalt  }
0x48: {  	_ =	shalt  }
0x49: {  	_ =	shalt  }
0x4a: {  	_ =	shalt  }
0x4b: {  	_ =	shalt  }
0x4c: {  	_ =	shalt  }
0x4d: {  	_ =	shalt  }
0x4e: {  	_ =	shalt  }
0x4f: {  	_ =	shalt  }
0x50: {  	_ =	shalt  }
0x51: {  	_ =	shalt  }
0x52: {  	_ =	shalt  }
0x53: {  	_ =	shalt  }
0x54: {  	_ =	shalt  }
0x55: {  	_ =	shalt  }
0x56: {  	_ =	shalt  }
0x57: {  	_ =	shalt  }
0x58: {  	_ =	shalt  }
0x59: {  	_ =	shalt  }
0x5a: {  	_ =	shalt  }
0x5b: {  	_ =	shalt  }
0x5c: {  	_ =	shalt  }
0x5d: {  	_ =	shalt  }
0x5e: {  	_ =	shalt  }
0x5f: {  	_ =	shalt  }
0x60: {  	_ =	shalt  }
0x61: {  	_ =	shalt  }
0x62: {  	_ =	shalt  }
0x63: {  	_ =	shalt  }
0x64: {  	_ =	shalt  }
0x65: {  	_ =	shalt  }
0x66: {  	_ =	shalt  }
0x67: {  	_ =	shalt  }
0x68: {  	_ =	shalt  }
0x69: {  	_ =	shalt  }
0x6a: {  	_ =	shalt  }
0x6b: {  	_ =	shalt  }
0x6c: {  	_ =	shalt  }
0x6d: {  	_ =	shalt  }
0x6e: {  	_ =	shalt  }
0x6f: {  	_ =	shalt  }
0x70: {  	_ =	shalt  }
0x71: {  	_ =	shalt  }
0x72: {  	_ =	shalt  }
0x73: {  	_ =	shalt  }
0x74: {  	_ =	shalt  }
0x75: {  	_ =	shalt  }
0x76: {  	_ =	shalt  }
0x77: {  	_ =	shalt  }
0x78: {  	_ =	shalt  }
0x79: {  	_ =	shalt  }
0x7a: {  	_ =	shalt  }
0x7b: {  	_ =	shalt  }
0x7c: {  	_ =	shalt  }
0x7d: {  	_ =	shalt  }
0x7e: {  	_ =	shalt  }
0x7f: {  	_ =	shalt  }
0x80: {  	_ =	shalt  }
0x81: {  	_ =	shalt  }
0x82: {  	_ =	shalt  }
0x83: {  	_ =	shalt  }
0x84: {  	_ =	shalt  }
0x85: {  	_ =	shalt  }
0x86: {  	_ =	shalt  }
0x87: {  	_ =	shalt  }
.Lfunc_end0:
.L_simem_size_0:
called_computation.2_lowered:
.L_overlay_start_0:
0x88: {  	s0 =	sld [smem:$0x3FD9]  }
0x89: {  	s1 =	sld [smem:$0x3FFE];
	_ =	sdelay $0x3  }
0x8a: {  	s0 =	sadd.s32 s1, s0  }
0x8b: {  	[smem:$0x3FBE] =	sst s0  }
0x8c: {  	_ = 	snop  }
0x8d: {  	(tm) =	ssettm $0x1  }
0x8e: {  	s15 =	sld [smem:$0x3FFB];
	_ =	sdelay $0x3  }
0x8f: {  	_ =	strace s15  }
0x90: {  	s0 =	sld [smem:$0x3FFC];
	_ =	sdelay $0x3  }
0x91: {  	_ =	strace s0  }
0x92: {  	s0 =	sld [smem:$0x3FFD];
	_ =	sdelay $0x3  }
0x93: {  	_ =	strace s0  }
0x94: {  	_ =	strace $0x8FFFFFFF  }
0x95: {  	s16 =	sld [smem:$0x3FDB];
	_ =	sdelay $0x1  }
0x96: {  	s17 =	simm.s32 $_scs_section_size  }
0x97: {  	s2 =	simm.s32 $_size__tile_overlayer_lowered;
	s3 =	simm.s32 $_tile_overlayer_lowered  }
0x98: {  	s20 =	simm.s32 $0x1BFF;
	s19 =	sshll.u32 s3, $0x1;
	s0 =	sadd.s32 s17, s16  }
0x99: {  	s4 =	simm.s32 $0x0;
	s18 =	sshll.u32 s2, $0x1;
	s2 =	sadd.s32 s19, s0  }
0x9a: {  	[timem:s4], [sflag:s20] =	dma.local [hbm:s2], s18  }
0x9b: {  	_ =	swait.ge [sflag:s20], s18  }
0x9c: {  	s1 =	ssub.s32 $0x0, s18;
	[sflag:s20] =	ssyncset.done $0x0  }
0x9d: {  	[sflag:s20] =	ssyncadd.s32 s1;
	_ =	sdelay $0x1  }
0x9e: {  	s21 =	simm.s32 $0x1B8B  }
0x9f: {  	_ =	swait.ge [sflag:s21], $0x1  }
0xa0: {  	[sflag:s21] =	ssyncset.done $0x0  }
0xa1: {  	s23 =	simm.s32 $0x1B8E;
	s22 =	sld [smem:$0x3FFE];
	[sflag:s21] =	ssyncadd.s32 $0xFFFFFFFF  }
0xa2: {  	s24 =	simm.s32 $execute0_lowered;
	[smem:$0x3FD2] =	sst s23  }
0xa3: {  	s2 =	sshll.u32 s24, $0x1;
	_ =	strace $0x8000004C;
	[dreg:$0x1] =	wrdreg $0xFFFFFFFF  }
0xa4: {  	s25 =	simm.s32 $_size_execute0_lowered;
	s0 =	sadd.s32 s0, s2;
	[dreg:$0x0] =	wrdreg $0x0  }
0xa5: {  	s2 =	sshll.u32 s25, $0x1;
	[dreg:$0x2] =	wrdreg s0  }
0xa6: {  	[dreg:$0x3] =	wrdreg s2  }
0xa7: {  	[dreg:$0x4] =	wrdreg $0xC0  }
0xa8: {  	_ =	task [dreg:s4], $0x5FFFF  }
0xa9: {  	[dreg:$0x1] =	wrdreg $0xFFFFFFFF  }
0xaa: {  	[dreg:$0x0] =	wrdreg $0x60  }
0xab: {  	[dreg:$0x2] =	wrdreg s22  }
0xac: {  	[dreg:$0x3] =	wrdreg $0x9  }
0xad: {  	_ =	task.clear_ibuf [dreg:s4], $0x4FFFF;
	_ =	strace $0x9000004C  }
0xae: {  	s26 =	simm.s32 $0x9;
	_ =	strace $0x8000004E  }
0xaf: {  	_ =	swait.ge [sflag:s26], $0x1  }
0xb0: {  	[sflag:s26] =	ssyncadd.s32 $0xFFFFFFFF  }
0xb1: {  	_ =	strace $0x9000004E  }
0xb2: {  	_ =	sfence  }
0xb3: {  	s28 =	sld [smem:$0x0];
	_ =	sdelay $0x1  }
0xb4: {  	s29 =	srdreg.scid  }
0xb5: {  	s30 =	sshll.u32 s29, $0xD;
	s31 =	sshrl.u32 s29, $0x2  }
0xb6: {  	s1 =	sand.u32 $0x1, s29;
	s2 =	sand.u32 $0x4000, s30;
	s0 =	sadd.s32 s31, s28  }
0xb7: {  	s1 =	sor.u32 s2, s1;
	s0 =	sshll.u32 s0, $0x11  }
0xb8: {  	s0 =	sor.u32 s0, s1  }
0xb9: {  	s0 =	sadd.s32 $0x8F2B, s0  }
0xba: {  	[sflag:s0] =	ssyncadd.remote.s32 $0x1  }
0xbb: {  	_ =	sfence.sel $0xFFFF  }
0xbc: {  	[dreg:$0x0] =	wrdreg $0xFFFFFFFF;
	(pc) =	sbr.abs _section_cstart, $3  }
0xbd: {  	[dreg:$0x1] =	wrdreg $0xFFFFFFFF  }
0xbe: {  	_ =	task.clear_ibuf [dreg:s4], $0x2FFFF;
	_ =	strace $0x9FFFFFFF  }
0xbf: {  	(tm) =	ssettm $0x7FFFFFFF  }
tec
execute0_lowered:
.L_overlay_start_1:
0x0: {  	(tag) =	ssettag $0x1  }
0x1: {  	s4 =	rddreg [dreg:$0x0]  }
0x2: {  	s0 =	rddreg [dreg:$0x1];
	_ =	strace $0x8000004D;
	s3 =	stileid.u32  }
0x3: {  	s6 =	simm.s32 $0x3E;
	s1 =	sadd.s32 $0x15400, s4;
	p0 =	sne.s32 s3, $0x0  }
0x4: {  	[sflag:s6] =	ssyncpa.u1 $0x0;
	s31 =	smin.u32 s3, $0xC;
	p1 =	slt.u32 s3, $0xC  }
0x5: {  	s3 =	simm.s32 $0x10;
	s5 =	simm.s32 @!p0 $0x1C3E;
	s2 =	simm.s32 @!p0 $0x0  }
0x6: {  	[spmem:s2], [sflag:s5] =	dma.local @!p0 [hbm:s1], $0x80  }
0x7: {  	s3 =	simm.s32 @!p1 $0x0;
	s5 =	sshll.u32 s31, $0x4  }
0x8: {  	s3 =	sadd.s32 s3, s5  }
0x9: {  	s9 =	smin.u32 s3, $0xC0  }
0xa: {  	s8 =	ssub.s32 s9, s5  }
0xb: {  	p1 =	sgt.s32 s8, $0x0  }
0xc: {  	s7 =	simm.s32 @!p0 $0x3E;
	s8 =	simm.s32 @!p1 $0x0  }
0xd: {  	_ =	swait.ge @!p0 [sflag:s7], $0x80;
	s10 =	sshrl.u32 s8, $0x4  }
0xe: {  	[sflag:s7] =	ssyncset.done @!p0 $0x0;
	s11 =	sadd.s32 $0x1, s10  }
0xf: {  	p3 =	por $0x0, $0x0;
	[sflag:s7] =	ssyncadd.s32 @!p0 $0xFFFFFF80;
	p1 =	sne.s32 s11, $0x1  }
.Ltmp0:
0x10: {  	s3 =	simm.s32 $0x1;
	[bflag:$0x0] =	sbarrier.arrive $0xFFFF;
	(pc) =	sbr.rel @!p1 .LBB2_1-.Ltmp0, $4  }
0x11: {  	s7 =	sadd.s32 $0x14000, s4;
	[sflag:s6] =	ssyncpa.u1 $0x1;
	s6 =	sadd.s32 $0x13E00, s4  }
0x12: {  	s4 =	simm.s32 $0x2;
	s8 =	simm.s32 $0x0;
	p2 =	sle.u32 s10, $0x0  }
0x13: {  	[sflag:s3] =	ssyncpa.u1 $0x0;
	(ifvalue) =	ssetifvalue $0x400;
	s12 =	sxor.u32 @!p2 $0xFFFFFFFF, s8  }
0x14: {  	[sflag:s4] =	ssyncpa.u1 $0x0;
	s15 =	sshrl.u32 @!p2 s5, $0x3;
	s16 =	sand.u32 @!p2 $0x10, s12  }
0x15: {  	s12 =	sadd.s32 @!p2 s7, s15  }
0x16: {  	s13 =	sor.u32 @!p2 $0x40, s16;
	s14 =	sand.u32 @!p2 $0x7, s5;
	p1 =	por $0x1, $0x1  }
0x17: {  	[tilespmem:s13], [sflag:$0x2] =	stream.linear.gather @!p2 [hbm4b:s12+s14], $0x10, $0x38;
	[tilespmem:$0x80] =	vst v63  }
0x18: {  	s15 =	sadd.s32 @!p2 s6, s15;
	s12 =	sor.u32 @!p2 $0x60, s16;
	s13 =	simm.s32 @!p1 $0x2  }
0x19: {  	[tilespmem:s12], [sflag:$0x2] =	stream.linear.gather @!p2 [hbm4b:s15+s14], $0x10, $0x38;
	[tilespmem:$0x80] =	vst v63  }
0x1a: {  	_ =	swait.ge @!p1 [sflag:s13], $0x20  }
0x1b: {  	s8 =	sand.u32 @!p1 $0x10, s8;
	[sflag:s13] =	ssyncset.done @!p1 $0x0  }
0x1c: {  	s12 =	sor.u32 @!p1 $0x40, s8;
	[sflag:s13] =	ssyncadd.s32 @!p1 $0xFFFFFFE0  }
0x1d: {  	v0 =	vld.msk @!p1 [tilespmem:s12+$0x0 ss:$0x1], $0xffff;
	_ =	sdelay $0x3  }
0x1e: {  	p4 =	sne.s32 s11, $0x2  }
.Ltmp1:
0x1f: {  	s18 =	simm.s32 @!p1 $0x0;
	s17 =	simm.s32 @!p1 $0x1;
	v0 =	vmin.u32 @!p1 v0, $0x400;
	(pc) =	sbr.rel @!p4 .LBB2_3-.Ltmp1, $4  }
0x20: {  	s15 =	sadd.s32 $0x10, s5;
	p2 =	sle.u32 s10, $0x1;
	s14 =	smov.u32 s5  }
0x21: {  	p3 =	slt.s32 s15, s9;
	s13 =	sor.u32 @!p1 $0x60, s8;
	s8 =	simm.s32 $0x10  }
0x22: {  	s14 =	smov.u32 @p3 s15;
	p3 =	por $0x1, $0x1;
	s16 =	sxor.u32 @!p2 $0xFFFFFFFF, s8  }
0x23: {  	vm0 =	vmmov @!p1 $0xffff;
	s15 =	sshrl.u32 @!p2 s14, $0x3;
	s12 =	simm.s32 $0x2;
	s16 =	sand.u32 @!p2 $0x10, s16  }
.LBB2_4:
0x24: {  	[spmem:s18] =	stream.indirect_vreg.scatter.add.s32 @!p1 [tilespmem:s13], [sflag:$0x1], $0x1, v0, vm0, $0x4038;
	[tilespmem:$0x80] =	vst v63  }
0x25: {  	s13 =	sadd.s32 @!p2 s7, s15;
	s18 =	sor.u32 @!p2 $0x40, s16;
	_ =	swait.ge @!p1 [sflag:s17], $0x10  }
0x26: {  	s19 =	smov.u32 s12;
	s12 =	sadd.s32 $0x1, s12;
	[sflag:s17] =	ssyncset.done @!p1 $0x0  }
0x27: {  	s20 =	sand.u32 @!p2 $0x7, s14;
	[sflag:s17] =	ssyncadd.s32 @!p1 $0xFFFFFFF0;
	p1 =	seq.s32 s8, $0x0  }
0x28: {  	[tilespmem:s18], [sflag:$0x2] =	stream.linear.gather @!p2 [hbm4b:s13+s20], $0x10, $0x38;
	[tilespmem:$0x80] =	vst v63  }
0x29: {  	s16 =	sor.u32 @!p2 $0x60, s16;
	s17 =	simm.s32 @!p1 $0x2;
	s13 =	sand.u32 @!p1 $0x10, s8  }
0x2a: {  	s15 =	sadd.s32 @!p2 s6, s15;
	s18 =	sor.u32 @!p1 $0x40, s13;
	s13 =	sor.u32 @!p1 $0x60, s13  }
0x2b: {  	[tilespmem:s16], [sflag:$0x2] =	stream.linear.gather @!p2 [hbm4b:s15+s20], $0x10, $0x38;
	[tilespmem:$0x80] =	vst v63  }
0x2c: {  	p4 =	sne.s32 s11, s12;
	_ =	swait.ge @!p1 [sflag:s17], $0x20  }
0x2d: {  	[sflag:s17] =	ssyncset.done @!p1 $0x0  }
0x2e: {  	[sflag:s17] =	ssyncadd.s32 @!p1 $0xFFFFFFE0  }
0x2f: {  	v0 =	vld.msk @!p1 [tilespmem:s18+$0x0 ss:$0x1], $0xffff;
	_ =	sdelay $0x5  }
.Ltmp2:
0x30: {  	s8 =	sadd.s32 $0x10, s8;
	v0 =	vmin.u32 @!p1 v0, $0x400;
	(pc) =	sbr.rel @p4 .LBB2_4-.Ltmp2, $4  }
0x31: {  	vm0 =	vmmov @!p1 $0xffff;
	s15 =	sadd.s32 $0x10, s14;
	p2 =	sge.u32 s19, s10;
	s18 =	simm.s32 @!p1 $0x0  }
0x32: {  	s14 =	smov.u32 s5;
	p5 =	slt.s32 s15, s9;
	s17 =	simm.s32 @!p1 $0x1  }
0x33: {  	s16 =	sxor.u32 @!p2 $0xFFFFFFFF, s8;
	s14 =	smov.u32 @p5 s15  }
0x34: {  	s16 =	sand.u32 @!p2 $0x10, s16;
	s15 =	sshrl.u32 @!p2 s14, $0x3  }
0x35: {  	s5 =	smov.u32 s14  }
.LBB2_6:
0x36: {  	_ =	sdelay $0x2  }
0x37: {  	p3 =	por p1, !p3  }
0x38: {  	[spmem:s18] =	stream.indirect_vreg.scatter.add.s32 @!p3 [tilespmem:s13], [sflag:$0x1], $0x1, v0, vm0, $0x4038;
	[tilespmem:$0x80] =	vst v63  }
0x39: {  	_ =	swait.ge @!p3 [sflag:s17], $0x10  }
0x3a: {  	s7 =	sadd.s32 @!p2 s7, s15;
	s9 =	sor.u32 @!p2 $0x40, s16;
	[sflag:s17] =	ssyncset.done @!p3 $0x0  }
0x3b: {  	s5 =	sand.u32 @!p2 $0x7, s5;
	p1 =	seq.s32 s8, $0x0;
	[sflag:s17] =	ssyncadd.s32 @!p3 $0xFFFFFFF0  }
0x3c: {  	[tilespmem:s9], [sflag:$0x2] =	stream.linear.gather @!p2 [hbm4b:s7+s5], $0x10, $0x38;
	[tilespmem:$0x80] =	vst v63  }
0x3d: {  	s6 =	sadd.s32 @!p2 s6, s15;
	s7 =	sor.u32 @!p2 $0x60, s16;
	s9 =	simm.s32 @!p1 $0x2  }
0x3e: {  	[tilespmem:s7], [sflag:$0x2] =	stream.linear.gather @!p2 [hbm4b:s6+s5], $0x10, $0x38;
	[tilespmem:$0x80] =	vst v63  }
0x3f: {  	_ =	swait.ge @!p1 [sflag:s9], $0x20  }
0x40: {  	s5 =	sand.u32 @!p1 $0x10, s8;
	[sflag:s9] =	ssyncset.done @!p1 $0x0  }
0x41: {  	s6 =	sor.u32 @!p1 $0x40, s5;
	[sflag:s9] =	ssyncadd.s32 @!p1 $0xFFFFFFE0  }
0x42: {  	v0 =	vld.msk @!p1 [tilespmem:s6+$0x0 ss:$0x1], $0xffff;
	_ =	sdelay $0x4  }
0x43: {  	v0 =	vmin.u32 @!p1 v0, $0x400;
	_ =	sdelay $0x3  }
0x44: {  	vm0 =	vmmov @!p1 $0xffff;
	s7 =	simm.s32 @!p1 $0x1;
	s5 =	sor.u32 @!p1 $0x60, s5;
	s6 =	simm.s32 @!p1 $0x0  }
0x45: {  	[spmem:s6] =	stream.indirect_vreg.scatter.add.s32 @!p1 [tilespmem:s5], [sflag:$0x1], $0x1, v0, vm0, $0x4038;
	[tilespmem:$0x80] =	vst v63  }
0x46: {  	_ =	swait.ge @!p1 [sflag:s7], $0x10  }
0x47: {  	[sflag:s7] =	ssyncset.done @!p1 $0x0  }
0x48: {  	[sflag:s7] =	ssyncadd.s32 @!p1 $0xFFFFFFF0  }
0x49: {  	_ =	sfence.sel $0x180000  }
0x4a: {  	[bflag:$0x0] =	sbarrier.arrive $0xFFFF  }
0x4b: {  	[sflag:s4] =	ssyncpa.u1 $0x1  }
0x4c: {  	[sflag:s3] =	ssyncpa.u1 $0x1  }
0x4d: {  	_ =	sfence.stream.spmem  }
0x4e: {  	s31 =	simm.s32 $0x3D;
	[bflag:$0x0] =	sbarrier.arrive $0xFFFF  }
0x4f: {  	s3 =	simm.s32 @p0 $0x3D;
	[sflag:s31] =	ssyncpa.u1 $0x0  }
0x50: {  	[sflag:s3] =	ssyncpa.u1 @p0 $0x1  }
0x51: {  	[bflag:$0x0] =	sbarrier.arrive @p0 $0xFFFF  }
0x52: {  	_ =	strace @p0 $0x9000004D  }
0x53: {  	s3 =	simm.s32 @!p0 $0x1C3D;
	[bflag:$0x2] =	sbarrier.arrive @p0 $0xFFFF  }
0x54: {  	[hbm:s1], [sflag:s3] =	dma.local @!p0 [spmem:s2], $0x80  }
0x55: {  	s1 =	simm.s32 @!p0 $0x3D  }
0x56: {  	_ =	swait.ge @!p0 [sflag:s1], $0x80  }
0x57: {  	[sflag:s1] =	ssyncset.done @!p0 $0x0  }
0x58: {  	[sflag:s1] =	ssyncadd.s32 @!p0 $0xFFFFFF80  }
0x59: {  	[sflag:s1] =	ssyncpa.u1 @!p0 $0x1  }
0x5a: {  	[bflag:$0x0] =	sbarrier.arrive @!p0 $0xFFFF  }
0x5b: {  	_ =	strace @!p0 $0x9000004D  }
0x5c: {  	s0 =	sadd.s32 @!p0 $0x100000, s0;
	[bflag:$0x2] =	sbarrier.arrive @!p0 $0xFFFF  }
0x5d: {  	[sflag:s0] =	ssyncadd.tile.s32 @!p0 $0x1;
	_ =	shalt  }
.LBB2_1:
.Ltmp3:
0x5e: {  	(pc) =	sbr.rel .LBB2_6-.Ltmp3, $2  }
0x5f: {  	_ =	sdelay $0x2  }
0x60: {  	_ = 	snop  }
.LBB2_3:
.Ltmp4:
0x61: {  	(pc) =	sbr.rel .LBB2_6-.Ltmp4, $2  }
0x62: {  	_ =	sdelay $0x2  }
0x63: {  	s5 =	smov.u32 s14  }
.Lfunc_end2:
_tile_overlayer_lowered:
.L_overlay_start_2:
0x64: {  	(tag) =	ssettag $0x2  }
0x65: {  	s0 =	rddreg [dreg:$0x0];
	s2 =	stileid.u32  }
0x66: {  	s1 =	rddreg [dreg:$0x1];
	p0 =	sne.s32 s2, $0x0  }
0x67: {  	s3 =	rddreg [dreg:$0x2];
	[bflag:$0x3] =	sbarrier.arrive $0xFFFF;
	s2 =	simm.s32 @!p0 $0x1C01  }
0x68: {  	[timem:s3], [sflag:s2] =	dma.local @!p0 [hbm:s0], s1  }
0x69: {  	s0 =	simm.s32 @!p0 $0x1  }
0x6a: {  	_ =	swait.ge @!p0 [sflag:s0], s1  }
0x6b: {  	s1 =	ssub.s32 @!p0 $0x0, s1;
	[sflag:s0] =	ssyncset.done @!p0 $0x0  }
0x6c: {  	[sflag:s0] =	ssyncadd.s32 @!p0 s1  }
0x6d: {  	[bflag:$0x3] =	sbarrier.arrive $0xFFFF  }
0x6e: {  	_ =	shalt  }

// kernel: scatter_offload_async_start
scs
__scs_entry_jumppad:
0x0: {  	(pc) =	sbr.rel $0x88, $3  }
0x1: {  	(tag) =	ssettag $0x0;
	lr =	simm.s32 $0x1  }
0x2: {  	[smem:$0x3F97] =	sst lr;
	_ =	strace $0xD0000000  }
0x3: {  	_ = 	snop  }
0x4: {  	_ = 	snop  }
0x5: {  	_ = 	snop  }
0x6: {  	_ = 	snop  }
0x7: {  	_ = 	snop  }
__scs_overlays_trampoline_lowered:
0x8: {  	[smem:$0x3FA6] =	sst s0  }
0x9: {  	[smem:$0x3FA7] =	sst s1  }
0xa: {  	[smem:$0x3FA8] =	sst s2  }
0xb: {  	[smem:$0x3FA9] =	sst s3  }
0xc: {  	[smem:$0x3FAA] =	sst s4  }
0xd: {  	[smem:$0x3FAB] =	sst s5  }
0xe: {  	[smem:$0x3FAC] =	sst s6  }
0xf: {  	[smem:$0x3FAD] =	sst s7  }
0x10: {  	[smem:$0x3FAE] =	sst s8  }
0x11: {  	[smem:$0x3FAF] =	sst s9;
	s0 =	simm.s32 @!p0 $0x0  }
0x12: {  	s1 =	sld [smem:$0x3F95];
	s0 =	simm.s32 @p0 $0x1  }
0x13: {  	[smem:$0x3FB0] =	sst s0;
	s0 =	simm.s32 @!p1 $0x0  }
0x14: {  	s2 =	sld [smem:$0x3F94];
	s0 =	simm.s32 @p1 $0x1  }
0x15: {  	[smem:$0x3FB1] =	sst s0;
	s0 =	simm.s32 @!p2 $0x0  }
0x16: {  	s3 =	sld [smem:$0x3FDB];
	s0 =	simm.s32 @p2 $0x1  }
0x17: {  	s4 =	simm.s32 $0x1BF5;
	[smem:$0x3FB3] =	sst s0  }
0x18: {  	s0 =	sld [smem:$0x3F96];
	_ =	swait.ge [sflag:s4], $0x0  }
0x19: {  	s7 =	sld [smem:$0x3F97]  }
0x1a: {  	s8 =	sadd.s32 $0xFFFFE003, lr  }
0x1b: {  	s9 =	sadd.s32 $0xFFFFFEF7, lr;
	s5 =	simm.s32 $0xFFFFFFFF;
	p2 =	slt.u32 s8, $0xFFFFF086  }
0x1c: {  	p1 =	slt.u32 s9, $0xF7A;
	s5 =	simm.s32 @!p2 $0x0  }
0x1d: {  	s5 =	simm.s32 @p1 $0x1;
	p0 =	seq.s32 s7, s2  }
0x1e: {  	s7 =	smul.u32 @!p0 $0xF7A, s2;
	p2 =	seq.s32 @!p0 s5, $0x0  }
0x1f: {  	s9 =	smul.u32 $0xF7A, s1;
	s8 =	simm.s32 @!p0 $0x1BF5;
	p2 =	por !p2, p0  }
0x20: {  	[sflag:s8] =	ssyncset.s32 @!p0 $0xFFFFF086;
	s6 =	sadd.s32 @!p0 s3, s7;
	s7 =	simm.s32 @!p0 $0x108  }
0x21: {  	s3 =	sadd.s32 s3, s9;
	s6 =	sadd.s32 @!p0 $0x88, s6;
	s7 =	simm.s32 @p2 $0x1082  }
0x22: {  	[simem:s7], [sflag:s8] =	dma.local @!p0 [hbm:s6], $0xF7A  }
0x23: {  	s9 =	sor.u32 $0xD0000000, s2;
	s6 =	simm.s32 $0x108;
	_ =	swait.ge @!p0 [sflag:s8], $0x0  }
0x24: {  	s3 =	sadd.s32 $0x88, s3;
	s6 =	simm.s32 @!p1 $0x1082;
	[sflag:s4] =	ssyncset.s32 $0xFFFFF086  }
0x25: {  	[simem:s6], [sflag:s4] =	dma.local [hbm:s3], $0xF7A  }
0x26: {  	[smem:$0x3F97] =	sst s1;
	(tag) =	ssettag s2;
	_ =	strace s9  }
0x27: {  	s1 =	sld [smem:$0x3FA7]  }
0x28: {  	s2 =	sld [smem:$0x3FA8]  }
0x29: {  	s4 =	sld [smem:$0x3FAA]  }
0x2a: {  	p0 =	seq.s32 s5, $0x0;
	s5 =	sld [smem:$0x3FAB]  }
0x2b: {  	s6 =	sld [smem:$0x3FAC]  }
0x2c: {  	s7 =	sld [smem:$0x3FAD]  }
0x2d: {  	s3 =	simm.s32 $0x108;
	s8 =	sld [smem:$0x3FAE]  }
0x2e: {  	s3 =	simm.s32 @!p0 $0x1082;
	s9 =	sld [smem:$0x3FAF]  }
0x2f: {  	lr =	sadd.s32 s0, s3;
	s0 =	sld [smem:$0x3FA6]  }
0x30: {  	s3 =	sld [smem:$0x3FA9]  }
0x31: {  	[smem:$0x3FB2] =	sst s10  }
0x32: {  	s10 =	sld [smem:$0x3FB0];
	_ =	sdelay $0x3  }
0x33: {  	p0 =	seq.s32 s10, $0x1;
	s10 =	sld [smem:$0x3FB2];
	_ =	sdelay $0x3  }
0x34: {  	[smem:$0x3FB2] =	sst s10  }
0x35: {  	s10 =	sld [smem:$0x3FB1];
	_ =	sdelay $0x3  }
0x36: {  	p1 =	seq.s32 s10, $0x1;
	s10 =	sld [smem:$0x3FB2];
	_ =	sdelay $0x3  }
0x37: {  	[smem:$0x3FB2] =	sst s10  }
0x38: {  	s10 =	sld [smem:$0x3FB3]  }
0x39: {  	_ = 	snop;
	(pc) =	sbr.ind lr, $3  }
0x3a: {  	_ = 	snop  }
0x3b: {  	_ = 	snop  }
0x3c: {  	p2 =	seq.s32 s10, $0x1;
	s10 =	sld [smem:$0x3FB2]  }
0x3d: {  	_ =	shalt  }
0x3e: {  	_ =	shalt  }
0x3f: {  	_ =	shalt  }
0x40: {  	_ =	shalt  }
0x41: {  	_ =	shalt  }
0x42: {  	_ =	shalt  }
0x43: {  	_ =	shalt  }
0x44: {  	_ =	shalt  }
0x45: {  	_ =	shalt  }
0x46: {  	_ =	shalt  }
0x47: {  	_ =	shalt  }
0x48: {  	_ =	shalt  }
0x49: {  	_ =	shalt  }
0x4a: {  	_ =	shalt  }
0x4b: {  	_ =	shalt  }
0x4c: {  	_ =	shalt  }
0x4d: {  	_ =	shalt  }
0x4e: {  	_ =	shalt  }
0x4f: {  	_ =	shalt  }
0x50: {  	_ =	shalt  }
0x51: {  	_ =	shalt  }
0x52: {  	_ =	shalt  }
0x53: {  	_ =	shalt  }
0x54: {  	_ =	shalt  }
0x55: {  	_ =	shalt  }
0x56: {  	_ =	shalt  }
0x57: {  	_ =	shalt  }
0x58: {  	_ =	shalt  }
0x59: {  	_ =	shalt  }
0x5a: {  	_ =	shalt  }
0x5b: {  	_ =	shalt  }
0x5c: {  	_ =	shalt  }
0x5d: {  	_ =	shalt  }
0x5e: {  	_ =	shalt  }
0x5f: {  	_ =	shalt  }
0x60: {  	_ =	shalt  }
0x61: {  	_ =	shalt  }
0x62: {  	_ =	shalt  }
0x63: {  	_ =	shalt  }
0x64: {  	_ =	shalt  }
0x65: {  	_ =	shalt  }
0x66: {  	_ =	shalt  }
0x67: {  	_ =	shalt  }
0x68: {  	_ =	shalt  }
0x69: {  	_ =	shalt  }
0x6a: {  	_ =	shalt  }
0x6b: {  	_ =	shalt  }
0x6c: {  	_ =	shalt  }
0x6d: {  	_ =	shalt  }
0x6e: {  	_ =	shalt  }
0x6f: {  	_ =	shalt  }
0x70: {  	_ =	shalt  }
0x71: {  	_ =	shalt  }
0x72: {  	_ =	shalt  }
0x73: {  	_ =	shalt  }
0x74: {  	_ =	shalt  }
0x75: {  	_ =	shalt  }
0x76: {  	_ =	shalt  }
0x77: {  	_ =	shalt  }
0x78: {  	_ =	shalt  }
0x79: {  	_ =	shalt  }
0x7a: {  	_ =	shalt  }
0x7b: {  	_ =	shalt  }
0x7c: {  	_ =	shalt  }
0x7d: {  	_ =	shalt  }
0x7e: {  	_ =	shalt  }
0x7f: {  	_ =	shalt  }
0x80: {  	_ =	shalt  }
0x81: {  	_ =	shalt  }
0x82: {  	_ =	shalt  }
0x83: {  	_ =	shalt  }
0x84: {  	_ =	shalt  }
0x85: {  	_ =	shalt  }
0x86: {  	_ =	shalt  }
0x87: {  	_ =	shalt  }
.Lfunc_end0:
.L_simem_size_0:
called_computation_lowered:
.L_overlay_start_0:
0x88: {  	s0 =	sld [smem:$0x3FD9]  }
0x89: {  	s1 =	sld [smem:$0x3FFE];
	_ =	sdelay $0x3  }
0x8a: {  	s0 =	sadd.s32 s1, s0  }
0x8b: {  	[smem:$0x3FBE] =	sst s0  }
0x8c: {  	_ = 	snop  }
0x8d: {  	s0 =	sld [smem:$0x3FD0];
	(tm) =	ssettm $0x1  }
0x8e: {  	s16 =	sld [smem:$0x3FFB];
	_ =	sdelay $0x3  }
0x8f: {  	_ =	strace s16  }
0x90: {  	s1 =	sld [smem:$0x3FFC];
	_ =	sdelay $0x3  }
0x91: {  	_ =	strace s1  }
0x92: {  	s1 =	sld [smem:$0x3FFD];
	_ =	sdelay $0x3  }
0x93: {  	_ =	strace s1  }
0x94: {  	_ =	strace $0x8FFFFFFF  }
0x95: {  	s17 =	sld [smem:$0x3FDB];
	_ =	sdelay $0x1  }
0x96: {  	s2 =	simm.s32 $_scs_section_size  }
0x97: {  	s3 =	simm.s32 $_size__tile_overlayer_lowered;
	s4 =	simm.s32 $_tile_overlayer_lowered  }
0x98: {  	s20 =	simm.s32 $0x1BFF;
	s19 =	sshll.u32 s4, $0x1;
	s1 =	sadd.s32 s2, s17  }
0x99: {  	s5 =	simm.s32 $0x0;
	s18 =	sshll.u32 s3, $0x1;
	s3 =	sadd.s32 s19, s1  }
0x9a: {  	[timem:s5], [sflag:s20] =	dma.local [hbm:s3], s18  }
0x9b: {  	_ =	swait.ge [sflag:s20], s18  }
0x9c: {  	s2 =	ssub.s32 $0x0, s18;
	[sflag:s20] =	ssyncset.done $0x0  }
0x9d: {  	[sflag:s20] =	ssyncadd.s32 s2;
	_ =	sdelay $0x1  }
0x9e: {  	s21 =	simm.s32 $0x1B8B  }
0x9f: {  	_ =	swait.ge [sflag:s21], $0x1  }
0xa0: {  	[sflag:s21] =	ssyncset.done $0x0  }
0xa1: {  	s23 =	simm.s32 $0x1B8E;
	s22 =	sld [smem:$0x3FFE];
	[sflag:s21] =	ssyncadd.s32 $0xFFFFFFFF  }
0xa2: {  	s24 =	simm.s32 $execute0_lowered;
	[smem:$0x3FD2] =	sst s23  }
0xa3: {  	s3 =	sshll.u32 s24, $0x1;
	_ =	strace $0x80000046;
	[dreg:$0x1] =	wrdreg $0xFFFFFFFF  }
0xa4: {  	s25 =	simm.s32 $_size_execute0_lowered;
	s1 =	sadd.s32 s1, s3;
	[dreg:$0x0] =	wrdreg $0x0  }
0xa5: {  	s3 =	sshll.u32 s25, $0x1;
	[dreg:$0x2] =	wrdreg s1  }
0xa6: {  	[dreg:$0x3] =	wrdreg s3  }
0xa7: {  	[dreg:$0x4] =	wrdreg $0xC0  }
0xa8: {  	_ =	task [dreg:s5], $0x5FFFF  }
0xa9: {  	[dreg:$0x1] =	wrdreg $0xFFFFFFFF  }
0xaa: {  	[dreg:$0x0] =	wrdreg $0x60  }
0xab: {  	[dreg:$0x2] =	wrdreg s22  }
0xac: {  	[dreg:$0x3] =	wrdreg s0  }
0xad: {  	[dreg:$0x4] =	wrdreg $0x9  }
0xae: {  	_ =	task.clear_ibuf [dreg:s5], $0x5FFFF;
	_ =	strace $0x90000046  }
0xaf: {  	s26 =	simm.s32 $0x9;
	_ =	strace $0x80000048  }
0xb0: {  	_ =	swait.ge [sflag:s26], $0x1  }
0xb1: {  	[sflag:s26] =	ssyncadd.s32 $0xFFFFFFFF  }
0xb2: {  	_ =	strace $0x90000048  }
0xb3: {  	_ =	sfence  }
0xb4: {  	s28 =	sld [smem:$0x0];
	_ =	sdelay $0x1  }
0xb5: {  	s29 =	srdreg.scid  }
0xb6: {  	s30 =	sshll.u32 s29, $0xD;
	s31 =	sshrl.u32 s29, $0x2  }
0xb7: {  	s2 =	sand.u32 $0x4000, s30;
	s1 =	sand.u32 $0x1, s29;
	s0 =	sadd.s32 s31, s28  }
0xb8: {  	s1 =	sor.u32 s2, s1;
	s0 =	sshll.u32 s0, $0x11  }
0xb9: {  	s0 =	sor.u32 s0, s1  }
0xba: {  	s0 =	sadd.s32 $0x8F2B, s0  }
0xbb: {  	[sflag:s0] =	ssyncadd.remote.s32 $0x1  }
0xbc: {  	_ =	sfence.sel $0xFFFF  }
0xbd: {  	[dreg:$0x0] =	wrdreg $0xFFFFFFFF;
	(pc) =	sbr.abs _section_cstart, $3  }
0xbe: {  	[dreg:$0x1] =	wrdreg $0xFFFFFFFF  }
0xbf: {  	_ =	task.clear_ibuf [dreg:s5], $0x2FFFF;
	_ =	strace $0x9FFFFFFF  }
0xc0: {  	(tm) =	ssettm $0x7FFFFFFF  }
0xc1: {  	_ =	shalt  }
tec
execute0_lowered:
.L_overlay_start_1:
0x0: {  	(tag) =	ssettag $0x1  }
0x1: {  	s7 =	rddreg [dreg:$0x0]  }
0x2: {  	s2 =	rddreg [dreg:$0x1]  }
0x3: {  	s0 =	rddreg [dreg:$0x2];
	_ =	strace $0x80000047  }
0x4: {  	s4 =	stileid.u32;
	s5 =	simm.s32 $0x3E;
	s1 =	sadd.s32 $0x1DC00, s7  }
0x5: {  	p0 =	sne.s32 s4, $0x0;
	[sflag:s5] =	ssyncpa.u1 $0x0;
	s29 =	smin.u32 s4, $0x8  }
0x6: {  	s30 =	sshll.u32 s4, $0x1;
	s3 =	simm.s32 @!p0 $0x1C3E;
	s6 =	simm.s32 @!p0 $0x0  }
0x7: {  	[spmem:s6], [sflag:s3] =	dma.local @!p0 [hbm:s1], $0x500  }
0x8: {  	s3 =	sadd.s32 s29, s30  }
0x9: {  	p1 =	slt.u32 s4, $0x8;
	s4 =	simm.s32 $0x5DC0;
	s3 =	smul.u32 $0x1F40, s3  }
0xa: {  	s4 =	simm.s32 @!p1 $0x3E80  }
0xb: {  	s4 =	sadd.s32 s4, s3  }
0xc: {  	s4 =	smin.u32 s4, $0x4E200  }
0xd: {  	s8 =	ssub.s32 s4, s3  }
0xe: {  	p1 =	sgt.s32 s8, $0x0  }
0xf: {  	s8 =	simm.s32 @!p1 $0x0  }
0x10: {  	s6 =	simm.s32 @!p0 $0x3E;
	s31 =	smulhi.u32 $0x10624DD3, s8  }
0x11: {  	_ =	swait.ge @!p0 [sflag:s6], $0x500  }
0x12: {  	[sflag:s6] =	ssyncset.done @!p0 $0x0;
	s9 =	sshrl.u32 s31, $0x9  }
0x13: {  	s11 =	simm.s32 $0x0;
	[sflag:s6] =	ssyncadd.s32 @!p0 $0xFFFFFB00;
	s10 =	smul.u32 $0x1F40, s9  }
.Ltmp0:
0x14: {  	s7 =	sadd.s32 $0x13E00, s7;
	[bflag:$0x0] =	sbarrier.arrive $0xFFFF;
	(pc) =	sbr.rel .LBB2_1-.Ltmp0, $4  }
0x15: {  	s6 =	simm.s32 $0x2;
	[sflag:s5] =	ssyncpa.u1 $0x1;
	s5 =	simm.s32 $0x1  }
0x16: {  	[sflag:s5] =	ssyncpa.u1 $0x0;
	p1 =	sne.s32 s8, s10;
	s8 =	simm.s32 $0x1  }
0x17: {  	(ifvalue) =	ssetifvalue $0x2800;
	[sflag:s6] =	ssyncpa.u1 $0x0;
	s8 =	simm.s32 @!p1 $0x0  }
0x18: {  	vm0 =	vmmov $0xffff;
	s10 =	smov.u32 s3;
	s8 =	sadd.s32 s8, s9;
	s9 =	simm.s32 $0x0  }
.LBB2_5:
0x19: {  	p2 =	sne.s32 s11, s8  }
.Ltmp1:
0x1a: {  	_ = 	snop;
	(pc) =	sbr.rel @!p2 .LBB2_6-.Ltmp1, $4  }
0x1b: {  	_ = 	snop  }
0x1c: {  	s12 =	sadd.s32 $0x1F40, s10  }
0x1d: {  	s10 =	smov.u32 s3;
	s13 =	sadd.s32 $0x1, s11;
	p1 =	slt.s32 s12, s4  }
0x1e: {  	s11 =	smov.u32 s13;
	s10 =	smov.u32 @p1 s12  }
.LBB2_1:
0x1f: {  	p1 =	sge.u32 s11, s8  }
0x20: {  	s12 =	sxor.u32 @!p1 $0xFFFFFFFF, s11  }
0x21: {  	s12 =	sand.u32 @!p1 $0x1, s12  }
0x22: {  	s12 =	smul.u32 @!p1 $0x1F40, s12  }
0x23: {  	s13 =	sshrl.u32 @!p1 s10, $0x3  }
0x24: {  	s16 =	sand.u32 @!p1 $0x7, s10;
	s14 =	sadd.s32 @!p1 s2, s13;
	s15 =	sadd.s32 @!p1 $0x280, s12  }
0x25: {  	[tilespmem:s15], [sflag:$0x2] =	stream.linear.gather @!p1 [hbm4b:s14+s16], $0x1F40, $0x38;
	[tilespmem:$0x7F80] =	vst v63  }
0x26: {  	s13 =	sadd.s32 @!p1 s7, s13;
	s12 =	sadd.s32 @!p1 $0x4100, s12  }
0x27: {  	[tilespmem:s12], [sflag:$0x2] =	stream.linear.gather @!p1 [hbm4b:s13+s16], $0x1F40, $0x38;
	[tilespmem:$0x7F80] =	vst v63  }
0x28: {  	p1 =	seq.s32 s11, $0x0  }
.Ltmp2:
0x29: {  	_ = 	snop;
	(pc) =	sbr.rel @p1 .LBB2_5-.Ltmp2, $1  }
0x2a: {  	_ =	sdelay $0x3  }
0x2b: {  	s12 =	sand.u32 $0x1, s11  }
0x2c: {  	_ =	swait.ge [sflag:s6], $0x3E80;
	p1 =	seq.s32 s12, $0x1;
	s12 =	simm.s32 $0x1F40  }
0x2d: {  	[sflag:s6] =	ssyncset.done $0x0;
	s12 =	simm.s32 @!p1 $0x0  }
0x2e: {  	[sflag:s6] =	ssyncadd.s32 $0xFFFFC180;
	s14 =	sadd.s32 $0x280, s12  }
0x2f: {  	v0 =	vld.msk [tilespmem:s14+$0x0 ss:$0x1], $0xffff;
	_ =	sdelay $0x4  }
0x30: {  	v0 =	vmin.u32 v0, $0x2800;
	_ =	sdelay $0x3  }
0x31: {  	s13 =	simm.s32 $0x0;
	s12 =	sadd.s32 $0x4100, s12;
	s14 =	sadd.s32 $0x10, s14  }
0x32: {  	[spmem:s9] =	stream.indirect_vreg.scatter.add.s32 [tilespmem:s12], [sflag:$0x1], $0x1, v0, vm0, $0x4038;
	[tilespmem:$0x7F80] =	vst v63  }
.LBB2_3:
0x33: {  	v0 =	vld.msk [tilespmem:s14+$0x0 ss:$0x1], $0xffff;
	s13 =	sadd.s32 $0x10, s13  }
0x34: {  	p1 =	slt.u32 s13, $0x1F30;
	_ =	sdelay $0x4  }
0x35: {  	v0 =	vmin.u32 v0, $0x2800  }
.Ltmp3:
0x36: {  	(pc) =	sbr.rel @p1 .LBB2_3-.Ltmp3, $3  }
0x37: {  	_ =	sdelay $0x1  }
0x38: {  	s14 =	sadd.s32 $0x10, s14;
	s12 =	sadd.s32 $0x10, s12  }
0x39: {  	[spmem:s9] =	stream.indirect_vreg.scatter.add.s32 [tilespmem:s12], [sflag:$0x1], $0x1, v0, vm0, $0x4038;
	[tilespmem:$0x7F80] =	vst v63  }
.Ltmp4:
0x3a: {  	(pc) =	sbr.rel .LBB2_5-.Ltmp4, $4  }
0x3b: {  	_ = 	snop  }
0x3c: {  	_ =	swait.ge [sflag:s5], $0x1F40  }
0x3d: {  	[sflag:s5] =	ssyncset.done $0x0  }
0x3e: {  	[sflag:s5] =	ssyncadd.s32 $0xFFFFE0C0  }
.LBB2_6:
0x3f: {  	_ =	sfence.sel $0x180000  }
0x40: {  	s2 =	simm.s32 $0x2;
	[bflag:$0x0] =	sbarrier.arrive $0xFFFF  }
0x41: {  	s30 =	simm.s32 $0x1;
	[sflag:s2] =	ssyncpa.u1 $0x1  }
0x42: {  	[sflag:s30] =	ssyncpa.u1 $0x1  }
0x43: {  	_ =	sfence.stream.spmem  }
0x44: {  	s31 =	simm.s32 $0x3D;
	[bflag:$0x0] =	sbarrier.arrive $0xFFFF  }
0x45: {  	s2 =	simm.s32 @p0 $0x3D;
	[sflag:s31] =	ssyncpa.u1 $0x0  }
0x46: {  	[sflag:s2] =	ssyncpa.u1 @p0 $0x1  }
0x47: {  	[bflag:$0x0] =	sbarrier.arrive @p0 $0xFFFF  }
0x48: {  	_ =	strace @p0 $0x90000047  }
0x49: {  	s3 =	simm.s32 @!p0 $0x1C3D;
	s2 =	simm.s32 @!p0 $0x0;
	[bflag:$0x2] =	sbarrier.arrive @p0 $0xFFFF  }
0x4a: {  	[hbm:s1], [sflag:s3] =	dma.local @!p0 [spmem:s2], $0x500  }
0x4b: {  	s1 =	simm.s32 @!p0 $0x3D  }
0x4c: {  	_ =	swait.ge @!p0 [sflag:s1], $0x500  }
0x4d: {  	[sflag:s1] =	ssyncset.done @!p0 $0x0  }
0x4e: {  	[sflag:s1] =	ssyncadd.s32 @!p0 $0xFFFFFB00  }
0x4f: {  	[sflag:s1] =	ssyncpa.u1 @!p0 $0x1  }
0x50: {  	[bflag:$0x0] =	sbarrier.arrive @!p0 $0xFFFF  }
0x51: {  	_ =	strace @!p0 $0x90000047  }
0x52: {  	s0 =	sadd.s32 @!p0 $0x100000, s0;
	[bflag:$0x2] =	sbarrier.arrive @!p0 $0xFFFF  }
0x53: {  	[sflag:s0] =	ssyncadd.tile.s32 @!p0 $0x1;
	_ =	shalt  }
.Lfunc_end2:
_tile_overlayer_lowered:
.L_overlay_start_2:
0x54: {  	(tag) =	ssettag $0x2  }
0x55: {  	s0 =	rddreg [dreg:$0x0];
	s2 =	stileid.u32  }
0x56: {  	s1 =	rddreg [dreg:$0x1];
	p0 =	sne.s32 s2, $0x0  }
0x57: {  	s3 =	rddreg [dreg:$0x2];
	[bflag:$0x3] =	sbarrier.arrive $0xFFFF;
	s2 =	simm.s32 @!p0 $0x1C01  }
0x58: {  	[timem:s3], [sflag:s2] =	dma.local @!p0 [hbm:s0], s1  }
0x59: {  	s0 =	simm.s32 @!p0 $0x1  }
0x5a: {  	_ =	swait.ge @!p0 [sflag:s0], s1  }
0x5b: {  	s1 =	ssub.s32 @!p0 $0x0, s1;
	[sflag:s0] =	ssyncset.done @!p0 $0x0  }
0x5c: {  	[sflag:s0] =	ssyncadd.s32 @!p0 s1  }
0x5d: {  	[bflag:$0x3] =	sbarrier.arrive $0xFFFF  }
0x5e: {  	_ =	shalt  }

</sc_bundles>
